<compile_context>
chip_gen: v7x
topology: tpu7x:2x2x1
jax: 0.10.2.dev20260603
libtpu: 0.0.44.dev20260713+nightly
codegen_flags: <defaults>
</compile_context>

<pallas_src>
import functools

import jax
import jax.numpy as jnp
from jax import lax
from jax.experimental import pallas as pl
from jax.experimental.pallas import tpu as pltpu
from jax.experimental.pallas import tpu_sc as plsc

N = 10000
E = 320000
D = 128
H = 128
G = 64
F = 8

NC = 2
NS = 16
NW = NC * NS
W = 125
CW = 8
NCH = 10
NWIN = CW * NCH
EPW = NWIN * W
EPAD = NW * EPW
NP = 10240
RPS = NP // NS
RING = 2

_sc_mesh = plsc.VectorSubcoreMesh(core_axis_name="c", subcore_axis_name="s")


@functools.partial(
    pl.kernel,
    out_type=jax.ShapeDtypeStruct((NC, NP, D), jnp.float32),
    mesh=_sc_mesh,
    scratch_types=[
        pltpu.VMEM((2, CW, W), jnp.int32),
        pltpu.VMEM((2, CW, W), jnp.int32),
        pltpu.VMEM((RING, W, D), jnp.float32),
        pltpu.VMEM_SHARED((NP, D), jnp.float32),
        pltpu.SemaphoreType.DMA,
        pltpu.SemaphoreType.DMA,
        pltpu.SemaphoreType.DMA,
        pltpu.SemaphoreType.DMA,
        pltpu.SemaphoreType.DMA,
    ],
)
def _sc_agg(h_hbm, edge_hbm, zeros_hbm, out_hbm,
            src_v, dst_v, rows_v, agg_sh, semi, sem0, sem1, semS0, semS1):
    c = lax.axis_index("c")
    s = lax.axis_index("s")
    wid = s * NC + c
    sems = (sem0, sem1)
    semSs = (semS0, semS1)
    row0 = wid * NWIN
    pltpu.sync_copy(zeros_hbm, agg_sh.at[pl.ds(s * RPS, RPS)])
    pltpu.sync_copy(edge_hbm.at[0, pl.ds(row0, CW)], src_v.at[0])
    pltpu.sync_copy(edge_hbm.at[1, pl.ds(row0, CW)], dst_v.at[0])
    plsc.subcore_barrier()
    for k in range(RING - 1):
        pltpu.async_copy(h_hbm.at[src_v.at[0, k]], rows_v.at[k], sems[k])

    @pl.loop(0, NCH)
    def _(ch):
        slot = lax.rem(ch, 2)
        nslot = 1 - slot

        @pl.when(ch + 1 < NCH)
        def _():
            pltpu.async_copy(edge_hbm.at[0, pl.ds(row0 + (ch + 1) * CW, CW)],
                             src_v.at[nslot], semi)
            pltpu.async_copy(edge_hbm.at[1, pl.ds(row0 + (ch + 1) * CW, CW)],
                             dst_v.at[nslot], semi)

        for k in range(CW):
            ka = k + RING - 1
            if k == 0:
                @pl.when(ch > 0)
                def _():
                    pltpu.make_async_copy(
                        rows_v.at[ka % RING],
                        agg_sh.at[dst_v.at[slot, k]], semSs[ka % RING]).wait()
            else:
                pltpu.make_async_copy(
                    rows_v.at[ka % RING],
                    agg_sh.at[dst_v.at[slot, k]], semSs[ka % RING]).wait()
            if ka < CW:
                pltpu.async_copy(h_hbm.at[src_v.at[slot, ka]],
                                 rows_v.at[ka % RING], sems[ka % RING])
            else:
                @pl.when(ch + 1 < NCH)
                def _():
                    if ka == CW:
                        pltpu.make_async_copy(
                            edge_hbm.at[0, pl.ds(row0, CW)], src_v.at[nslot],
                            semi).wait()
                        pltpu.make_async_copy(
                            edge_hbm.at[1, pl.ds(row0, CW)], dst_v.at[nslot],
                            semi).wait()
                    pltpu.async_copy(h_hbm.at[src_v.at[nslot, ka - CW]],
                                     rows_v.at[ka % RING], sems[ka % RING])
            pltpu.make_async_copy(h_hbm.at[src_v.at[slot, k]],
                                  rows_v.at[k % RING], sems[k % RING]).wait()
            pltpu.async_copy(rows_v.at[k % RING],
                             agg_sh.at[dst_v.at[slot, k]],
                             semSs[k % RING], add=True)

    pltpu.make_async_copy(rows_v.at[(NWIN - 1) % RING],
                          agg_sh.at[dst_v.at[0, 0]],
                          semSs[(NWIN - 1) % RING]).wait()
    plsc.subcore_barrier()
    pltpu.sync_copy(agg_sh.at[pl.ds(s * RPS, RPS)],
                    out_hbm.at[c, pl.ds(s * RPS, RPS)])


def _tc_layer_body(h_ref, a_ref, w1_ref, b1_ref, g1_ref, bt1_ref,
                   w2_ref, b2_ref, batch_ref, h_out_ref, pooled_ref):
    a = a_ref[...]
    hin = h_ref[...] + a[0, :N] + a[1, :N]
    z = jnp.dot(hin, w1_ref[...], preferred_element_type=jnp.float32) + b1_ref[...]
    mean = jnp.mean(z, axis=0, keepdims=True)
    zc = z - mean
    var = jnp.mean(zc * zc, axis=0, keepdims=True)
    zn = zc * lax.rsqrt(var + 1e-5) * g1_ref[...] + bt1_ref[...]
    zn = jnp.maximum(zn, 0.0)
    h2 = jnp.dot(zn, w2_ref[...], preferred_element_type=jnp.float32) + b2_ref[...]
    h2 = jnp.maximum(h2, 0.0)
    h_out_ref[...] = h2
    gids = lax.broadcasted_iota(jnp.int32, (G, N), 0)
    mask = (batch_ref[...] == gids).astype(jnp.float32)
    psum = jnp.dot(mask, h2, preferred_element_type=jnp.float32)
    cnt = jnp.maximum(jnp.sum(mask, axis=1, keepdims=True), 1.0)
    pooled_ref[...] = psum / cnt


_tc_layer = pl.pallas_call(
    _tc_layer_body,
    out_shape=(
        jax.ShapeDtypeStruct((N, H), jnp.float32),
        jax.ShapeDtypeStruct((G, H), jnp.float32),
    ),
)


def _tc_head_body(hcat_ref, w1_ref, b1_ref, w2_ref, b2_ref, out_ref):
    h = jnp.dot(hcat_ref[...], w1_ref[...], preferred_element_type=jnp.float32) + b1_ref[...]
    h = jnp.maximum(h, 0.0)
    out_ref[...] = jnp.dot(h, w2_ref[...], preferred_element_type=jnp.float32) + b2_ref[...]


_tc_head = pl.pallas_call(
    _tc_head_body,
    out_shape=jax.ShapeDtypeStruct((G, F), jnp.float32),
)


def kernel(x, edge_index, batch, params):
    npad = EPAD - E
    if npad:
        pad = jnp.concatenate(
            [jnp.zeros((1, npad), jnp.int32), jnp.full((1, npad), N, jnp.int32)])
        edge_index = jnp.concatenate([edge_index, pad], axis=1)
    edge3 = edge_index.reshape(2, NW * NWIN, W)
    zeros = jnp.zeros((RPS, D), jnp.float32)
    batch2 = batch.reshape(1, N)
    h = x
    pooled = []
    for name in ("conv1", "conv2", "conv3", "conv4", "conv5"):
        p = params[name]
        agg = _sc_agg(h, edge3, zeros)
        h, pool = _tc_layer(
            h, agg,
            p["W1"], p["b1"].reshape(1, H), p["g1"].reshape(1, H),
            p["beta1"].reshape(1, H), p["W2"], p["b2"].reshape(1, H),
            batch2)
        pooled.append(pool)
    hcat = jnp.concatenate(pooled, axis=1)
    out = _tc_head(hcat, params["lin1_W"], params["lin1_b"].reshape(1, 5 * H),
                   params["lin2_W"], params["lin2_b"].reshape(1, F))
    return out.reshape(-1)

# --- scband reference (transcript-rebuilt; emitter-appended) ---
"""Pipeline reference for scband-ginmodel-51668456571569 (READ-ONLY COPY).

The authoritative reference and input builder live on the scoring server;
editing this copy changes nothing except your own understanding.
"""

import jax, jax.numpy as jnp
import numpy as np

N = 10000
E = 320000
D = 128
H = 128
G = 64
F = 8


def _init_conv(key, din, dh):
    k1, k2 = jax.random.split(key, 2)
    return {
        "W1": (jax.random.normal(k1, (din, dh), dtype=jnp.float32) / np.sqrt(din)),
        "b1": jnp.zeros((dh,), dtype=jnp.float32),
        "g1": jnp.ones((dh,), dtype=jnp.float32),
        "beta1": jnp.zeros((dh,), dtype=jnp.float32),
        "W2": (jax.random.normal(k2, (dh, dh), dtype=jnp.float32) / np.sqrt(dh)),
        "b2": jnp.zeros((dh,), dtype=jnp.float32),
    }


def setup_inputs(seed: int = 0) -> dict:
    key = jax.random.key(seed)
    ks = jax.random.split(key, 12)
    x = jax.random.normal(ks[0], (N, D), dtype=jnp.float32)
    edge_index = jax.random.randint(ks[1], (2, E), 0, N, dtype=jnp.int32)
    batch = jnp.sort(jax.random.randint(ks[2], (N,), 0, G, dtype=jnp.int32))
    params = {
        "conv1": _init_conv(ks[3], D, H),
        "conv2": _init_conv(ks[4], H, H),
        "conv3": _init_conv(ks[5], H, H),
        "conv4": _init_conv(ks[6], H, H),
        "conv5": _init_conv(ks[7], H, H),
        "lin1_W": (jax.random.normal(ks[8], (5 * H, 5 * H), dtype=jnp.float32) / np.sqrt(5 * H)),
        "lin1_b": jnp.zeros((5 * H,), dtype=jnp.float32),
        "lin2_W": (jax.random.normal(ks[9], (5 * H, F), dtype=jnp.float32) / np.sqrt(5 * H)),
        "lin2_b": jnp.zeros((F,), dtype=jnp.float32),
    }
    return {"x": x, "edge_index": edge_index, "batch": batch, "params": params}


def _gin_conv(x, src, dst, p):
    # GINConv: nn((1 + eps) * x + sum_{j in N(i)} x_j), default eps = 0
    agg = jax.ops.segment_sum(x[src], dst, num_segments=x.shape[0])
    h = x + agg
    h = h @ p["W1"] + p["b1"]
    # BatchNorm1d (training-mode batch statistics, biased variance)
    mean = h.mean(axis=0)
    var = h.var(axis=0)
    h = (h - mean) / jnp.sqrt(var + 1e-5) * p["g1"] + p["beta1"]
    h = jax.nn.relu(h)
    h = jax.nn.relu(h @ p["W2"] + p["b2"])
    return h


def _forward(x, edge_index, batch, params):
    src = edge_index[0]
    dst = edge_index[1]
    hs = []
    h = x
    for name in ("conv1", "conv2", "conv3", "conv4", "conv5"):
        h = _gin_conv(h, src, dst, params[name])
        hs.append(h)
    ones = jnp.ones((x.shape[0], 1), dtype=x.dtype)
    cnt = jnp.clip(jax.ops.segment_sum(ones, batch, num_segments=G), 1.0, None)
    pooled = [jax.ops.segment_sum(hh, batch, num_segments=G) / cnt for hh in hs]
    hcat = jnp.concatenate(pooled, axis=1)
    hcat = jax.nn.relu(hcat @ params["lin1_W"] + params["lin1_b"])
    # dropout omitted (inference behavior)
    out = hcat @ params["lin2_W"] + params["lin2_b"]
    return out.reshape(-1)


def reference(x, edge_index, batch, params):
    return _forward(x, edge_index, batch, params)

if __name__ == "__main__":
    import jax
    _d = setup_inputs()
    print(jax.jit(kernel)(*tuple(_d.values())))

</pallas_src>

<mosaic_0001>
#map = affine_map<(d0, d1) -> (0, 0)>
#map1 = affine_map<(d0, d1) -> (0, 0, 0)>
module attributes {stable_mosaic.version = 14 : i64} {
  func.func @_sc_agg(%arg0: i32, %arg1: i32, %arg2: memref<10000x128xf32, #tpu.memory_space<hbm>>, %arg3: memref<2x2560x125xi32, #tpu.memory_space<hbm>>, %arg4: memref<640x128xf32, #tpu.memory_space<hbm>>, %arg5: memref<2x10240x128xf32, #tpu.memory_space<hbm>>, %arg6: memref<2x8x125xi32, #tpu.memory_space<vmem>>, %arg7: memref<2x8x125xi32, #tpu.memory_space<vmem>>, %arg8: memref<2x125x128xf32, #tpu.memory_space<vmem>>, %arg9: memref<10240x128xf32, #tpu.memory_space<vmem_shared>>, %arg10: memref<!tpu.dma_semaphore, #tpu.memory_space<semaphore_mem>>, %arg11: memref<!tpu.dma_semaphore, #tpu.memory_space<semaphore_mem>>, %arg12: memref<!tpu.dma_semaphore, #tpu.memory_space<semaphore_mem>>, %arg13: memref<!tpu.dma_semaphore, #tpu.memory_space<semaphore_mem>>, %arg14: memref<!tpu.dma_semaphore, #tpu.memory_space<semaphore_mem>>) attributes {dimension_semantics = [#tpu.dimension_semantics<core_parallel>, #tpu.dimension_semantics<subcore_parallel>], iteration_bounds = array<i64: 2, 16>, scalar_prefetch = 0 : i64, scratch_operands = 9 : i64, tpu.core_type = #tpu.core_type<sc_vector_subcore>, window_params = [{transform_indices = #map}, {transform_indices = #map1}, {transform_indices = #map}, {transform_indices = #map1}]} {
    %mul3A = arith.constant 2 : i32
    %mul3A_0 = arith.muli %arg1, %mul3A : i32
    %add3A = arith.addi %mul3A_0, %arg0 : i32
    %mul3A_1 = arith.constant 80 : i32
    %mul3A_2 = arith.muli %add3A, %mul3A_1 : i32
    %mul3A_3 = arith.constant 640 : i32
    %mul3A_4 = arith.muli %arg1, %mul3A_3 : i32
    "tpu.region"() ({
      %run_scoped3A_41 = tpu.sem_alloc : memref<!tpu.dma_semaphore, #tpu.memory_space<semaphore_mem>>
      %dma_start3A_42 = arith.constant 0 : i32
      %dma_start3A_43 = tpu.memref_slice %arg9[%mul3A_4, %dma_start3A_42] : memref<10240x128xf32, #tpu.memory_space<vmem_shared>> -> memref<640x128xf32, #tpu.memory_space<vmem_shared>>
      tpu.enqueue_dma source(%arg4 : memref<640x128xf32, #tpu.memory_space<hbm>>) target(%dma_start3A_43 : memref<640x128xf32, #tpu.memory_space<vmem_shared>>) target_semaphore(%run_scoped3A_41 : memref<!tpu.dma_semaphore, #tpu.memory_space<semaphore_mem>>)
      %dma_wait3A_44 = arith.constant 0 : i32
      %dma_wait3A_45 = tpu.memref_slice %arg9[%mul3A_4, %dma_wait3A_44] : memref<10240x128xf32, #tpu.memory_space<vmem_shared>> -> memref<640x128xf32, #tpu.memory_space<vmem_shared>>
      tpu.wait_dma2 semaphore(%run_scoped3A_41 : memref<!tpu.dma_semaphore, #tpu.memory_space<semaphore_mem>>) src(%arg4 : memref<640x128xf32, #tpu.memory_space<hbm>>) dst(%dma_wait3A_45 : memref<640x128xf32, #tpu.memory_space<vmem_shared>>)
      tpu.yield
    }) : () -> ()
    %run_scoped3A = arith.constant 0 : i32
    %run_scoped3A_5 = arith.constant 0 : i32
    "tpu.region"() ({
      %run_scoped3A_41 = tpu.sem_alloc : memref<!tpu.dma_semaphore, #tpu.memory_space<semaphore_mem>>
      %dma_start3A_42 = arith.constant 0 : i32
      %dma_start3A_43 = arith.constant 0 : i32
      %dma_start3A_44 = tpu.memref_slice %arg6[%run_scoped3A_5, %dma_start3A_42, %dma_start3A_43] : memref<2x8x125xi32, #tpu.memory_space<vmem>> -> memref<1x8x125xi32, #tpu.memory_space<vmem>>
      %dma_start3A_45 = tpu.memref_squeeze %dma_start3A_44 : memref<1x8x125xi32, #tpu.memory_space<vmem>> -> memref<8x125xi32, #tpu.memory_space<vmem>>
      %dma_start3A_46 = arith.constant 0 : i32
      %dma_start3A_47 = tpu.memref_slice %arg3[%run_scoped3A, %mul3A_2, %dma_start3A_46] : memref<2x2560x125xi32, #tpu.memory_space<hbm>> -> memref<1x8x125xi32, #tpu.memory_space<hbm>>
      %dma_start3A_48 = tpu.memref_squeeze %dma_start3A_47 : memref<1x8x125xi32, #tpu.memory_space<hbm>> -> memref<8x125xi32, #tpu.memory_space<hbm>>
      %dma_start3A_49 = arith.constant 0 : i32
      %dma_start3A_50 = arith.constant 0 : i32
      %dma_start3A_51 = tpu.memref_slice %arg6[%run_scoped3A_5, %dma_start3A_49, %dma_start3A_50] : memref<2x8x125xi32, #tpu.memory_space<vmem>> -> memref<1x8x125xi32, #tpu.memory_space<vmem>>
      %dma_start3A_52 = tpu.memref_squeeze %dma_start3A_51 : memref<1x8x125xi32, #tpu.memory_space<vmem>> -> memref<8x125xi32, #tpu.memory_space<vmem>>
      %dma_start3A_53 = arith.constant 0 : i32
      %dma_start3A_54 = tpu.memref_slice %arg3[%run_scoped3A, %mul3A_2, %dma_start3A_53] : memref<2x2560x125xi32, #tpu.memory_space<hbm>> -> memref<1x8x125xi32, #tpu.memory_space<hbm>>
      %dma_start3A_55 = tpu.memref_squeeze %dma_start3A_54 : memref<1x8x125xi32, #tpu.memory_space<hbm>> -> memref<8x125xi32, #tpu.memory_space<hbm>>
      tpu.enqueue_dma source(%dma_start3A_55 : memref<8x125xi32, #tpu.memory_space<hbm>>) target(%dma_start3A_52 : memref<8x125xi32, #tpu.memory_space<vmem>>) target_semaphore(%run_scoped3A_41 : memref<!tpu.dma_semaphore, #tpu.memory_space<semaphore_mem>>)
      %dma_wait3A_56 = arith.constant 0 : i32
      %dma_wait3A_57 = arith.constant 0 : i32
      %dma_wait3A_58 = tpu.memref_slice %arg6[%run_scoped3A_5, %dma_wait3A_56, %dma_wait3A_57] : memref<2x8x125xi32, #tpu.memory_space<vmem>> -> memref<1x8x125xi32, #tpu.memory_space<vmem>>
      %dma_wait3A_59 = tpu.memref_squeeze %dma_wait3A_58 : memref<1x8x125xi32, #tpu.memory_space<vmem>> -> memref<8x125xi32, #tpu.memory_space<vmem>>
      %dma_wait3A_60 = arith.constant 0 : i32
      %dma_wait3A_61 = tpu.memref_slice %arg3[%run_scoped3A, %mul3A_2, %dma_wait3A_60] : memref<2x2560x125xi32, #tpu.memory_space<hbm>> -> memref<1x8x125xi32, #tpu.memory_space<hbm>>
      %dma_wait3A_62 = tpu.memref_squeeze %dma_wait3A_61 : memref<1x8x125xi32, #tpu.memory_space<hbm>> -> memref<8x125xi32, #tpu.memory_space<hbm>>
      %dma_wait3A_63 = arith.constant 0 : i32
      %dma_wait3A_64 = arith.constant 0 : i32
      %dma_wait3A_65 = tpu.memref_slice %arg6[%run_scoped3A_5, %dma_wait3A_63, %dma_wait3A_64] : memref<2x8x125xi32, #tpu.memory_space<vmem>> -> memref<1x8x125xi32, #tpu.memory_space<vmem>>
      %dma_wait3A_66 = tpu.memref_squeeze %dma_wait3A_65 : memref<1x8x125xi32, #tpu.memory_space<vmem>> -> memref<8x125xi32, #tpu.memory_space<vmem>>
      %dma_wait3A_67 = arith.constant 0 : i32
      %dma_wait3A_68 = tpu.memref_slice %arg3[%run_scoped3A, %mul3A_2, %dma_wait3A_67] : memref<2x2560x125xi32, #tpu.memory_space<hbm>> -> memref<1x8x125xi32, #tpu.memory_space<hbm>>
      %dma_wait3A_69 = tpu.memref_squeeze %dma_wait3A_68 : memref<1x8x125xi32, #tpu.memory_space<hbm>> -> memref<8x125xi32, #tpu.memory_space<hbm>>
      tpu.wait_dma2 semaphore(%run_scoped3A_41 : memref<!tpu.dma_semaphore, #tpu.memory_space<semaphore_mem>>) src(%dma_wait3A_69 : memref<8x125xi32, #tpu.memory_space<hbm>>) dst(%dma_wait3A_66 : memref<8x125xi32, #tpu.memory_space<vmem>>)
      tpu.yield
    }) : () -> ()
    %run_scoped3A_6 = arith.constant 1 : i32
    %run_scoped3A_7 = arith.constant 0 : i32
    "tpu.region"() ({
      %run_scoped3A_41 = tpu.sem_alloc : memref<!tpu.dma_semaphore, #tpu.memory_space<semaphore_mem>>
      %dma_start3A_42 = arith.constant 0 : i32
      %dma_start3A_43 = arith.constant 0 : i32
      %dma_start3A_44 = tpu.memref_slice %arg7[%run_scoped3A_7, %dma_start3A_42, %dma_start3A_43] : memref<2x8x125xi32, #tpu.memory_space<vmem>> -> memref<1x8x125xi32, #tpu.memory_space<vmem>>
      %dma_start3A_45 = tpu.memref_squeeze %dma_start3A_44 : memref<1x8x125xi32, #tpu.memory_space<vmem>> -> memref<8x125xi32, #tpu.memory_space<vmem>>
      %dma_start3A_46 = arith.constant 0 : i32
      %dma_start3A_47 = tpu.memref_slice %arg3[%run_scoped3A_6, %mul3A_2, %dma_start3A_46] : memref<2x2560x125xi32, #tpu.memory_space<hbm>> -> memref<1x8x125xi32, #tpu.memory_space<hbm>>
      %dma_start3A_48 = tpu.memref_squeeze %dma_start3A_47 : memref<1x8x125xi32, #tpu.memory_space<hbm>> -> memref<8x125xi32, #tpu.memory_space<hbm>>
      %dma_start3A_49 = arith.constant 0 : i32
      %dma_start3A_50 = arith.constant 0 : i32
      %dma_start3A_51 = tpu.memref_slice %arg7[%run_scoped3A_7, %dma_start3A_49, %dma_start3A_50] : memref<2x8x125xi32, #tpu.memory_space<vmem>> -> memref<1x8x125xi32, #tpu.memory_space<vmem>>
      %dma_start3A_52 = tpu.memref_squeeze %dma_start3A_51 : memref<1x8x125xi32, #tpu.memory_space<vmem>> -> memref<8x125xi32, #tpu.memory_space<vmem>>
      %dma_start3A_53 = arith.constant 0 : i32
      %dma_start3A_54 = tpu.memref_slice %arg3[%run_scoped3A_6, %mul3A_2, %dma_start3A_53] : memref<2x2560x125xi32, #tpu.memory_space<hbm>> -> memref<1x8x125xi32, #tpu.memory_space<hbm>>
      %dma_start3A_55 = tpu.memref_squeeze %dma_start3A_54 : memref<1x8x125xi32, #tpu.memory_space<hbm>> -> memref<8x125xi32, #tpu.memory_space<hbm>>
      tpu.enqueue_dma source(%dma_start3A_55 : memref<8x125xi32, #tpu.memory_space<hbm>>) target(%dma_start3A_52 : memref<8x125xi32, #tpu.memory_space<vmem>>) target_semaphore(%run_scoped3A_41 : memref<!tpu.dma_semaphore, #tpu.memory_space<semaphore_mem>>)
      %dma_wait3A_56 = arith.constant 0 : i32
      %dma_wait3A_57 = arith.constant 0 : i32
      %dma_wait3A_58 = tpu.memref_slice %arg7[%run_scoped3A_7, %dma_wait3A_56, %dma_wait3A_57] : memref<2x8x125xi32, #tpu.memory_space<vmem>> -> memref<1x8x125xi32, #tpu.memory_space<vmem>>
      %dma_wait3A_59 = tpu.memref_squeeze %dma_wait3A_58 : memref<1x8x125xi32, #tpu.memory_space<vmem>> -> memref<8x125xi32, #tpu.memory_space<vmem>>
      %dma_wait3A_60 = arith.constant 0 : i32
      %dma_wait3A_61 = tpu.memref_slice %arg3[%run_scoped3A_6, %mul3A_2, %dma_wait3A_60] : memref<2x2560x125xi32, #tpu.memory_space<hbm>> -> memref<1x8x125xi32, #tpu.memory_space<hbm>>
      %dma_wait3A_62 = tpu.memref_squeeze %dma_wait3A_61 : memref<1x8x125xi32, #tpu.memory_space<hbm>> -> memref<8x125xi32, #tpu.memory_space<hbm>>
      %dma_wait3A_63 = arith.constant 0 : i32
      %dma_wait3A_64 = arith.constant 0 : i32
      %dma_wait3A_65 = tpu.memref_slice %arg7[%run_scoped3A_7, %dma_wait3A_63, %dma_wait3A_64] : memref<2x8x125xi32, #tpu.memory_space<vmem>> -> memref<1x8x125xi32, #tpu.memory_space<vmem>>
      %dma_wait3A_66 = tpu.memref_squeeze %dma_wait3A_65 : memref<1x8x125xi32, #tpu.memory_space<vmem>> -> memref<8x125xi32, #tpu.memory_space<vmem>>
      %dma_wait3A_67 = arith.constant 0 : i32
      %dma_wait3A_68 = tpu.memref_slice %arg3[%run_scoped3A_6, %mul3A_2, %dma_wait3A_67] : memref<2x2560x125xi32, #tpu.memory_space<hbm>> -> memref<1x8x125xi32, #tpu.memory_space<hbm>>
      %dma_wait3A_69 = tpu.memref_squeeze %dma_wait3A_68 : memref<1x8x125xi32, #tpu.memory_space<hbm>> -> memref<8x125xi32, #tpu.memory_space<hbm>>
      tpu.wait_dma2 semaphore(%run_scoped3A_41 : memref<!tpu.dma_semaphore, #tpu.memory_space<semaphore_mem>>) src(%dma_wait3A_69 : memref<8x125xi32, #tpu.memory_space<hbm>>) dst(%dma_wait3A_66 : memref<8x125xi32, #tpu.memory_space<vmem>>)
      tpu.yield
    }) : () -> ()
    %barrier3A = arith.constant 0 : index
    tpu.barrier barrier_id(%barrier3A)
    %dma_start3A = arith.constant 0 : i32
    %dma_start3A_8 = arith.constant 0 : i32
    %dma_start3A_9 = arith.constant 0 : i32
    %dma_start3A_10 = arith.constant 0 : i32
    %dma_start3A_11 = arith.constant 0 : i32
    %dma_start3A_12 = tpu.memref_slice %arg8[%dma_start3A_9, %dma_start3A_10, %dma_start3A_11] : memref<2x125x128xf32, #tpu.memory_space<vmem>> -> memref<1x125x128xf32, #tpu.memory_space<vmem>>
    %dma_start3A_13 = tpu.memref_squeeze %dma_start3A_12 : memref<1x125x128xf32, #tpu.memory_space<vmem>> -> memref<125x128xf32, #tpu.memory_space<vmem>>
    %dma_start3A_14 = arith.constant 0 : i32
    %dma_start3A_15 = tpu.memref_slice %arg6[%dma_start3A, %dma_start3A_8, %dma_start3A_14] : memref<2x8x125xi32, #tpu.memory_space<vmem>> -> memref<1x1x125xi32, #tpu.memory_space<vmem>>
    %dma_start3A_16 = tpu.memref_squeeze %dma_start3A_15 : memref<1x1x125xi32, #tpu.memory_space<vmem>> -> memref<125xi32, #tpu.memory_space<vmem>>
    %dma_start3A_17 = arith.constant 0 : i32
    %dma_start3A_18 = arith.constant 0 : i32
    %dma_start3A_19 = tpu.memref_slice %arg2[%dma_start3A_17, %dma_start3A_18] : memref<10000x128xf32, #tpu.memory_space<hbm>> -> memref<10000x128xf32, #tpu.memory_space<hbm>>
    tpu.enqueue_indirect_dma source(%dma_start3A_19 : memref<10000x128xf32, #tpu.memory_space<hbm>>) target(%dma_start3A_13 : memref<125x128xf32, #tpu.memory_space<vmem>>) offsets(%dma_start3A_16 : memref<125xi32, #tpu.memory_space<vmem>>) semaphore(%arg11 : memref<!tpu.dma_semaphore, #tpu.memory_space<semaphore_mem>>)
    %scan3A = arith.constant 0 : i32
    %scan3A_20 = arith.constant 10 : i32
    %scan3A_21 = arith.addi %scan3A, %scan3A_20 : i32
    %scan3A_22 = arith.constant 1 : i32
    scf.for %scan3A_41 = %scan3A to %scan3A_21 step %scan3A_22  : i32 {
      %mul3A_42 = arith.constant 1 : i32
      %mul3A_43 = arith.muli %scan3A_41, %mul3A_42 : i32
      %add3A_44 = arith.constant 0 : i32
      %add3A_45 = arith.addi %add3A_44, %mul3A_43 : i32
      %rem3A = arith.constant 2 : i32
      %rem3A_46 = arith.remsi %add3A_45, %rem3A : i32
      %sub3A = arith.constant 1 : i32
      %sub3A_47 = arith.subi %sub3A, %rem3A_46 : i32
      %add3A_48 = arith.constant 1 : i32
      %add3A_49 = arith.addi %add3A_45, %add3A_48 : i32
      %lt3A = arith.constant 10 : i32
      %lt3A_50 = arith.cmpi slt, %add3A_49, %lt3A : i32
      %convert_element_type3A = arith.extui %lt3A_50 : i1 to i32
      %cond3A = arith.constant 0 : i32
      %cond3A_51 = arith.cmpi ne, %convert_element_type3A, %cond3A : i32
      scf.if %cond3A_51 {
        %add3A_423 = arith.constant 1 : i32
        %add3A_424 = arith.addi %add3A_45, %add3A_423 : i32
        %mul3A_425 = arith.constant 8 : i32
        %mul3A_426 = arith.muli %add3A_424, %mul3A_425 : i32
        %add3A_427 = arith.addi %mul3A_2, %mul3A_426 : i32
        %dma_start3A_428 = arith.constant 0 : i32
        %dma_start3A_429 = arith.constant 0 : i32
        %dma_start3A_430 = arith.constant 0 : i32
        %dma_start3A_431 = tpu.memref_slice %arg6[%sub3A_47, %dma_start3A_429, %dma_start3A_430] : memref<2x8x125xi32, #tpu.memory_space<vmem>> -> memref<1x8x125xi32, #tpu.memory_space<vmem>>
        %dma_start3A_432 = tpu.memref_squeeze %dma_start3A_431 : memref<1x8x125xi32, #tpu.memory_space<vmem>> -> memref<8x125xi32, #tpu.memory_space<vmem>>
        %dma_start3A_433 = arith.constant 0 : i32
        %dma_start3A_434 = tpu.memref_slice %arg3[%dma_start3A_428, %add3A_427, %dma_start3A_433] : memref<2x2560x125xi32, #tpu.memory_space<hbm>> -> memref<1x8x125xi32, #tpu.memory_space<hbm>>
        %dma_start3A_435 = tpu.memref_squeeze %dma_start3A_434 : memref<1x8x125xi32, #tpu.memory_space<hbm>> -> memref<8x125xi32, #tpu.memory_space<hbm>>
        %dma_start3A_436 = arith.constant 0 : i32
        %dma_start3A_437 = arith.constant 0 : i32
        %dma_start3A_438 = tpu.memref_slice %arg6[%sub3A_47, %dma_start3A_436, %dma_start3A_437] : memref<2x8x125xi32, #tpu.memory_space<vmem>> -> memref<1x8x125xi32, #tpu.memory_space<vmem>>
        %dma_start3A_439 = tpu.memref_squeeze %dma_start3A_438 : memref<1x8x125xi32, #tpu.memory_space<vmem>> -> memref<8x125xi32, #tpu.memory_space<vmem>>
        %dma_start3A_440 = arith.constant 0 : i32
        %dma_start3A_441 = tpu.memref_slice %arg3[%dma_start3A_428, %add3A_427, %dma_start3A_440] : memref<2x2560x125xi32, #tpu.memory_space<hbm>> -> memref<1x8x125xi32, #tpu.memory_space<hbm>>
        %dma_start3A_442 = tpu.memref_squeeze %dma_start3A_441 : memref<1x8x125xi32, #tpu.memory_space<hbm>> -> memref<8x125xi32, #tpu.memory_space<hbm>>
        tpu.enqueue_dma source(%dma_start3A_442 : memref<8x125xi32, #tpu.memory_space<hbm>>) target(%dma_start3A_439 : memref<8x125xi32, #tpu.memory_space<vmem>>) target_semaphore(%arg10 : memref<!tpu.dma_semaphore, #tpu.memory_space<semaphore_mem>>)
        %add3A_443 = arith.constant 1 : i32
        %add3A_444 = arith.addi %add3A_45, %add3A_443 : i32
        %mul3A_445 = arith.constant 8 : i32
        %mul3A_446 = arith.muli %add3A_444, %mul3A_445 : i32
        %add3A_447 = arith.addi %mul3A_2, %mul3A_446 : i32
        %dma_start3A_448 = arith.constant 1 : i32
        %dma_start3A_449 = arith.constant 0 : i32
        %dma_start3A_450 = arith.constant 0 : i32
        %dma_start3A_451 = tpu.memref_slice %arg7[%sub3A_47, %dma_start3A_449, %dma_start3A_450] : memref<2x8x125xi32, #tpu.memory_space<vmem>> -> memref<1x8x125xi32, #tpu.memory_space<vmem>>
        %dma_start3A_452 = tpu.memref_squeeze %dma_start3A_451 : memref<1x8x125xi32, #tpu.memory_space<vmem>> -> memref<8x125xi32, #tpu.memory_space<vmem>>
        %dma_start3A_453 = arith.constant 0 : i32
        %dma_start3A_454 = tpu.memref_slice %arg3[%dma_start3A_448, %add3A_447, %dma_start3A_453] : memref<2x2560x125xi32, #tpu.memory_space<hbm>> -> memref<1x8x125xi32, #tpu.memory_space<hbm>>
        %dma_start3A_455 = tpu.memref_squeeze %dma_start3A_454 : memref<1x8x125xi32, #tpu.memory_space<hbm>> -> memref<8x125xi32, #tpu.memory_space<hbm>>
        %dma_start3A_456 = arith.constant 0 : i32
        %dma_start3A_457 = arith.constant 0 : i32
        %dma_start3A_458 = tpu.memref_slice %arg7[%sub3A_47, %dma_start3A_456, %dma_start3A_457] : memref<2x8x125xi32, #tpu.memory_space<vmem>> -> memref<1x8x125xi32, #tpu.memory_space<vmem>>
        %dma_start3A_459 = tpu.memref_squeeze %dma_start3A_458 : memref<1x8x125xi32, #tpu.memory_space<vmem>> -> memref<8x125xi32, #tpu.memory_space<vmem>>
        %dma_start3A_460 = arith.constant 0 : i32
        %dma_start3A_461 = tpu.memref_slice %arg3[%dma_start3A_448, %add3A_447, %dma_start3A_460] : memref<2x2560x125xi32, #tpu.memory_space<hbm>> -> memref<1x8x125xi32, #tpu.memory_space<hbm>>
        %dma_start3A_462 = tpu.memref_squeeze %dma_start3A_461 : memref<1x8x125xi32, #tpu.memory_space<hbm>> -> memref<8x125xi32, #tpu.memory_space<hbm>>
        tpu.enqueue_dma source(%dma_start3A_462 : memref<8x125xi32, #tpu.memory_space<hbm>>) target(%dma_start3A_459 : memref<8x125xi32, #tpu.memory_space<vmem>>) target_semaphore(%arg10 : memref<!tpu.dma_semaphore, #tpu.memory_space<semaphore_mem>>)
      } else {
      }
      %gt3A = arith.constant 0 : i32
      %gt3A_52 = arith.cmpi sgt, %add3A_45, %gt3A : i32
      %convert_element_type3A_53 = arith.extui %gt3A_52 : i1 to i32
      %cond3A_54 = arith.constant 0 : i32
      %cond3A_55 = arith.cmpi ne, %convert_element_type3A_53, %cond3A_54 : i32
      scf.if %cond3A_55 {
        %dma_wait3A_423 = arith.constant 1 : i32
        %dma_wait3A_424 = arith.constant 0 : i32
        %dma_wait3A_425 = arith.constant 0 : i32
        %dma_wait3A_426 = arith.constant 0 : i32
        %dma_wait3A_427 = tpu.memref_slice %arg8[%dma_wait3A_423, %dma_wait3A_425, %dma_wait3A_426] : memref<2x125x128xf32, #tpu.memory_space<vmem>> -> memref<1x125x128xf32, #tpu.memory_space<vmem>>
        %dma_wait3A_428 = tpu.memref_squeeze %dma_wait3A_427 : memref<1x125x128xf32, #tpu.memory_space<vmem>> -> memref<125x128xf32, #tpu.memory_space<vmem>>
        %dma_wait3A_429 = arith.constant 0 : i32
        %dma_wait3A_430 = tpu.memref_slice %arg7[%rem3A_46, %dma_wait3A_424, %dma_wait3A_429] : memref<2x8x125xi32, #tpu.memory_space<vmem>> -> memref<1x1x125xi32, #tpu.memory_space<vmem>>
        %dma_wait3A_431 = tpu.memref_squeeze %dma_wait3A_430 : memref<1x1x125xi32, #tpu.memory_space<vmem>> -> memref<125xi32, #tpu.memory_space<vmem>>
        %dma_wait3A_432 = arith.constant 0 : i32
        %dma_wait3A_433 = arith.constant 0 : i32
        %dma_wait3A_434 = tpu.memref_slice %arg9[%dma_wait3A_432, %dma_wait3A_433] : memref<10240x128xf32, #tpu.memory_space<vmem_shared>> -> memref<10240x128xf32, #tpu.memory_space<vmem_shared>>
        tpu.wait_indirect_dma semaphore(%arg14 : memref<!tpu.dma_semaphore, #tpu.memory_space<semaphore_mem>>) src(%dma_wait3A_428 : memref<125x128xf32, #tpu.memory_space<vmem>>) dst(%dma_wait3A_434 : memref<10240x128xf32, #tpu.memory_space<vmem_shared>>)
      } else {
      }
      %dma_start3A_56 = arith.constant 1 : i32
      %dma_start3A_57 = arith.constant 1 : i32
      %dma_start3A_58 = arith.constant 0 : i32
      %dma_start3A_59 = arith.constant 0 : i32
      %dma_start3A_60 = tpu.memref_slice %arg8[%dma_start3A_57, %dma_start3A_58, %dma_start3A_59] : memref<2x125x128xf32, #tpu.memory_space<vmem>> -> memref<1x125x128xf32, #tpu.memory_space<vmem>>
      %dma_start3A_61 = tpu.memref_squeeze %dma_start3A_60 : memref<1x125x128xf32, #tpu.memory_space<vmem>> -> memref<125x128xf32, #tpu.memory_space<vmem>>
      %dma_start3A_62 = arith.constant 0 : i32
      %dma_start3A_63 = tpu.memref_slice %arg6[%rem3A_46, %dma_start3A_56, %dma_start3A_62] : memref<2x8x125xi32, #tpu.memory_space<vmem>> -> memref<1x1x125xi32, #tpu.memory_space<vmem>>
      %dma_start3A_64 = tpu.memref_squeeze %dma_start3A_63 : memref<1x1x125xi32, #tpu.memory_space<vmem>> -> memref<125xi32, #tpu.memory_space<vmem>>
      %dma_start3A_65 = arith.constant 0 : i32
      %dma_start3A_66 = arith.constant 0 : i32
      %dma_start3A_67 = tpu.memref_slice %arg2[%dma_start3A_65, %dma_start3A_66] : memref<10000x128xf32, #tpu.memory_space<hbm>> -> memref<10000x128xf32, #tpu.memory_space<hbm>>
      tpu.enqueue_indirect_dma source(%dma_start3A_67 : memref<10000x128xf32, #tpu.memory_space<hbm>>) target(%dma_start3A_61 : memref<125x128xf32, #tpu.memory_space<vmem>>) offsets(%dma_start3A_64 : memref<125xi32, #tpu.memory_space<vmem>>) semaphore(%arg12 : memref<!tpu.dma_semaphore, #tpu.memory_space<semaphore_mem>>)
      %dma_wait3A_68 = arith.constant 0 : i32
      %dma_wait3A_69 = arith.constant 0 : i32
      %dma_wait3A_70 = arith.constant 0 : i32
      %dma_wait3A_71 = arith.constant 0 : i32
      %dma_wait3A_72 = tpu.memref_slice %arg8[%dma_wait3A_69, %dma_wait3A_70, %dma_wait3A_71] : memref<2x125x128xf32, #tpu.memory_space<vmem>> -> memref<1x125x128xf32, #tpu.memory_space<vmem>>
      %dma_wait3A_73 = tpu.memref_squeeze %dma_wait3A_72 : memref<1x125x128xf32, #tpu.memory_space<vmem>> -> memref<125x128xf32, #tpu.memory_space<vmem>>
      %dma_wait3A_74 = arith.constant 0 : i32
      %dma_wait3A_75 = tpu.memref_slice %arg6[%rem3A_46, %dma_wait3A_68, %dma_wait3A_74] : memref<2x8x125xi32, #tpu.memory_space<vmem>> -> memref<1x1x125xi32, #tpu.memory_space<vmem>>
      %dma_wait3A_76 = tpu.memref_squeeze %dma_wait3A_75 : memref<1x1x125xi32, #tpu.memory_space<vmem>> -> memref<125xi32, #tpu.memory_space<vmem>>
      %dma_wait3A_77 = arith.constant 0 : i32
      %dma_wait3A_78 = arith.constant 0 : i32
      %dma_wait3A_79 = tpu.memref_slice %arg2[%dma_wait3A_77, %dma_wait3A_78] : memref<10000x128xf32, #tpu.memory_space<hbm>> -> memref<10000x128xf32, #tpu.memory_space<hbm>>
      tpu.wait_indirect_dma semaphore(%arg11 : memref<!tpu.dma_semaphore, #tpu.memory_space<semaphore_mem>>) src(%dma_wait3A_79 : memref<10000x128xf32, #tpu.memory_space<hbm>>) dst(%dma_wait3A_73 : memref<125x128xf32, #tpu.memory_space<vmem>>)
      %dma_start3A_80 = arith.constant 0 : i32
      %dma_start3A_81 = arith.constant 0 : i32
      %dma_start3A_82 = arith.constant 0 : i32
      %dma_start3A_83 = arith.constant 0 : i32
      %dma_start3A_84 = tpu.memref_slice %arg8[%dma_start3A_80, %dma_start3A_82, %dma_start3A_83] : memref<2x125x128xf32, #tpu.memory_space<vmem>> -> memref<1x125x128xf32, #tpu.memory_space<vmem>>
      %dma_start3A_85 = tpu.memref_squeeze %dma_start3A_84 : memref<1x125x128xf32, #tpu.memory_space<vmem>> -> memref<125x128xf32, #tpu.memory_space<vmem>>
      %dma_start3A_86 = arith.constant 0 : i32
      %dma_start3A_87 = tpu.memref_slice %arg7[%rem3A_46, %dma_start3A_81, %dma_start3A_86] : memref<2x8x125xi32, #tpu.memory_space<vmem>> -> memref<1x1x125xi32, #tpu.memory_space<vmem>>
      %dma_start3A_88 = tpu.memref_squeeze %dma_start3A_87 : memref<1x1x125xi32, #tpu.memory_space<vmem>> -> memref<125xi32, #tpu.memory_space<vmem>>
      %dma_start3A_89 = arith.constant 0 : i32
      %dma_start3A_90 = arith.constant 0 : i32
      %dma_start3A_91 = tpu.memref_slice %arg9[%dma_start3A_89, %dma_start3A_90] : memref<10240x128xf32, #tpu.memory_space<vmem_shared>> -> memref<10240x128xf32, #tpu.memory_space<vmem_shared>>
      tpu.enqueue_indirect_dma source(%dma_start3A_85 : memref<125x128xf32, #tpu.memory_space<vmem>>) target(%dma_start3A_91 : memref<10240x128xf32, #tpu.memory_space<vmem_shared>>) offsets(%dma_start3A_88 : memref<125xi32, #tpu.memory_space<vmem>>) semaphore(%arg13 : memref<!tpu.dma_semaphore, #tpu.memory_space<semaphore_mem>>) {add = true}
      %dma_wait3A_92 = arith.constant 0 : i32
      %dma_wait3A_93 = arith.constant 1 : i32
      %dma_wait3A_94 = arith.constant 0 : i32
      %dma_wait3A_95 = arith.constant 0 : i32
      %dma_wait3A_96 = tpu.memref_slice %arg8[%dma_wait3A_92, %dma_wait3A_94, %dma_wait3A_95] : memref<2x125x128xf32, #tpu.memory_space<vmem>> -> memref<1x125x128xf32, #tpu.memory_space<vmem>>
      %dma_wait3A_97 = tpu.memref_squeeze %dma_wait3A_96 : memref<1x125x128xf32, #tpu.memory_space<vmem>> -> memref<125x128xf32, #tpu.memory_space<vmem>>
      %dma_wait3A_98 = arith.constant 0 : i32
      %dma_wait3A_99 = tpu.memref_slice %arg7[%rem3A_46, %dma_wait3A_93, %dma_wait3A_98] : memref<2x8x125xi32, #tpu.memory_space<vmem>> -> memref<1x1x125xi32, #tpu.memory_space<vmem>>
      %dma_wait3A_100 = tpu.memref_squeeze %dma_wait3A_99 : memref<1x1x125xi32, #tpu.memory_space<vmem>> -> memref<125xi32, #tpu.memory_space<vmem>>
      %dma_wait3A_101 = arith.constant 0 : i32
      %dma_wait3A_102 = arith.constant 0 : i32
      %dma_wait3A_103 = tpu.memref_slice %arg9[%dma_wait3A_101, %dma_wait3A_102] : memref<10240x128xf32, #tpu.memory_space<vmem_shared>> -> memref<10240x128xf32, #tpu.memory_space<vmem_shared>>
      tpu.wait_indirect_dma semaphore(%arg13 : memref<!tpu.dma_semaphore, #tpu.memory_space<semaphore_mem>>) src(%dma_wait3A_97 : memref<125x128xf32, #tpu.memory_space<vmem>>) dst(%dma_wait3A_103 : memref<10240x128xf32, #tpu.memory_space<vmem_shared>>)
      %dma_start3A_104 = arith.constant 2 : i32
      %dma_start3A_105 = arith.constant 0 : i32
      %dma_start3A_106 = arith.constant 0 : i32
      %dma_start3A_107 = arith.constant 0 : i32
      %dma_start3A_108 = tpu.memref_slice %arg8[%dma_start3A_105, %dma_start3A_106, %dma_start3A_107] : memref<2x125x128xf32, #tpu.memory_space<vmem>> -> memref<1x125x128xf32, #tpu.memory_space<vmem>>
      %dma_start3A_109 = tpu.memref_squeeze %dma_start3A_108 : memref<1x125x128xf32, #tpu.memory_space<vmem>> -> memref<125x128xf32, #tpu.memory_space<vmem>>
      %dma_start3A_110 = arith.constant 0 : i32
      %dma_start3A_111 = tpu.memref_slice %arg6[%rem3A_46, %dma_start3A_104, %dma_start3A_110] : memref<2x8x125xi32, #tpu.memory_space<vmem>> -> memref<1x1x125xi32, #tpu.memory_space<vmem>>
      %dma_start3A_112 = tpu.memref_squeeze %dma_start3A_111 : memref<1x1x125xi32, #tpu.memory_space<vmem>> -> memref<125xi32, #tpu.memory_space<vmem>>
      %dma_start3A_113 = arith.constant 0 : i32
      %dma_start3A_114 = arith.constant 0 : i32
      %dma_start3A_115 = tpu.memref_slice %arg2[%dma_start3A_113, %dma_start3A_114] : memref<10000x128xf32, #tpu.memory_space<hbm>> -> memref<10000x128xf32, #tpu.memory_space<hbm>>
      tpu.enqueue_indirect_dma source(%dma_start3A_115 : memref<10000x128xf32, #tpu.memory_space<hbm>>) target(%dma_start3A_109 : memref<125x128xf32, #tpu.memory_space<vmem>>) offsets(%dma_start3A_112 : memref<125xi32, #tpu.memory_space<vmem>>) semaphore(%arg11 : memref<!tpu.dma_semaphore, #tpu.memory_space<semaphore_mem>>)
      %dma_wait3A_116 = arith.constant 1 : i32
      %dma_wait3A_117 = arith.constant 1 : i32
      %dma_wait3A_118 = arith.constant 0 : i32
      %dma_wait3A_119 = arith.constant 0 : i32
      %dma_wait3A_120 = tpu.memref_slice %arg8[%dma_wait3A_117, %dma_wait3A_118, %dma_wait3A_119] : memref<2x125x128xf32, #tpu.memory_space<vmem>> -> memref<1x125x128xf32, #tpu.memory_space<vmem>>
      %dma_wait3A_121 = tpu.memref_squeeze %dma_wait3A_120 : memref<1x125x128xf32, #tpu.memory_space<vmem>> -> memref<125x128xf32, #tpu.memory_space<vmem>>
      %dma_wait3A_122 = arith.constant 0 : i32
      %dma_wait3A_123 = tpu.memref_slice %arg6[%rem3A_46, %dma_wait3A_116, %dma_wait3A_122] : memref<2x8x125xi32, #tpu.memory_space<vmem>> -> memref<1x1x125xi32, #tpu.memory_space<vmem>>
      %dma_wait3A_124 = tpu.memref_squeeze %dma_wait3A_123 : memref<1x1x125xi32, #tpu.memory_space<vmem>> -> memref<125xi32, #tpu.memory_space<vmem>>
      %dma_wait3A_125 = arith.constant 0 : i32
      %dma_wait3A_126 = arith.constant 0 : i32
      %dma_wait3A_127 = tpu.memref_slice %arg2[%dma_wait3A_125, %dma_wait3A_126] : memref<10000x128xf32, #tpu.memory_space<hbm>> -> memref<10000x128xf32, #tpu.memory_space<hbm>>
      tpu.wait_indirect_dma semaphore(%arg12 : memref<!tpu.dma_semaphore, #tpu.memory_space<semaphore_mem>>) src(%dma_wait3A_127 : memref<10000x128xf32, #tpu.memory_space<hbm>>) dst(%dma_wait3A_121 : memref<125x128xf32, #tpu.memory_space<vmem>>)
      %dma_start3A_128 = arith.constant 1 : i32
      %dma_start3A_129 = arith.constant 1 : i32
      %dma_start3A_130 = arith.constant 0 : i32
      %dma_start3A_131 = arith.constant 0 : i32
      %dma_start3A_132 = tpu.memref_slice %arg8[%dma_start3A_128, %dma_start3A_130, %dma_start3A_131] : memref<2x125x128xf32, #tpu.memory_space<vmem>> -> memref<1x125x128xf32, #tpu.memory_space<vmem>>
      %dma_start3A_133 = tpu.memref_squeeze %dma_start3A_132 : memref<1x125x128xf32, #tpu.memory_space<vmem>> -> memref<125x128xf32, #tpu.memory_space<vmem>>
      %dma_start3A_134 = arith.constant 0 : i32
      %dma_start3A_135 = tpu.memref_slice %arg7[%rem3A_46, %dma_start3A_129, %dma_start3A_134] : memref<2x8x125xi32, #tpu.memory_space<vmem>> -> memref<1x1x125xi32, #tpu.memory_space<vmem>>
      %dma_start3A_136 = tpu.memref_squeeze %dma_start3A_135 : memref<1x1x125xi32, #tpu.memory_space<vmem>> -> memref<125xi32, #tpu.memory_space<vmem>>
      %dma_start3A_137 = arith.constant 0 : i32
      %dma_start3A_138 = arith.constant 0 : i32
      %dma_start3A_139 = tpu.memref_slice %arg9[%dma_start3A_137, %dma_start3A_138] : memref<10240x128xf32, #tpu.memory_space<vmem_shared>> -> memref<10240x128xf32, #tpu.memory_space<vmem_shared>>
      tpu.enqueue_indirect_dma source(%dma_start3A_133 : memref<125x128xf32, #tpu.memory_space<vmem>>) target(%dma_start3A_139 : memref<10240x128xf32, #tpu.memory_space<vmem_shared>>) offsets(%dma_start3A_136 : memref<125xi32, #tpu.memory_space<vmem>>) semaphore(%arg14 : memref<!tpu.dma_semaphore, #tpu.memory_space<semaphore_mem>>) {add = true}
      %dma_wait3A_140 = arith.constant 1 : i32
      %dma_wait3A_141 = arith.constant 2 : i32
      %dma_wait3A_142 = arith.constant 0 : i32
      %dma_wait3A_143 = arith.constant 0 : i32
      %dma_wait3A_144 = tpu.memref_slice %arg8[%dma_wait3A_140, %dma_wait3A_142, %dma_wait3A_143] : memref<2x125x128xf32, #tpu.memory_space<vmem>> -> memref<1x125x128xf32, #tpu.memory_space<vmem>>
      %dma_wait3A_145 = tpu.memref_squeeze %dma_wait3A_144 : memref<1x125x128xf32, #tpu.memory_space<vmem>> -> memref<125x128xf32, #tpu.memory_space<vmem>>
      %dma_wait3A_146 = arith.constant 0 : i32
      %dma_wait3A_147 = tpu.memref_slice %arg7[%rem3A_46, %dma_wait3A_141, %dma_wait3A_146] : memref<2x8x125xi32, #tpu.memory_space<vmem>> -> memref<1x1x125xi32, #tpu.memory_space<vmem>>
      %dma_wait3A_148 = tpu.memref_squeeze %dma_wait3A_147 : memref<1x1x125xi32, #tpu.memory_space<vmem>> -> memref<125xi32, #tpu.memory_space<vmem>>
      %dma_wait3A_149 = arith.constant 0 : i32
      %dma_wait3A_150 = arith.constant 0 : i32
      %dma_wait3A_151 = tpu.memref_slice %arg9[%dma_wait3A_149, %dma_wait3A_150] : memref<10240x128xf32, #tpu.memory_space<vmem_shared>> -> memref<10240x128xf32, #tpu.memory_space<vmem_shared>>
      tpu.wait_indirect_dma semaphore(%arg14 : memref<!tpu.dma_semaphore, #tpu.memory_space<semaphore_mem>>) src(%dma_wait3A_145 : memref<125x128xf32, #tpu.memory_space<vmem>>) dst(%dma_wait3A_151 : memref<10240x128xf32, #tpu.memory_space<vmem_shared>>)
      %dma_start3A_152 = arith.constant 3 : i32
      %dma_start3A_153 = arith.constant 1 : i32
      %dma_start3A_154 = arith.constant 0 : i32
      %dma_start3A_155 = arith.constant 0 : i32
      %dma_start3A_156 = tpu.memref_slice %arg8[%dma_start3A_153, %dma_start3A_154, %dma_start3A_155] : memref<2x125x128xf32, #tpu.memory_space<vmem>> -> memref<1x125x128xf32, #tpu.memory_space<vmem>>
      %dma_start3A_157 = tpu.memref_squeeze %dma_start3A_156 : memref<1x125x128xf32, #tpu.memory_space<vmem>> -> memref<125x128xf32, #tpu.memory_space<vmem>>
      %dma_start3A_158 = arith.constant 0 : i32
      %dma_start3A_159 = tpu.memref_slice %arg6[%rem3A_46, %dma_start3A_152, %dma_start3A_158] : memref<2x8x125xi32, #tpu.memory_space<vmem>> -> memref<1x1x125xi32, #tpu.memory_space<vmem>>
      %dma_start3A_160 = tpu.memref_squeeze %dma_start3A_159 : memref<1x1x125xi32, #tpu.memory_space<vmem>> -> memref<125xi32, #tpu.memory_space<vmem>>
      %dma_start3A_161 = arith.constant 0 : i32
      %dma_start3A_162 = arith.constant 0 : i32
      %dma_start3A_163 = tpu.memref_slice %arg2[%dma_start3A_161, %dma_start3A_162] : memref<10000x128xf32, #tpu.memory_space<hbm>> -> memref<10000x128xf32, #tpu.memory_space<hbm>>
      tpu.enqueue_indirect_dma source(%dma_start3A_163 : memref<10000x128xf32, #tpu.memory_space<hbm>>) target(%dma_start3A_157 : memref<125x128xf32, #tpu.memory_space<vmem>>) offsets(%dma_start3A_160 : memref<125xi32, #tpu.memory_space<vmem>>) semaphore(%arg12 : memref<!tpu.dma_semaphore, #tpu.memory_space<semaphore_mem>>)
      %dma_wait3A_164 = arith.constant 2 : i32
      %dma_wait3A_165 = arith.constant 0 : i32
      %dma_wait3A_166 = arith.constant 0 : i32
      %dma_wait3A_167 = arith.constant 0 : i32
      %dma_wait3A_168 = tpu.memref_slice %arg8[%dma_wait3A_165, %dma_wait3A_166, %dma_wait3A_167] : memref<2x125x128xf32, #tpu.memory_space<vmem>> -> memref<1x125x128xf32, #tpu.memory_space<vmem>>
      %dma_wait3A_169 = tpu.memref_squeeze %dma_wait3A_168 : memref<1x125x128xf32, #tpu.memory_space<vmem>> -> memref<125x128xf32, #tpu.memory_space<vmem>>
      %dma_wait3A_170 = arith.constant 0 : i32
      %dma_wait3A_171 = tpu.memref_slice %arg6[%rem3A_46, %dma_wait3A_164, %dma_wait3A_170] : memref<2x8x125xi32, #tpu.memory_space<vmem>> -> memref<1x1x125xi32, #tpu.memory_space<vmem>>
      %dma_wait3A_172 = tpu.memref_squeeze %dma_wait3A_171 : memref<1x1x125xi32, #tpu.memory_space<vmem>> -> memref<125xi32, #tpu.memory_space<vmem>>
      %dma_wait3A_173 = arith.constant 0 : i32
      %dma_wait3A_174 = arith.constant 0 : i32
      %dma_wait3A_175 = tpu.memref_slice %arg2[%dma_wait3A_173, %dma_wait3A_174] : memref<10000x128xf32, #tpu.memory_space<hbm>> -> memref<10000x128xf32, #tpu.memory_space<hbm>>
      tpu.wait_indirect_dma semaphore(%arg11 : memref<!tpu.dma_semaphore, #tpu.memory_space<semaphore_mem>>) src(%dma_wait3A_175 : memref<10000x128xf32, #tpu.memory_space<hbm>>) dst(%dma_wait3A_169 : memref<125x128xf32, #tpu.memory_space<vmem>>)
      %dma_start3A_176 = arith.constant 0 : i32
      %dma_start3A_177 = arith.constant 2 : i32
      %dma_start3A_178 = arith.constant 0 : i32
      %dma_start3A_179 = arith.constant 0 : i32
      %dma_start3A_180 = tpu.memref_slice %arg8[%dma_start3A_176, %dma_start3A_178, %dma_start3A_179] : memref<2x125x128xf32, #tpu.memory_space<vmem>> -> memref<1x125x128xf32, #tpu.memory_space<vmem>>
      %dma_start3A_181 = tpu.memref_squeeze %dma_start3A_180 : memref<1x125x128xf32, #tpu.memory_space<vmem>> -> memref<125x128xf32, #tpu.memory_space<vmem>>
      %dma_start3A_182 = arith.constant 0 : i32
      %dma_start3A_183 = tpu.memref_slice %arg7[%rem3A_46, %dma_start3A_177, %dma_start3A_182] : memref<2x8x125xi32, #tpu.memory_space<vmem>> -> memref<1x1x125xi32, #tpu.memory_space<vmem>>
      %dma_start3A_184 = tpu.memref_squeeze %dma_start3A_183 : memref<1x1x125xi32, #tpu.memory_space<vmem>> -> memref<125xi32, #tpu.memory_space<vmem>>
      %dma_start3A_185 = arith.constant 0 : i32
      %dma_start3A_186 = arith.constant 0 : i32
      %dma_start3A_187 = tpu.memref_slice %arg9[%dma_start3A_185, %dma_start3A_186] : memref<10240x128xf32, #tpu.memory_space<vmem_shared>> -> memref<10240x128xf32, #tpu.memory_space<vmem_shared>>
      tpu.enqueue_indirect_dma source(%dma_start3A_181 : memref<125x128xf32, #tpu.memory_space<vmem>>) target(%dma_start3A_187 : memref<10240x128xf32, #tpu.memory_space<vmem_shared>>) offsets(%dma_start3A_184 : memref<125xi32, #tpu.memory_space<vmem>>) semaphore(%arg13 : memref<!tpu.dma_semaphore, #tpu.memory_space<semaphore_mem>>) {add = true}
      %dma_wait3A_188 = arith.constant 0 : i32
      %dma_wait3A_189 = arith.constant 3 : i32
      %dma_wait3A_190 = arith.constant 0 : i32
      %dma_wait3A_191 = arith.constant 0 : i32
      %dma_wait3A_192 = tpu.memref_slice %arg8[%dma_wait3A_188, %dma_wait3A_190, %dma_wait3A_191] : memref<2x125x128xf32, #tpu.memory_space<vmem>> -> memref<1x125x128xf32, #tpu.memory_space<vmem>>
      %dma_wait3A_193 = tpu.memref_squeeze %dma_wait3A_192 : memref<1x125x128xf32, #tpu.memory_space<vmem>> -> memref<125x128xf32, #tpu.memory_space<vmem>>
      %dma_wait3A_194 = arith.constant 0 : i32
      %dma_wait3A_195 = tpu.memref_slice %arg7[%rem3A_46, %dma_wait3A_189, %dma_wait3A_194] : memref<2x8x125xi32, #tpu.memory_space<vmem>> -> memref<1x1x125xi32, #tpu.memory_space<vmem>>
      %dma_wait3A_196 = tpu.memref_squeeze %dma_wait3A_195 : memref<1x1x125xi32, #tpu.memory_space<vmem>> -> memref<125xi32, #tpu.memory_space<vmem>>
      %dma_wait3A_197 = arith.constant 0 : i32
      %dma_wait3A_198 = arith.constant 0 : i32
      %dma_wait3A_199 = tpu.memref_slice %arg9[%dma_wait3A_197, %dma_wait3A_198] : memref<10240x128xf32, #tpu.memory_space<vmem_shared>> -> memref<10240x128xf32, #tpu.memory_space<vmem_shared>>
      tpu.wait_indirect_dma semaphore(%arg13 : memref<!tpu.dma_semaphore, #tpu.memory_space<semaphore_mem>>) src(%dma_wait3A_193 : memref<125x128xf32, #tpu.memory_space<vmem>>) dst(%dma_wait3A_199 : memref<10240x128xf32, #tpu.memory_space<vmem_shared>>)
      %dma_start3A_200 = arith.constant 4 : i32
      %dma_start3A_201 = arith.constant 0 : i32
      %dma_start3A_202 = arith.constant 0 : i32
      %dma_start3A_203 = arith.constant 0 : i32
      %dma_start3A_204 = tpu.memref_slice %arg8[%dma_start3A_201, %dma_start3A_202, %dma_start3A_203] : memref<2x125x128xf32, #tpu.memory_space<vmem>> -> memref<1x125x128xf32, #tpu.memory_space<vmem>>
      %dma_start3A_205 = tpu.memref_squeeze %dma_start3A_204 : memref<1x125x128xf32, #tpu.memory_space<vmem>> -> memref<125x128xf32, #tpu.memory_space<vmem>>
      %dma_start3A_206 = arith.constant 0 : i32
      %dma_start3A_207 = tpu.memref_slice %arg6[%rem3A_46, %dma_start3A_200, %dma_start3A_206] : memref<2x8x125xi32, #tpu.memory_space<vmem>> -> memref<1x1x125xi32, #tpu.memory_space<vmem>>
      %dma_start3A_208 = tpu.memref_squeeze %dma_start3A_207 : memref<1x1x125xi32, #tpu.memory_space<vmem>> -> memref<125xi32, #tpu.memory_space<vmem>>
      %dma_start3A_209 = arith.constant 0 : i32
      %dma_start3A_210 = arith.constant 0 : i32
      %dma_start3A_211 = tpu.memref_slice %arg2[%dma_start3A_209, %dma_start3A_210] : memref<10000x128xf32, #tpu.memory_space<hbm>> -> memref<10000x128xf32, #tpu.memory_space<hbm>>
      tpu.enqueue_indirect_dma source(%dma_start3A_211 : memref<10000x128xf32, #tpu.memory_space<hbm>>) target(%dma_start3A_205 : memref<125x128xf32, #tpu.memory_space<vmem>>) offsets(%dma_start3A_208 : memref<125xi32, #tpu.memory_space<vmem>>) semaphore(%arg11 : memref<!tpu.dma_semaphore, #tpu.memory_space<semaphore_mem>>)
      %dma_wait3A_212 = arith.constant 3 : i32
      %dma_wait3A_213 = arith.constant 1 : i32
      %dma_wait3A_214 = arith.constant 0 : i32
      %dma_wait3A_215 = arith.constant 0 : i32
      %dma_wait3A_216 = tpu.memref_slice %arg8[%dma_wait3A_213, %dma_wait3A_214, %dma_wait3A_215] : memref<2x125x128xf32, #tpu.memory_space<vmem>> -> memref<1x125x128xf32, #tpu.memory_space<vmem>>
      %dma_wait3A_217 = tpu.memref_squeeze %dma_wait3A_216 : memref<1x125x128xf32, #tpu.memory_space<vmem>> -> memref<125x128xf32, #tpu.memory_space<vmem>>
      %dma_wait3A_218 = arith.constant 0 : i32
      %dma_wait3A_219 = tpu.memref_slice %arg6[%rem3A_46, %dma_wait3A_212, %dma_wait3A_218] : memref<2x8x125xi32, #tpu.memory_space<vmem>> -> memref<1x1x125xi32, #tpu.memory_space<vmem>>
      %dma_wait3A_220 = tpu.memref_squeeze %dma_wait3A_219 : memref<1x1x125xi32, #tpu.memory_space<vmem>> -> memref<125xi32, #tpu.memory_space<vmem>>
      %dma_wait3A_221 = arith.constant 0 : i32
      %dma_wait3A_222 = arith.constant 0 : i32
      %dma_wait3A_223 = tpu.memref_slice %arg2[%dma_wait3A_221, %dma_wait3A_222] : memref<10000x128xf32, #tpu.memory_space<hbm>> -> memref<10000x128xf32, #tpu.memory_space<hbm>>
      tpu.wait_indirect_dma semaphore(%arg12 : memref<!tpu.dma_semaphore, #tpu.memory_space<semaphore_mem>>) src(%dma_wait3A_223 : memref<10000x128xf32, #tpu.memory_space<hbm>>) dst(%dma_wait3A_217 : memref<125x128xf32, #tpu.memory_space<vmem>>)
      %dma_start3A_224 = arith.constant 1 : i32
      %dma_start3A_225 = arith.constant 3 : i32
      %dma_start3A_226 = arith.constant 0 : i32
      %dma_start3A_227 = arith.constant 0 : i32
      %dma_start3A_228 = tpu.memref_slice %arg8[%dma_start3A_224, %dma_start3A_226, %dma_start3A_227] : memref<2x125x128xf32, #tpu.memory_space<vmem>> -> memref<1x125x128xf32, #tpu.memory_space<vmem>>
      %dma_start3A_229 = tpu.memref_squeeze %dma_start3A_228 : memref<1x125x128xf32, #tpu.memory_space<vmem>> -> memref<125x128xf32, #tpu.memory_space<vmem>>
      %dma_start3A_230 = arith.constant 0 : i32
      %dma_start3A_231 = tpu.memref_slice %arg7[%rem3A_46, %dma_start3A_225, %dma_start3A_230] : memref<2x8x125xi32, #tpu.memory_space<vmem>> -> memref<1x1x125xi32, #tpu.memory_space<vmem>>
      %dma_start3A_232 = tpu.memref_squeeze %dma_start3A_231 : memref<1x1x125xi32, #tpu.memory_space<vmem>> -> memref<125xi32, #tpu.memory_space<vmem>>
      %dma_start3A_233 = arith.constant 0 : i32
      %dma_start3A_234 = arith.constant 0 : i32
      %dma_start3A_235 = tpu.memref_slice %arg9[%dma_start3A_233, %dma_start3A_234] : memref<10240x128xf32, #tpu.memory_space<vmem_shared>> -> memref<10240x128xf32, #tpu.memory_space<vmem_shared>>
      tpu.enqueue_indirect_dma source(%dma_start3A_229 : memref<125x128xf32, #tpu.memory_space<vmem>>) target(%dma_start3A_235 : memref<10240x128xf32, #tpu.memory_space<vmem_shared>>) offsets(%dma_start3A_232 : memref<125xi32, #tpu.memory_space<vmem>>) semaphore(%arg14 : memref<!tpu.dma_semaphore, #tpu.memory_space<semaphore_mem>>) {add = true}
      %dma_wait3A_236 = arith.constant 1 : i32
      %dma_wait3A_237 = arith.constant 4 : i32
      %dma_wait3A_238 = arith.constant 0 : i32
      %dma_wait3A_239 = arith.constant 0 : i32
      %dma_wait3A_240 = tpu.memref_slice %arg8[%dma_wait3A_236, %dma_wait3A_238, %dma_wait3A_239] : memref<2x125x128xf32, #tpu.memory_space<vmem>> -> memref<1x125x128xf32, #tpu.memory_space<vmem>>
      %dma_wait3A_241 = tpu.memref_squeeze %dma_wait3A_240 : memref<1x125x128xf32, #tpu.memory_space<vmem>> -> memref<125x128xf32, #tpu.memory_space<vmem>>
      %dma_wait3A_242 = arith.constant 0 : i32
      %dma_wait3A_243 = tpu.memref_slice %arg7[%rem3A_46, %dma_wait3A_237, %dma_wait3A_242] : memref<2x8x125xi32, #tpu.memory_space<vmem>> -> memref<1x1x125xi32, #tpu.memory_space<vmem>>
      %dma_wait3A_244 = tpu.memref_squeeze %dma_wait3A_243 : memref<1x1x125xi32, #tpu.memory_space<vmem>> -> memref<125xi32, #tpu.memory_space<vmem>>
      %dma_wait3A_245 = arith.constant 0 : i32
      %dma_wait3A_246 = arith.constant 0 : i32
      %dma_wait3A_247 = tpu.memref_slice %arg9[%dma_wait3A_245, %dma_wait3A_246] : memref<10240x128xf32, #tpu.memory_space<vmem_shared>> -> memref<10240x128xf32, #tpu.memory_space<vmem_shared>>
      tpu.wait_indirect_dma semaphore(%arg14 : memref<!tpu.dma_semaphore, #tpu.memory_space<semaphore_mem>>) src(%dma_wait3A_241 : memref<125x128xf32, #tpu.memory_space<vmem>>) dst(%dma_wait3A_247 : memref<10240x128xf32, #tpu.memory_space<vmem_shared>>)
      %dma_start3A_248 = arith.constant 5 : i32
      %dma_start3A_249 = arith.constant 1 : i32
      %dma_start3A_250 = arith.constant 0 : i32
      %dma_start3A_251 = arith.constant 0 : i32
      %dma_start3A_252 = tpu.memref_slice %arg8[%dma_start3A_249, %dma_start3A_250, %dma_start3A_251] : memref<2x125x128xf32, #tpu.memory_space<vmem>> -> memref<1x125x128xf32, #tpu.memory_space<vmem>>
      %dma_start3A_253 = tpu.memref_squeeze %dma_start3A_252 : memref<1x125x128xf32, #tpu.memory_space<vmem>> -> memref<125x128xf32, #tpu.memory_space<vmem>>
      %dma_start3A_254 = arith.constant 0 : i32
      %dma_start3A_255 = tpu.memref_slice %arg6[%rem3A_46, %dma_start3A_248, %dma_start3A_254] : memref<2x8x125xi32, #tpu.memory_space<vmem>> -> memref<1x1x125xi32, #tpu.memory_space<vmem>>
      %dma_start3A_256 = tpu.memref_squeeze %dma_start3A_255 : memref<1x1x125xi32, #tpu.memory_space<vmem>> -> memref<125xi32, #tpu.memory_space<vmem>>
      %dma_start3A_257 = arith.constant 0 : i32
      %dma_start3A_258 = arith.constant 0 : i32
      %dma_start3A_259 = tpu.memref_slice %arg2[%dma_start3A_257, %dma_start3A_258] : memref<10000x128xf32, #tpu.memory_space<hbm>> -> memref<10000x128xf32, #tpu.memory_space<hbm>>
      tpu.enqueue_indirect_dma source(%dma_start3A_259 : memref<10000x128xf32, #tpu.memory_space<hbm>>) target(%dma_start3A_253 : memref<125x128xf32, #tpu.memory_space<vmem>>) offsets(%dma_start3A_256 : memref<125xi32, #tpu.memory_space<vmem>>) semaphore(%arg12 : memref<!tpu.dma_semaphore, #tpu.memory_space<semaphore_mem>>)
      %dma_wait3A_260 = arith.constant 4 : i32
      %dma_wait3A_261 = arith.constant 0 : i32
      %dma_wait3A_262 = arith.constant 0 : i32
      %dma_wait3A_263 = arith.constant 0 : i32
      %dma_wait3A_264 = tpu.memref_slice %arg8[%dma_wait3A_261, %dma_wait3A_262, %dma_wait3A_263] : memref<2x125x128xf32, #tpu.memory_space<vmem>> -> memref<1x125x128xf32, #tpu.memory_space<vmem>>
      %dma_wait3A_265 = tpu.memref_squeeze %dma_wait3A_264 : memref<1x125x128xf32, #tpu.memory_space<vmem>> -> memref<125x128xf32, #tpu.memory_space<vmem>>
      %dma_wait3A_266 = arith.constant 0 : i32
      %dma_wait3A_267 = tpu.memref_slice %arg6[%rem3A_46, %dma_wait3A_260, %dma_wait3A_266] : memref<2x8x125xi32, #tpu.memory_space<vmem>> -> memref<1x1x125xi32, #tpu.memory_space<vmem>>
      %dma_wait3A_268 = tpu.memref_squeeze %dma_wait3A_267 : memref<1x1x125xi32, #tpu.memory_space<vmem>> -> memref<125xi32, #tpu.memory_space<vmem>>
      %dma_wait3A_269 = arith.constant 0 : i32
      %dma_wait3A_270 = arith.constant 0 : i32
      %dma_wait3A_271 = tpu.memref_slice %arg2[%dma_wait3A_269, %dma_wait3A_270] : memref<10000x128xf32, #tpu.memory_space<hbm>> -> memref<10000x128xf32, #tpu.memory_space<hbm>>
      tpu.wait_indirect_dma semaphore(%arg11 : memref<!tpu.dma_semaphore, #tpu.memory_space<semaphore_mem>>) src(%dma_wait3A_271 : memref<10000x128xf32, #tpu.memory_space<hbm>>) dst(%dma_wait3A_265 : memref<125x128xf32, #tpu.memory_space<vmem>>)
      %dma_start3A_272 = arith.constant 0 : i32
      %dma_start3A_273 = arith.constant 4 : i32
      %dma_start3A_274 = arith.constant 0 : i32
      %dma_start3A_275 = arith.constant 0 : i32
      %dma_start3A_276 = tpu.memref_slice %arg8[%dma_start3A_272, %dma_start3A_274, %dma_start3A_275] : memref<2x125x128xf32, #tpu.memory_space<vmem>> -> memref<1x125x128xf32, #tpu.memory_space<vmem>>
      %dma_start3A_277 = tpu.memref_squeeze %dma_start3A_276 : memref<1x125x128xf32, #tpu.memory_space<vmem>> -> memref<125x128xf32, #tpu.memory_space<vmem>>
      %dma_start3A_278 = arith.constant 0 : i32
      %dma_start3A_279 = tpu.memref_slice %arg7[%rem3A_46, %dma_start3A_273, %dma_start3A_278] : memref<2x8x125xi32, #tpu.memory_space<vmem>> -> memref<1x1x125xi32, #tpu.memory_space<vmem>>
      %dma_start3A_280 = tpu.memref_squeeze %dma_start3A_279 : memref<1x1x125xi32, #tpu.memory_space<vmem>> -> memref<125xi32, #tpu.memory_space<vmem>>
      %dma_start3A_281 = arith.constant 0 : i32
      %dma_start3A_282 = arith.constant 0 : i32
      %dma_start3A_283 = tpu.memref_slice %arg9[%dma_start3A_281, %dma_start3A_282] : memref<10240x128xf32, #tpu.memory_space<vmem_shared>> -> memref<10240x128xf32, #tpu.memory_space<vmem_shared>>
      tpu.enqueue_indirect_dma source(%dma_start3A_277 : memref<125x128xf32, #tpu.memory_space<vmem>>) target(%dma_start3A_283 : memref<10240x128xf32, #tpu.memory_space<vmem_shared>>) offsets(%dma_start3A_280 : memref<125xi32, #tpu.memory_space<vmem>>) semaphore(%arg13 : memref<!tpu.dma_semaphore, #tpu.memory_space<semaphore_mem>>) {add = true}
      %dma_wait3A_284 = arith.constant 0 : i32
      %dma_wait3A_285 = arith.constant 5 : i32
      %dma_wait3A_286 = arith.constant 0 : i32
      %dma_wait3A_287 = arith.constant 0 : i32
      %dma_wait3A_288 = tpu.memref_slice %arg8[%dma_wait3A_284, %dma_wait3A_286, %dma_wait3A_287] : memref<2x125x128xf32, #tpu.memory_space<vmem>> -> memref<1x125x128xf32, #tpu.memory_space<vmem>>
      %dma_wait3A_289 = tpu.memref_squeeze %dma_wait3A_288 : memref<1x125x128xf32, #tpu.memory_space<vmem>> -> memref<125x128xf32, #tpu.memory_space<vmem>>
      %dma_wait3A_290 = arith.constant 0 : i32
      %dma_wait3A_291 = tpu.memref_slice %arg7[%rem3A_46, %dma_wait3A_285, %dma_wait3A_290] : memref<2x8x125xi32, #tpu.memory_space<vmem>> -> memref<1x1x125xi32, #tpu.memory_space<vmem>>
      %dma_wait3A_292 = tpu.memref_squeeze %dma_wait3A_291 : memref<1x1x125xi32, #tpu.memory_space<vmem>> -> memref<125xi32, #tpu.memory_space<vmem>>
      %dma_wait3A_293 = arith.constant 0 : i32
      %dma_wait3A_294 = arith.constant 0 : i32
      %dma_wait3A_295 = tpu.memref_slice %arg9[%dma_wait3A_293, %dma_wait3A_294] : memref<10240x128xf32, #tpu.memory_space<vmem_shared>> -> memref<10240x128xf32, #tpu.memory_space<vmem_shared>>
      tpu.wait_indirect_dma semaphore(%arg13 : memref<!tpu.dma_semaphore, #tpu.memory_space<semaphore_mem>>) src(%dma_wait3A_289 : memref<125x128xf32, #tpu.memory_space<vmem>>) dst(%dma_wait3A_295 : memref<10240x128xf32, #tpu.memory_space<vmem_shared>>)
      %dma_start3A_296 = arith.constant 6 : i32
      %dma_start3A_297 = arith.constant 0 : i32
      %dma_start3A_298 = arith.constant 0 : i32
      %dma_start3A_299 = arith.constant 0 : i32
      %dma_start3A_300 = tpu.memref_slice %arg8[%dma_start3A_297, %dma_start3A_298, %dma_start3A_299] : memref<2x125x128xf32, #tpu.memory_space<vmem>> -> memref<1x125x128xf32, #tpu.memory_space<vmem>>
      %dma_start3A_301 = tpu.memref_squeeze %dma_start3A_300 : memref<1x125x128xf32, #tpu.memory_space<vmem>> -> memref<125x128xf32, #tpu.memory_space<vmem>>
      %dma_start3A_302 = arith.constant 0 : i32
      %dma_start3A_303 = tpu.memref_slice %arg6[%rem3A_46, %dma_start3A_296, %dma_start3A_302] : memref<2x8x125xi32, #tpu.memory_space<vmem>> -> memref<1x1x125xi32, #tpu.memory_space<vmem>>
      %dma_start3A_304 = tpu.memref_squeeze %dma_start3A_303 : memref<1x1x125xi32, #tpu.memory_space<vmem>> -> memref<125xi32, #tpu.memory_space<vmem>>
      %dma_start3A_305 = arith.constant 0 : i32
      %dma_start3A_306 = arith.constant 0 : i32
      %dma_start3A_307 = tpu.memref_slice %arg2[%dma_start3A_305, %dma_start3A_306] : memref<10000x128xf32, #tpu.memory_space<hbm>> -> memref<10000x128xf32, #tpu.memory_space<hbm>>
      tpu.enqueue_indirect_dma source(%dma_start3A_307 : memref<10000x128xf32, #tpu.memory_space<hbm>>) target(%dma_start3A_301 : memref<125x128xf32, #tpu.memory_space<vmem>>) offsets(%dma_start3A_304 : memref<125xi32, #tpu.memory_space<vmem>>) semaphore(%arg11 : memref<!tpu.dma_semaphore, #tpu.memory_space<semaphore_mem>>)
      %dma_wait3A_308 = arith.constant 5 : i32
      %dma_wait3A_309 = arith.constant 1 : i32
      %dma_wait3A_310 = arith.constant 0 : i32
      %dma_wait3A_311 = arith.constant 0 : i32
      %dma_wait3A_312 = tpu.memref_slice %arg8[%dma_wait3A_309, %dma_wait3A_310, %dma_wait3A_311] : memref<2x125x128xf32, #tpu.memory_space<vmem>> -> memref<1x125x128xf32, #tpu.memory_space<vmem>>
      %dma_wait3A_313 = tpu.memref_squeeze %dma_wait3A_312 : memref<1x125x128xf32, #tpu.memory_space<vmem>> -> memref<125x128xf32, #tpu.memory_space<vmem>>
      %dma_wait3A_314 = arith.constant 0 : i32
      %dma_wait3A_315 = tpu.memref_slice %arg6[%rem3A_46, %dma_wait3A_308, %dma_wait3A_314] : memref<2x8x125xi32, #tpu.memory_space<vmem>> -> memref<1x1x125xi32, #tpu.memory_space<vmem>>
      %dma_wait3A_316 = tpu.memref_squeeze %dma_wait3A_315 : memref<1x1x125xi32, #tpu.memory_space<vmem>> -> memref<125xi32, #tpu.memory_space<vmem>>
      %dma_wait3A_317 = arith.constant 0 : i32
      %dma_wait3A_318 = arith.constant 0 : i32
      %dma_wait3A_319 = tpu.memref_slice %arg2[%dma_wait3A_317, %dma_wait3A_318] : memref<10000x128xf32, #tpu.memory_space<hbm>> -> memref<10000x128xf32, #tpu.memory_space<hbm>>
      tpu.wait_indirect_dma semaphore(%arg12 : memref<!tpu.dma_semaphore, #tpu.memory_space<semaphore_mem>>) src(%dma_wait3A_319 : memref<10000x128xf32, #tpu.memory_space<hbm>>) dst(%dma_wait3A_313 : memref<125x128xf32, #tpu.memory_space<vmem>>)
      %dma_start3A_320 = arith.constant 1 : i32
      %dma_start3A_321 = arith.constant 5 : i32
      %dma_start3A_322 = arith.constant 0 : i32
      %dma_start3A_323 = arith.constant 0 : i32
      %dma_start3A_324 = tpu.memref_slice %arg8[%dma_start3A_320, %dma_start3A_322, %dma_start3A_323] : memref<2x125x128xf32, #tpu.memory_space<vmem>> -> memref<1x125x128xf32, #tpu.memory_space<vmem>>
      %dma_start3A_325 = tpu.memref_squeeze %dma_start3A_324 : memref<1x125x128xf32, #tpu.memory_space<vmem>> -> memref<125x128xf32, #tpu.memory_space<vmem>>
      %dma_start3A_326 = arith.constant 0 : i32
      %dma_start3A_327 = tpu.memref_slice %arg7[%rem3A_46, %dma_start3A_321, %dma_start3A_326] : memref<2x8x125xi32, #tpu.memory_space<vmem>> -> memref<1x1x125xi32, #tpu.memory_space<vmem>>
      %dma_start3A_328 = tpu.memref_squeeze %dma_start3A_327 : memref<1x1x125xi32, #tpu.memory_space<vmem>> -> memref<125xi32, #tpu.memory_space<vmem>>
      %dma_start3A_329 = arith.constant 0 : i32
      %dma_start3A_330 = arith.constant 0 : i32
      %dma_start3A_331 = tpu.memref_slice %arg9[%dma_start3A_329, %dma_start3A_330] : memref<10240x128xf32, #tpu.memory_space<vmem_shared>> -> memref<10240x128xf32, #tpu.memory_space<vmem_shared>>
      tpu.enqueue_indirect_dma source(%dma_start3A_325 : memref<125x128xf32, #tpu.memory_space<vmem>>) target(%dma_start3A_331 : memref<10240x128xf32, #tpu.memory_space<vmem_shared>>) offsets(%dma_start3A_328 : memref<125xi32, #tpu.memory_space<vmem>>) semaphore(%arg14 : memref<!tpu.dma_semaphore, #tpu.memory_space<semaphore_mem>>) {add = true}
      %dma_wait3A_332 = arith.constant 1 : i32
      %dma_wait3A_333 = arith.constant 6 : i32
      %dma_wait3A_334 = arith.constant 0 : i32
      %dma_wait3A_335 = arith.constant 0 : i32
      %dma_wait3A_336 = tpu.memref_slice %arg8[%dma_wait3A_332, %dma_wait3A_334, %dma_wait3A_335] : memref<2x125x128xf32, #tpu.memory_space<vmem>> -> memref<1x125x128xf32, #tpu.memory_space<vmem>>
      %dma_wait3A_337 = tpu.memref_squeeze %dma_wait3A_336 : memref<1x125x128xf32, #tpu.memory_space<vmem>> -> memref<125x128xf32, #tpu.memory_space<vmem>>
      %dma_wait3A_338 = arith.constant 0 : i32
      %dma_wait3A_339 = tpu.memref_slice %arg7[%rem3A_46, %dma_wait3A_333, %dma_wait3A_338] : memref<2x8x125xi32, #tpu.memory_space<vmem>> -> memref<1x1x125xi32, #tpu.memory_space<vmem>>
      %dma_wait3A_340 = tpu.memref_squeeze %dma_wait3A_339 : memref<1x1x125xi32, #tpu.memory_space<vmem>> -> memref<125xi32, #tpu.memory_space<vmem>>
      %dma_wait3A_341 = arith.constant 0 : i32
      %dma_wait3A_342 = arith.constant 0 : i32
      %dma_wait3A_343 = tpu.memref_slice %arg9[%dma_wait3A_341, %dma_wait3A_342] : memref<10240x128xf32, #tpu.memory_space<vmem_shared>> -> memref<10240x128xf32, #tpu.memory_space<vmem_shared>>
      tpu.wait_indirect_dma semaphore(%arg14 : memref<!tpu.dma_semaphore, #tpu.memory_space<semaphore_mem>>) src(%dma_wait3A_337 : memref<125x128xf32, #tpu.memory_space<vmem>>) dst(%dma_wait3A_343 : memref<10240x128xf32, #tpu.memory_space<vmem_shared>>)
      %dma_start3A_344 = arith.constant 7 : i32
      %dma_start3A_345 = arith.constant 1 : i32
      %dma_start3A_346 = arith.constant 0 : i32
      %dma_start3A_347 = arith.constant 0 : i32
      %dma_start3A_348 = tpu.memref_slice %arg8[%dma_start3A_345, %dma_start3A_346, %dma_start3A_347] : memref<2x125x128xf32, #tpu.memory_space<vmem>> -> memref<1x125x128xf32, #tpu.memory_space<vmem>>
      %dma_start3A_349 = tpu.memref_squeeze %dma_start3A_348 : memref<1x125x128xf32, #tpu.memory_space<vmem>> -> memref<125x128xf32, #tpu.memory_space<vmem>>
      %dma_start3A_350 = arith.constant 0 : i32
      %dma_start3A_351 = tpu.memref_slice %arg6[%rem3A_46, %dma_start3A_344, %dma_start3A_350] : memref<2x8x125xi32, #tpu.memory_space<vmem>> -> memref<1x1x125xi32, #tpu.memory_space<vmem>>
      %dma_start3A_352 = tpu.memref_squeeze %dma_start3A_351 : memref<1x1x125xi32, #tpu.memory_space<vmem>> -> memref<125xi32, #tpu.memory_space<vmem>>
      %dma_start3A_353 = arith.constant 0 : i32
      %dma_start3A_354 = arith.constant 0 : i32
      %dma_start3A_355 = tpu.memref_slice %arg2[%dma_start3A_353, %dma_start3A_354] : memref<10000x128xf32, #tpu.memory_space<hbm>> -> memref<10000x128xf32, #tpu.memory_space<hbm>>
      tpu.enqueue_indirect_dma source(%dma_start3A_355 : memref<10000x128xf32, #tpu.memory_space<hbm>>) target(%dma_start3A_349 : memref<125x128xf32, #tpu.memory_space<vmem>>) offsets(%dma_start3A_352 : memref<125xi32, #tpu.memory_space<vmem>>) semaphore(%arg12 : memref<!tpu.dma_semaphore, #tpu.memory_space<semaphore_mem>>)
      %dma_wait3A_356 = arith.constant 6 : i32
      %dma_wait3A_357 = arith.constant 0 : i32
      %dma_wait3A_358 = arith.constant 0 : i32
      %dma_wait3A_359 = arith.constant 0 : i32
      %dma_wait3A_360 = tpu.memref_slice %arg8[%dma_wait3A_357, %dma_wait3A_358, %dma_wait3A_359] : memref<2x125x128xf32, #tpu.memory_space<vmem>> -> memref<1x125x128xf32, #tpu.memory_space<vmem>>
      %dma_wait3A_361 = tpu.memref_squeeze %dma_wait3A_360 : memref<1x125x128xf32, #tpu.memory_space<vmem>> -> memref<125x128xf32, #tpu.memory_space<vmem>>
      %dma_wait3A_362 = arith.constant 0 : i32
      %dma_wait3A_363 = tpu.memref_slice %arg6[%rem3A_46, %dma_wait3A_356, %dma_wait3A_362] : memref<2x8x125xi32, #tpu.memory_space<vmem>> -> memref<1x1x125xi32, #tpu.memory_space<vmem>>
      %dma_wait3A_364 = tpu.memref_squeeze %dma_wait3A_363 : memref<1x1x125xi32, #tpu.memory_space<vmem>> -> memref<125xi32, #tpu.memory_space<vmem>>
      %dma_wait3A_365 = arith.constant 0 : i32
      %dma_wait3A_366 = arith.constant 0 : i32
      %dma_wait3A_367 = tpu.memref_slice %arg2[%dma_wait3A_365, %dma_wait3A_366] : memref<10000x128xf32, #tpu.memory_space<hbm>> -> memref<10000x128xf32, #tpu.memory_space<hbm>>
      tpu.wait_indirect_dma semaphore(%arg11 : memref<!tpu.dma_semaphore, #tpu.memory_space<semaphore_mem>>) src(%dma_wait3A_367 : memref<10000x128xf32, #tpu.memory_space<hbm>>) dst(%dma_wait3A_361 : memref<125x128xf32, #tpu.memory_space<vmem>>)
      %dma_start3A_368 = arith.constant 0 : i32
      %dma_start3A_369 = arith.constant 6 : i32
      %dma_start3A_370 = arith.constant 0 : i32
      %dma_start3A_371 = arith.constant 0 : i32
      %dma_start3A_372 = tpu.memref_slice %arg8[%dma_start3A_368, %dma_start3A_370, %dma_start3A_371] : memref<2x125x128xf32, #tpu.memory_space<vmem>> -> memref<1x125x128xf32, #tpu.memory_space<vmem>>
      %dma_start3A_373 = tpu.memref_squeeze %dma_start3A_372 : memref<1x125x128xf32, #tpu.memory_space<vmem>> -> memref<125x128xf32, #tpu.memory_space<vmem>>
      %dma_start3A_374 = arith.constant 0 : i32
      %dma_start3A_375 = tpu.memref_slice %arg7[%rem3A_46, %dma_start3A_369, %dma_start3A_374] : memref<2x8x125xi32, #tpu.memory_space<vmem>> -> memref<1x1x125xi32, #tpu.memory_space<vmem>>
      %dma_start3A_376 = tpu.memref_squeeze %dma_start3A_375 : memref<1x1x125xi32, #tpu.memory_space<vmem>> -> memref<125xi32, #tpu.memory_space<vmem>>
      %dma_start3A_377 = arith.constant 0 : i32
      %dma_start3A_378 = arith.constant 0 : i32
      %dma_start3A_379 = tpu.memref_slice %arg9[%dma_start3A_377, %dma_start3A_378] : memref<10240x128xf32, #tpu.memory_space<vmem_shared>> -> memref<10240x128xf32, #tpu.memory_space<vmem_shared>>
      tpu.enqueue_indirect_dma source(%dma_start3A_373 : memref<125x128xf32, #tpu.memory_space<vmem>>) target(%dma_start3A_379 : memref<10240x128xf32, #tpu.memory_space<vmem_shared>>) offsets(%dma_start3A_376 : memref<125xi32, #tpu.memory_space<vmem>>) semaphore(%arg13 : memref<!tpu.dma_semaphore, #tpu.memory_space<semaphore_mem>>) {add = true}
      %dma_wait3A_380 = arith.constant 0 : i32
      %dma_wait3A_381 = arith.constant 7 : i32
      %dma_wait3A_382 = arith.constant 0 : i32
      %dma_wait3A_383 = arith.constant 0 : i32
      %dma_wait3A_384 = tpu.memref_slice %arg8[%dma_wait3A_380, %dma_wait3A_382, %dma_wait3A_383] : memref<2x125x128xf32, #tpu.memory_space<vmem>> -> memref<1x125x128xf32, #tpu.memory_space<vmem>>
      %dma_wait3A_385 = tpu.memref_squeeze %dma_wait3A_384 : memref<1x125x128xf32, #tpu.memory_space<vmem>> -> memref<125x128xf32, #tpu.memory_space<vmem>>
      %dma_wait3A_386 = arith.constant 0 : i32
      %dma_wait3A_387 = tpu.memref_slice %arg7[%rem3A_46, %dma_wait3A_381, %dma_wait3A_386] : memref<2x8x125xi32, #tpu.memory_space<vmem>> -> memref<1x1x125xi32, #tpu.memory_space<vmem>>
      %dma_wait3A_388 = tpu.memref_squeeze %dma_wait3A_387 : memref<1x1x125xi32, #tpu.memory_space<vmem>> -> memref<125xi32, #tpu.memory_space<vmem>>
      %dma_wait3A_389 = arith.constant 0 : i32
      %dma_wait3A_390 = arith.constant 0 : i32
      %dma_wait3A_391 = tpu.memref_slice %arg9[%dma_wait3A_389, %dma_wait3A_390] : memref<10240x128xf32, #tpu.memory_space<vmem_shared>> -> memref<10240x128xf32, #tpu.memory_space<vmem_shared>>
      tpu.wait_indirect_dma semaphore(%arg13 : memref<!tpu.dma_semaphore, #tpu.memory_space<semaphore_mem>>) src(%dma_wait3A_385 : memref<125x128xf32, #tpu.memory_space<vmem>>) dst(%dma_wait3A_391 : memref<10240x128xf32, #tpu.memory_space<vmem_shared>>)
      %add3A_392 = arith.constant 1 : i32
      %add3A_393 = arith.addi %add3A_45, %add3A_392 : i32
      %lt3A_394 = arith.constant 10 : i32
      %lt3A_395 = arith.cmpi slt, %add3A_393, %lt3A_394 : i32
      %convert_element_type3A_396 = arith.extui %lt3A_395 : i1 to i32
      %cond3A_397 = arith.constant 0 : i32
      %cond3A_398 = arith.cmpi ne, %convert_element_type3A_396, %cond3A_397 : i32
      scf.if %cond3A_398 {
        %dma_wait3A_423 = arith.constant 0 : i32
        %dma_wait3A_424 = arith.constant 0 : i32
        %dma_wait3A_425 = arith.constant 0 : i32
        %dma_wait3A_426 = tpu.memref_slice %arg6[%sub3A_47, %dma_wait3A_424, %dma_wait3A_425] : memref<2x8x125xi32, #tpu.memory_space<vmem>> -> memref<1x8x125xi32, #tpu.memory_space<vmem>>
        %dma_wait3A_427 = tpu.memref_squeeze %dma_wait3A_426 : memref<1x8x125xi32, #tpu.memory_space<vmem>> -> memref<8x125xi32, #tpu.memory_space<vmem>>
        %dma_wait3A_428 = arith.constant 0 : i32
        %dma_wait3A_429 = tpu.memref_slice %arg3[%dma_wait3A_423, %mul3A_2, %dma_wait3A_428] : memref<2x2560x125xi32, #tpu.memory_space<hbm>> -> memref<1x8x125xi32, #tpu.memory_space<hbm>>
        %dma_wait3A_430 = tpu.memref_squeeze %dma_wait3A_429 : memref<1x8x125xi32, #tpu.memory_space<hbm>> -> memref<8x125xi32, #tpu.memory_space<hbm>>
        %dma_wait3A_431 = arith.constant 0 : i32
        %dma_wait3A_432 = arith.constant 0 : i32
        %dma_wait3A_433 = tpu.memref_slice %arg6[%sub3A_47, %dma_wait3A_431, %dma_wait3A_432] : memref<2x8x125xi32, #tpu.memory_space<vmem>> -> memref<1x8x125xi32, #tpu.memory_space<vmem>>
        %dma_wait3A_434 = tpu.memref_squeeze %dma_wait3A_433 : memref<1x8x125xi32, #tpu.memory_space<vmem>> -> memref<8x125xi32, #tpu.memory_space<vmem>>
        %dma_wait3A_435 = arith.constant 0 : i32
        %dma_wait3A_436 = tpu.memref_slice %arg3[%dma_wait3A_423, %mul3A_2, %dma_wait3A_435] : memref<2x2560x125xi32, #tpu.memory_space<hbm>> -> memref<1x8x125xi32, #tpu.memory_space<hbm>>
        %dma_wait3A_437 = tpu.memref_squeeze %dma_wait3A_436 : memref<1x8x125xi32, #tpu.memory_space<hbm>> -> memref<8x125xi32, #tpu.memory_space<hbm>>
        tpu.wait_dma2 semaphore(%arg10 : memref<!tpu.dma_semaphore, #tpu.memory_space<semaphore_mem>>) src(%dma_wait3A_437 : memref<8x125xi32, #tpu.memory_space<hbm>>) dst(%dma_wait3A_434 : memref<8x125xi32, #tpu.memory_space<vmem>>)
        %dma_wait3A_438 = arith.constant 1 : i32
        %dma_wait3A_439 = arith.constant 0 : i32
        %dma_wait3A_440 = arith.constant 0 : i32
        %dma_wait3A_441 = tpu.memref_slice %arg7[%sub3A_47, %dma_wait3A_439, %dma_wait3A_440] : memref<2x8x125xi32, #tpu.memory_space<vmem>> -> memref<1x8x125xi32, #tpu.memory_space<vmem>>
        %dma_wait3A_442 = tpu.memref_squeeze %dma_wait3A_441 : memref<1x8x125xi32, #tpu.memory_space<vmem>> -> memref<8x125xi32, #tpu.memory_space<vmem>>
        %dma_wait3A_443 = arith.constant 0 : i32
        %dma_wait3A_444 = tpu.memref_slice %arg3[%dma_wait3A_438, %mul3A_2, %dma_wait3A_443] : memref<2x2560x125xi32, #tpu.memory_space<hbm>> -> memref<1x8x125xi32, #tpu.memory_space<hbm>>
        %dma_wait3A_445 = tpu.memref_squeeze %dma_wait3A_444 : memref<1x8x125xi32, #tpu.memory_space<hbm>> -> memref<8x125xi32, #tpu.memory_space<hbm>>
        %dma_wait3A_446 = arith.constant 0 : i32
        %dma_wait3A_447 = arith.constant 0 : i32
        %dma_wait3A_448 = tpu.memref_slice %arg7[%sub3A_47, %dma_wait3A_446, %dma_wait3A_447] : memref<2x8x125xi32, #tpu.memory_space<vmem>> -> memref<1x8x125xi32, #tpu.memory_space<vmem>>
        %dma_wait3A_449 = tpu.memref_squeeze %dma_wait3A_448 : memref<1x8x125xi32, #tpu.memory_space<vmem>> -> memref<8x125xi32, #tpu.memory_space<vmem>>
        %dma_wait3A_450 = arith.constant 0 : i32
        %dma_wait3A_451 = tpu.memref_slice %arg3[%dma_wait3A_438, %mul3A_2, %dma_wait3A_450] : memref<2x2560x125xi32, #tpu.memory_space<hbm>> -> memref<1x8x125xi32, #tpu.memory_space<hbm>>
        %dma_wait3A_452 = tpu.memref_squeeze %dma_wait3A_451 : memref<1x8x125xi32, #tpu.memory_space<hbm>> -> memref<8x125xi32, #tpu.memory_space<hbm>>
        tpu.wait_dma2 semaphore(%arg10 : memref<!tpu.dma_semaphore, #tpu.memory_space<semaphore_mem>>) src(%dma_wait3A_452 : memref<8x125xi32, #tpu.memory_space<hbm>>) dst(%dma_wait3A_449 : memref<8x125xi32, #tpu.memory_space<vmem>>)
        %dma_start3A_453 = arith.constant 0 : i32
        %dma_start3A_454 = arith.constant 0 : i32
        %dma_start3A_455 = arith.constant 0 : i32
        %dma_start3A_456 = arith.constant 0 : i32
        %dma_start3A_457 = tpu.memref_slice %arg8[%dma_start3A_454, %dma_start3A_455, %dma_start3A_456] : memref<2x125x128xf32, #tpu.memory_space<vmem>> -> memref<1x125x128xf32, #tpu.memory_space<vmem>>
        %dma_start3A_458 = tpu.memref_squeeze %dma_start3A_457 : memref<1x125x128xf32, #tpu.memory_space<vmem>> -> memref<125x128xf32, #tpu.memory_space<vmem>>
        %dma_start3A_459 = arith.constant 0 : i32
        %dma_start3A_460 = tpu.memref_slice %arg6[%sub3A_47, %dma_start3A_453, %dma_start3A_459] : memref<2x8x125xi32, #tpu.memory_space<vmem>> -> memref<1x1x125xi32, #tpu.memory_space<vmem>>
        %dma_start3A_461 = tpu.memref_squeeze %dma_start3A_460 : memref<1x1x125xi32, #tpu.memory_space<vmem>> -> memref<125xi32, #tpu.memory_space<vmem>>
        %dma_start3A_462 = arith.constant 0 : i32
        %dma_start3A_463 = arith.constant 0 : i32
        %dma_start3A_464 = tpu.memref_slice %arg2[%dma_start3A_462, %dma_start3A_463] : memref<10000x128xf32, #tpu.memory_space<hbm>> -> memref<10000x128xf32, #tpu.memory_space<hbm>>
        tpu.enqueue_indirect_dma source(%dma_start3A_464 : memref<10000x128xf32, #tpu.memory_space<hbm>>) target(%dma_start3A_458 : memref<125x128xf32, #tpu.memory_space<vmem>>) offsets(%dma_start3A_461 : memref<125xi32, #tpu.memory_space<vmem>>) semaphore(%arg11 : memref<!tpu.dma_semaphore, #tpu.memory_space<semaphore_mem>>)
      } else {
      }
      %dma_wait3A_399 = arith.constant 7 : i32
      %dma_wait3A_400 = arith.constant 1 : i32
      %dma_wait3A_401 = arith.constant 0 : i32
      %dma_wait3A_402 = arith.constant 0 : i32
      %dma_wait3A_403 = tpu.memref_slice %arg8[%dma_wait3A_400, %dma_wait3A_401, %dma_wait3A_402] : memref<2x125x128xf32, #tpu.memory_space<vmem>> -> memref<1x125x128xf32, #tpu.memory_space<vmem>>
      %dma_wait3A_404 = tpu.memref_squeeze %dma_wait3A_403 : memref<1x125x128xf32, #tpu.memory_space<vmem>> -> memref<125x128xf32, #tpu.memory_space<vmem>>
      %dma_wait3A_405 = arith.constant 0 : i32
      %dma_wait3A_406 = tpu.memref_slice %arg6[%rem3A_46, %dma_wait3A_399, %dma_wait3A_405] : memref<2x8x125xi32, #tpu.memory_space<vmem>> -> memref<1x1x125xi32, #tpu.memory_space<vmem>>
      %dma_wait3A_407 = tpu.memref_squeeze %dma_wait3A_406 : memref<1x1x125xi32, #tpu.memory_space<vmem>> -> memref<125xi32, #tpu.memory_space<vmem>>
      %dma_wait3A_408 = arith.constant 0 : i32
      %dma_wait3A_409 = arith.constant 0 : i32
      %dma_wait3A_410 = tpu.memref_slice %arg2[%dma_wait3A_408, %dma_wait3A_409] : memref<10000x128xf32, #tpu.memory_space<hbm>> -> memref<10000x128xf32, #tpu.memory_space<hbm>>
      tpu.wait_indirect_dma semaphore(%arg12 : memref<!tpu.dma_semaphore, #tpu.memory_space<semaphore_mem>>) src(%dma_wait3A_410 : memref<10000x128xf32, #tpu.memory_space<hbm>>) dst(%dma_wait3A_404 : memref<125x128xf32, #tpu.memory_space<vmem>>)
      %dma_start3A_411 = arith.constant 1 : i32
      %dma_start3A_412 = arith.constant 7 : i32
      %dma_start3A_413 = arith.constant 0 : i32
      %dma_start3A_414 = arith.constant 0 : i32
      %dma_start3A_415 = tpu.memref_slice %arg8[%dma_start3A_411, %dma_start3A_413, %dma_start3A_414] : memref<2x125x128xf32, #tpu.memory_space<vmem>> -> memref<1x125x128xf32, #tpu.memory_space<vmem>>
      %dma_start3A_416 = tpu.memref_squeeze %dma_start3A_415 : memref<1x125x128xf32, #tpu.memory_space<vmem>> -> memref<125x128xf32, #tpu.memory_space<vmem>>
      %dma_start3A_417 = arith.constant 0 : i32
      %dma_start3A_418 = tpu.memref_slice %arg7[%rem3A_46, %dma_start3A_412, %dma_start3A_417] : memref<2x8x125xi32, #tpu.memory_space<vmem>> -> memref<1x1x125xi32, #tpu.memory_space<vmem>>
      %dma_start3A_419 = tpu.memref_squeeze %dma_start3A_418 : memref<1x1x125xi32, #tpu.memory_space<vmem>> -> memref<125xi32, #tpu.memory_space<vmem>>
      %dma_start3A_420 = arith.constant 0 : i32
      %dma_start3A_421 = arith.constant 0 : i32
      %dma_start3A_422 = tpu.memref_slice %arg9[%dma_start3A_420, %dma_start3A_421] : memref<10240x128xf32, #tpu.memory_space<vmem_shared>> -> memref<10240x128xf32, #tpu.memory_space<vmem_shared>>
      tpu.enqueue_indirect_dma source(%dma_start3A_416 : memref<125x128xf32, #tpu.memory_space<vmem>>) target(%dma_start3A_422 : memref<10240x128xf32, #tpu.memory_space<vmem_shared>>) offsets(%dma_start3A_419 : memref<125xi32, #tpu.memory_space<vmem>>) semaphore(%arg14 : memref<!tpu.dma_semaphore, #tpu.memory_space<semaphore_mem>>) {add = true}
    }
    %scan3A_23 = arith.constant 10 : i32
    %dma_wait3A = arith.constant 1 : i32
    %dma_wait3A_24 = arith.constant 0 : i32
    %dma_wait3A_25 = arith.constant 0 : i32
    %dma_wait3A_26 = arith.constant 0 : i32
    %dma_wait3A_27 = arith.constant 0 : i32
    %dma_wait3A_28 = tpu.memref_slice %arg8[%dma_wait3A, %dma_wait3A_26, %dma_wait3A_27] : memref<2x125x128xf32, #tpu.memory_space<vmem>> -> memref<1x125x128xf32, #tpu.memory_space<vmem>>
    %dma_wait3A_29 = tpu.memref_squeeze %dma_wait3A_28 : memref<1x125x128xf32, #tpu.memory_space<vmem>> -> memref<125x128xf32, #tpu.memory_space<vmem>>
    %dma_wait3A_30 = arith.constant 0 : i32
    %dma_wait3A_31 = tpu.memref_slice %arg7[%dma_wait3A_24, %dma_wait3A_25, %dma_wait3A_30] : memref<2x8x125xi32, #tpu.memory_space<vmem>> -> memref<1x1x125xi32, #tpu.memory_space<vmem>>
    %dma_wait3A_32 = tpu.memref_squeeze %dma_wait3A_31 : memref<1x1x125xi32, #tpu.memory_space<vmem>> -> memref<125xi32, #tpu.memory_space<vmem>>
    %dma_wait3A_33 = arith.constant 0 : i32
    %dma_wait3A_34 = arith.constant 0 : i32
    %dma_wait3A_35 = tpu.memref_slice %arg9[%dma_wait3A_33, %dma_wait3A_34] : memref<10240x128xf32, #tpu.memory_space<vmem_shared>> -> memref<10240x128xf32, #tpu.memory_space<vmem_shared>>
    tpu.wait_indirect_dma semaphore(%arg14 : memref<!tpu.dma_semaphore, #tpu.memory_space<semaphore_mem>>) src(%dma_wait3A_29 : memref<125x128xf32, #tpu.memory_space<vmem>>) dst(%dma_wait3A_35 : memref<10240x128xf32, #tpu.memory_space<vmem_shared>>)
    %barrier3A_36 = arith.constant 0 : index
    tpu.barrier barrier_id(%barrier3A_36)
    %mul3A_37 = arith.constant 640 : i32
    %mul3A_38 = arith.muli %arg1, %mul3A_37 : i32
    %mul3A_39 = arith.constant 640 : i32
    %mul3A_40 = arith.muli %arg1, %mul3A_39 : i32
    "tpu.region"() ({
      %run_scoped3A_41 = tpu.sem_alloc : memref<!tpu.dma_semaphore, #tpu.memory_space<semaphore_mem>>
      %dma_start3A_42 = arith.constant 0 : i32
      %dma_start3A_43 = tpu.memref_slice %arg5[%arg0, %mul3A_40, %dma_start3A_42] : memref<2x10240x128xf32, #tpu.memory_space<hbm>> -> memref<1x640x128xf32, #tpu.memory_space<hbm>>
      %dma_start3A_44 = tpu.memref_squeeze %dma_start3A_43 : memref<1x640x128xf32, #tpu.memory_space<hbm>> -> memref<640x128xf32, #tpu.memory_space<hbm>>
      %dma_start3A_45 = arith.constant 0 : i32
      %dma_start3A_46 = tpu.memref_slice %arg9[%mul3A_38, %dma_start3A_45] : memref<10240x128xf32, #tpu.memory_space<vmem_shared>> -> memref<640x128xf32, #tpu.memory_space<vmem_shared>>
      tpu.enqueue_dma source(%dma_start3A_46 : memref<640x128xf32, #tpu.memory_space<vmem_shared>>) target(%dma_start3A_44 : memref<640x128xf32, #tpu.memory_space<hbm>>) target_semaphore(%run_scoped3A_41 : memref<!tpu.dma_semaphore, #tpu.memory_space<semaphore_mem>>)
      %dma_wait3A_47 = arith.constant 0 : i32
      %dma_wait3A_48 = tpu.memref_slice %arg5[%arg0, %mul3A_40, %dma_wait3A_47] : memref<2x10240x128xf32, #tpu.memory_space<hbm>> -> memref<1x640x128xf32, #tpu.memory_space<hbm>>
      %dma_wait3A_49 = tpu.memref_squeeze %dma_wait3A_48 : memref<1x640x128xf32, #tpu.memory_space<hbm>> -> memref<640x128xf32, #tpu.memory_space<hbm>>
      %dma_wait3A_50 = arith.constant 0 : i32
      %dma_wait3A_51 = tpu.memref_slice %arg9[%mul3A_38, %dma_wait3A_50] : memref<10240x128xf32, #tpu.memory_space<vmem_shared>> -> memref<640x128xf32, #tpu.memory_space<vmem_shared>>
      tpu.wait_dma2 semaphore(%run_scoped3A_41 : memref<!tpu.dma_semaphore, #tpu.memory_space<semaphore_mem>>) src(%dma_wait3A_51 : memref<640x128xf32, #tpu.memory_space<vmem_shared>>) dst(%dma_wait3A_49 : memref<640x128xf32, #tpu.memory_space<hbm>>)
      tpu.yield
    }) : () -> ()
    return
  }
}

#map = affine_map<(d0, d1) -> (0, 0)>
#map1 = affine_map<(d0, d1) -> (0, 0, 0)>
module attributes {stable_mosaic.version = 14 : i64} {
  func.func @_sc_agg(%arg0: i32, %arg1: i32, %arg2: memref<10000x128xf32, #tpu.memory_space<hbm>>, %arg3: memref<2x2560x125xi32, #tpu.memory_space<hbm>>, %arg4: memref<640x128xf32, #tpu.memory_space<hbm>>, %arg5: memref<2x10240x128xf32, #tpu.memory_space<hbm>>, %arg6: memref<2x8x125xi32, #tpu.memory_space<vmem>>, %arg7: memref<2x8x125xi32, #tpu.memory_space<vmem>>, %arg8: memref<2x125x128xf32, #tpu.memory_space<vmem>>, %arg9: memref<10240x128xf32, #tpu.memory_space<vmem_shared>>, %arg10: memref<!tpu.dma_semaphore, #tpu.memory_space<semaphore_mem>>, %arg11: memref<!tpu.dma_semaphore, #tpu.memory_space<semaphore_mem>>, %arg12: memref<!tpu.dma_semaphore, #tpu.memory_space<semaphore_mem>>, %arg13: memref<!tpu.dma_semaphore, #tpu.memory_space<semaphore_mem>>, %arg14: memref<!tpu.dma_semaphore, #tpu.memory_space<semaphore_mem>>) attributes {dimension_semantics = [#tpu.dimension_semantics<core_parallel>, #tpu.dimension_semantics<subcore_parallel>], iteration_bounds = array<i64: 2, 16>, scalar_prefetch = 0 : i64, scratch_operands = 9 : i64, tpu.core_type = #tpu.core_type<sc_vector_subcore>, window_params = [{transform_indices = #map}, {transform_indices = #map1}, {transform_indices = #map}, {transform_indices = #map1}]} {
    %mul3A = arith.constant 2 : i32
    %mul3A_0 = arith.muli %arg1, %mul3A : i32
    %add3A = arith.addi %mul3A_0, %arg0 : i32
    %mul3A_1 = arith.constant 80 : i32
    %mul3A_2 = arith.muli %add3A, %mul3A_1 : i32
    %mul3A_3 = arith.constant 640 : i32
    %mul3A_4 = arith.muli %arg1, %mul3A_3 : i32
    "tpu.region"() ({
      %run_scoped3A_41 = tpu.sem_alloc : memref<!tpu.dma_semaphore, #tpu.memory_space<semaphore_mem>>
      %dma_start3A_42 = arith.constant 0 : i32
      %dma_start3A_43 = tpu.memref_slice %arg9[%mul3A_4, %dma_start3A_42] : memref<10240x128xf32, #tpu.memory_space<vmem_shared>> -> memref<640x128xf32, #tpu.memory_space<vmem_shared>>
      tpu.enqueue_dma source(%arg4 : memref<640x128xf32, #tpu.memory_space<hbm>>) target(%dma_start3A_43 : memref<640x128xf32, #tpu.memory_space<vmem_shared>>) target_semaphore(%run_scoped3A_41 : memref<!tpu.dma_semaphore, #tpu.memory_space<semaphore_mem>>)
      %dma_wait3A_44 = arith.constant 0 : i32
      %dma_wait3A_45 = tpu.memref_slice %arg9[%mul3A_4, %dma_wait3A_44] : memref<10240x128xf32, #tpu.memory_space<vmem_shared>> -> memref<640x128xf32, #tpu.memory_space<vmem_shared>>
      tpu.wait_dma2 semaphore(%run_scoped3A_41 : memref<!tpu.dma_semaphore, #tpu.memory_space<semaphore_mem>>) src(%arg4 : memref<640x128xf32, #tpu.memory_space<hbm>>) dst(%dma_wait3A_45 : memref<640x128xf32, #tpu.memory_space<vmem_shared>>)
      tpu.yield
    }) : () -> ()
    %run_scoped3A = arith.constant 0 : i32
    %run_scoped3A_5 = arith.constant 0 : i32
    "tpu.region"() ({
      %run_scoped3A_41 = tpu.sem_alloc : memref<!tpu.dma_semaphore, #tpu.memory_space<semaphore_mem>>
      %dma_start3A_42 = arith.constant 0 : i32
      %dma_start3A_43 = arith.constant 0 : i32
      %dma_start3A_44 = tpu.memref_slice %arg6[%run_scoped3A_5, %dma_start3A_42, %dma_start3A_43] : memref<2x8x125xi32, #tpu.memory_space<vmem>> -> memref<1x8x125xi32, #tpu.memory_space<vmem>>
      %dma_start3A_45 = tpu.memref_squeeze %dma_start3A_44 : memref<1x8x125xi32, #tpu.memory_space<vmem>> -> memref<8x125xi32, #tpu.memory_space<vmem>>
      %dma_start3A_46 = arith.constant 0 : i32
      %dma_start3A_47 = tpu.memref_slice %arg3[%run_scoped3A, %mul3A_2, %dma_start3A_46] : memref<2x2560x125xi32, #tpu.memory_space<hbm>> -> memref<1x8x125xi32, #tpu.memory_space<hbm>>
      %dma_start3A_48 = tpu.memref_squeeze %dma_start3A_47 : memref<1x8x125xi32, #tpu.memory_space<hbm>> -> memref<8x125xi32, #tpu.memory_space<hbm>>
      %dma_start3A_49 = arith.constant 0 : i32
      %dma_start3A_50 = arith.constant 0 : i32
      %dma_start3A_51 = tpu.memref_slice %arg6[%run_scoped3A_5, %dma_start3A_49, %dma_start3A_50] : memref<2x8x125xi32, #tpu.memory_space<vmem>> -> memref<1x8x125xi32, #tpu.memory_space<vmem>>
      %dma_start3A_52 = tpu.memref_squeeze %dma_start3A_51 : memref<1x8x125xi32, #tpu.memory_space<vmem>> -> memref<8x125xi32, #tpu.memory_space<vmem>>
      %dma_start3A_53 = arith.constant 0 : i32
      %dma_start3A_54 = tpu.memref_slice %arg3[%run_scoped3A, %mul3A_2, %dma_start3A_53] : memref<2x2560x125xi32, #tpu.memory_space<hbm>> -> memref<1x8x125xi32, #tpu.memory_space<hbm>>
      %dma_start3A_55 = tpu.memref_squeeze %dma_start3A_54 : memref<1x8x125xi32, #tpu.memory_space<hbm>> -> memref<8x125xi32, #tpu.memory_space<hbm>>
      tpu.enqueue_dma source(%dma_start3A_55 : memref<8x125xi32, #tpu.memory_space<hbm>>) target(%dma_start3A_52 : memref<8x125xi32, #tpu.memory_space<vmem>>) target_semaphore(%run_scoped3A_41 : memref<!tpu.dma_semaphore, #tpu.memory_space<semaphore_mem>>)
      %dma_wait3A_56 = arith.constant 0 : i32
      %dma_wait3A_57 = arith.constant 0 : i32
      %dma_wait3A_58 = tpu.memref_slice %arg6[%run_scoped3A_5, %dma_wait3A_56, %dma_wait3A_57] : memref<2x8x125xi32, #tpu.memory_space<vmem>> -> memref<1x8x125xi32, #tpu.memory_space<vmem>>
      %dma_wait3A_59 = tpu.memref_squeeze %dma_wait3A_58 : memref<1x8x125xi32, #tpu.memory_space<vmem>> -> memref<8x125xi32, #tpu.memory_space<vmem>>
      %dma_wait3A_60 = arith.constant 0 : i32
      %dma_wait3A_61 = tpu.memref_slice %arg3[%run_scoped3A, %mul3A_2, %dma_wait3A_60] : memref<2x2560x125xi32, #tpu.memory_space<hbm>> -> memref<1x8x125xi32, #tpu.memory_space<hbm>>
      %dma_wait3A_62 = tpu.memref_squeeze %dma_wait3A_61 : memref<1x8x125xi32, #tpu.memory_space<hbm>> -> memref<8x125xi32, #tpu.memory_space<hbm>>
      %dma_wait3A_63 = arith.constant 0 : i32
      %dma_wait3A_64 = arith.constant 0 : i32
      %dma_wait3A_65 = tpu.memref_slice %arg6[%run_scoped3A_5, %dma_wait3A_63, %dma_wait3A_64] : memref<2x8x125xi32, #tpu.memory_space<vmem>> -> memref<1x8x125xi32, #tpu.memory_space<vmem>>
      %dma_wait3A_66 = tpu.memref_squeeze %dma_wait3A_65 : memref<1x8x125xi32, #tpu.memory_space<vmem>> -> memref<8x125xi32, #tpu.memory_space<vmem>>
      %dma_wait3A_67 = arith.constant 0 : i32
      %dma_wait3A_68 = tpu.memref_slice %arg3[%run_scoped3A, %mul3A_2, %dma_wait3A_67] : memref<2x2560x125xi32, #tpu.memory_space<hbm>> -> memref<1x8x125xi32, #tpu.memory_space<hbm>>
      %dma_wait3A_69 = tpu.memref_squeeze %dma_wait3A_68 : memref<1x8x125xi32, #tpu.memory_space<hbm>> -> memref<8x125xi32, #tpu.memory_space<hbm>>
      tpu.wait_dma2 semaphore(%run_scoped3A_41 : memref<!tpu.dma_semaphore, #tpu.memory_space<semaphore_mem>>) src(%dma_wait3A_69 : memref<8x125xi32, #tpu.memory_space<hbm>>) dst(%dma_wait3A_66 : memref<8x125xi32, #tpu.memory_space<vmem>>)
      tpu.yield
    }) : () -> ()
    %run_scoped3A_6 = arith.constant 1 : i32
    %run_scoped3A_7 = arith.constant 0 : i32
    "tpu.region"() ({
      %run_scoped3A_41 = tpu.sem_alloc : memref<!tpu.dma_semaphore, #tpu.memory_space<semaphore_mem>>
      %dma_start3A_42 = arith.constant 0 : i32
      %dma_start3A_43 = arith.constant 0 : i32
      %dma_start3A_44 = tpu.memref_slice %arg7[%run_scoped3A_7, %dma_start3A_42, %dma_start3A_43] : memref<2x8x125xi32, #tpu.memory_space<vmem>> -> memref<1x8x125xi32, #tpu.memory_space<vmem>>
      %dma_start3A_45 = tpu.memref_squeeze %dma_start3A_44 : memref<1x8x125xi32, #tpu.memory_space<vmem>> -> memref<8x125xi32, #tpu.memory_space<vmem>>
      %dma_start3A_46 = arith.constant 0 : i32
      %dma_start3A_47 = tpu.memref_slice %arg3[%run_scoped3A_6, %mul3A_2, %dma_start3A_46] : memref<2x2560x125xi32, #tpu.memory_space<hbm>> -> memref<1x8x125xi32, #tpu.memory_space<hbm>>
      %dma_start3A_48 = tpu.memref_squeeze %dma_start3A_47 : memref<1x8x125xi32, #tpu.memory_space<hbm>> -> memref<8x125xi32, #tpu.memory_space<hbm>>
      %dma_start3A_49 = arith.constant 0 : i32
      %dma_start3A_50 = arith.constant 0 : i32
      %dma_start3A_51 = tpu.memref_slice %arg7[%run_scoped3A_7, %dma_start3A_49, %dma_start3A_50] : memref<2x8x125xi32, #tpu.memory_space<vmem>> -> memref<1x8x125xi32, #tpu.memory_space<vmem>>
      %dma_start3A_52 = tpu.memref_squeeze %dma_start3A_51 : memref<1x8x125xi32, #tpu.memory_space<vmem>> -> memref<8x125xi32, #tpu.memory_space<vmem>>
      %dma_start3A_53 = arith.constant 0 : i32
      %dma_start3A_54 = tpu.memref_slice %arg3[%run_scoped3A_6, %mul3A_2, %dma_start3A_53] : memref<2x2560x125xi32, #tpu.memory_space<hbm>> -> memref<1x8x125xi32, #tpu.memory_space<hbm>>
      %dma_start3A_55 = tpu.memref_squeeze %dma_start3A_54 : memref<1x8x125xi32, #tpu.memory_space<hbm>> -> memref<8x125xi32, #tpu.memory_space<hbm>>
      tpu.enqueue_dma source(%dma_start3A_55 : memref<8x125xi32, #tpu.memory_space<hbm>>) target(%dma_start3A_52 : memref<8x125xi32, #tpu.memory_space<vmem>>) target_semaphore(%run_scoped3A_41 : memref<!tpu.dma_semaphore, #tpu.memory_space<semaphore_mem>>)
      %dma_wait3A_56 = arith.constant 0 : i32
      %dma_wait3A_57 = arith.constant 0 : i32
      %dma_wait3A_58 = tpu.memref_slice %arg7[%run_scoped3A_7, %dma_wait3A_56, %dma_wait3A_57] : memref<2x8x125xi32, #tpu.memory_space<vmem>> -> memref<1x8x125xi32, #tpu.memory_space<vmem>>
      %dma_wait3A_59 = tpu.memref_squeeze %dma_wait3A_58 : memref<1x8x125xi32, #tpu.memory_space<vmem>> -> memref<8x125xi32, #tpu.memory_space<vmem>>
      %dma_wait3A_60 = arith.constant 0 : i32
      %dma_wait3A_61 = tpu.memref_slice %arg3[%run_scoped3A_6, %mul3A_2, %dma_wait3A_60] : memref<2x2560x125xi32, #tpu.memory_space<hbm>> -> memref<1x8x125xi32, #tpu.memory_space<hbm>>
      %dma_wait3A_62 = tpu.memref_squeeze %dma_wait3A_61 : memref<1x8x125xi32, #tpu.memory_space<hbm>> -> memref<8x125xi32, #tpu.memory_space<hbm>>
      %dma_wait3A_63 = arith.constant 0 : i32
      %dma_wait3A_64 = arith.constant 0 : i32
      %dma_wait3A_65 = tpu.memref_slice %arg7[%run_scoped3A_7, %dma_wait3A_63, %dma_wait3A_64] : memref<2x8x125xi32, #tpu.memory_space<vmem>> -> memref<1x8x125xi32, #tpu.memory_space<vmem>>
      %dma_wait3A_66 = tpu.memref_squeeze %dma_wait3A_65 : memref<1x8x125xi32, #tpu.memory_space<vmem>> -> memref<8x125xi32, #tpu.memory_space<vmem>>
      %dma_wait3A_67 = arith.constant 0 : i32
      %dma_wait3A_68 = tpu.memref_slice %arg3[%run_scoped3A_6, %mul3A_2, %dma_wait3A_67] : memref<2x2560x125xi32, #tpu.memory_space<hbm>> -> memref<1x8x125xi32, #tpu.memory_space<hbm>>
      %dma_wait3A_69 = tpu.memref_squeeze %dma_wait3A_68 : memref<1x8x125xi32, #tpu.memory_space<hbm>> -> memref<8x125xi32, #tpu.memory_space<hbm>>
      tpu.wait_dma2 semaphore(%run_scoped3A_41 : memref<!tpu.dma_semaphore, #tpu.memory_space<semaphore_mem>>) src(%dma_wait3A_69 : memref<8x125xi32, #tpu.memory_space<hbm>>) dst(%dma_wait3A_66 : memref<8x125xi32, #tpu.memory_space<vmem>>)
      tpu.yield
    }) : () -> ()
    %barrier3A = arith.constant 0 : index
    tpu.barrier barrier_id(%barrier3A)
    %dma_start3A = arith.constant 0 : i32
    %dma_start3A_8 = arith.constant 0 : i32
    %dma_start3A_9 = arith.constant 0 : i32
    %dma_start3A_10 = arith.constant 0 : i32
    %dma_start3A_11 = arith.constant 0 : i32
    %dma_start3A_12 = tpu.memref_slice %arg8[%dma_start3A_9, %dma_start3A_10, %dma_start3A_11] : memref<2x125x128xf32, #tpu.memory_space<vmem>> -> memref<1x125x128xf32, #tpu.memory_space<vmem>>
    %dma_start3A_13 = tpu.memref_squeeze %dma_start3A_12 : memref<1x125x128xf32, #tpu.memory_space<vmem>> -> memref<125x128xf32, #tpu.memory_space<vmem>>
    %dma_start3A_14 = arith.constant 0 : i32
    %dma_start3A_15 = tpu.memref_slice %arg6[%dma_start3A, %dma_start3A_8, %dma_start3A_14] : memref<2x8x125xi32, #tpu.memory_space<vmem>> -> memref<1x1x125xi32, #tpu.memory_space<vmem>>
    %dma_start3A_16 = tpu.memref_squeeze %dma_start3A_15 : memref<1x1x125xi32, #tpu.memory_space<vmem>> -> memref<125xi32, #tpu.memory_space<vmem>>
    %dma_start3A_17 = arith.constant 0 : i32
    %dma_start3A_18 = arith.constant 0 : i32
    %dma_start3A_19 = tpu.memref_slice %arg2[%dma_start3A_17, %dma_start3A_18] : memref<10000x128xf32, #tpu.memory_space<hbm>> -> memref<10000x128xf32, #tpu.memory_space<hbm>>
    tpu.enqueue_indirect_dma source(%dma_start3A_19 : memref<10000x128xf32, #tpu.memory_space<hbm>>) target(%dma_start3A_13 : memref<125x128xf32, #tpu.memory_space<vmem>>) offsets(%dma_start3A_16 : memref<125xi32, #tpu.memory_space<vmem>>) semaphore(%arg11 : memref<!tpu.dma_semaphore, #tpu.memory_space<semaphore_mem>>)
    %scan3A = arith.constant 0 : i32
    %scan3A_20 = arith.constant 10 : i32
    %scan3A_21 = arith.addi %scan3A, %scan3A_20 : i32
    %scan3A_22 = arith.constant 1 : i32
    scf.for %scan3A_41 = %scan3A to %scan3A_21 step %scan3A_22  : i32 {
      %mul3A_42 = arith.constant 1 : i32
      %mul3A_43 = arith.muli %scan3A_41, %mul3A_42 : i32
      %add3A_44 = arith.constant 0 : i32
      %add3A_45 = arith.addi %add3A_44, %mul3A_43 : i32
      %rem3A = arith.constant 2 : i32
      %rem3A_46 = arith.remsi %add3A_45, %rem3A : i32
      %sub3A = arith.constant 1 : i32
      %sub3A_47 = arith.subi %sub3A, %rem3A_46 : i32
      %add3A_48 = arith.constant 1 : i32
      %add3A_49 = arith.addi %add3A_45, %add3A_48 : i32
      %lt3A = arith.constant 10 : i32
      %lt3A_50 = arith.cmpi slt, %add3A_49, %lt3A : i32
      %convert_element_type3A = arith.extui %lt3A_50 : i1 to i32
      %cond3A = arith.constant 0 : i32
      %cond3A_51 = arith.cmpi ne, %convert_element_type3A, %cond3A : i32
      scf.if %cond3A_51 {
        %add3A_423 = arith.constant 1 : i32
        %add3A_424 = arith.addi %add3A_45, %add3A_423 : i32
        %mul3A_425 = arith.constant 8 : i32
        %mul3A_426 = arith.muli %add3A_424, %mul3A_425 : i32
        %add3A_427 = arith.addi %mul3A_2, %mul3A_426 : i32
        %dma_start3A_428 = arith.constant 0 : i32
        %dma_start3A_429 = arith.constant 0 : i32
        %dma_start3A_430 = arith.constant 0 : i32
        %dma_start3A_431 = tpu.memref_slice %arg6[%sub3A_47, %dma_start3A_429, %dma_start3A_430] : memref<2x8x125xi32, #tpu.memory_space<vmem>> -> memref<1x8x125xi32, #tpu.memory_space<vmem>>
        %dma_start3A_432 = tpu.memref_squeeze %dma_start3A_431 : memref<1x8x125xi32, #tpu.memory_space<vmem>> -> memref<8x125xi32, #tpu.memory_space<vmem>>
        %dma_start3A_433 = arith.constant 0 : i32
        %dma_start3A_434 = tpu.memref_slice %arg3[%dma_start3A_428, %add3A_427, %dma_start3A_433] : memref<2x2560x125xi32, #tpu.memory_space<hbm>> -> memref<1x8x125xi32, #tpu.memory_space<hbm>>
        %dma_start3A_435 = tpu.memref_squeeze %dma_start3A_434 : memref<1x8x125xi32, #tpu.memory_space<hbm>> -> memref<8x125xi32, #tpu.memory_space<hbm>>
        %dma_start3A_436 = arith.constant 0 : i32
        %dma_start3A_437 = arith.constant 0 : i32
        %dma_start3A_438 = tpu.memref_slice %arg6[%sub3A_47, %dma_start3A_436, %dma_start3A_437] : memref<2x8x125xi32, #tpu.memory_space<vmem>> -> memref<1x8x125xi32, #tpu.memory_space<vmem>>
        %dma_start3A_439 = tpu.memref_squeeze %dma_start3A_438 : memref<1x8x125xi32, #tpu.memory_space<vmem>> -> memref<8x125xi32, #tpu.memory_space<vmem>>
        %dma_start3A_440 = arith.constant 0 : i32
        %dma_start3A_441 = tpu.memref_slice %arg3[%dma_start3A_428, %add3A_427, %dma_start3A_440] : memref<2x2560x125xi32, #tpu.memory_space<hbm>> -> memref<1x8x125xi32, #tpu.memory_space<hbm>>
        %dma_start3A_442 = tpu.memref_squeeze %dma_start3A_441 : memref<1x8x125xi32, #tpu.memory_space<hbm>> -> memref<8x125xi32, #tpu.memory_space<hbm>>
        tpu.enqueue_dma source(%dma_start3A_442 : memref<8x125xi32, #tpu.memory_space<hbm>>) target(%dma_start3A_439 : memref<8x125xi32, #tpu.memory_space<vmem>>) target_semaphore(%arg10 : memref<!tpu.dma_semaphore, #tpu.memory_space<semaphore_mem>>)
        %add3A_443 = arith.constant 1 : i32
        %add3A_444 = arith.addi %add3A_45, %add3A_443 : i32
        %mul3A_445 = arith.constant 8 : i32
        %mul3A_446 = arith.muli %add3A_444, %mul3A_445 : i32
        %add3A_447 = arith.addi %mul3A_2, %mul3A_446 : i32
        %dma_start3A_448 = arith.constant 1 : i32
        %dma_start3A_449 = arith.constant 0 : i32
        %dma_start3A_450 = arith.constant 0 : i32
        %dma_start3A_451 = tpu.memref_slice %arg7[%sub3A_47, %dma_start3A_449, %dma_start3A_450] : memref<2x8x125xi32, #tpu.memory_space<vmem>> -> memref<1x8x125xi32, #tpu.memory_space<vmem>>
        %dma_start3A_452 = tpu.memref_squeeze %dma_start3A_451 : memref<1x8x125xi32, #tpu.memory_space<vmem>> -> memref<8x125xi32, #tpu.memory_space<vmem>>
        %dma_start3A_453 = arith.constant 0 : i32
        %dma_start3A_454 = tpu.memref_slice %arg3[%dma_start3A_448, %add3A_447, %dma_start3A_453] : memref<2x2560x125xi32, #tpu.memory_space<hbm>> -> memref<1x8x125xi32, #tpu.memory_space<hbm>>
        %dma_start3A_455 = tpu.memref_squeeze %dma_start3A_454 : memref<1x8x125xi32, #tpu.memory_space<hbm>> -> memref<8x125xi32, #tpu.memory_space<hbm>>
        %dma_start3A_456 = arith.constant 0 : i32
        %dma_start3A_457 = arith.constant 0 : i32
        %dma_start3A_458 = tpu.memref_slice %arg7[%sub3A_47, %dma_start3A_456, %dma_start3A_457] : memref<2x8x125xi32, #tpu.memory_space<vmem>> -> memref<1x8x125xi32, #tpu.memory_space<vmem>>
        %dma_start3A_459 = tpu.memref_squeeze %dma_start3A_458 : memref<1x8x125xi32, #tpu.memory_space<vmem>> -> memref<8x125xi32, #tpu.memory_space<vmem>>
        %dma_start3A_460 = arith.constant 0 : i32
        %dma_start3A_461 = tpu.memref_slice %arg3[%dma_start3A_448, %add3A_447, %dma_start3A_460] : memref<2x2560x125xi32, #tpu.memory_space<hbm>> -> memref<1x8x125xi32, #tpu.memory_space<hbm>>
        %dma_start3A_462 = tpu.memref_squeeze %dma_start3A_461 : memref<1x8x125xi32, #tpu.memory_space<hbm>> -> memref<8x125xi32, #tpu.memory_space<hbm>>
        tpu.enqueue_dma source(%dma_start3A_462 : memref<8x125xi32, #tpu.memory_space<hbm>>) target(%dma_start3A_459 : memref<8x125xi32, #tpu.memory_space<vmem>>) target_semaphore(%arg10 : memref<!tpu.dma_semaphore, #tpu.memory_space<semaphore_mem>>)
      } else {
      }
      %gt3A = arith.constant 0 : i32
      %gt3A_52 = arith.cmpi sgt, %add3A_45, %gt3A : i32
      %convert_element_type3A_53 = arith.extui %gt3A_52 : i1 to i32
      %cond3A_54 = arith.constant 0 : i32
      %cond3A_55 = arith.cmpi ne, %convert_element_type3A_53, %cond3A_54 : i32
      scf.if %cond3A_55 {
        %dma_wait3A_423 = arith.constant 1 : i32
        %dma_wait3A_424 = arith.constant 0 : i32
        %dma_wait3A_425 = arith.constant 0 : i32
        %dma_wait3A_426 = arith.constant 0 : i32
        %dma_wait3A_427 = tpu.memref_slice %arg8[%dma_wait3A_423, %dma_wait3A_425, %dma_wait3A_426] : memref<2x125x128xf32, #tpu.memory_space<vmem>> -> memref<1x125x128xf32, #tpu.memory_space<vmem>>
        %dma_wait3A_428 = tpu.memref_squeeze %dma_wait3A_427 : memref<1x125x128xf32, #tpu.memory_space<vmem>> -> memref<125x128xf32, #tpu.memory_space<vmem>>
        %dma_wait3A_429 = arith.constant 0 : i32
        %dma_wait3A_430 = tpu.memref_slice %arg7[%rem3A_46, %dma_wait3A_424, %dma_wait3A_429] : memref<2x8x125xi32, #tpu.memory_space<vmem>> -> memref<1x1x125xi32, #tpu.memory_space<vmem>>
        %dma_wait3A_431 = tpu.memref_squeeze %dma_wait3A_430 : memref<1x1x125xi32, #tpu.memory_space<vmem>> -> memref<125xi32, #tpu.memory_space<vmem>>
        %dma_wait3A_432 = arith.constant 0 : i32
        %dma_wait3A_433 = arith.constant 0 : i32
        %dma_wait3A_434 = tpu.memref_slice %arg9[%dma_wait3A_432, %dma_wait3A_433] : memref<10240x128xf32, #tpu.memory_space<vmem_shared>> -> memref<10240x128xf32, #tpu.memory_space<vmem_shared>>
        tpu.wait_indirect_dma semaphore(%arg14 : memref<!tpu.dma_semaphore, #tpu.memory_space<semaphore_mem>>) src(%dma_wait3A_428 : memref<125x128xf32, #tpu.memory_space<vmem>>) dst(%dma_wait3A_434 : memref<10240x128xf32, #tpu.memory_space<vmem_shared>>)
      } else {
      }
      %dma_start3A_56 = arith.constant 1 : i32
      %dma_start3A_57 = arith.constant 1 : i32
      %dma_start3A_58 = arith.constant 0 : i32
      %dma_start3A_59 = arith.constant 0 : i32
      %dma_start3A_60 = tpu.memref_slice %arg8[%dma_start3A_57, %dma_start3A_58, %dma_start3A_59] : memref<2x125x128xf32, #tpu.memory_space<vmem>> -> memref<1x125x128xf32, #tpu.memory_space<vmem>>
      %dma_start3A_61 = tpu.memref_squeeze %dma_start3A_60 : memref<1x125x128xf32, #tpu.memory_space<vmem>> -> memref<125x128xf32, #tpu.memory_space<vmem>>
      %dma_start3A_62 = arith.constant 0 : i32
      %dma_start3A_63 = tpu.memref_slice %arg6[%rem3A_46, %dma_start3A_56, %dma_start3A_62] : memref<2x8x125xi32, #tpu.memory_space<vmem>> -> memref<1x1x125xi32, #tpu.memory_space<vmem>>
      %dma_start3A_64 = tpu.memref_squeeze %dma_start3A_63 : memref<1x1x125xi32, #tpu.memory_space<vmem>> -> memref<125xi32, #tpu.memory_space<vmem>>
      %dma_start3A_65 = arith.constant 0 : i32
      %dma_start3A_66 = arith.constant 0 : i32
      %dma_start3A_67 = tpu.memref_slice %arg2[%dma_start3A_65, %dma_start3A_66] : memref<10000x128xf32, #tpu.memory_space<hbm>> -> memref<10000x128xf32, #tpu.memory_space<hbm>>
      tpu.enqueue_indirect_dma source(%dma_start3A_67 : memref<10000x128xf32, #tpu.memory_space<hbm>>) target(%dma_start3A_61 : memref<125x128xf32, #tpu.memory_space<vmem>>) offsets(%dma_start3A_64 : memref<125xi32, #tpu.memory_space<vmem>>) semaphore(%arg12 : memref<!tpu.dma_semaphore, #tpu.memory_space<semaphore_mem>>)
      %dma_wait3A_68 = arith.constant 0 : i32
      %dma_wait3A_69 = arith.constant 0 : i32
      %dma_wait3A_70 = arith.constant 0 : i32
      %dma_wait3A_71 = arith.constant 0 : i32
      %dma_wait3A_72 = tpu.memref_slice %arg8[%dma_wait3A_69, %dma_wait3A_70, %dma_wait3A_71] : memref<2x125x128xf32, #tpu.memory_space<vmem>> -> memref<1x125x128xf32, #tpu.memory_space<vmem>>
      %dma_wait3A_73 = tpu.memref_squeeze %dma_wait3A_72 : memref<1x125x128xf32, #tpu.memory_space<vmem>> -> memref<125x128xf32, #tpu.memory_space<vmem>>
      %dma_wait3A_74 = arith.constant 0 : i32
      %dma_wait3A_75 = tpu.memref_slice %arg6[%rem3A_46, %dma_wait3A_68, %dma_wait3A_74] : memref<2x8x125xi32, #tpu.memory_space<vmem>> -> memref<1x1x125xi32, #tpu.memory_space<vmem>>
      %dma_wait3A_76 = tpu.memref_squeeze %dma_wait3A_75 : memref<1x1x125xi32, #tpu.memory_space<vmem>> -> memref<125xi32, #tpu.memory_space<vmem>>
      %dma_wait3A_77 = arith.constant 0 : i32
      %dma_wait3A_78 = arith.constant 0 : i32
      %dma_wait3A_79 = tpu.memref_slice %arg2[%dma_wait3A_77, %dma_wait3A_78] : memref<10000x128xf32, #tpu.memory_space<hbm>> -> memref<10000x128xf32, #tpu.memory_space<hbm>>
      tpu.wait_indirect_dma semaphore(%arg11 : memref<!tpu.dma_semaphore, #tpu.memory_space<semaphore_mem>>) src(%dma_wait3A_79 : memref<10000x128xf32, #tpu.memory_space<hbm>>) dst(%dma_wait3A_73 : memref<125x128xf32, #tpu.memory_space<vmem>>)
      %dma_start3A_80 = arith.constant 0 : i32
      %dma_start3A_81 = arith.constant 0 : i32
      %dma_start3A_82 = arith.constant 0 : i32
      %dma_start3A_83 = arith.constant 0 : i32
      %dma_start3A_84 = tpu.memref_slice %arg8[%dma_start3A_80, %dma_start3A_82, %dma_start3A_83] : memref<2x125x128xf32, #tpu.memory_space<vmem>> -> memref<1x125x128xf32, #tpu.memory_space<vmem>>
      %dma_start3A_85 = tpu.memref_squeeze %dma_start3A_84 : memref<1x125x128xf32, #tpu.memory_space<vmem>> -> memref<125x128xf32, #tpu.memory_space<vmem>>
      %dma_start3A_86 = arith.constant 0 : i32
      %dma_start3A_87 = tpu.memref_slice %arg7[%rem3A_46, %dma_start3A_81, %dma_start3A_86] : memref<2x8x125xi32, #tpu.memory_space<vmem>> -> memref<1x1x125xi32, #tpu.memory_space<vmem>>
      %dma_start3A_88 = tpu.memref_squeeze %dma_start3A_87 : memref<1x1x125xi32, #tpu.memory_space<vmem>> -> memref<125xi32, #tpu.memory_space<vmem>>
      %dma_start3A_89 = arith.constant 0 : i32
      %dma_start3A_90 = arith.constant 0 : i32
      %dma_start3A_91 = tpu.memref_slice %arg9[%dma_start3A_89, %dma_start3A_90] : memref<10240x128xf32, #tpu.memory_space<vmem_shared>> -> memref<10240x128xf32, #tpu.memory_space<vmem_shared>>
      tpu.enqueue_indirect_dma source(%dma_start3A_85 : memref<125x128xf32, #tpu.memory_space<vmem>>) target(%dma_start3A_91 : memref<10240x128xf32, #tpu.memory_space<vmem_shared>>) offsets(%dma_start3A_88 : memref<125xi32, #tpu.memory_space<vmem>>) semaphore(%arg13 : memref<!tpu.dma_semaphore, #tpu.memory_space<semaphore_mem>>) {add = true}
      %dma_wait3A_92 = arith.constant 0 : i32
      %dma_wait3A_93 = arith.constant 1 : i32
      %dma_wait3A_94 = arith.constant 0 : i32
      %dma_wait3A_95 = arith.constant 0 : i32
      %dma_wait3A_96 = tpu.memref_slice %arg8[%dma_wait3A_92, %dma_wait3A_94, %dma_wait3A_95] : memref<2x125x128xf32, #tpu.memory_space<vmem>> -> memref<1x125x128xf32, #tpu.memory_space<vmem>>
      %dma_wait3A_97 = tpu.memref_squeeze %dma_wait3A_96 : memref<1x125x128xf32, #tpu.memory_space<vmem>> -> memref<125x128xf32, #tpu.memory_space<vmem>>
      %dma_wait3A_98 = arith.constant 0 : i32
      %dma_wait3A_99 = tpu.memref_slice %arg7[%rem3A_46, %dma_wait3A_93, %dma_wait3A_98] : memref<2x8x125xi32, #tpu.memory_space<vmem>> -> memref<1x1x125xi32, #tpu.memory_space<vmem>>
      %dma_wait3A_100 = tpu.memref_squeeze %dma_wait3A_99 : memref<1x1x125xi32, #tpu.memory_space<vmem>> -> memref<125xi32, #tpu.memory_space<vmem>>
      %dma_wait3A_101 = arith.constant 0 : i32
      %dma_wait3A_102 = arith.constant 0 : i32
      %dma_wait3A_103 = tpu.memref_slice %arg9[%dma_wait3A_101, %dma_wait3A_102] : memref<10240x128xf32, #tpu.memory_space<vmem_shared>> -> memref<10240x128xf32, #tpu.memory_space<vmem_shared>>
      tpu.wait_indirect_dma semaphore(%arg13 : memref<!tpu.dma_semaphore, #tpu.memory_space<semaphore_mem>>) src(%dma_wait3A_97 : memref<125x128xf32, #tpu.memory_space<vmem>>) dst(%dma_wait3A_103 : memref<10240x128xf32, #tpu.memory_space<vmem_shared>>)
      %dma_start3A_104 = arith.constant 2 : i32
      %dma_start3A_105 = arith.constant 0 : i32
      %dma_start3A_106 = arith.constant 0 : i32
      %dma_start3A_107 = arith.constant 0 : i32
      %dma_start3A_108 = tpu.memref_slice %arg8[%dma_start3A_105, %dma_start3A_106, %dma_start3A_107] : memref<2x125x128xf32, #tpu.memory_space<vmem>> -> memref<1x125x128xf32, #tpu.memory_space<vmem>>
      %dma_start3A_109 = tpu.memref_squeeze %dma_start3A_108 : memref<1x125x128xf32, #tpu.memory_space<vmem>> -> memref<125x128xf32, #tpu.memory_space<vmem>>
      %dma_start3A_110 = arith.constant 0 : i32
      %dma_start3A_111 = tpu.memref_slice %arg6[%rem3A_46, %dma_start3A_104, %dma_start3A_110] : memref<2x8x125xi32, #tpu.memory_space<vmem>> -> memref<1x1x125xi32, #tpu.memory_space<vmem>>
      %dma_start3A_112 = tpu.memref_squeeze %dma_start3A_111 : memref<1x1x125xi32, #tpu.memory_space<vmem>> -> memref<125xi32, #tpu.memory_space<vmem>>
      %dma_start3A_113 = arith.constant 0 : i32
      %dma_start3A_114 = arith.constant 0 : i32
      %dma_start3A_115 = tpu.memref_slice %arg2[%dma_start3A_113, %dma_start3A_114] : memref<10000x128xf32, #tpu.memory_space<hbm>> -> memref<10000x128xf32, #tpu.memory_space<hbm>>
      tpu.enqueue_indirect_dma source(%dma_start3A_115 : memref<10000x128xf32, #tpu.memory_space<hbm>>) target(%dma_start3A_109 : memref<125x128xf32, #tpu.memory_space<vmem>>) offsets(%dma_start3A_112 : memref<125xi32, #tpu.memory_space<vmem>>) semaphore(%arg11 : memref<!tpu.dma_semaphore, #tpu.memory_space<semaphore_mem>>)
      %dma_wait3A_116 = arith.constant 1 : i32
      %dma_wait3A_117 = arith.constant 1 : i32
      %dma_wait3A_118 = arith.constant 0 : i32
      %dma_wait3A_119 = arith.constant 0 : i32
      %dma_wait3A_120 = tpu.memref_slice %arg8[%dma_wait3A_117, %dma_wait3A_118, %dma_wait3A_119] : memref<2x125x128xf32, #tpu.memory_space<vmem>> -> memref<1x125x128xf32, #tpu.memory_space<vmem>>
      %dma_wait3A_121 = tpu.memref_squeeze %dma_wait3A_120 : memref<1x125x128xf32, #tpu.memory_space<vmem>> -> memref<125x128xf32, #tpu.memory_space<vmem>>
      %dma_wait3A_122 = arith.constant 0 : i32
      %dma_wait3A_123 = tpu.memref_slice %arg6[%rem3A_46, %dma_wait3A_116, %dma_wait3A_122] : memref<2x8x125xi32, #tpu.memory_space<vmem>> -> memref<1x1x125xi32, #tpu.memory_space<vmem>>
      %dma_wait3A_124 = tpu.memref_squeeze %dma_wait3A_123 : memref<1x1x125xi32, #tpu.memory_space<vmem>> -> memref<125xi32, #tpu.memory_space<vmem>>
      %dma_wait3A_125 = arith.constant 0 : i32
      %dma_wait3A_126 = arith.constant 0 : i32
      %dma_wait3A_127 = tpu.memref_slice %arg2[%dma_wait3A_125, %dma_wait3A_126] : memref<10000x128xf32, #tpu.memory_space<hbm>> -> memref<10000x128xf32, #tpu.memory_space<hbm>>
      tpu.wait_indirect_dma semaphore(%arg12 : memref<!tpu.dma_semaphore, #tpu.memory_space<semaphore_mem>>) src(%dma_wait3A_127 : memref<10000x128xf32, #tpu.memory_space<hbm>>) dst(%dma_wait3A_121 : memref<125x128xf32, #tpu.memory_space<vmem>>)
      %dma_start3A_128 = arith.constant 1 : i32
      %dma_start3A_129 = arith.constant 1 : i32
      %dma_start3A_130 = arith.constant 0 : i32
      %dma_start3A_131 = arith.constant 0 : i32
      %dma_start3A_132 = tpu.memref_slice %arg8[%dma_start3A_128, %dma_start3A_130, %dma_start3A_131] : memref<2x125x128xf32, #tpu.memory_space<vmem>> -> memref<1x125x128xf32, #tpu.memory_space<vmem>>
      %dma_start3A_133 = tpu.memref_squeeze %dma_start3A_132 : memref<1x125x128xf32, #tpu.memory_space<vmem>> -> memref<125x128xf32, #tpu.memory_space<vmem>>
      %dma_start3A_134 = arith.constant 0 : i32
      %dma_start3A_135 = tpu.memref_slice %arg7[%rem3A_46, %dma_start3A_129, %dma_start3A_134] : memref<2x8x125xi32, #tpu.memory_space<vmem>> -> memref<1x1x125xi32, #tpu.memory_space<vmem>>
      %dma_start3A_136 = tpu.memref_squeeze %dma_start3A_135 : memref<1x1x125xi32, #tpu.memory_space<vmem>> -> memref<125xi32, #tpu.memory_space<vmem>>
      %dma_start3A_137 = arith.constant 0 : i32
      %dma_start3A_138 = arith.constant 0 : i32
      %dma_start3A_139 = tpu.memref_slice %arg9[%dma_start3A_137, %dma_start3A_138] : memref<10240x128xf32, #tpu.memory_space<vmem_shared>> -> memref<10240x128xf32, #tpu.memory_space<vmem_shared>>
      tpu.enqueue_indirect_dma source(%dma_start3A_133 : memref<125x128xf32, #tpu.memory_space<vmem>>) target(%dma_start3A_139 : memref<10240x128xf32, #tpu.memory_space<vmem_shared>>) offsets(%dma_start3A_136 : memref<125xi32, #tpu.memory_space<vmem>>) semaphore(%arg14 : memref<!tpu.dma_semaphore, #tpu.memory_space<semaphore_mem>>) {add = true}
      %dma_wait3A_140 = arith.constant 1 : i32
      %dma_wait3A_141 = arith.constant 2 : i32
      %dma_wait3A_142 = arith.constant 0 : i32
      %dma_wait3A_143 = arith.constant 0 : i32
      %dma_wait3A_144 = tpu.memref_slice %arg8[%dma_wait3A_140, %dma_wait3A_142, %dma_wait3A_143] : memref<2x125x128xf32, #tpu.memory_space<vmem>> -> memref<1x125x128xf32, #tpu.memory_space<vmem>>
      %dma_wait3A_145 = tpu.memref_squeeze %dma_wait3A_144 : memref<1x125x128xf32, #tpu.memory_space<vmem>> -> memref<125x128xf32, #tpu.memory_space<vmem>>
      %dma_wait3A_146 = arith.constant 0 : i32
      %dma_wait3A_147 = tpu.memref_slice %arg7[%rem3A_46, %dma_wait3A_141, %dma_wait3A_146] : memref<2x8x125xi32, #tpu.memory_space<vmem>> -> memref<1x1x125xi32, #tpu.memory_space<vmem>>
      %dma_wait3A_148 = tpu.memref_squeeze %dma_wait3A_147 : memref<1x1x125xi32, #tpu.memory_space<vmem>> -> memref<125xi32, #tpu.memory_space<vmem>>
      %dma_wait3A_149 = arith.constant 0 : i32
      %dma_wait3A_150 = arith.constant 0 : i32
      %dma_wait3A_151 = tpu.memref_slice %arg9[%dma_wait3A_149, %dma_wait3A_150] : memref<10240x128xf32, #tpu.memory_space<vmem_shared>> -> memref<10240x128xf32, #tpu.memory_space<vmem_shared>>
      tpu.wait_indirect_dma semaphore(%arg14 : memref<!tpu.dma_semaphore, #tpu.memory_space<semaphore_mem>>) src(%dma_wait3A_145 : memref<125x128xf32, #tpu.memory_space<vmem>>) dst(%dma_wait3A_151 : memref<10240x128xf32, #tpu.memory_space<vmem_shared>>)
      %dma_start3A_152 = arith.constant 3 : i32
      %dma_start3A_153 = arith.constant 1 : i32
      %dma_start3A_154 = arith.constant 0 : i32
      %dma_start3A_155 = arith.constant 0 : i32
      %dma_start3A_156 = tpu.memref_slice %arg8[%dma_start3A_153, %dma_start3A_154, %dma_start3A_155] : memref<2x125x128xf32, #tpu.memory_space<vmem>> -> memref<1x125x128xf32, #tpu.memory_space<vmem>>
      %dma_start3A_157 = tpu.memref_squeeze %dma_start3A_156 : memref<1x125x128xf32, #tpu.memory_space<vmem>> -> memref<125x128xf32, #tpu.memory_space<vmem>>
      %dma_start3A_158 = arith.constant 0 : i32
      %dma_start3A_159 = tpu.memref_slice %arg6[%rem3A_46, %dma_start3A_152, %dma_start3A_158] : memref<2x8x125xi32, #tpu.memory_space<vmem>> -> memref<1x1x125xi32, #tpu.memory_space<vmem>>
      %dma_start3A_160 = tpu.memref_squeeze %dma_start3A_159 : memref<1x1x125xi32, #tpu.memory_space<vmem>> -> memref<125xi32, #tpu.memory_space<vmem>>
      %dma_start3A_161 = arith.constant 0 : i32
      %dma_start3A_162 = arith.constant 0 : i32
      %dma_start3A_163 = tpu.memref_slice %arg2[%dma_start3A_161, %dma_start3A_162] : memref<10000x128xf32, #tpu.memory_space<hbm>> -> memref<10000x128xf32, #tpu.memory_space<hbm>>
      tpu.enqueue_indirect_dma source(%dma_start3A_163 : memref<10000x128xf32, #tpu.memory_space<hbm>>) target(%dma_start3A_157 : memref<125x128xf32, #tpu.memory_space<vmem>>) offsets(%dma_start3A_160 : memref<125xi32, #tpu.memory_space<vmem>>) semaphore(%arg12 : memref<!tpu.dma_semaphore, #tpu.memory_space<semaphore_mem>>)
      %dma_wait3A_164 = arith.constant 2 : i32
      %dma_wait3A_165 = arith.constant 0 : i32
      %dma_wait3A_166 = arith.constant 0 : i32
      %dma_wait3A_167 = arith.constant 0 : i32
      %dma_wait3A_168 = tpu.memref_slice %arg8[%dma_wait3A_165, %dma_wait3A_166, %dma_wait3A_167] : memref<2x125x128xf32, #tpu.memory_space<vmem>> -> memref<1x125x128xf32, #tpu.memory_space<vmem>>
      %dma_wait3A_169 = tpu.memref_squeeze %dma_wait3A_168 : memref<1x125x128xf32, #tpu.memory_space<vmem>> -> memref<125x128xf32, #tpu.memory_space<vmem>>
      %dma_wait3A_170 = arith.constant 0 : i32
      %dma_wait3A_171 = tpu.memref_slice %arg6[%rem3A_46, %dma_wait3A_164, %dma_wait3A_170] : memref<2x8x125xi32, #tpu.memory_space<vmem>> -> memref<1x1x125xi32, #tpu.memory_space<vmem>>
      %dma_wait3A_172 = tpu.memref_squeeze %dma_wait3A_171 : memref<1x1x125xi32, #tpu.memory_space<vmem>> -> memref<125xi32, #tpu.memory_space<vmem>>
      %dma_wait3A_173 = arith.constant 0 : i32
      %dma_wait3A_174 = arith.constant 0 : i32
      %dma_wait3A_175 = tpu.memref_slice %arg2[%dma_wait3A_173, %dma_wait3A_174] : memref<10000x128xf32, #tpu.memory_space<hbm>> -> memref<10000x128xf32, #tpu.memory_space<hbm>>
      tpu.wait_indirect_dma semaphore(%arg11 : memref<!tpu.dma_semaphore, #tpu.memory_space<semaphore_mem>>) src(%dma_wait3A_175 : memref<10000x128xf32, #tpu.memory_space<hbm>>) dst(%dma_wait3A_169 : memref<125x128xf32, #tpu.memory_space<vmem>>)
      %dma_start3A_176 = arith.constant 0 : i32
      %dma_start3A_177 = arith.constant 2 : i32
      %dma_start3A_178 = arith.constant 0 : i32
      %dma_start3A_179 = arith.constant 0 : i32
      %dma_start3A_180 = tpu.memref_slice %arg8[%dma_start3A_176, %dma_start3A_178, %dma_start3A_179] : memref<2x125x128xf32, #tpu.memory_space<vmem>> -> memref<1x125x128xf32, #tpu.memory_space<vmem>>
      %dma_start3A_181 = tpu.memref_squeeze %dma_start3A_180 : memref<1x125x128xf32, #tpu.memory_space<vmem>> -> memref<125x128xf32, #tpu.memory_space<vmem>>
      %dma_start3A_182 = arith.constant 0 : i32
      %dma_start3A_183 = tpu.memref_slice %arg7[%rem3A_46, %dma_start3A_177, %dma_start3A_182] : memref<2x8x125xi32, #tpu.memory_space<vmem>> -> memref<1x1x125xi32, #tpu.memory_space<vmem>>
      %dma_start3A_184 = tpu.memref_squeeze %dma_start3A_183 : memref<1x1x125xi32, #tpu.memory_space<vmem>> -> memref<125xi32, #tpu.memory_space<vmem>>
      %dma_start3A_185 = arith.constant 0 : i32
      %dma_start3A_186 = arith.constant 0 : i32
      %dma_start3A_187 = tpu.memref_slice %arg9[%dma_start3A_185, %dma_start3A_186] : memref<10240x128xf32, #tpu.memory_space<vmem_shared>> -> memref<10240x128xf32, #tpu.memory_space<vmem_shared>>
      tpu.enqueue_indirect_dma source(%dma_start3A_181 : memref<125x128xf32, #tpu.memory_space<vmem>>) target(%dma_start3A_187 : memref<10240x128xf32, #tpu.memory_space<vmem_shared>>) offsets(%dma_start3A_184 : memref<125xi32, #tpu.memory_space<vmem>>) semaphore(%arg13 : memref<!tpu.dma_semaphore, #tpu.memory_space<semaphore_mem>>) {add = true}
      %dma_wait3A_188 = arith.constant 0 : i32
      %dma_wait3A_189 = arith.constant 3 : i32
      %dma_wait3A_190 = arith.constant 0 : i32
      %dma_wait3A_191 = arith.constant 0 : i32
      %dma_wait3A_192 = tpu.memref_slice %arg8[%dma_wait3A_188, %dma_wait3A_190, %dma_wait3A_191] : memref<2x125x128xf32, #tpu.memory_space<vmem>> -> memref<1x125x128xf32, #tpu.memory_space<vmem>>
      %dma_wait3A_193 = tpu.memref_squeeze %dma_wait3A_192 : memref<1x125x128xf32, #tpu.memory_space<vmem>> -> memref<125x128xf32, #tpu.memory_space<vmem>>
      %dma_wait3A_194 = arith.constant 0 : i32
      %dma_wait3A_195 = tpu.memref_slice %arg7[%rem3A_46, %dma_wait3A_189, %dma_wait3A_194] : memref<2x8x125xi32, #tpu.memory_space<vmem>> -> memref<1x1x125xi32, #tpu.memory_space<vmem>>
      %dma_wait3A_196 = tpu.memref_squeeze %dma_wait3A_195 : memref<1x1x125xi32, #tpu.memory_space<vmem>> -> memref<125xi32, #tpu.memory_space<vmem>>
      %dma_wait3A_197 = arith.constant 0 : i32
      %dma_wait3A_198 = arith.constant 0 : i32
      %dma_wait3A_199 = tpu.memref_slice %arg9[%dma_wait3A_197, %dma_wait3A_198] : memref<10240x128xf32, #tpu.memory_space<vmem_shared>> -> memref<10240x128xf32, #tpu.memory_space<vmem_shared>>
      tpu.wait_indirect_dma semaphore(%arg13 : memref<!tpu.dma_semaphore, #tpu.memory_space<semaphore_mem>>) src(%dma_wait3A_193 : memref<125x128xf32, #tpu.memory_space<vmem>>) dst(%dma_wait3A_199 : memref<10240x128xf32, #tpu.memory_space<vmem_shared>>)
      %dma_start3A_200 = arith.constant 4 : i32
      %dma_start3A_201 = arith.constant 0 : i32
      %dma_start3A_202 = arith.constant 0 : i32
      %dma_start3A_203 = arith.constant 0 : i32
      %dma_start3A_204 = tpu.memref_slice %arg8[%dma_start3A_201, %dma_start3A_202, %dma_start3A_203] : memref<2x125x128xf32, #tpu.memory_space<vmem>> -> memref<1x125x128xf32, #tpu.memory_space<vmem>>
      %dma_start3A_205 = tpu.memref_squeeze %dma_start3A_204 : memref<1x125x128xf32, #tpu.memory_space<vmem>> -> memref<125x128xf32, #tpu.memory_space<vmem>>
      %dma_start3A_206 = arith.constant 0 : i32
      %dma_start3A_207 = tpu.memref_slice %arg6[%rem3A_46, %dma_start3A_200, %dma_start3A_206] : memref<2x8x125xi32, #tpu.memory_space<vmem>> -> memref<1x1x125xi32, #tpu.memory_space<vmem>>
      %dma_start3A_208 = tpu.memref_squeeze %dma_start3A_207 : memref<1x1x125xi32, #tpu.memory_space<vmem>> -> memref<125xi32, #tpu.memory_space<vmem>>
      %dma_start3A_209 = arith.constant 0 : i32
      %dma_start3A_210 = arith.constant 0 : i32
      %dma_start3A_211 = tpu.memref_slice %arg2[%dma_start3A_209, %dma_start3A_210] : memref<10000x128xf32, #tpu.memory_space<hbm>> -> memref<10000x128xf32, #tpu.memory_space<hbm>>
      tpu.enqueue_indirect_dma source(%dma_start3A_211 : memref<10000x128xf32, #tpu.memory_space<hbm>>) target(%dma_start3A_205 : memref<125x128xf32, #tpu.memory_space<vmem>>) offsets(%dma_start3A_208 : memref<125xi32, #tpu.memory_space<vmem>>) semaphore(%arg11 : memref<!tpu.dma_semaphore, #tpu.memory_space<semaphore_mem>>)
      %dma_wait3A_212 = arith.constant 3 : i32
      %dma_wait3A_213 = arith.constant 1 : i32
      %dma_wait3A_214 = arith.constant 0 : i32
      %dma_wait3A_215 = arith.constant 0 : i32
      %dma_wait3A_216 = tpu.memref_slice %arg8[%dma_wait3A_213, %dma_wait3A_214, %dma_wait3A_215] : memref<2x125x128xf32, #tpu.memory_space<vmem>> -> memref<1x125x128xf32, #tpu.memory_space<vmem>>
      %dma_wait3A_217 = tpu.memref_squeeze %dma_wait3A_216 : memref<1x125x128xf32, #tpu.memory_space<vmem>> -> memref<125x128xf32, #tpu.memory_space<vmem>>
      %dma_wait3A_218 = arith.constant 0 : i32
      %dma_wait3A_219 = tpu.memref_slice %arg6[%rem3A_46, %dma_wait3A_212, %dma_wait3A_218] : memref<2x8x125xi32, #tpu.memory_space<vmem>> -> memref<1x1x125xi32, #tpu.memory_space<vmem>>
      %dma_wait3A_220 = tpu.memref_squeeze %dma_wait3A_219 : memref<1x1x125xi32, #tpu.memory_space<vmem>> -> memref<125xi32, #tpu.memory_space<vmem>>
      %dma_wait3A_221 = arith.constant 0 : i32
      %dma_wait3A_222 = arith.constant 0 : i32
      %dma_wait3A_223 = tpu.memref_slice %arg2[%dma_wait3A_221, %dma_wait3A_222] : memref<10000x128xf32, #tpu.memory_space<hbm>> -> memref<10000x128xf32, #tpu.memory_space<hbm>>
      tpu.wait_indirect_dma semaphore(%arg12 : memref<!tpu.dma_semaphore, #tpu.memory_space<semaphore_mem>>) src(%dma_wait3A_223 : memref<10000x128xf32, #tpu.memory_space<hbm>>) dst(%dma_wait3A_217 : memref<125x128xf32, #tpu.memory_space<vmem>>)
      %dma_start3A_224 = arith.constant 1 : i32
      %dma_start3A_225 = arith.constant 3 : i32
      %dma_start3A_226 = arith.constant 0 : i32
      %dma_start3A_227 = arith.constant 0 : i32
      %dma_start3A_228 = tpu.memref_slice %arg8[%dma_start3A_224, %dma_start3A_226, %dma_start3A_227] : memref<2x125x128xf32, #tpu.memory_space<vmem>> -> memref<1x125x128xf32, #tpu.memory_space<vmem>>
      %dma_start3A_229 = tpu.memref_squeeze %dma_start3A_228 : memref<1x125x128xf32, #tpu.memory_space<vmem>> -> memref<125x128xf32, #tpu.memory_space<vmem>>
      %dma_start3A_230 = arith.constant 0 : i32
      %dma_start3A_231 = tpu.memref_slice %arg7[%rem3A_46, %dma_start3A_225, %dma_start3A_230] : memref<2x8x125xi32, #tpu.memory_space<vmem>> -> memref<1x1x125xi32, #tpu.memory_space<vmem>>
      %dma_start3A_232 = tpu.memref_squeeze %dma_start3A_231 : memref<1x1x125xi32, #tpu.memory_space<vmem>> -> memref<125xi32, #tpu.memory_space<vmem>>
      %dma_start3A_233 = arith.constant 0 : i32
      %dma_start3A_234 = arith.constant 0 : i32
      %dma_start3A_235 = tpu.memref_slice %arg9[%dma_start3A_233, %dma_start3A_234] : memref<10240x128xf32, #tpu.memory_space<vmem_shared>> -> memref<10240x128xf32, #tpu.memory_space<vmem_shared>>
      tpu.enqueue_indirect_dma source(%dma_start3A_229 : memref<125x128xf32, #tpu.memory_space<vmem>>) target(%dma_start3A_235 : memref<10240x128xf32, #tpu.memory_space<vmem_shared>>) offsets(%dma_start3A_232 : memref<125xi32, #tpu.memory_space<vmem>>) semaphore(%arg14 : memref<!tpu.dma_semaphore, #tpu.memory_space<semaphore_mem>>) {add = true}
      %dma_wait3A_236 = arith.constant 1 : i32
      %dma_wait3A_237 = arith.constant 4 : i32
      %dma_wait3A_238 = arith.constant 0 : i32
      %dma_wait3A_239 = arith.constant 0 : i32
      %dma_wait3A_240 = tpu.memref_slice %arg8[%dma_wait3A_236, %dma_wait3A_238, %dma_wait3A_239] : memref<2x125x128xf32, #tpu.memory_space<vmem>> -> memref<1x125x128xf32, #tpu.memory_space<vmem>>
      %dma_wait3A_241 = tpu.memref_squeeze %dma_wait3A_240 : memref<1x125x128xf32, #tpu.memory_space<vmem>> -> memref<125x128xf32, #tpu.memory_space<vmem>>
      %dma_wait3A_242 = arith.constant 0 : i32
      %dma_wait3A_243 = tpu.memref_slice %arg7[%rem3A_46, %dma_wait3A_237, %dma_wait3A_242] : memref<2x8x125xi32, #tpu.memory_space<vmem>> -> memref<1x1x125xi32, #tpu.memory_space<vmem>>
      %dma_wait3A_244 = tpu.memref_squeeze %dma_wait3A_243 : memref<1x1x125xi32, #tpu.memory_space<vmem>> -> memref<125xi32, #tpu.memory_space<vmem>>
      %dma_wait3A_245 = arith.constant 0 : i32
      %dma_wait3A_246 = arith.constant 0 : i32
      %dma_wait3A_247 = tpu.memref_slice %arg9[%dma_wait3A_245, %dma_wait3A_246] : memref<10240x128xf32, #tpu.memory_space<vmem_shared>> -> memref<10240x128xf32, #tpu.memory_space<vmem_shared>>
      tpu.wait_indirect_dma semaphore(%arg14 : memref<!tpu.dma_semaphore, #tpu.memory_space<semaphore_mem>>) src(%dma_wait3A_241 : memref<125x128xf32, #tpu.memory_space<vmem>>) dst(%dma_wait3A_247 : memref<10240x128xf32, #tpu.memory_space<vmem_shared>>)
      %dma_start3A_248 = arith.constant 5 : i32
      %dma_start3A_249 = arith.constant 1 : i32
      %dma_start3A_250 = arith.constant 0 : i32
      %dma_start3A_251 = arith.constant 0 : i32
      %dma_start3A_252 = tpu.memref_slice %arg8[%dma_start3A_249, %dma_start3A_250, %dma_start3A_251] : memref<2x125x128xf32, #tpu.memory_space<vmem>> -> memref<1x125x128xf32, #tpu.memory_space<vmem>>
      %dma_start3A_253 = tpu.memref_squeeze %dma_start3A_252 : memref<1x125x128xf32, #tpu.memory_space<vmem>> -> memref<125x128xf32, #tpu.memory_space<vmem>>
      %dma_start3A_254 = arith.constant 0 : i32
      %dma_start3A_255 = tpu.memref_slice %arg6[%rem3A_46, %dma_start3A_248, %dma_start3A_254] : memref<2x8x125xi32, #tpu.memory_space<vmem>> -> memref<1x1x125xi32, #tpu.memory_space<vmem>>
      %dma_start3A_256 = tpu.memref_squeeze %dma_start3A_255 : memref<1x1x125xi32, #tpu.memory_space<vmem>> -> memref<125xi32, #tpu.memory_space<vmem>>
      %dma_start3A_257 = arith.constant 0 : i32
      %dma_start3A_258 = arith.constant 0 : i32
      %dma_start3A_259 = tpu.memref_slice %arg2[%dma_start3A_257, %dma_start3A_258] : memref<10000x128xf32, #tpu.memory_space<hbm>> -> memref<10000x128xf32, #tpu.memory_space<hbm>>
      tpu.enqueue_indirect_dma source(%dma_start3A_259 : memref<10000x128xf32, #tpu.memory_space<hbm>>) target(%dma_start3A_253 : memref<125x128xf32, #tpu.memory_space<vmem>>) offsets(%dma_start3A_256 : memref<125xi32, #tpu.memory_space<vmem>>) semaphore(%arg12 : memref<!tpu.dma_semaphore, #tpu.memory_space<semaphore_mem>>)
      %dma_wait3A_260 = arith.constant 4 : i32
      %dma_wait3A_261 = arith.constant 0 : i32
      %dma_wait3A_262 = arith.constant 0 : i32
      %dma_wait3A_263 = arith.constant 0 : i32
      %dma_wait3A_264 = tpu.memref_slice %arg8[%dma_wait3A_261, %dma_wait3A_262, %dma_wait3A_263] : memref<2x125x128xf32, #tpu.memory_space<vmem>> -> memref<1x125x128xf32, #tpu.memory_space<vmem>>
      %dma_wait3A_265 = tpu.memref_squeeze %dma_wait3A_264 : memref<1x125x128xf32, #tpu.memory_space<vmem>> -> memref<125x128xf32, #tpu.memory_space<vmem>>
      %dma_wait3A_266 = arith.constant 0 : i32
      %dma_wait3A_267 = tpu.memref_slice %arg6[%rem3A_46, %dma_wait3A_260, %dma_wait3A_266] : memref<2x8x125xi32, #tpu.memory_space<vmem>> -> memref<1x1x125xi32, #tpu.memory_space<vmem>>
      %dma_wait3A_268 = tpu.memref_squeeze %dma_wait3A_267 : memref<1x1x125xi32, #tpu.memory_space<vmem>> -> memref<125xi32, #tpu.memory_space<vmem>>
      %dma_wait3A_269 = arith.constant 0 : i32
      %dma_wait3A_270 = arith.constant 0 : i32
      %dma_wait3A_271 = tpu.memref_slice %arg2[%dma_wait3A_269, %dma_wait3A_270] : memref<10000x128xf32, #tpu.memory_space<hbm>> -> memref<10000x128xf32, #tpu.memory_space<hbm>>
      tpu.wait_indirect_dma semaphore(%arg11 : memref<!tpu.dma_semaphore, #tpu.memory_space<semaphore_mem>>) src(%dma_wait3A_271 : memref<10000x128xf32, #tpu.memory_space<hbm>>) dst(%dma_wait3A_265 : memref<125x128xf32, #tpu.memory_space<vmem>>)
      %dma_start3A_272 = arith.constant 0 : i32
      %dma_start3A_273 = arith.constant 4 : i32
      %dma_start3A_274 = arith.constant 0 : i32
      %dma_start3A_275 = arith.constant 0 : i32
      %dma_start3A_276 = tpu.memref_slice %arg8[%dma_start3A_272, %dma_start3A_274, %dma_start3A_275] : memref<2x125x128xf32, #tpu.memory_space<vmem>> -> memref<1x125x128xf32, #tpu.memory_space<vmem>>
      %dma_start3A_277 = tpu.memref_squeeze %dma_start3A_276 : memref<1x125x128xf32, #tpu.memory_space<vmem>> -> memref<125x128xf32, #tpu.memory_space<vmem>>
      %dma_start3A_278 = arith.constant 0 : i32
      %dma_start3A_279 = tpu.memref_slice %arg7[%rem3A_46, %dma_start3A_273, %dma_start3A_278] : memref<2x8x125xi32, #tpu.memory_space<vmem>> -> memref<1x1x125xi32, #tpu.memory_space<vmem>>
      %dma_start3A_280 = tpu.memref_squeeze %dma_start3A_279 : memref<1x1x125xi32, #tpu.memory_space<vmem>> -> memref<125xi32, #tpu.memory_space<vmem>>
      %dma_start3A_281 = arith.constant 0 : i32
      %dma_start3A_282 = arith.constant 0 : i32
      %dma_start3A_283 = tpu.memref_slice %arg9[%dma_start3A_281, %dma_start3A_282] : memref<10240x128xf32, #tpu.memory_space<vmem_shared>> -> memref<10240x128xf32, #tpu.memory_space<vmem_shared>>
      tpu.enqueue_indirect_dma source(%dma_start3A_277 : memref<125x128xf32, #tpu.memory_space<vmem>>) target(%dma_start3A_283 : memref<10240x128xf32, #tpu.memory_space<vmem_shared>>) offsets(%dma_start3A_280 : memref<125xi32, #tpu.memory_space<vmem>>) semaphore(%arg13 : memref<!tpu.dma_semaphore, #tpu.memory_space<semaphore_mem>>) {add = true}
      %dma_wait3A_284 = arith.constant 0 : i32
      %dma_wait3A_285 = arith.constant 5 : i32
      %dma_wait3A_286 = arith.constant 0 : i32
      %dma_wait3A_287 = arith.constant 0 : i32
      %dma_wait3A_288 = tpu.memref_slice %arg8[%dma_wait3A_284, %dma_wait3A_286, %dma_wait3A_287] : memref<2x125x128xf32, #tpu.memory_space<vmem>> -> memref<1x125x128xf32, #tpu.memory_space<vmem>>
      %dma_wait3A_289 = tpu.memref_squeeze %dma_wait3A_288 : memref<1x125x128xf32, #tpu.memory_space<vmem>> -> memref<125x128xf32, #tpu.memory_space<vmem>>
      %dma_wait3A_290 = arith.constant 0 : i32
      %dma_wait3A_291 = tpu.memref_slice %arg7[%rem3A_46, %dma_wait3A_285, %dma_wait3A_290] : memref<2x8x125xi32, #tpu.memory_space<vmem>> -> memref<1x1x125xi32, #tpu.memory_space<vmem>>
      %dma_wait3A_292 = tpu.memref_squeeze %dma_wait3A_291 : memref<1x1x125xi32, #tpu.memory_space<vmem>> -> memref<125xi32, #tpu.memory_space<vmem>>
      %dma_wait3A_293 = arith.constant 0 : i32
      %dma_wait3A_294 = arith.constant 0 : i32
      %dma_wait3A_295 = tpu.memref_slice %arg9[%dma_wait3A_293, %dma_wait3A_294] : memref<10240x128xf32, #tpu.memory_space<vmem_shared>> -> memref<10240x128xf32, #tpu.memory_space<vmem_shared>>
      tpu.wait_indirect_dma semaphore(%arg13 : memref<!tpu.dma_semaphore, #tpu.memory_space<semaphore_mem>>) src(%dma_wait3A_289 : memref<125x128xf32, #tpu.memory_space<vmem>>) dst(%dma_wait3A_295 : memref<10240x128xf32, #tpu.memory_space<vmem_shared>>)
      %dma_start3A_296 = arith.constant 6 : i32
      %dma_start3A_297 = arith.constant 0 : i32
      %dma_start3A_298 = arith.constant 0 : i32
      %dma_start3A_299 = arith.constant 0 : i32
      %dma_start3A_300 = tpu.memref_slice %arg8[%dma_start3A_297, %dma_start3A_298, %dma_start3A_299] : memref<2x125x128xf32, #tpu.memory_space<vmem>> -> memref<1x125x128xf32, #tpu.memory_space<vmem>>
      %dma_start3A_301 = tpu.memref_squeeze %dma_start3A_300 : memref<1x125x128xf32, #tpu.memory_space<vmem>> -> memref<125x128xf32, #tpu.memory_space<vmem>>
      %dma_start3A_302 = arith.constant 0 : i32
      %dma_start3A_303 = tpu.memref_slice %arg6[%rem3A_46, %dma_start3A_296, %dma_start3A_302] : memref<2x8x125xi32, #tpu.memory_space<vmem>> -> memref<1x1x125xi32, #tpu.memory_space<vmem>>
      %dma_start3A_304 = tpu.memref_squeeze %dma_start3A_303 : memref<1x1x125xi32, #tpu.memory_space<vmem>> -> memref<125xi32, #tpu.memory_space<vmem>>
      %dma_start3A_305 = arith.constant 0 : i32
      %dma_start3A_306 = arith.constant 0 : i32
      %dma_start3A_307 = tpu.memref_slice %arg2[%dma_start3A_305, %dma_start3A_306] : memref<10000x128xf32, #tpu.memory_space<hbm>> -> memref<10000x128xf32, #tpu.memory_space<hbm>>
      tpu.enqueue_indirect_dma source(%dma_start3A_307 : memref<10000x128xf32, #tpu.memory_space<hbm>>) target(%dma_start3A_301 : memref<125x128xf32, #tpu.memory_space<vmem>>) offsets(%dma_start3A_304 : memref<125xi32, #tpu.memory_space<vmem>>) semaphore(%arg11 : memref<!tpu.dma_semaphore, #tpu.memory_space<semaphore_mem>>)
      %dma_wait3A_308 = arith.constant 5 : i32
      %dma_wait3A_309 = arith.constant 1 : i32
      %dma_wait3A_310 = arith.constant 0 : i32
      %dma_wait3A_311 = arith.constant 0 : i32
      %dma_wait3A_312 = tpu.memref_slice %arg8[%dma_wait3A_309, %dma_wait3A_310, %dma_wait3A_311] : memref<2x125x128xf32, #tpu.memory_space<vmem>> -> memref<1x125x128xf32, #tpu.memory_space<vmem>>
      %dma_wait3A_313 = tpu.memref_squeeze %dma_wait3A_312 : memref<1x125x128xf32, #tpu.memory_space<vmem>> -> memref<125x128xf32, #tpu.memory_space<vmem>>
      %dma_wait3A_314 = arith.constant 0 : i32
      %dma_wait3A_315 = tpu.memref_slice %arg6[%rem3A_46, %dma_wait3A_308, %dma_wait3A_314] : memref<2x8x125xi32, #tpu.memory_space<vmem>> -> memref<1x1x125xi32, #tpu.memory_space<vmem>>
      %dma_wait3A_316 = tpu.memref_squeeze %dma_wait3A_315 : memref<1x1x125xi32, #tpu.memory_space<vmem>> -> memref<125xi32, #tpu.memory_space<vmem>>
      %dma_wait3A_317 = arith.constant 0 : i32
      %dma_wait3A_318 = arith.constant 0 : i32
      %dma_wait3A_319 = tpu.memref_slice %arg2[%dma_wait3A_317, %dma_wait3A_318] : memref<10000x128xf32, #tpu.memory_space<hbm>> -> memref<10000x128xf32, #tpu.memory_space<hbm>>
      tpu.wait_indirect_dma semaphore(%arg12 : memref<!tpu.dma_semaphore, #tpu.memory_space<semaphore_mem>>) src(%dma_wait3A_319 : memref<10000x128xf32, #tpu.memory_space<hbm>>) dst(%dma_wait3A_313 : memref<125x128xf32, #tpu.memory_space<vmem>>)
      %dma_start3A_320 = arith.constant 1 : i32
      %dma_start3A_321 = arith.constant 5 : i32
      %dma_start3A_322 = arith.constant 0 : i32
      %dma_start3A_323 = arith.constant 0 : i32
      %dma_start3A_324 = tpu.memref_slice %arg8[%dma_start3A_320, %dma_start3A_322, %dma_start3A_323] : memref<2x125x128xf32, #tpu.memory_space<vmem>> -> memref<1x125x128xf32, #tpu.memory_space<vmem>>
      %dma_start3A_325 = tpu.memref_squeeze %dma_start3A_324 : memref<1x125x128xf32, #tpu.memory_space<vmem>> -> memref<125x128xf32, #tpu.memory_space<vmem>>
      %dma_start3A_326 = arith.constant 0 : i32
      %dma_start3A_327 = tpu.memref_slice %arg7[%rem3A_46, %dma_start3A_321, %dma_start3A_326] : memref<2x8x125xi32, #tpu.memory_space<vmem>> -> memref<1x1x125xi32, #tpu.memory_space<vmem>>
      %dma_start3A_328 = tpu.memref_squeeze %dma_start3A_327 : memref<1x1x125xi32, #tpu.memory_space<vmem>> -> memref<125xi32, #tpu.memory_space<vmem>>
      %dma_start3A_329 = arith.constant 0 : i32
      %dma_start3A_330 = arith.constant 0 : i32
      %dma_start3A_331 = tpu.memref_slice %arg9[%dma_start3A_329, %dma_start3A_330] : memref<10240x128xf32, #tpu.memory_space<vmem_shared>> -> memref<10240x128xf32, #tpu.memory_space<vmem_shared>>
      tpu.enqueue_indirect_dma source(%dma_start3A_325 : memref<125x128xf32, #tpu.memory_space<vmem>>) target(%dma_start3A_331 : memref<10240x128xf32, #tpu.memory_space<vmem_shared>>) offsets(%dma_start3A_328 : memref<125xi32, #tpu.memory_space<vmem>>) semaphore(%arg14 : memref<!tpu.dma_semaphore, #tpu.memory_space<semaphore_mem>>) {add = true}
      %dma_wait3A_332 = arith.constant 1 : i32
      %dma_wait3A_333 = arith.constant 6 : i32
      %dma_wait3A_334 = arith.constant 0 : i32
      %dma_wait3A_335 = arith.constant 0 : i32
      %dma_wait3A_336 = tpu.memref_slice %arg8[%dma_wait3A_332, %dma_wait3A_334, %dma_wait3A_335] : memref<2x125x128xf32, #tpu.memory_space<vmem>> -> memref<1x125x128xf32, #tpu.memory_space<vmem>>
      %dma_wait3A_337 = tpu.memref_squeeze %dma_wait3A_336 : memref<1x125x128xf32, #tpu.memory_space<vmem>> -> memref<125x128xf32, #tpu.memory_space<vmem>>
      %dma_wait3A_338 = arith.constant 0 : i32
      %dma_wait3A_339 = tpu.memref_slice %arg7[%rem3A_46, %dma_wait3A_333, %dma_wait3A_338] : memref<2x8x125xi32, #tpu.memory_space<vmem>> -> memref<1x1x125xi32, #tpu.memory_space<vmem>>
      %dma_wait3A_340 = tpu.memref_squeeze %dma_wait3A_339 : memref<1x1x125xi32, #tpu.memory_space<vmem>> -> memref<125xi32, #tpu.memory_space<vmem>>
      %dma_wait3A_341 = arith.constant 0 : i32
      %dma_wait3A_342 = arith.constant 0 : i32
      %dma_wait3A_343 = tpu.memref_slice %arg9[%dma_wait3A_341, %dma_wait3A_342] : memref<10240x128xf32, #tpu.memory_space<vmem_shared>> -> memref<10240x128xf32, #tpu.memory_space<vmem_shared>>
      tpu.wait_indirect_dma semaphore(%arg14 : memref<!tpu.dma_semaphore, #tpu.memory_space<semaphore_mem>>) src(%dma_wait3A_337 : memref<125x128xf32, #tpu.memory_space<vmem>>) dst(%dma_wait3A_343 : memref<10240x128xf32, #tpu.memory_space<vmem_shared>>)
      %dma_start3A_344 = arith.constant 7 : i32
      %dma_start3A_345 = arith.constant 1 : i32
      %dma_start3A_346 = arith.constant 0 : i32
      %dma_start3A_347 = arith.constant 0 : i32
      %dma_start3A_348 = tpu.memref_slice %arg8[%dma_start3A_345, %dma_start3A_346, %dma_start3A_347] : memref<2x125x128xf32, #tpu.memory_space<vmem>> -> memref<1x125x128xf32, #tpu.memory_space<vmem>>
      %dma_start3A_349 = tpu.memref_squeeze %dma_start3A_348 : memref<1x125x128xf32, #tpu.memory_space<vmem>> -> memref<125x128xf32, #tpu.memory_space<vmem>>
      %dma_start3A_350 = arith.constant 0 : i32
      %dma_start3A_351 = tpu.memref_slice %arg6[%rem3A_46, %dma_start3A_344, %dma_start3A_350] : memref<2x8x125xi32, #tpu.memory_space<vmem>> -> memref<1x1x125xi32, #tpu.memory_space<vmem>>
      %dma_start3A_352 = tpu.memref_squeeze %dma_start3A_351 : memref<1x1x125xi32, #tpu.memory_space<vmem>> -> memref<125xi32, #tpu.memory_space<vmem>>
      %dma_start3A_353 = arith.constant 0 : i32
      %dma_start3A_354 = arith.constant 0 : i32
      %dma_start3A_355 = tpu.memref_slice %arg2[%dma_start3A_353, %dma_start3A_354] : memref<10000x128xf32, #tpu.memory_space<hbm>> -> memref<10000x128xf32, #tpu.memory_space<hbm>>
      tpu.enqueue_indirect_dma source(%dma_start3A_355 : memref<10000x128xf32, #tpu.memory_space<hbm>>) target(%dma_start3A_349 : memref<125x128xf32, #tpu.memory_space<vmem>>) offsets(%dma_start3A_352 : memref<125xi32, #tpu.memory_space<vmem>>) semaphore(%arg12 : memref<!tpu.dma_semaphore, #tpu.memory_space<semaphore_mem>>)
      %dma_wait3A_356 = arith.constant 6 : i32
      %dma_wait3A_357 = arith.constant 0 : i32
      %dma_wait3A_358 = arith.constant 0 : i32
      %dma_wait3A_359 = arith.constant 0 : i32
      %dma_wait3A_360 = tpu.memref_slice %arg8[%dma_wait3A_357, %dma_wait3A_358, %dma_wait3A_359] : memref<2x125x128xf32, #tpu.memory_space<vmem>> -> memref<1x125x128xf32, #tpu.memory_space<vmem>>
      %dma_wait3A_361 = tpu.memref_squeeze %dma_wait3A_360 : memref<1x125x128xf32, #tpu.memory_space<vmem>> -> memref<125x128xf32, #tpu.memory_space<vmem>>
      %dma_wait3A_362 = arith.constant 0 : i32
      %dma_wait3A_363 = tpu.memref_slice %arg6[%rem3A_46, %dma_wait3A_356, %dma_wait3A_362] : memref<2x8x125xi32, #tpu.memory_space<vmem>> -> memref<1x1x125xi32, #tpu.memory_space<vmem>>
      %dma_wait3A_364 = tpu.memref_squeeze %dma_wait3A_363 : memref<1x1x125xi32, #tpu.memory_space<vmem>> -> memref<125xi32, #tpu.memory_space<vmem>>
      %dma_wait3A_365 = arith.constant 0 : i32
      %dma_wait3A_366 = arith.constant 0 : i32
      %dma_wait3A_367 = tpu.memref_slice %arg2[%dma_wait3A_365, %dma_wait3A_366] : memref<10000x128xf32, #tpu.memory_space<hbm>> -> memref<10000x128xf32, #tpu.memory_space<hbm>>
      tpu.wait_indirect_dma semaphore(%arg11 : memref<!tpu.dma_semaphore, #tpu.memory_space<semaphore_mem>>) src(%dma_wait3A_367 : memref<10000x128xf32, #tpu.memory_space<hbm>>) dst(%dma_wait3A_361 : memref<125x128xf32, #tpu.memory_space<vmem>>)
      %dma_start3A_368 = arith.constant 0 : i32
      %dma_start3A_369 = arith.constant 6 : i32
      %dma_start3A_370 = arith.constant 0 : i32
      %dma_start3A_371 = arith.constant 0 : i32
      %dma_start3A_372 = tpu.memref_slice %arg8[%dma_start3A_368, %dma_start3A_370, %dma_start3A_371] : memref<2x125x128xf32, #tpu.memory_space<vmem>> -> memref<1x125x128xf32, #tpu.memory_space<vmem>>
      %dma_start3A_373 = tpu.memref_squeeze %dma_start3A_372 : memref<1x125x128xf32, #tpu.memory_space<vmem>> -> memref<125x128xf32, #tpu.memory_space<vmem>>
      %dma_start3A_374 = arith.constant 0 : i32
      %dma_start3A_375 = tpu.memref_slice %arg7[%rem3A_46, %dma_start3A_369, %dma_start3A_374] : memref<2x8x125xi32, #tpu.memory_space<vmem>> -> memref<1x1x125xi32, #tpu.memory_space<vmem>>
      %dma_start3A_376 = tpu.memref_squeeze %dma_start3A_375 : memref<1x1x125xi32, #tpu.memory_space<vmem>> -> memref<125xi32, #tpu.memory_space<vmem>>
      %dma_start3A_377 = arith.constant 0 : i32
      %dma_start3A_378 = arith.constant 0 : i32
      %dma_start3A_379 = tpu.memref_slice %arg9[%dma_start3A_377, %dma_start3A_378] : memref<10240x128xf32, #tpu.memory_space<vmem_shared>> -> memref<10240x128xf32, #tpu.memory_space<vmem_shared>>
      tpu.enqueue_indirect_dma source(%dma_start3A_373 : memref<125x128xf32, #tpu.memory_space<vmem>>) target(%dma_start3A_379 : memref<10240x128xf32, #tpu.memory_space<vmem_shared>>) offsets(%dma_start3A_376 : memref<125xi32, #tpu.memory_space<vmem>>) semaphore(%arg13 : memref<!tpu.dma_semaphore, #tpu.memory_space<semaphore_mem>>) {add = true}
      %dma_wait3A_380 = arith.constant 0 : i32
      %dma_wait3A_381 = arith.constant 7 : i32
      %dma_wait3A_382 = arith.constant 0 : i32
      %dma_wait3A_383 = arith.constant 0 : i32
      %dma_wait3A_384 = tpu.memref_slice %arg8[%dma_wait3A_380, %dma_wait3A_382, %dma_wait3A_383] : memref<2x125x128xf32, #tpu.memory_space<vmem>> -> memref<1x125x128xf32, #tpu.memory_space<vmem>>
      %dma_wait3A_385 = tpu.memref_squeeze %dma_wait3A_384 : memref<1x125x128xf32, #tpu.memory_space<vmem>> -> memref<125x128xf32, #tpu.memory_space<vmem>>
      %dma_wait3A_386 = arith.constant 0 : i32
      %dma_wait3A_387 = tpu.memref_slice %arg7[%rem3A_46, %dma_wait3A_381, %dma_wait3A_386] : memref<2x8x125xi32, #tpu.memory_space<vmem>> -> memref<1x1x125xi32, #tpu.memory_space<vmem>>
      %dma_wait3A_388 = tpu.memref_squeeze %dma_wait3A_387 : memref<1x1x125xi32, #tpu.memory_space<vmem>> -> memref<125xi32, #tpu.memory_space<vmem>>
      %dma_wait3A_389 = arith.constant 0 : i32
      %dma_wait3A_390 = arith.constant 0 : i32
      %dma_wait3A_391 = tpu.memref_slice %arg9[%dma_wait3A_389, %dma_wait3A_390] : memref<10240x128xf32, #tpu.memory_space<vmem_shared>> -> memref<10240x128xf32, #tpu.memory_space<vmem_shared>>
      tpu.wait_indirect_dma semaphore(%arg13 : memref<!tpu.dma_semaphore, #tpu.memory_space<semaphore_mem>>) src(%dma_wait3A_385 : memref<125x128xf32, #tpu.memory_space<vmem>>) dst(%dma_wait3A_391 : memref<10240x128xf32, #tpu.memory_space<vmem_shared>>)
      %add3A_392 = arith.constant 1 : i32
      %add3A_393 = arith.addi %add3A_45, %add3A_392 : i32
      %lt3A_394 = arith.constant 10 : i32
      %lt3A_395 = arith.cmpi slt, %add3A_393, %lt3A_394 : i32
      %convert_element_type3A_396 = arith.extui %lt3A_395 : i1 to i32
      %cond3A_397 = arith.constant 0 : i32
      %cond3A_398 = arith.cmpi ne, %convert_element_type3A_396, %cond3A_397 : i32
      scf.if %cond3A_398 {
        %dma_wait3A_423 = arith.constant 0 : i32
        %dma_wait3A_424 = arith.constant 0 : i32
        %dma_wait3A_425 = arith.constant 0 : i32
        %dma_wait3A_426 = tpu.memref_slice %arg6[%sub3A_47, %dma_wait3A_424, %dma_wait3A_425] : memref<2x8x125xi32, #tpu.memory_space<vmem>> -> memref<1x8x125xi32, #tpu.memory_space<vmem>>
        %dma_wait3A_427 = tpu.memref_squeeze %dma_wait3A_426 : memref<1x8x125xi32, #tpu.memory_space<vmem>> -> memref<8x125xi32, #tpu.memory_space<vmem>>
        %dma_wait3A_428 = arith.constant 0 : i32
        %dma_wait3A_429 = tpu.memref_slice %arg3[%dma_wait3A_423, %mul3A_2, %dma_wait3A_428] : memref<2x2560x125xi32, #tpu.memory_space<hbm>> -> memref<1x8x125xi32, #tpu.memory_space<hbm>>
        %dma_wait3A_430 = tpu.memref_squeeze %dma_wait3A_429 : memref<1x8x125xi32, #tpu.memory_space<hbm>> -> memref<8x125xi32, #tpu.memory_space<hbm>>
        %dma_wait3A_431 = arith.constant 0 : i32
        %dma_wait3A_432 = arith.constant 0 : i32
        %dma_wait3A_433 = tpu.memref_slice %arg6[%sub3A_47, %dma_wait3A_431, %dma_wait3A_432] : memref<2x8x125xi32, #tpu.memory_space<vmem>> -> memref<1x8x125xi32, #tpu.memory_space<vmem>>
        %dma_wait3A_434 = tpu.memref_squeeze %dma_wait3A_433 : memref<1x8x125xi32, #tpu.memory_space<vmem>> -> memref<8x125xi32, #tpu.memory_space<vmem>>
        %dma_wait3A_435 = arith.constant 0 : i32
        %dma_wait3A_436 = tpu.memref_slice %arg3[%dma_wait3A_423, %mul3A_2, %dma_wait3A_435] : memref<2x2560x125xi32, #tpu.memory_space<hbm>> -> memref<1x8x125xi32, #tpu.memory_space<hbm>>
        %dma_wait3A_437 = tpu.memref_squeeze %dma_wait3A_436 : memref<1x8x125xi32, #tpu.memory_space<hbm>> -> memref<8x125xi32, #tpu.memory_space<hbm>>
        tpu.wait_dma2 semaphore(%arg10 : memref<!tpu.dma_semaphore, #tpu.memory_space<semaphore_mem>>) src(%dma_wait3A_437 : memref<8x125xi32, #tpu.memory_space<hbm>>) dst(%dma_wait3A_434 : memref<8x125xi32, #tpu.memory_space<vmem>>)
        %dma_wait3A_438 = arith.constant 1 : i32
        %dma_wait3A_439 = arith.constant 0 : i32
        %dma_wait3A_440 = arith.constant 0 : i32
        %dma_wait3A_441 = tpu.memref_slice %arg7[%sub3A_47, %dma_wait3A_439, %dma_wait3A_440] : memref<2x8x125xi32, #tpu.memory_space<vmem>> -> memref<1x8x125xi32, #tpu.memory_space<vmem>>
        %dma_wait3A_442 = tpu.memref_squeeze %dma_wait3A_441 : memref<1x8x125xi32, #tpu.memory_space<vmem>> -> memref<8x125xi32, #tpu.memory_space<vmem>>
        %dma_wait3A_443 = arith.constant 0 : i32
        %dma_wait3A_444 = tpu.memref_slice %arg3[%dma_wait3A_438, %mul3A_2, %dma_wait3A_443] : memref<2x2560x125xi32, #tpu.memory_space<hbm>> -> memref<1x8x125xi32, #tpu.memory_space<hbm>>
        %dma_wait3A_445 = tpu.memref_squeeze %dma_wait3A_444 : memref<1x8x125xi32, #tpu.memory_space<hbm>> -> memref<8x125xi32, #tpu.memory_space<hbm>>
        %dma_wait3A_446 = arith.constant 0 : i32
        %dma_wait3A_447 = arith.constant 0 : i32
        %dma_wait3A_448 = tpu.memref_slice %arg7[%sub3A_47, %dma_wait3A_446, %dma_wait3A_447] : memref<2x8x125xi32, #tpu.memory_space<vmem>> -> memref<1x8x125xi32, #tpu.memory_space<vmem>>
        %dma_wait3A_449 = tpu.memref_squeeze %dma_wait3A_448 : memref<1x8x125xi32, #tpu.memory_space<vmem>> -> memref<8x125xi32, #tpu.memory_space<vmem>>
        %dma_wait3A_450 = arith.constant 0 : i32
        %dma_wait3A_451 = tpu.memref_slice %arg3[%dma_wait3A_438, %mul3A_2, %dma_wait3A_450] : memref<2x2560x125xi32, #tpu.memory_space<hbm>> -> memref<1x8x125xi32, #tpu.memory_space<hbm>>
        %dma_wait3A_452 = tpu.memref_squeeze %dma_wait3A_451 : memref<1x8x125xi32, #tpu.memory_space<hbm>> -> memref<8x125xi32, #tpu.memory_space<hbm>>
        tpu.wait_dma2 semaphore(%arg10 : memref<!tpu.dma_semaphore, #tpu.memory_space<semaphore_mem>>) src(%dma_wait3A_452 : memref<8x125xi32, #tpu.memory_space<hbm>>) dst(%dma_wait3A_449 : memref<8x125xi32, #tpu.memory_space<vmem>>)
        %dma_start3A_453 = arith.constant 0 : i32
        %dma_start3A_454 = arith.constant 0 : i32
        %dma_start3A_455 = arith.constant 0 : i32
        %dma_start3A_456 = arith.constant 0 : i32
        %dma_start3A_457 = tpu.memref_slice %arg8[%dma_start3A_454, %dma_start3A_455, %dma_start3A_456] : memref<2x125x128xf32, #tpu.memory_space<vmem>> -> memref<1x125x128xf32, #tpu.memory_space<vmem>>
        %dma_start3A_458 = tpu.memref_squeeze %dma_start3A_457 : memref<1x125x128xf32, #tpu.memory_space<vmem>> -> memref<125x128xf32, #tpu.memory_space<vmem>>
        %dma_start3A_459 = arith.constant 0 : i32
        %dma_start3A_460 = tpu.memref_slice %arg6[%sub3A_47, %dma_start3A_453, %dma_start3A_459] : memref<2x8x125xi32, #tpu.memory_space<vmem>> -> memref<1x1x125xi32, #tpu.memory_space<vmem>>
        %dma_start3A_461 = tpu.memref_squeeze %dma_start3A_460 : memref<1x1x125xi32, #tpu.memory_space<vmem>> -> memref<125xi32, #tpu.memory_space<vmem>>
        %dma_start3A_462 = arith.constant 0 : i32
        %dma_start3A_463 = arith.constant 0 : i32
        %dma_start3A_464 = tpu.memref_slice %arg2[%dma_start3A_462, %dma_start3A_463] : memref<10000x128xf32, #tpu.memory_space<hbm>> -> memref<10000x128xf32, #tpu.memory_space<hbm>>
        tpu.enqueue_indirect_dma source(%dma_start3A_464 : memref<10000x128xf32, #tpu.memory_space<hbm>>) target(%dma_start3A_458 : memref<125x128xf32, #tpu.memory_space<vmem>>) offsets(%dma_start3A_461 : memref<125xi32, #tpu.memory_space<vmem>>) semaphore(%arg11 : memref<!tpu.dma_semaphore, #tpu.memory_space<semaphore_mem>>)
      } else {
      }
      %dma_wait3A_399 = arith.constant 7 : i32
      %dma_wait3A_400 = arith.constant 1 : i32
      %dma_wait3A_401 = arith.constant 0 : i32
      %dma_wait3A_402 = arith.constant 0 : i32
      %dma_wait3A_403 = tpu.memref_slice %arg8[%dma_wait3A_400, %dma_wait3A_401, %dma_wait3A_402] : memref<2x125x128xf32, #tpu.memory_space<vmem>> -> memref<1x125x128xf32, #tpu.memory_space<vmem>>
      %dma_wait3A_404 = tpu.memref_squeeze %dma_wait3A_403 : memref<1x125x128xf32, #tpu.memory_space<vmem>> -> memref<125x128xf32, #tpu.memory_space<vmem>>
      %dma_wait3A_405 = arith.constant 0 : i32
      %dma_wait3A_406 = tpu.memref_slice %arg6[%rem3A_46, %dma_wait3A_399, %dma_wait3A_405] : memref<2x8x125xi32, #tpu.memory_space<vmem>> -> memref<1x1x125xi32, #tpu.memory_space<vmem>>
      %dma_wait3A_407 = tpu.memref_squeeze %dma_wait3A_406 : memref<1x1x125xi32, #tpu.memory_space<vmem>> -> memref<125xi32, #tpu.memory_space<vmem>>
      %dma_wait3A_408 = arith.constant 0 : i32
      %dma_wait3A_409 = arith.constant 0 : i32
      %dma_wait3A_410 = tpu.memref_slice %arg2[%dma_wait3A_408, %dma_wait3A_409] : memref<10000x128xf32, #tpu.memory_space<hbm>> -> memref<10000x128xf32, #tpu.memory_space<hbm>>
      tpu.wait_indirect_dma semaphore(%arg12 : memref<!tpu.dma_semaphore, #tpu.memory_space<semaphore_mem>>) src(%dma_wait3A_410 : memref<10000x128xf32, #tpu.memory_space<hbm>>) dst(%dma_wait3A_404 : memref<125x128xf32, #tpu.memory_space<vmem>>)
      %dma_start3A_411 = arith.constant 1 : i32
      %dma_start3A_412 = arith.constant 7 : i32
      %dma_start3A_413 = arith.constant 0 : i32
      %dma_start3A_414 = arith.constant 0 : i32
      %dma_start3A_415 = tpu.memref_slice %arg8[%dma_start3A_411, %dma_start3A_413, %dma_start3A_414] : memref<2x125x128xf32, #tpu.memory_space<vmem>> -> memref<1x125x128xf32, #tpu.memory_space<vmem>>
      %dma_start3A_416 = tpu.memref_squeeze %dma_start3A_415 : memref<1x125x128xf32, #tpu.memory_space<vmem>> -> memref<125x128xf32, #tpu.memory_space<vmem>>
      %dma_start3A_417 = arith.constant 0 : i32
      %dma_start3A_418 = tpu.memref_slice %arg7[%rem3A_46, %dma_start3A_412, %dma_start3A_417] : memref<2x8x125xi32, #tpu.memory_space<vmem>> -> memref<1x1x125xi32, #tpu.memory_space<vmem>>
      %dma_start3A_419 = tpu.memref_squeeze %dma_start3A_418 : memref<1x1x125xi32, #tpu.memory_space<vmem>> -> memref<125xi32, #tpu.memory_space<vmem>>
      %dma_start3A_420 = arith.constant 0 : i32
      %dma_start3A_421 = arith.constant 0 : i32
      %dma_start3A_422 = tpu.memref_slice %arg9[%dma_start3A_420, %dma_start3A_421] : memref<10240x128xf32, #tpu.memory_space<vmem_shared>> -> memref<10240x128xf32, #tpu.memory_space<vmem_shared>>
      tpu.enqueue_indirect_dma source(%dma_start3A_416 : memref<125x128xf32, #tpu.memory_space<vmem>>) target(%dma_start3A_422 : memref<10240x128xf32, #tpu.memory_space<vmem_shared>>) offsets(%dma_start3A_419 : memref<125xi32, #tpu.memory_space<vmem>>) semaphore(%arg14 : memref<!tpu.dma_semaphore, #tpu.memory_space<semaphore_mem>>) {add = true}
    }
    %scan3A_23 = arith.constant 10 : i32
    %dma_wait3A = arith.constant 1 : i32
    %dma_wait3A_24 = arith.constant 0 : i32
    %dma_wait3A_25 = arith.constant 0 : i32
    %dma_wait3A_26 = arith.constant 0 : i32
    %dma_wait3A_27 = arith.constant 0 : i32
    %dma_wait3A_28 = tpu.memref_slice %arg8[%dma_wait3A, %dma_wait3A_26, %dma_wait3A_27] : memref<2x125x128xf32, #tpu.memory_space<vmem>> -> memref<1x125x128xf32, #tpu.memory_space<vmem>>
    %dma_wait3A_29 = tpu.memref_squeeze %dma_wait3A_28 : memref<1x125x128xf32, #tpu.memory_space<vmem>> -> memref<125x128xf32, #tpu.memory_space<vmem>>
    %dma_wait3A_30 = arith.constant 0 : i32
    %dma_wait3A_31 = tpu.memref_slice %arg7[%dma_wait3A_24, %dma_wait3A_25, %dma_wait3A_30] : memref<2x8x125xi32, #tpu.memory_space<vmem>> -> memref<1x1x125xi32, #tpu.memory_space<vmem>>
    %dma_wait3A_32 = tpu.memref_squeeze %dma_wait3A_31 : memref<1x1x125xi32, #tpu.memory_space<vmem>> -> memref<125xi32, #tpu.memory_space<vmem>>
    %dma_wait3A_33 = arith.constant 0 : i32
    %dma_wait3A_34 = arith.constant 0 : i32
    %dma_wait3A_35 = tpu.memref_slice %arg9[%dma_wait3A_33, %dma_wait3A_34] : memref<10240x128xf32, #tpu.memory_space<vmem_shared>> -> memref<10240x128xf32, #tpu.memory_space<vmem_shared>>
    tpu.wait_indirect_dma semaphore(%arg14 : memref<!tpu.dma_semaphore, #tpu.memory_space<semaphore_mem>>) src(%dma_wait3A_29 : memref<125x128xf32, #tpu.memory_space<vmem>>) dst(%dma_wait3A_35 : memref<10240x128xf32, #tpu.memory_space<vmem_shared>>)
    %barrier3A_36 = arith.constant 0 : index
    tpu.barrier barrier_id(%barrier3A_36)
    %mul3A_37 = arith.constant 640 : i32
    %mul3A_38 = arith.muli %arg1, %mul3A_37 : i32
    %mul3A_39 = arith.constant 640 : i32
    %mul3A_40 = arith.muli %arg1, %mul3A_39 : i32
    "tpu.region"() ({
      %run_scoped3A_41 = tpu.sem_alloc : memref<!tpu.dma_semaphore, #tpu.memory_space<semaphore_mem>>
      %dma_start3A_42 = arith.constant 0 : i32
      %dma_start3A_43 = tpu.memref_slice %arg5[%arg0, %mul3A_40, %dma_start3A_42] : memref<2x10240x128xf32, #tpu.memory_space<hbm>> -> memref<1x640x128xf32, #tpu.memory_space<hbm>>
      %dma_start3A_44 = tpu.memref_squeeze %dma_start3A_43 : memref<1x640x128xf32, #tpu.memory_space<hbm>> -> memref<640x128xf32, #tpu.memory_space<hbm>>
      %dma_start3A_45 = arith.constant 0 : i32
      %dma_start3A_46 = tpu.memref_slice %arg9[%mul3A_38, %dma_start3A_45] : memref<10240x128xf32, #tpu.memory_space<vmem_shared>> -> memref<640x128xf32, #tpu.memory_space<vmem_shared>>
      tpu.enqueue_dma source(%dma_start3A_46 : memref<640x128xf32, #tpu.memory_space<vmem_shared>>) target(%dma_start3A_44 : memref<640x128xf32, #tpu.memory_space<hbm>>) target_semaphore(%run_scoped3A_41 : memref<!tpu.dma_semaphore, #tpu.memory_space<semaphore_mem>>)
      %dma_wait3A_47 = arith.constant 0 : i32
      %dma_wait3A_48 = tpu.memref_slice %arg5[%arg0, %mul3A_40, %dma_wait3A_47] : memref<2x10240x128xf32, #tpu.memory_space<hbm>> -> memref<1x640x128xf32, #tpu.memory_space<hbm>>
      %dma_wait3A_49 = tpu.memref_squeeze %dma_wait3A_48 : memref<1x640x128xf32, #tpu.memory_space<hbm>> -> memref<640x128xf32, #tpu.memory_space<hbm>>
      %dma_wait3A_50 = arith.constant 0 : i32
      %dma_wait3A_51 = tpu.memref_slice %arg9[%mul3A_38, %dma_wait3A_50] : memref<10240x128xf32, #tpu.memory_space<vmem_shared>> -> memref<640x128xf32, #tpu.memory_space<vmem_shared>>
      tpu.wait_dma2 semaphore(%run_scoped3A_41 : memref<!tpu.dma_semaphore, #tpu.memory_space<semaphore_mem>>) src(%dma_wait3A_51 : memref<640x128xf32, #tpu.memory_space<vmem_shared>>) dst(%dma_wait3A_49 : memref<640x128xf32, #tpu.memory_space<hbm>>)
      tpu.yield
    }) : () -> ()
    return
  }
}

#map = affine_map<(d0, d1) -> (0, 0)>
#map1 = affine_map<(d0, d1) -> (0, 0, 0)>
module attributes {stable_mosaic.version = 14 : i64} {
  func.func @_sc_agg(%arg0: i32, %arg1: i32, %arg2: memref<10000x128xf32, #tpu.memory_space<hbm>>, %arg3: memref<2x2560x125xi32, #tpu.memory_space<hbm>>, %arg4: memref<640x128xf32, #tpu.memory_space<hbm>>, %arg5: memref<2x10240x128xf32, #tpu.memory_space<hbm>>, %arg6: memref<2x8x125xi32, #tpu.memory_space<vmem>>, %arg7: memref<2x8x125xi32, #tpu.memory_space<vmem>>, %arg8: memref<2x125x128xf32, #tpu.memory_space<vmem>>, %arg9: memref<10240x128xf32, #tpu.memory_space<vmem_shared>>, %arg10: memref<!tpu.dma_semaphore, #tpu.memory_space<semaphore_mem>>, %arg11: memref<!tpu.dma_semaphore, #tpu.memory_space<semaphore_mem>>, %arg12: memref<!tpu.dma_semaphore, #tpu.memory_space<semaphore_mem>>, %arg13: memref<!tpu.dma_semaphore, #tpu.memory_space<semaphore_mem>>, %arg14: memref<!tpu.dma_semaphore, #tpu.memory_space<semaphore_mem>>) attributes {dimension_semantics = [#tpu.dimension_semantics<core_parallel>, #tpu.dimension_semantics<subcore_parallel>], iteration_bounds = array<i64: 2, 16>, scalar_prefetch = 0 : i64, scratch_operands = 9 : i64, tpu.core_type = #tpu.core_type<sc_vector_subcore>, window_params = [{transform_indices = #map}, {transform_indices = #map1}, {transform_indices = #map}, {transform_indices = #map1}]} {
    %mul3A = arith.constant 2 : i32
    %mul3A_0 = arith.muli %arg1, %mul3A : i32
    %add3A = arith.addi %mul3A_0, %arg0 : i32
    %mul3A_1 = arith.constant 80 : i32
    %mul3A_2 = arith.muli %add3A, %mul3A_1 : i32
    %mul3A_3 = arith.constant 640 : i32
    %mul3A_4 = arith.muli %arg1, %mul3A_3 : i32
    "tpu.region"() ({
      %run_scoped3A_41 = tpu.sem_alloc : memref<!tpu.dma_semaphore, #tpu.memory_space<semaphore_mem>>
      %dma_start3A_42 = arith.constant 0 : i32
      %dma_start3A_43 = tpu.memref_slice %arg9[%mul3A_4, %dma_start3A_42] : memref<10240x128xf32, #tpu.memory_space<vmem_shared>> -> memref<640x128xf32, #tpu.memory_space<vmem_shared>>
      tpu.enqueue_dma source(%arg4 : memref<640x128xf32, #tpu.memory_space<hbm>>) target(%dma_start3A_43 : memref<640x128xf32, #tpu.memory_space<vmem_shared>>) target_semaphore(%run_scoped3A_41 : memref<!tpu.dma_semaphore, #tpu.memory_space<semaphore_mem>>)
      %dma_wait3A_44 = arith.constant 0 : i32
      %dma_wait3A_45 = tpu.memref_slice %arg9[%mul3A_4, %dma_wait3A_44] : memref<10240x128xf32, #tpu.memory_space<vmem_shared>> -> memref<640x128xf32, #tpu.memory_space<vmem_shared>>
      tpu.wait_dma2 semaphore(%run_scoped3A_41 : memref<!tpu.dma_semaphore, #tpu.memory_space<semaphore_mem>>) src(%arg4 : memref<640x128xf32, #tpu.memory_space<hbm>>) dst(%dma_wait3A_45 : memref<640x128xf32, #tpu.memory_space<vmem_shared>>)
      tpu.yield
    }) : () -> ()
    %run_scoped3A = arith.constant 0 : i32
    %run_scoped3A_5 = arith.constant 0 : i32
    "tpu.region"() ({
      %run_scoped3A_41 = tpu.sem_alloc : memref<!tpu.dma_semaphore, #tpu.memory_space<semaphore_mem>>
      %dma_start3A_42 = arith.constant 0 : i32
      %dma_start3A_43 = arith.constant 0 : i32
      %dma_start3A_44 = tpu.memref_slice %arg6[%run_scoped3A_5, %dma_start3A_42, %dma_start3A_43] : memref<2x8x125xi32, #tpu.memory_space<vmem>> -> memref<1x8x125xi32, #tpu.memory_space<vmem>>
      %dma_start3A_45 = tpu.memref_squeeze %dma_start3A_44 : memref<1x8x125xi32, #tpu.memory_space<vmem>> -> memref<8x125xi32, #tpu.memory_space<vmem>>
      %dma_start3A_46 = arith.constant 0 : i32
      %dma_start3A_47 = tpu.memref_slice %arg3[%run_scoped3A, %mul3A_2, %dma_start3A_46] : memref<2x2560x125xi32, #tpu.memory_space<hbm>> -> memref<1x8x125xi32, #tpu.memory_space<hbm>>
      %dma_start3A_48 = tpu.memref_squeeze %dma_start3A_47 : memref<1x8x125xi32, #tpu.memory_space<hbm>> -> memref<8x125xi32, #tpu.memory_space<hbm>>
      %dma_start3A_49 = arith.constant 0 : i32
      %dma_start3A_50 = arith.constant 0 : i32
      %dma_start3A_51 = tpu.memref_slice %arg6[%run_scoped3A_5, %dma_start3A_49, %dma_start3A_50] : memref<2x8x125xi32, #tpu.memory_space<vmem>> -> memref<1x8x125xi32, #tpu.memory_space<vmem>>
      %dma_start3A_52 = tpu.memref_squeeze %dma_start3A_51 : memref<1x8x125xi32, #tpu.memory_space<vmem>> -> memref<8x125xi32, #tpu.memory_space<vmem>>
      %dma_start3A_53 = arith.constant 0 : i32
      %dma_start3A_54 = tpu.memref_slice %arg3[%run_scoped3A, %mul3A_2, %dma_start3A_53] : memref<2x2560x125xi32, #tpu.memory_space<hbm>> -> memref<1x8x125xi32, #tpu.memory_space<hbm>>
      %dma_start3A_55 = tpu.memref_squeeze %dma_start3A_54 : memref<1x8x125xi32, #tpu.memory_space<hbm>> -> memref<8x125xi32, #tpu.memory_space<hbm>>
      tpu.enqueue_dma source(%dma_start3A_55 : memref<8x125xi32, #tpu.memory_space<hbm>>) target(%dma_start3A_52 : memref<8x125xi32, #tpu.memory_space<vmem>>) target_semaphore(%run_scoped3A_41 : memref<!tpu.dma_semaphore, #tpu.memory_space<semaphore_mem>>)
      %dma_wait3A_56 = arith.constant 0 : i32
      %dma_wait3A_57 = arith.constant 0 : i32
      %dma_wait3A_58 = tpu.memref_slice %arg6[%run_scoped3A_5, %dma_wait3A_56, %dma_wait3A_57] : memref<2x8x125xi32, #tpu.memory_space<vmem>> -> memref<1x8x125xi32, #tpu.memory_space<vmem>>
      %dma_wait3A_59 = tpu.memref_squeeze %dma_wait3A_58 : memref<1x8x125xi32, #tpu.memory_space<vmem>> -> memref<8x125xi32, #tpu.memory_space<vmem>>
      %dma_wait3A_60 = arith.constant 0 : i32
      %dma_wait3A_61 = tpu.memref_slice %arg3[%run_scoped3A, %mul3A_2, %dma_wait3A_60] : memref<2x2560x125xi32, #tpu.memory_space<hbm>> -> memref<1x8x125xi32, #tpu.memory_space<hbm>>
      %dma_wait3A_62 = tpu.memref_squeeze %dma_wait3A_61 : memref<1x8x125xi32, #tpu.memory_space<hbm>> -> memref<8x125xi32, #tpu.memory_space<hbm>>
      %dma_wait3A_63 = arith.constant 0 : i32
      %dma_wait3A_64 = arith.constant 0 : i32
      %dma_wait3A_65 = tpu.memref_slice %arg6[%run_scoped3A_5, %dma_wait3A_63, %dma_wait3A_64] : memref<2x8x125xi32, #tpu.memory_space<vmem>> -> memref<1x8x125xi32, #tpu.memory_space<vmem>>
      %dma_wait3A_66 = tpu.memref_squeeze %dma_wait3A_65 : memref<1x8x125xi32, #tpu.memory_space<vmem>> -> memref<8x125xi32, #tpu.memory_space<vmem>>
      %dma_wait3A_67 = arith.constant 0 : i32
      %dma_wait3A_68 = tpu.memref_slice %arg3[%run_scoped3A, %mul3A_2, %dma_wait3A_67] : memref<2x2560x125xi32, #tpu.memory_space<hbm>> -> memref<1x8x125xi32, #tpu.memory_space<hbm>>
      %dma_wait3A_69 = tpu.memref_squeeze %dma_wait3A_68 : memref<1x8x125xi32, #tpu.memory_space<hbm>> -> memref<8x125xi32, #tpu.memory_space<hbm>>
      tpu.wait_dma2 semaphore(%run_scoped3A_41 : memref<!tpu.dma_semaphore, #tpu.memory_space<semaphore_mem>>) src(%dma_wait3A_69 : memref<8x125xi32, #tpu.memory_space<hbm>>) dst(%dma_wait3A_66 : memref<8x125xi32, #tpu.memory_space<vmem>>)
      tpu.yield
    }) : () -> ()
    %run_scoped3A_6 = arith.constant 1 : i32
    %run_scoped3A_7 = arith.constant 0 : i32
    "tpu.region"() ({
      %run_scoped3A_41 = tpu.sem_alloc : memref<!tpu.dma_semaphore, #tpu.memory_space<semaphore_mem>>
      %dma_start3A_42 = arith.constant 0 : i32
      %dma_start3A_43 = arith.constant 0 : i32
      %dma_start3A_44 = tpu.memref_slice %arg7[%run_scoped3A_7, %dma_start3A_42, %dma_start3A_43] : memref<2x8x125xi32, #tpu.memory_space<vmem>> -> memref<1x8x125xi32, #tpu.memory_space<vmem>>
      %dma_start3A_45 = tpu.memref_squeeze %dma_start3A_44 : memref<1x8x125xi32, #tpu.memory_space<vmem>> -> memref<8x125xi32, #tpu.memory_space<vmem>>
      %dma_start3A_46 = arith.constant 0 : i32
      %dma_start3A_47 = tpu.memref_slice %arg3[%run_scoped3A_6, %mul3A_2, %dma_start3A_46] : memref<2x2560x125xi32, #tpu.memory_space<hbm>> -> memref<1x8x125xi32, #tpu.memory_space<hbm>>
      %dma_start3A_48 = tpu.memref_squeeze %dma_start3A_47 : memref<1x8x125xi32, #tpu.memory_space<hbm>> -> memref<8x125xi32, #tpu.memory_space<hbm>>
      %dma_start3A_49 = arith.constant 0 : i32
      %dma_start3A_50 = arith.constant 0 : i32
      %dma_start3A_51 = tpu.memref_slice %arg7[%run_scoped3A_7, %dma_start3A_49, %dma_start3A_50] : memref<2x8x125xi32, #tpu.memory_space<vmem>> -> memref<1x8x125xi32, #tpu.memory_space<vmem>>
      %dma_start3A_52 = tpu.memref_squeeze %dma_start3A_51 : memref<1x8x125xi32, #tpu.memory_space<vmem>> -> memref<8x125xi32, #tpu.memory_space<vmem>>
      %dma_start3A_53 = arith.constant 0 : i32
      %dma_start3A_54 = tpu.memref_slice %arg3[%run_scoped3A_6, %mul3A_2, %dma_start3A_53] : memref<2x2560x125xi32, #tpu.memory_space<hbm>> -> memref<1x8x125xi32, #tpu.memory_space<hbm>>
      %dma_start3A_55 = tpu.memref_squeeze %dma_start3A_54 : memref<1x8x125xi32, #tpu.memory_space<hbm>> -> memref<8x125xi32, #tpu.memory_space<hbm>>
      tpu.enqueue_dma source(%dma_start3A_55 : memref<8x125xi32, #tpu.memory_space<hbm>>) target(%dma_start3A_52 : memref<8x125xi32, #tpu.memory_space<vmem>>) target_semaphore(%run_scoped3A_41 : memref<!tpu.dma_semaphore, #tpu.memory_space<semaphore_mem>>)
      %dma_wait3A_56 = arith.constant 0 : i32
      %dma_wait3A_57 = arith.constant 0 : i32
      %dma_wait3A_58 = tpu.memref_slice %arg7[%run_scoped3A_7, %dma_wait3A_56, %dma_wait3A_57] : memref<2x8x125xi32, #tpu.memory_space<vmem>> -> memref<1x8x125xi32, #tpu.memory_space<vmem>>
      %dma_wait3A_59 = tpu.memref_squeeze %dma_wait3A_58 : memref<1x8x125xi32, #tpu.memory_space<vmem>> -> memref<8x125xi32, #tpu.memory_space<vmem>>
      %dma_wait3A_60 = arith.constant 0 : i32
      %dma_wait3A_61 = tpu.memref_slice %arg3[%run_scoped3A_6, %mul3A_2, %dma_wait3A_60] : memref<2x2560x125xi32, #tpu.memory_space<hbm>> -> memref<1x8x125xi32, #tpu.memory_space<hbm>>
      %dma_wait3A_62 = tpu.memref_squeeze %dma_wait3A_61 : memref<1x8x125xi32, #tpu.memory_space<hbm>> -> memref<8x125xi32, #tpu.memory_space<hbm>>
      %dma_wait3A_63 = arith.constant 0 : i32
      %dma_wait3A_64 = arith.constant 0 : i32
      %dma_wait3A_65 = tpu.memref_slice %arg7[%run_scoped3A_7, %dma_wait3A_63, %dma_wait3A_64] : memref<2x8x125xi32, #tpu.memory_space<vmem>> -> memref<1x8x125xi32, #tpu.memory_space<vmem>>
      %dma_wait3A_66 = tpu.memref_squeeze %dma_wait3A_65 : memref<1x8x125xi32, #tpu.memory_space<vmem>> -> memref<8x125xi32, #tpu.memory_space<vmem>>
      %dma_wait3A_67 = arith.constant 0 : i32
      %dma_wait3A_68 = tpu.memref_slice %arg3[%run_scoped3A_6, %mul3A_2, %dma_wait3A_67] : memref<2x2560x125xi32, #tpu.memory_space<hbm>> -> memref<1x8x125xi32, #tpu.memory_space<hbm>>
      %dma_wait3A_69 = tpu.memref_squeeze %dma_wait3A_68 : memref<1x8x125xi32, #tpu.memory_space<hbm>> -> memref<8x125xi32, #tpu.memory_space<hbm>>
      tpu.wait_dma2 semaphore(%run_scoped3A_41 : memref<!tpu.dma_semaphore, #tpu.memory_space<semaphore_mem>>) src(%dma_wait3A_69 : memref<8x125xi32, #tpu.memory_space<hbm>>) dst(%dma_wait3A_66 : memref<8x125xi32, #tpu.memory_space<vmem>>)
      tpu.yield
    }) : () -> ()
    %barrier3A = arith.constant 0 : index
    tpu.barrier barrier_id(%barrier3A)
    %dma_start3A = arith.constant 0 : i32
    %dma_start3A_8 = arith.constant 0 : i32
    %dma_start3A_9 = arith.constant 0 : i32
    %dma_start3A_10 = arith.constant 0 : i32
    %dma_start3A_11 = arith.constant 0 : i32
    %dma_start3A_12 = tpu.memref_slice %arg8[%dma_start3A_9, %dma_start3A_10, %dma_start3A_11] : memref<2x125x128xf32, #tpu.memory_space<vmem>> -> memref<1x125x128xf32, #tpu.memory_space<vmem>>
    %dma_start3A_13 = tpu.memref_squeeze %dma_start3A_12 : memref<1x125x128xf32, #tpu.memory_space<vmem>> -> memref<125x128xf32, #tpu.memory_space<vmem>>
    %dma_start3A_14 = arith.constant 0 : i32
    %dma_start3A_15 = tpu.memref_slice %arg6[%dma_start3A, %dma_start3A_8, %dma_start3A_14] : memref<2x8x125xi32, #tpu.memory_space<vmem>> -> memref<1x1x125xi32, #tpu.memory_space<vmem>>
    %dma_start3A_16 = tpu.memref_squeeze %dma_start3A_15 : memref<1x1x125xi32, #tpu.memory_space<vmem>> -> memref<125xi32, #tpu.memory_space<vmem>>
    %dma_start3A_17 = arith.constant 0 : i32
    %dma_start3A_18 = arith.constant 0 : i32
    %dma_start3A_19 = tpu.memref_slice %arg2[%dma_start3A_17, %dma_start3A_18] : memref<10000x128xf32, #tpu.memory_space<hbm>> -> memref<10000x128xf32, #tpu.memory_space<hbm>>
    tpu.enqueue_indirect_dma source(%dma_start3A_19 : memref<10000x128xf32, #tpu.memory_space<hbm>>) target(%dma_start3A_13 : memref<125x128xf32, #tpu.memory_space<vmem>>) offsets(%dma_start3A_16 : memref<125xi32, #tpu.memory_space<vmem>>) semaphore(%arg11 : memref<!tpu.dma_semaphore, #tpu.memory_space<semaphore_mem>>)
    %scan3A = arith.constant 0 : i32
    %scan3A_20 = arith.constant 10 : i32
    %scan3A_21 = arith.addi %scan3A, %scan3A_20 : i32
    %scan3A_22 = arith.constant 1 : i32
    scf.for %scan3A_41 = %scan3A to %scan3A_21 step %scan3A_22  : i32 {
      %mul3A_42 = arith.constant 1 : i32
      %mul3A_43 = arith.muli %scan3A_41, %mul3A_42 : i32
      %add3A_44 = arith.constant 0 : i32
      %add3A_45 = arith.addi %add3A_44, %mul3A_43 : i32
      %rem3A = arith.constant 2 : i32
      %rem3A_46 = arith.remsi %add3A_45, %rem3A : i32
      %sub3A = arith.constant 1 : i32
      %sub3A_47 = arith.subi %sub3A, %rem3A_46 : i32
      %add3A_48 = arith.constant 1 : i32
      %add3A_49 = arith.addi %add3A_45, %add3A_48 : i32
      %lt3A = arith.constant 10 : i32
      %lt3A_50 = arith.cmpi slt, %add3A_49, %lt3A : i32
      %convert_element_type3A = arith.extui %lt3A_50 : i1 to i32
      %cond3A = arith.constant 0 : i32
      %cond3A_51 = arith.cmpi ne, %convert_element_type3A, %cond3A : i32
      scf.if %cond3A_51 {
        %add3A_423 = arith.constant 1 : i32
        %add3A_424 = arith.addi %add3A_45, %add3A_423 : i32
        %mul3A_425 = arith.constant 8 : i32
        %mul3A_426 = arith.muli %add3A_424, %mul3A_425 : i32
        %add3A_427 = arith.addi %mul3A_2, %mul3A_426 : i32
        %dma_start3A_428 = arith.constant 0 : i32
        %dma_start3A_429 = arith.constant 0 : i32
        %dma_start3A_430 = arith.constant 0 : i32
        %dma_start3A_431 = tpu.memref_slice %arg6[%sub3A_47, %dma_start3A_429, %dma_start3A_430] : memref<2x8x125xi32, #tpu.memory_space<vmem>> -> memref<1x8x125xi32, #tpu.memory_space<vmem>>
        %dma_start3A_432 = tpu.memref_squeeze %dma_start3A_431 : memref<1x8x125xi32, #tpu.memory_space<vmem>> -> memref<8x125xi32, #tpu.memory_space<vmem>>
        %dma_start3A_433 = arith.constant 0 : i32
        %dma_start3A_434 = tpu.memref_slice %arg3[%dma_start3A_428, %add3A_427, %dma_start3A_433] : memref<2x2560x125xi32, #tpu.memory_space<hbm>> -> memref<1x8x125xi32, #tpu.memory_space<hbm>>
        %dma_start3A_435 = tpu.memref_squeeze %dma_start3A_434 : memref<1x8x125xi32, #tpu.memory_space<hbm>> -> memref<8x125xi32, #tpu.memory_space<hbm>>
        %dma_start3A_436 = arith.constant 0 : i32
        %dma_start3A_437 = arith.constant 0 : i32
        %dma_start3A_438 = tpu.memref_slice %arg6[%sub3A_47, %dma_start3A_436, %dma_start3A_437] : memref<2x8x125xi32, #tpu.memory_space<vmem>> -> memref<1x8x125xi32, #tpu.memory_space<vmem>>
        %dma_start3A_439 = tpu.memref_squeeze %dma_start3A_438 : memref<1x8x125xi32, #tpu.memory_space<vmem>> -> memref<8x125xi32, #tpu.memory_space<vmem>>
        %dma_start3A_440 = arith.constant 0 : i32
        %dma_start3A_441 = tpu.memref_slice %arg3[%dma_start3A_428, %add3A_427, %dma_start3A_440] : memref<2x2560x125xi32, #tpu.memory_space<hbm>> -> memref<1x8x125xi32, #tpu.memory_space<hbm>>
        %dma_start3A_442 = tpu.memref_squeeze %dma_start3A_441 : memref<1x8x125xi32, #tpu.memory_space<hbm>> -> memref<8x125xi32, #tpu.memory_space<hbm>>
        tpu.enqueue_dma source(%dma_start3A_442 : memref<8x125xi32, #tpu.memory_space<hbm>>) target(%dma_start3A_439 : memref<8x125xi32, #tpu.memory_space<vmem>>) target_semaphore(%arg10 : memref<!tpu.dma_semaphore, #tpu.memory_space<semaphore_mem>>)
        %add3A_443 = arith.constant 1 : i32
        %add3A_444 = arith.addi %add3A_45, %add3A_443 : i32
        %mul3A_445 = arith.constant 8 : i32
        %mul3A_446 = arith.muli %add3A_444, %mul3A_445 : i32
        %add3A_447 = arith.addi %mul3A_2, %mul3A_446 : i32
        %dma_start3A_448 = arith.constant 1 : i32
        %dma_start3A_449 = arith.constant 0 : i32
        %dma_start3A_450 = arith.constant 0 : i32
        %dma_start3A_451 = tpu.memref_slice %arg7[%sub3A_47, %dma_start3A_449, %dma_start3A_450] : memref<2x8x125xi32, #tpu.memory_space<vmem>> -> memref<1x8x125xi32, #tpu.memory_space<vmem>>
        %dma_start3A_452 = tpu.memref_squeeze %dma_start3A_451 : memref<1x8x125xi32, #tpu.memory_space<vmem>> -> memref<8x125xi32, #tpu.memory_space<vmem>>
        %dma_start3A_453 = arith.constant 0 : i32
        %dma_start3A_454 = tpu.memref_slice %arg3[%dma_start3A_448, %add3A_447, %dma_start3A_453] : memref<2x2560x125xi32, #tpu.memory_space<hbm>> -> memref<1x8x125xi32, #tpu.memory_space<hbm>>
        %dma_start3A_455 = tpu.memref_squeeze %dma_start3A_454 : memref<1x8x125xi32, #tpu.memory_space<hbm>> -> memref<8x125xi32, #tpu.memory_space<hbm>>
        %dma_start3A_456 = arith.constant 0 : i32
        %dma_start3A_457 = arith.constant 0 : i32
        %dma_start3A_458 = tpu.memref_slice %arg7[%sub3A_47, %dma_start3A_456, %dma_start3A_457] : memref<2x8x125xi32, #tpu.memory_space<vmem>> -> memref<1x8x125xi32, #tpu.memory_space<vmem>>
        %dma_start3A_459 = tpu.memref_squeeze %dma_start3A_458 : memref<1x8x125xi32, #tpu.memory_space<vmem>> -> memref<8x125xi32, #tpu.memory_space<vmem>>
        %dma_start3A_460 = arith.constant 0 : i32
        %dma_start3A_461 = tpu.memref_slice %arg3[%dma_start3A_448, %add3A_447, %dma_start3A_460] : memref<2x2560x125xi32, #tpu.memory_space<hbm>> -> memref<1x8x125xi32, #tpu.memory_space<hbm>>
        %dma_start3A_462 = tpu.memref_squeeze %dma_start3A_461 : memref<1x8x125xi32, #tpu.memory_space<hbm>> -> memref<8x125xi32, #tpu.memory_space<hbm>>
        tpu.enqueue_dma source(%dma_start3A_462 : memref<8x125xi32, #tpu.memory_space<hbm>>) target(%dma_start3A_459 : memref<8x125xi32, #tpu.memory_space<vmem>>) target_semaphore(%arg10 : memref<!tpu.dma_semaphore, #tpu.memory_space<semaphore_mem>>)
      } else {
      }
      %gt3A = arith.constant 0 : i32
      %gt3A_52 = arith.cmpi sgt, %add3A_45, %gt3A : i32
      %convert_element_type3A_53 = arith.extui %gt3A_52 : i1 to i32
      %cond3A_54 = arith.constant 0 : i32
      %cond3A_55 = arith.cmpi ne, %convert_element_type3A_53, %cond3A_54 : i32
      scf.if %cond3A_55 {
        %dma_wait3A_423 = arith.constant 1 : i32
        %dma_wait3A_424 = arith.constant 0 : i32
        %dma_wait3A_425 = arith.constant 0 : i32
        %dma_wait3A_426 = arith.constant 0 : i32
        %dma_wait3A_427 = tpu.memref_slice %arg8[%dma_wait3A_423, %dma_wait3A_425, %dma_wait3A_426] : memref<2x125x128xf32, #tpu.memory_space<vmem>> -> memref<1x125x128xf32, #tpu.memory_space<vmem>>
        %dma_wait3A_428 = tpu.memref_squeeze %dma_wait3A_427 : memref<1x125x128xf32, #tpu.memory_space<vmem>> -> memref<125x128xf32, #tpu.memory_space<vmem>>
        %dma_wait3A_429 = arith.constant 0 : i32
        %dma_wait3A_430 = tpu.memref_slice %arg7[%rem3A_46, %dma_wait3A_424, %dma_wait3A_429] : memref<2x8x125xi32, #tpu.memory_space<vmem>> -> memref<1x1x125xi32, #tpu.memory_space<vmem>>
        %dma_wait3A_431 = tpu.memref_squeeze %dma_wait3A_430 : memref<1x1x125xi32, #tpu.memory_space<vmem>> -> memref<125xi32, #tpu.memory_space<vmem>>
        %dma_wait3A_432 = arith.constant 0 : i32
        %dma_wait3A_433 = arith.constant 0 : i32
        %dma_wait3A_434 = tpu.memref_slice %arg9[%dma_wait3A_432, %dma_wait3A_433] : memref<10240x128xf32, #tpu.memory_space<vmem_shared>> -> memref<10240x128xf32, #tpu.memory_space<vmem_shared>>
        tpu.wait_indirect_dma semaphore(%arg14 : memref<!tpu.dma_semaphore, #tpu.memory_space<semaphore_mem>>) src(%dma_wait3A_428 : memref<125x128xf32, #tpu.memory_space<vmem>>) dst(%dma_wait3A_434 : memref<10240x128xf32, #tpu.memory_space<vmem_shared>>)
      } else {
      }
      %dma_start3A_56 = arith.constant 1 : i32
      %dma_start3A_57 = arith.constant 1 : i32
      %dma_start3A_58 = arith.constant 0 : i32
      %dma_start3A_59 = arith.constant 0 : i32
      %dma_start3A_60 = tpu.memref_slice %arg8[%dma_start3A_57, %dma_start3A_58, %dma_start3A_59] : memref<2x125x128xf32, #tpu.memory_space<vmem>> -> memref<1x125x128xf32, #tpu.memory_space<vmem>>
      %dma_start3A_61 = tpu.memref_squeeze %dma_start3A_60 : memref<1x125x128xf32, #tpu.memory_space<vmem>> -> memref<125x128xf32, #tpu.memory_space<vmem>>
      %dma_start3A_62 = arith.constant 0 : i32
      %dma_start3A_63 = tpu.memref_slice %arg6[%rem3A_46, %dma_start3A_56, %dma_start3A_62] : memref<2x8x125xi32, #tpu.memory_space<vmem>> -> memref<1x1x125xi32, #tpu.memory_space<vmem>>
      %dma_start3A_64 = tpu.memref_squeeze %dma_start3A_63 : memref<1x1x125xi32, #tpu.memory_space<vmem>> -> memref<125xi32, #tpu.memory_space<vmem>>
      %dma_start3A_65 = arith.constant 0 : i32
      %dma_start3A_66 = arith.constant 0 : i32
      %dma_start3A_67 = tpu.memref_slice %arg2[%dma_start3A_65, %dma_start3A_66] : memref<10000x128xf32, #tpu.memory_space<hbm>> -> memref<10000x128xf32, #tpu.memory_space<hbm>>
      tpu.enqueue_indirect_dma source(%dma_start3A_67 : memref<10000x128xf32, #tpu.memory_space<hbm>>) target(%dma_start3A_61 : memref<125x128xf32, #tpu.memory_space<vmem>>) offsets(%dma_start3A_64 : memref<125xi32, #tpu.memory_space<vmem>>) semaphore(%arg12 : memref<!tpu.dma_semaphore, #tpu.memory_space<semaphore_mem>>)
      %dma_wait3A_68 = arith.constant 0 : i32
      %dma_wait3A_69 = arith.constant 0 : i32
      %dma_wait3A_70 = arith.constant 0 : i32
      %dma_wait3A_71 = arith.constant 0 : i32
      %dma_wait3A_72 = tpu.memref_slice %arg8[%dma_wait3A_69, %dma_wait3A_70, %dma_wait3A_71] : memref<2x125x128xf32, #tpu.memory_space<vmem>> -> memref<1x125x128xf32, #tpu.memory_space<vmem>>
      %dma_wait3A_73 = tpu.memref_squeeze %dma_wait3A_72 : memref<1x125x128xf32, #tpu.memory_space<vmem>> -> memref<125x128xf32, #tpu.memory_space<vmem>>
      %dma_wait3A_74 = arith.constant 0 : i32
      %dma_wait3A_75 = tpu.memref_slice %arg6[%rem3A_46, %dma_wait3A_68, %dma_wait3A_74] : memref<2x8x125xi32, #tpu.memory_space<vmem>> -> memref<1x1x125xi32, #tpu.memory_space<vmem>>
      %dma_wait3A_76 = tpu.memref_squeeze %dma_wait3A_75 : memref<1x1x125xi32, #tpu.memory_space<vmem>> -> memref<125xi32, #tpu.memory_space<vmem>>
      %dma_wait3A_77 = arith.constant 0 : i32
      %dma_wait3A_78 = arith.constant 0 : i32
      %dma_wait3A_79 = tpu.memref_slice %arg2[%dma_wait3A_77, %dma_wait3A_78] : memref<10000x128xf32, #tpu.memory_space<hbm>> -> memref<10000x128xf32, #tpu.memory_space<hbm>>
      tpu.wait_indirect_dma semaphore(%arg11 : memref<!tpu.dma_semaphore, #tpu.memory_space<semaphore_mem>>) src(%dma_wait3A_79 : memref<10000x128xf32, #tpu.memory_space<hbm>>) dst(%dma_wait3A_73 : memref<125x128xf32, #tpu.memory_space<vmem>>)
      %dma_start3A_80 = arith.constant 0 : i32
      %dma_start3A_81 = arith.constant 0 : i32
      %dma_start3A_82 = arith.constant 0 : i32
      %dma_start3A_83 = arith.constant 0 : i32
      %dma_start3A_84 = tpu.memref_slice %arg8[%dma_start3A_80, %dma_start3A_82, %dma_start3A_83] : memref<2x125x128xf32, #tpu.memory_space<vmem>> -> memref<1x125x128xf32, #tpu.memory_space<vmem>>
      %dma_start3A_85 = tpu.memref_squeeze %dma_start3A_84 : memref<1x125x128xf32, #tpu.memory_space<vmem>> -> memref<125x128xf32, #tpu.memory_space<vmem>>
      %dma_start3A_86 = arith.constant 0 : i32
      %dma_start3A_87 = tpu.memref_slice %arg7[%rem3A_46, %dma_start3A_81, %dma_start3A_86] : memref<2x8x125xi32, #tpu.memory_space<vmem>> -> memref<1x1x125xi32, #tpu.memory_space<vmem>>
      %dma_start3A_88 = tpu.memref_squeeze %dma_start3A_87 : memref<1x1x125xi32, #tpu.memory_space<vmem>> -> memref<125xi32, #tpu.memory_space<vmem>>
      %dma_start3A_89 = arith.constant 0 : i32
      %dma_start3A_90 = arith.constant 0 : i32
      %dma_start3A_91 = tpu.memref_slice %arg9[%dma_start3A_89, %dma_start3A_90] : memref<10240x128xf32, #tpu.memory_space<vmem_shared>> -> memref<10240x128xf32, #tpu.memory_space<vmem_shared>>
      tpu.enqueue_indirect_dma source(%dma_start3A_85 : memref<125x128xf32, #tpu.memory_space<vmem>>) target(%dma_start3A_91 : memref<10240x128xf32, #tpu.memory_space<vmem_shared>>) offsets(%dma_start3A_88 : memref<125xi32, #tpu.memory_space<vmem>>) semaphore(%arg13 : memref<!tpu.dma_semaphore, #tpu.memory_space<semaphore_mem>>) {add = true}
      %dma_wait3A_92 = arith.constant 0 : i32
      %dma_wait3A_93 = arith.constant 1 : i32
      %dma_wait3A_94 = arith.constant 0 : i32
      %dma_wait3A_95 = arith.constant 0 : i32
      %dma_wait3A_96 = tpu.memref_slice %arg8[%dma_wait3A_92, %dma_wait3A_94, %dma_wait3A_95] : memref<2x125x128xf32, #tpu.memory_space<vmem>> -> memref<1x125x128xf32, #tpu.memory_space<vmem>>
      %dma_wait3A_97 = tpu.memref_squeeze %dma_wait3A_96 : memref<1x125x128xf32, #tpu.memory_space<vmem>> -> memref<125x128xf32, #tpu.memory_space<vmem>>
      %dma_wait3A_98 = arith.constant 0 : i32
      %dma_wait3A_99 = tpu.memref_slice %arg7[%rem3A_46, %dma_wait3A_93, %dma_wait3A_98] : memref<2x8x125xi32, #tpu.memory_space<vmem>> -> memref<1x1x125xi32, #tpu.memory_space<vmem>>
      %dma_wait3A_100 = tpu.memref_squeeze %dma_wait3A_99 : memref<1x1x125xi32, #tpu.memory_space<vmem>> -> memref<125xi32, #tpu.memory_space<vmem>>
      %dma_wait3A_101 = arith.constant 0 : i32
      %dma_wait3A_102 = arith.constant 0 : i32
      %dma_wait3A_103 = tpu.memref_slice %arg9[%dma_wait3A_101, %dma_wait3A_102] : memref<10240x128xf32, #tpu.memory_space<vmem_shared>> -> memref<10240x128xf32, #tpu.memory_space<vmem_shared>>
      tpu.wait_indirect_dma semaphore(%arg13 : memref<!tpu.dma_semaphore, #tpu.memory_space<semaphore_mem>>) src(%dma_wait3A_97 : memref<125x128xf32, #tpu.memory_space<vmem>>) dst(%dma_wait3A_103 : memref<10240x128xf32, #tpu.memory_space<vmem_shared>>)
      %dma_start3A_104 = arith.constant 2 : i32
      %dma_start3A_105 = arith.constant 0 : i32
      %dma_start3A_106 = arith.constant 0 : i32
      %dma_start3A_107 = arith.constant 0 : i32
      %dma_start3A_108 = tpu.memref_slice %arg8[%dma_start3A_105, %dma_start3A_106, %dma_start3A_107] : memref<2x125x128xf32, #tpu.memory_space<vmem>> -> memref<1x125x128xf32, #tpu.memory_space<vmem>>
      %dma_start3A_109 = tpu.memref_squeeze %dma_start3A_108 : memref<1x125x128xf32, #tpu.memory_space<vmem>> -> memref<125x128xf32, #tpu.memory_space<vmem>>
      %dma_start3A_110 = arith.constant 0 : i32
      %dma_start3A_111 = tpu.memref_slice %arg6[%rem3A_46, %dma_start3A_104, %dma_start3A_110] : memref<2x8x125xi32, #tpu.memory_space<vmem>> -> memref<1x1x125xi32, #tpu.memory_space<vmem>>
      %dma_start3A_112 = tpu.memref_squeeze %dma_start3A_111 : memref<1x1x125xi32, #tpu.memory_space<vmem>> -> memref<125xi32, #tpu.memory_space<vmem>>
      %dma_start3A_113 = arith.constant 0 : i32
      %dma_start3A_114 = arith.constant 0 : i32
      %dma_start3A_115 = tpu.memref_slice %arg2[%dma_start3A_113, %dma_start3A_114] : memref<10000x128xf32, #tpu.memory_space<hbm>> -> memref<10000x128xf32, #tpu.memory_space<hbm>>
      tpu.enqueue_indirect_dma source(%dma_start3A_115 : memref<10000x128xf32, #tpu.memory_space<hbm>>) target(%dma_start3A_109 : memref<125x128xf32, #tpu.memory_space<vmem>>) offsets(%dma_start3A_112 : memref<125xi32, #tpu.memory_space<vmem>>) semaphore(%arg11 : memref<!tpu.dma_semaphore, #tpu.memory_space<semaphore_mem>>)
      %dma_wait3A_116 = arith.constant 1 : i32
      %dma_wait3A_117 = arith.constant 1 : i32
      %dma_wait3A_118 = arith.constant 0 : i32
      %dma_wait3A_119 = arith.constant 0 : i32
      %dma_wait3A_120 = tpu.memref_slice %arg8[%dma_wait3A_117, %dma_wait3A_118, %dma_wait3A_119] : memref<2x125x128xf32, #tpu.memory_space<vmem>> -> memref<1x125x128xf32, #tpu.memory_space<vmem>>
      %dma_wait3A_121 = tpu.memref_squeeze %dma_wait3A_120 : memref<1x125x128xf32, #tpu.memory_space<vmem>> -> memref<125x128xf32, #tpu.memory_space<vmem>>
      %dma_wait3A_122 = arith.constant 0 : i32
      %dma_wait3A_123 = tpu.memref_slice %arg6[%rem3A_46, %dma_wait3A_116, %dma_wait3A_122] : memref<2x8x125xi32, #tpu.memory_space<vmem>> -> memref<1x1x125xi32, #tpu.memory_space<vmem>>
      %dma_wait3A_124 = tpu.memref_squeeze %dma_wait3A_123 : memref<1x1x125xi32, #tpu.memory_space<vmem>> -> memref<125xi32, #tpu.memory_space<vmem>>
      %dma_wait3A_125 = arith.constant 0 : i32
      %dma_wait3A_126 = arith.constant 0 : i32
      %dma_wait3A_127 = tpu.memref_slice %arg2[%dma_wait3A_125, %dma_wait3A_126] : memref<10000x128xf32, #tpu.memory_space<hbm>> -> memref<10000x128xf32, #tpu.memory_space<hbm>>
      tpu.wait_indirect_dma semaphore(%arg12 : memref<!tpu.dma_semaphore, #tpu.memory_space<semaphore_mem>>) src(%dma_wait3A_127 : memref<10000x128xf32, #tpu.memory_space<hbm>>) dst(%dma_wait3A_121 : memref<125x128xf32, #tpu.memory_space<vmem>>)
      %dma_start3A_128 = arith.constant 1 : i32
      %dma_start3A_129 = arith.constant 1 : i32
      %dma_start3A_130 = arith.constant 0 : i32
      %dma_start3A_131 = arith.constant 0 : i32
      %dma_start3A_132 = tpu.memref_slice %arg8[%dma_start3A_128, %dma_start3A_130, %dma_start3A_131] : memref<2x125x128xf32, #tpu.memory_space<vmem>> -> memref<1x125x128xf32, #tpu.memory_space<vmem>>
      %dma_start3A_133 = tpu.memref_squeeze %dma_start3A_132 : memref<1x125x128xf32, #tpu.memory_space<vmem>> -> memref<125x128xf32, #tpu.memory_space<vmem>>
      %dma_start3A_134 = arith.constant 0 : i32
      %dma_start3A_135 = tpu.memref_slice %arg7[%rem3A_46, %dma_start3A_129, %dma_start3A_134] : memref<2x8x125xi32, #tpu.memory_space<vmem>> -> memref<1x1x125xi32, #tpu.memory_space<vmem>>
      %dma_start3A_136 = tpu.memref_squeeze %dma_start3A_135 : memref<1x1x125xi32, #tpu.memory_space<vmem>> -> memref<125xi32, #tpu.memory_space<vmem>>
      %dma_start3A_137 = arith.constant 0 : i32
      %dma_start3A_138 = arith.constant 0 : i32
      %dma_start3A_139 = tpu.memref_slice %arg9[%dma_start3A_137, %dma_start3A_138] : memref<10240x128xf32, #tpu.memory_space<vmem_shared>> -> memref<10240x128xf32, #tpu.memory_space<vmem_shared>>
      tpu.enqueue_indirect_dma source(%dma_start3A_133 : memref<125x128xf32, #tpu.memory_space<vmem>>) target(%dma_start3A_139 : memref<10240x128xf32, #tpu.memory_space<vmem_shared>>) offsets(%dma_start3A_136 : memref<125xi32, #tpu.memory_space<vmem>>) semaphore(%arg14 : memref<!tpu.dma_semaphore, #tpu.memory_space<semaphore_mem>>) {add = true}
      %dma_wait3A_140 = arith.constant 1 : i32
      %dma_wait3A_141 = arith.constant 2 : i32
      %dma_wait3A_142 = arith.constant 0 : i32
      %dma_wait3A_143 = arith.constant 0 : i32
      %dma_wait3A_144 = tpu.memref_slice %arg8[%dma_wait3A_140, %dma_wait3A_142, %dma_wait3A_143] : memref<2x125x128xf32, #tpu.memory_space<vmem>> -> memref<1x125x128xf32, #tpu.memory_space<vmem>>
      %dma_wait3A_145 = tpu.memref_squeeze %dma_wait3A_144 : memref<1x125x128xf32, #tpu.memory_space<vmem>> -> memref<125x128xf32, #tpu.memory_space<vmem>>
      %dma_wait3A_146 = arith.constant 0 : i32
      %dma_wait3A_147 = tpu.memref_slice %arg7[%rem3A_46, %dma_wait3A_141, %dma_wait3A_146] : memref<2x8x125xi32, #tpu.memory_space<vmem>> -> memref<1x1x125xi32, #tpu.memory_space<vmem>>
      %dma_wait3A_148 = tpu.memref_squeeze %dma_wait3A_147 : memref<1x1x125xi32, #tpu.memory_space<vmem>> -> memref<125xi32, #tpu.memory_space<vmem>>
      %dma_wait3A_149 = arith.constant 0 : i32
      %dma_wait3A_150 = arith.constant 0 : i32
      %dma_wait3A_151 = tpu.memref_slice %arg9[%dma_wait3A_149, %dma_wait3A_150] : memref<10240x128xf32, #tpu.memory_space<vmem_shared>> -> memref<10240x128xf32, #tpu.memory_space<vmem_shared>>
      tpu.wait_indirect_dma semaphore(%arg14 : memref<!tpu.dma_semaphore, #tpu.memory_space<semaphore_mem>>) src(%dma_wait3A_145 : memref<125x128xf32, #tpu.memory_space<vmem>>) dst(%dma_wait3A_151 : memref<10240x128xf32, #tpu.memory_space<vmem_shared>>)
      %dma_start3A_152 = arith.constant 3 : i32
      %dma_start3A_153 = arith.constant 1 : i32
      %dma_start3A_154 = arith.constant 0 : i32
      %dma_start3A_155 = arith.constant 0 : i32
      %dma_start3A_156 = tpu.memref_slice %arg8[%dma_start3A_153, %dma_start3A_154, %dma_start3A_155] : memref<2x125x128xf32, #tpu.memory_space<vmem>> -> memref<1x125x128xf32, #tpu.memory_space<vmem>>
      %dma_start3A_157 = tpu.memref_squeeze %dma_start3A_156 : memref<1x125x128xf32, #tpu.memory_space<vmem>> -> memref<125x128xf32, #tpu.memory_space<vmem>>
      %dma_start3A_158 = arith.constant 0 : i32
      %dma_start3A_159 = tpu.memref_slice %arg6[%rem3A_46, %dma_start3A_152, %dma_start3A_158] : memref<2x8x125xi32, #tpu.memory_space<vmem>> -> memref<1x1x125xi32, #tpu.memory_space<vmem>>
      %dma_start3A_160 = tpu.memref_squeeze %dma_start3A_159 : memref<1x1x125xi32, #tpu.memory_space<vmem>> -> memref<125xi32, #tpu.memory_space<vmem>>
      %dma_start3A_161 = arith.constant 0 : i32
      %dma_start3A_162 = arith.constant 0 : i32
      %dma_start3A_163 = tpu.memref_slice %arg2[%dma_start3A_161, %dma_start3A_162] : memref<10000x128xf32, #tpu.memory_space<hbm>> -> memref<10000x128xf32, #tpu.memory_space<hbm>>
      tpu.enqueue_indirect_dma source(%dma_start3A_163 : memref<10000x128xf32, #tpu.memory_space<hbm>>) target(%dma_start3A_157 : memref<125x128xf32, #tpu.memory_space<vmem>>) offsets(%dma_start3A_160 : memref<125xi32, #tpu.memory_space<vmem>>) semaphore(%arg12 : memref<!tpu.dma_semaphore, #tpu.memory_space<semaphore_mem>>)
      %dma_wait3A_164 = arith.constant 2 : i32
      %dma_wait3A_165 = arith.constant 0 : i32
      %dma_wait3A_166 = arith.constant 0 : i32
      %dma_wait3A_167 = arith.constant 0 : i32
      %dma_wait3A_168 = tpu.memref_slice %arg8[%dma_wait3A_165, %dma_wait3A_166, %dma_wait3A_167] : memref<2x125x128xf32, #tpu.memory_space<vmem>> -> memref<1x125x128xf32, #tpu.memory_space<vmem>>
      %dma_wait3A_169 = tpu.memref_squeeze %dma_wait3A_168 : memref<1x125x128xf32, #tpu.memory_space<vmem>> -> memref<125x128xf32, #tpu.memory_space<vmem>>
      %dma_wait3A_170 = arith.constant 0 : i32
      %dma_wait3A_171 = tpu.memref_slice %arg6[%rem3A_46, %dma_wait3A_164, %dma_wait3A_170] : memref<2x8x125xi32, #tpu.memory_space<vmem>> -> memref<1x1x125xi32, #tpu.memory_space<vmem>>
      %dma_wait3A_172 = tpu.memref_squeeze %dma_wait3A_171 : memref<1x1x125xi32, #tpu.memory_space<vmem>> -> memref<125xi32, #tpu.memory_space<vmem>>
      %dma_wait3A_173 = arith.constant 0 : i32
      %dma_wait3A_174 = arith.constant 0 : i32
      %dma_wait3A_175 = tpu.memref_slice %arg2[%dma_wait3A_173, %dma_wait3A_174] : memref<10000x128xf32, #tpu.memory_space<hbm>> -> memref<10000x128xf32, #tpu.memory_space<hbm>>
      tpu.wait_indirect_dma semaphore(%arg11 : memref<!tpu.dma_semaphore, #tpu.memory_space<semaphore_mem>>) src(%dma_wait3A_175 : memref<10000x128xf32, #tpu.memory_space<hbm>>) dst(%dma_wait3A_169 : memref<125x128xf32, #tpu.memory_space<vmem>>)
      %dma_start3A_176 = arith.constant 0 : i32
      %dma_start3A_177 = arith.constant 2 : i32
      %dma_start3A_178 = arith.constant 0 : i32
      %dma_start3A_179 = arith.constant 0 : i32
      %dma_start3A_180 = tpu.memref_slice %arg8[%dma_start3A_176, %dma_start3A_178, %dma_start3A_179] : memref<2x125x128xf32, #tpu.memory_space<vmem>> -> memref<1x125x128xf32, #tpu.memory_space<vmem>>
      %dma_start3A_181 = tpu.memref_squeeze %dma_start3A_180 : memref<1x125x128xf32, #tpu.memory_space<vmem>> -> memref<125x128xf32, #tpu.memory_space<vmem>>
      %dma_start3A_182 = arith.constant 0 : i32
      %dma_start3A_183 = tpu.memref_slice %arg7[%rem3A_46, %dma_start3A_177, %dma_start3A_182] : memref<2x8x125xi32, #tpu.memory_space<vmem>> -> memref<1x1x125xi32, #tpu.memory_space<vmem>>
      %dma_start3A_184 = tpu.memref_squeeze %dma_start3A_183 : memref<1x1x125xi32, #tpu.memory_space<vmem>> -> memref<125xi32, #tpu.memory_space<vmem>>
      %dma_start3A_185 = arith.constant 0 : i32
      %dma_start3A_186 = arith.constant 0 : i32
      %dma_start3A_187 = tpu.memref_slice %arg9[%dma_start3A_185, %dma_start3A_186] : memref<10240x128xf32, #tpu.memory_space<vmem_shared>> -> memref<10240x128xf32, #tpu.memory_space<vmem_shared>>
      tpu.enqueue_indirect_dma source(%dma_start3A_181 : memref<125x128xf32, #tpu.memory_space<vmem>>) target(%dma_start3A_187 : memref<10240x128xf32, #tpu.memory_space<vmem_shared>>) offsets(%dma_start3A_184 : memref<125xi32, #tpu.memory_space<vmem>>) semaphore(%arg13 : memref<!tpu.dma_semaphore, #tpu.memory_space<semaphore_mem>>) {add = true}
      %dma_wait3A_188 = arith.constant 0 : i32
      %dma_wait3A_189 = arith.constant 3 : i32
      %dma_wait3A_190 = arith.constant 0 : i32
      %dma_wait3A_191 = arith.constant 0 : i32
      %dma_wait3A_192 = tpu.memref_slice %arg8[%dma_wait3A_188, %dma_wait3A_190, %dma_wait3A_191] : memref<2x125x128xf32, #tpu.memory_space<vmem>> -> memref<1x125x128xf32, #tpu.memory_space<vmem>>
      %dma_wait3A_193 = tpu.memref_squeeze %dma_wait3A_192 : memref<1x125x128xf32, #tpu.memory_space<vmem>> -> memref<125x128xf32, #tpu.memory_space<vmem>>
      %dma_wait3A_194 = arith.constant 0 : i32
      %dma_wait3A_195 = tpu.memref_slice %arg7[%rem3A_46, %dma_wait3A_189, %dma_wait3A_194] : memref<2x8x125xi32, #tpu.memory_space<vmem>> -> memref<1x1x125xi32, #tpu.memory_space<vmem>>
      %dma_wait3A_196 = tpu.memref_squeeze %dma_wait3A_195 : memref<1x1x125xi32, #tpu.memory_space<vmem>> -> memref<125xi32, #tpu.memory_space<vmem>>
      %dma_wait3A_197 = arith.constant 0 : i32
      %dma_wait3A_198 = arith.constant 0 : i32
      %dma_wait3A_199 = tpu.memref_slice %arg9[%dma_wait3A_197, %dma_wait3A_198] : memref<10240x128xf32, #tpu.memory_space<vmem_shared>> -> memref<10240x128xf32, #tpu.memory_space<vmem_shared>>
      tpu.wait_indirect_dma semaphore(%arg13 : memref<!tpu.dma_semaphore, #tpu.memory_space<semaphore_mem>>) src(%dma_wait3A_193 : memref<125x128xf32, #tpu.memory_space<vmem>>) dst(%dma_wait3A_199 : memref<10240x128xf32, #tpu.memory_space<vmem_shared>>)
      %dma_start3A_200 = arith.constant 4 : i32
      %dma_start3A_201 = arith.constant 0 : i32
      %dma_start3A_202 = arith.constant 0 : i32
      %dma_start3A_203 = arith.constant 0 : i32
      %dma_start3A_204 = tpu.memref_slice %arg8[%dma_start3A_201, %dma_start3A_202, %dma_start3A_203] : memref<2x125x128xf32, #tpu.memory_space<vmem>> -> memref<1x125x128xf32, #tpu.memory_space<vmem>>
      %dma_start3A_205 = tpu.memref_squeeze %dma_start3A_204 : memref<1x125x128xf32, #tpu.memory_space<vmem>> -> memref<125x128xf32, #tpu.memory_space<vmem>>
      %dma_start3A_206 = arith.constant 0 : i32
      %dma_start3A_207 = tpu.memref_slice %arg6[%rem3A_46, %dma_start3A_200, %dma_start3A_206] : memref<2x8x125xi32, #tpu.memory_space<vmem>> -> memref<1x1x125xi32, #tpu.memory_space<vmem>>
      %dma_start3A_208 = tpu.memref_squeeze %dma_start3A_207 : memref<1x1x125xi32, #tpu.memory_space<vmem>> -> memref<125xi32, #tpu.memory_space<vmem>>
      %dma_start3A_209 = arith.constant 0 : i32
      %dma_start3A_210 = arith.constant 0 : i32
      %dma_start3A_211 = tpu.memref_slice %arg2[%dma_start3A_209, %dma_start3A_210] : memref<10000x128xf32, #tpu.memory_space<hbm>> -> memref<10000x128xf32, #tpu.memory_space<hbm>>
      tpu.enqueue_indirect_dma source(%dma_start3A_211 : memref<10000x128xf32, #tpu.memory_space<hbm>>) target(%dma_start3A_205 : memref<125x128xf32, #tpu.memory_space<vmem>>) offsets(%dma_start3A_208 : memref<125xi32, #tpu.memory_space<vmem>>) semaphore(%arg11 : memref<!tpu.dma_semaphore, #tpu.memory_space<semaphore_mem>>)
      %dma_wait3A_212 = arith.constant 3 : i32
      %dma_wait3A_213 = arith.constant 1 : i32
      %dma_wait3A_214 = arith.constant 0 : i32
      %dma_wait3A_215 = arith.constant 0 : i32
      %dma_wait3A_216 = tpu.memref_slice %arg8[%dma_wait3A_213, %dma_wait3A_214, %dma_wait3A_215] : memref<2x125x128xf32, #tpu.memory_space<vmem>> -> memref<1x125x128xf32, #tpu.memory_space<vmem>>
      %dma_wait3A_217 = tpu.memref_squeeze %dma_wait3A_216 : memref<1x125x128xf32, #tpu.memory_space<vmem>> -> memref<125x128xf32, #tpu.memory_space<vmem>>
      %dma_wait3A_218 = arith.constant 0 : i32
      %dma_wait3A_219 = tpu.memref_slice %arg6[%rem3A_46, %dma_wait3A_212, %dma_wait3A_218] : memref<2x8x125xi32, #tpu.memory_space<vmem>> -> memref<1x1x125xi32, #tpu.memory_space<vmem>>
      %dma_wait3A_220 = tpu.memref_squeeze %dma_wait3A_219 : memref<1x1x125xi32, #tpu.memory_space<vmem>> -> memref<125xi32, #tpu.memory_space<vmem>>
      %dma_wait3A_221 = arith.constant 0 : i32
      %dma_wait3A_222 = arith.constant 0 : i32
      %dma_wait3A_223 = tpu.memref_slice %arg2[%dma_wait3A_221, %dma_wait3A_222] : memref<10000x128xf32, #tpu.memory_space<hbm>> -> memref<10000x128xf32, #tpu.memory_space<hbm>>
      tpu.wait_indirect_dma semaphore(%arg12 : memref<!tpu.dma_semaphore, #tpu.memory_space<semaphore_mem>>) src(%dma_wait3A_223 : memref<10000x128xf32, #tpu.memory_space<hbm>>) dst(%dma_wait3A_217 : memref<125x128xf32, #tpu.memory_space<vmem>>)
      %dma_start3A_224 = arith.constant 1 : i32
      %dma_start3A_225 = arith.constant 3 : i32
      %dma_start3A_226 = arith.constant 0 : i32
      %dma_start3A_227 = arith.constant 0 : i32
      %dma_start3A_228 = tpu.memref_slice %arg8[%dma_start3A_224, %dma_start3A_226, %dma_start3A_227] : memref<2x125x128xf32, #tpu.memory_space<vmem>> -> memref<1x125x128xf32, #tpu.memory_space<vmem>>
      %dma_start3A_229 = tpu.memref_squeeze %dma_start3A_228 : memref<1x125x128xf32, #tpu.memory_space<vmem>> -> memref<125x128xf32, #tpu.memory_space<vmem>>
      %dma_start3A_230 = arith.constant 0 : i32
      %dma_start3A_231 = tpu.memref_slice %arg7[%rem3A_46, %dma_start3A_225, %dma_start3A_230] : memref<2x8x125xi32, #tpu.memory_space<vmem>> -> memref<1x1x125xi32, #tpu.memory_space<vmem>>
      %dma_start3A_232 = tpu.memref_squeeze %dma_start3A_231 : memref<1x1x125xi32, #tpu.memory_space<vmem>> -> memref<125xi32, #tpu.memory_space<vmem>>
      %dma_start3A_233 = arith.constant 0 : i32
      %dma_start3A_234 = arith.constant 0 : i32
      %dma_start3A_235 = tpu.memref_slice %arg9[%dma_start3A_233, %dma_start3A_234] : memref<10240x128xf32, #tpu.memory_space<vmem_shared>> -> memref<10240x128xf32, #tpu.memory_space<vmem_shared>>
      tpu.enqueue_indirect_dma source(%dma_start3A_229 : memref<125x128xf32, #tpu.memory_space<vmem>>) target(%dma_start3A_235 : memref<10240x128xf32, #tpu.memory_space<vmem_shared>>) offsets(%dma_start3A_232 : memref<125xi32, #tpu.memory_space<vmem>>) semaphore(%arg14 : memref<!tpu.dma_semaphore, #tpu.memory_space<semaphore_mem>>) {add = true}
      %dma_wait3A_236 = arith.constant 1 : i32
      %dma_wait3A_237 = arith.constant 4 : i32
      %dma_wait3A_238 = arith.constant 0 : i32
      %dma_wait3A_239 = arith.constant 0 : i32
      %dma_wait3A_240 = tpu.memref_slice %arg8[%dma_wait3A_236, %dma_wait3A_238, %dma_wait3A_239] : memref<2x125x128xf32, #tpu.memory_space<vmem>> -> memref<1x125x128xf32, #tpu.memory_space<vmem>>
      %dma_wait3A_241 = tpu.memref_squeeze %dma_wait3A_240 : memref<1x125x128xf32, #tpu.memory_space<vmem>> -> memref<125x128xf32, #tpu.memory_space<vmem>>
      %dma_wait3A_242 = arith.constant 0 : i32
      %dma_wait3A_243 = tpu.memref_slice %arg7[%rem3A_46, %dma_wait3A_237, %dma_wait3A_242] : memref<2x8x125xi32, #tpu.memory_space<vmem>> -> memref<1x1x125xi32, #tpu.memory_space<vmem>>
      %dma_wait3A_244 = tpu.memref_squeeze %dma_wait3A_243 : memref<1x1x125xi32, #tpu.memory_space<vmem>> -> memref<125xi32, #tpu.memory_space<vmem>>
      %dma_wait3A_245 = arith.constant 0 : i32
      %dma_wait3A_246 = arith.constant 0 : i32
      %dma_wait3A_247 = tpu.memref_slice %arg9[%dma_wait3A_245, %dma_wait3A_246] : memref<10240x128xf32, #tpu.memory_space<vmem_shared>> -> memref<10240x128xf32, #tpu.memory_space<vmem_shared>>
      tpu.wait_indirect_dma semaphore(%arg14 : memref<!tpu.dma_semaphore, #tpu.memory_space<semaphore_mem>>) src(%dma_wait3A_241 : memref<125x128xf32, #tpu.memory_space<vmem>>) dst(%dma_wait3A_247 : memref<10240x128xf32, #tpu.memory_space<vmem_shared>>)
      %dma_start3A_248 = arith.constant 5 : i32
      %dma_start3A_249 = arith.constant 1 : i32
      %dma_start3A_250 = arith.constant 0 : i32
      %dma_start3A_251 = arith.constant 0 : i32
      %dma_start3A_252 = tpu.memref_slice %arg8[%dma_start3A_249, %dma_start3A_250, %dma_start3A_251] : memref<2x125x128xf32, #tpu.memory_space<vmem>> -> memref<1x125x128xf32, #tpu.memory_space<vmem>>
      %dma_start3A_253 = tpu.memref_squeeze %dma_start3A_252 : memref<1x125x128xf32, #tpu.memory_space<vmem>> -> memref<125x128xf32, #tpu.memory_space<vmem>>
      %dma_start3A_254 = arith.constant 0 : i32
      %dma_start3A_255 = tpu.memref_slice %arg6[%rem3A_46, %dma_start3A_248, %dma_start3A_254] : memref<2x8x125xi32, #tpu.memory_space<vmem>> -> memref<1x1x125xi32, #tpu.memory_space<vmem>>
      %dma_start3A_256 = tpu.memref_squeeze %dma_start3A_255 : memref<1x1x125xi32, #tpu.memory_space<vmem>> -> memref<125xi32, #tpu.memory_space<vmem>>
      %dma_start3A_257 = arith.constant 0 : i32
      %dma_start3A_258 = arith.constant 0 : i32
      %dma_start3A_259 = tpu.memref_slice %arg2[%dma_start3A_257, %dma_start3A_258] : memref<10000x128xf32, #tpu.memory_space<hbm>> -> memref<10000x128xf32, #tpu.memory_space<hbm>>
      tpu.enqueue_indirect_dma source(%dma_start3A_259 : memref<10000x128xf32, #tpu.memory_space<hbm>>) target(%dma_start3A_253 : memref<125x128xf32, #tpu.memory_space<vmem>>) offsets(%dma_start3A_256 : memref<125xi32, #tpu.memory_space<vmem>>) semaphore(%arg12 : memref<!tpu.dma_semaphore, #tpu.memory_space<semaphore_mem>>)
      %dma_wait3A_260 = arith.constant 4 : i32
      %dma_wait3A_261 = arith.constant 0 : i32
      %dma_wait3A_262 = arith.constant 0 : i32
      %dma_wait3A_263 = arith.constant 0 : i32
      %dma_wait3A_264 = tpu.memref_slice %arg8[%dma_wait3A_261, %dma_wait3A_262, %dma_wait3A_263] : memref<2x125x128xf32, #tpu.memory_space<vmem>> -> memref<1x125x128xf32, #tpu.memory_space<vmem>>
      %dma_wait3A_265 = tpu.memref_squeeze %dma_wait3A_264 : memref<1x125x128xf32, #tpu.memory_space<vmem>> -> memref<125x128xf32, #tpu.memory_space<vmem>>
      %dma_wait3A_266 = arith.constant 0 : i32
      %dma_wait3A_267 = tpu.memref_slice %arg6[%rem3A_46, %dma_wait3A_260, %dma_wait3A_266] : memref<2x8x125xi32, #tpu.memory_space<vmem>> -> memref<1x1x125xi32, #tpu.memory_space<vmem>>
      %dma_wait3A_268 = tpu.memref_squeeze %dma_wait3A_267 : memref<1x1x125xi32, #tpu.memory_space<vmem>> -> memref<125xi32, #tpu.memory_space<vmem>>
      %dma_wait3A_269 = arith.constant 0 : i32
      %dma_wait3A_270 = arith.constant 0 : i32
      %dma_wait3A_271 = tpu.memref_slice %arg2[%dma_wait3A_269, %dma_wait3A_270] : memref<10000x128xf32, #tpu.memory_space<hbm>> -> memref<10000x128xf32, #tpu.memory_space<hbm>>
      tpu.wait_indirect_dma semaphore(%arg11 : memref<!tpu.dma_semaphore, #tpu.memory_space<semaphore_mem>>) src(%dma_wait3A_271 : memref<10000x128xf32, #tpu.memory_space<hbm>>) dst(%dma_wait3A_265 : memref<125x128xf32, #tpu.memory_space<vmem>>)
      %dma_start3A_272 = arith.constant 0 : i32
      %dma_start3A_273 = arith.constant 4 : i32
      %dma_start3A_274 = arith.constant 0 : i32
      %dma_start3A_275 = arith.constant 0 : i32
      %dma_start3A_276 = tpu.memref_slice %arg8[%dma_start3A_272, %dma_start3A_274, %dma_start3A_275] : memref<2x125x128xf32, #tpu.memory_space<vmem>> -> memref<1x125x128xf32, #tpu.memory_space<vmem>>
      %dma_start3A_277 = tpu.memref_squeeze %dma_start3A_276 : memref<1x125x128xf32, #tpu.memory_space<vmem>> -> memref<125x128xf32, #tpu.memory_space<vmem>>
      %dma_start3A_278 = arith.constant 0 : i32
      %dma_start3A_279 = tpu.memref_slice %arg7[%rem3A_46, %dma_start3A_273, %dma_start3A_278] : memref<2x8x125xi32, #tpu.memory_space<vmem>> -> memref<1x1x125xi32, #tpu.memory_space<vmem>>
      %dma_start3A_280 = tpu.memref_squeeze %dma_start3A_279 : memref<1x1x125xi32, #tpu.memory_space<vmem>> -> memref<125xi32, #tpu.memory_space<vmem>>
      %dma_start3A_281 = arith.constant 0 : i32
      %dma_start3A_282 = arith.constant 0 : i32
      %dma_start3A_283 = tpu.memref_slice %arg9[%dma_start3A_281, %dma_start3A_282] : memref<10240x128xf32, #tpu.memory_space<vmem_shared>> -> memref<10240x128xf32, #tpu.memory_space<vmem_shared>>
      tpu.enqueue_indirect_dma source(%dma_start3A_277 : memref<125x128xf32, #tpu.memory_space<vmem>>) target(%dma_start3A_283 : memref<10240x128xf32, #tpu.memory_space<vmem_shared>>) offsets(%dma_start3A_280 : memref<125xi32, #tpu.memory_space<vmem>>) semaphore(%arg13 : memref<!tpu.dma_semaphore, #tpu.memory_space<semaphore_mem>>) {add = true}
      %dma_wait3A_284 = arith.constant 0 : i32
      %dma_wait3A_285 = arith.constant 5 : i32
      %dma_wait3A_286 = arith.constant 0 : i32
      %dma_wait3A_287 = arith.constant 0 : i32
      %dma_wait3A_288 = tpu.memref_slice %arg8[%dma_wait3A_284, %dma_wait3A_286, %dma_wait3A_287] : memref<2x125x128xf32, #tpu.memory_space<vmem>> -> memref<1x125x128xf32, #tpu.memory_space<vmem>>
      %dma_wait3A_289 = tpu.memref_squeeze %dma_wait3A_288 : memref<1x125x128xf32, #tpu.memory_space<vmem>> -> memref<125x128xf32, #tpu.memory_space<vmem>>
      %dma_wait3A_290 = arith.constant 0 : i32
      %dma_wait3A_291 = tpu.memref_slice %arg7[%rem3A_46, %dma_wait3A_285, %dma_wait3A_290] : memref<2x8x125xi32, #tpu.memory_space<vmem>> -> memref<1x1x125xi32, #tpu.memory_space<vmem>>
      %dma_wait3A_292 = tpu.memref_squeeze %dma_wait3A_291 : memref<1x1x125xi32, #tpu.memory_space<vmem>> -> memref<125xi32, #tpu.memory_space<vmem>>
      %dma_wait3A_293 = arith.constant 0 : i32
      %dma_wait3A_294 = arith.constant 0 : i32
      %dma_wait3A_295 = tpu.memref_slice %arg9[%dma_wait3A_293, %dma_wait3A_294] : memref<10240x128xf32, #tpu.memory_space<vmem_shared>> -> memref<10240x128xf32, #tpu.memory_space<vmem_shared>>
      tpu.wait_indirect_dma semaphore(%arg13 : memref<!tpu.dma_semaphore, #tpu.memory_space<semaphore_mem>>) src(%dma_wait3A_289 : memref<125x128xf32, #tpu.memory_space<vmem>>) dst(%dma_wait3A_295 : memref<10240x128xf32, #tpu.memory_space<vmem_shared>>)
      %dma_start3A_296 = arith.constant 6 : i32
      %dma_start3A_297 = arith.constant 0 : i32
      %dma_start3A_298 = arith.constant 0 : i32
      %dma_start3A_299 = arith.constant 0 : i32
      %dma_start3A_300 = tpu.memref_slice %arg8[%dma_start3A_297, %dma_start3A_298, %dma_start3A_299] : memref<2x125x128xf32, #tpu.memory_space<vmem>> -> memref<1x125x128xf32, #tpu.memory_space<vmem>>
      %dma_start3A_301 = tpu.memref_squeeze %dma_start3A_300 : memref<1x125x128xf32, #tpu.memory_space<vmem>> -> memref<125x128xf32, #tpu.memory_space<vmem>>
      %dma_start3A_302 = arith.constant 0 : i32
      %dma_start3A_303 = tpu.memref_slice %arg6[%rem3A_46, %dma_start3A_296, %dma_start3A_302] : memref<2x8x125xi32, #tpu.memory_space<vmem>> -> memref<1x1x125xi32, #tpu.memory_space<vmem>>
      %dma_start3A_304 = tpu.memref_squeeze %dma_start3A_303 : memref<1x1x125xi32, #tpu.memory_space<vmem>> -> memref<125xi32, #tpu.memory_space<vmem>>
      %dma_start3A_305 = arith.constant 0 : i32
      %dma_start3A_306 = arith.constant 0 : i32
      %dma_start3A_307 = tpu.memref_slice %arg2[%dma_start3A_305, %dma_start3A_306] : memref<10000x128xf32, #tpu.memory_space<hbm>> -> memref<10000x128xf32, #tpu.memory_space<hbm>>
      tpu.enqueue_indirect_dma source(%dma_start3A_307 : memref<10000x128xf32, #tpu.memory_space<hbm>>) target(%dma_start3A_301 : memref<125x128xf32, #tpu.memory_space<vmem>>) offsets(%dma_start3A_304 : memref<125xi32, #tpu.memory_space<vmem>>) semaphore(%arg11 : memref<!tpu.dma_semaphore, #tpu.memory_space<semaphore_mem>>)
      %dma_wait3A_308 = arith.constant 5 : i32
      %dma_wait3A_309 = arith.constant 1 : i32
      %dma_wait3A_310 = arith.constant 0 : i32
      %dma_wait3A_311 = arith.constant 0 : i32
      %dma_wait3A_312 = tpu.memref_slice %arg8[%dma_wait3A_309, %dma_wait3A_310, %dma_wait3A_311] : memref<2x125x128xf32, #tpu.memory_space<vmem>> -> memref<1x125x128xf32, #tpu.memory_space<vmem>>
      %dma_wait3A_313 = tpu.memref_squeeze %dma_wait3A_312 : memref<1x125x128xf32, #tpu.memory_space<vmem>> -> memref<125x128xf32, #tpu.memory_space<vmem>>
      %dma_wait3A_314 = arith.constant 0 : i32
      %dma_wait3A_315 = tpu.memref_slice %arg6[%rem3A_46, %dma_wait3A_308, %dma_wait3A_314] : memref<2x8x125xi32, #tpu.memory_space<vmem>> -> memref<1x1x125xi32, #tpu.memory_space<vmem>>
      %dma_wait3A_316 = tpu.memref_squeeze %dma_wait3A_315 : memref<1x1x125xi32, #tpu.memory_space<vmem>> -> memref<125xi32, #tpu.memory_space<vmem>>
      %dma_wait3A_317 = arith.constant 0 : i32
      %dma_wait3A_318 = arith.constant 0 : i32
      %dma_wait3A_319 = tpu.memref_slice %arg2[%dma_wait3A_317, %dma_wait3A_318] : memref<10000x128xf32, #tpu.memory_space<hbm>> -> memref<10000x128xf32, #tpu.memory_space<hbm>>
      tpu.wait_indirect_dma semaphore(%arg12 : memref<!tpu.dma_semaphore, #tpu.memory_space<semaphore_mem>>) src(%dma_wait3A_319 : memref<10000x128xf32, #tpu.memory_space<hbm>>) dst(%dma_wait3A_313 : memref<125x128xf32, #tpu.memory_space<vmem>>)
      %dma_start3A_320 = arith.constant 1 : i32
      %dma_start3A_321 = arith.constant 5 : i32
      %dma_start3A_322 = arith.constant 0 : i32
      %dma_start3A_323 = arith.constant 0 : i32
      %dma_start3A_324 = tpu.memref_slice %arg8[%dma_start3A_320, %dma_start3A_322, %dma_start3A_323] : memref<2x125x128xf32, #tpu.memory_space<vmem>> -> memref<1x125x128xf32, #tpu.memory_space<vmem>>
      %dma_start3A_325 = tpu.memref_squeeze %dma_start3A_324 : memref<1x125x128xf32, #tpu.memory_space<vmem>> -> memref<125x128xf32, #tpu.memory_space<vmem>>
      %dma_start3A_326 = arith.constant 0 : i32
      %dma_start3A_327 = tpu.memref_slice %arg7[%rem3A_46, %dma_start3A_321, %dma_start3A_326] : memref<2x8x125xi32, #tpu.memory_space<vmem>> -> memref<1x1x125xi32, #tpu.memory_space<vmem>>
      %dma_start3A_328 = tpu.memref_squeeze %dma_start3A_327 : memref<1x1x125xi32, #tpu.memory_space<vmem>> -> memref<125xi32, #tpu.memory_space<vmem>>
      %dma_start3A_329 = arith.constant 0 : i32
      %dma_start3A_330 = arith.constant 0 : i32
      %dma_start3A_331 = tpu.memref_slice %arg9[%dma_start3A_329, %dma_start3A_330] : memref<10240x128xf32, #tpu.memory_space<vmem_shared>> -> memref<10240x128xf32, #tpu.memory_space<vmem_shared>>
      tpu.enqueue_indirect_dma source(%dma_start3A_325 : memref<125x128xf32, #tpu.memory_space<vmem>>) target(%dma_start3A_331 : memref<10240x128xf32, #tpu.memory_space<vmem_shared>>) offsets(%dma_start3A_328 : memref<125xi32, #tpu.memory_space<vmem>>) semaphore(%arg14 : memref<!tpu.dma_semaphore, #tpu.memory_space<semaphore_mem>>) {add = true}
      %dma_wait3A_332 = arith.constant 1 : i32
      %dma_wait3A_333 = arith.constant 6 : i32
      %dma_wait3A_334 = arith.constant 0 : i32
      %dma_wait3A_335 = arith.constant 0 : i32
      %dma_wait3A_336 = tpu.memref_slice %arg8[%dma_wait3A_332, %dma_wait3A_334, %dma_wait3A_335] : memref<2x125x128xf32, #tpu.memory_space<vmem>> -> memref<1x125x128xf32, #tpu.memory_space<vmem>>
      %dma_wait3A_337 = tpu.memref_squeeze %dma_wait3A_336 : memref<1x125x128xf32, #tpu.memory_space<vmem>> -> memref<125x128xf32, #tpu.memory_space<vmem>>
      %dma_wait3A_338 = arith.constant 0 : i32
      %dma_wait3A_339 = tpu.memref_slice %arg7[%rem3A_46, %dma_wait3A_333, %dma_wait3A_338] : memref<2x8x125xi32, #tpu.memory_space<vmem>> -> memref<1x1x125xi32, #tpu.memory_space<vmem>>
      %dma_wait3A_340 = tpu.memref_squeeze %dma_wait3A_339 : memref<1x1x125xi32, #tpu.memory_space<vmem>> -> memref<125xi32, #tpu.memory_space<vmem>>
      %dma_wait3A_341 = arith.constant 0 : i32
      %dma_wait3A_342 = arith.constant 0 : i32
      %dma_wait3A_343 = tpu.memref_slice %arg9[%dma_wait3A_341, %dma_wait3A_342] : memref<10240x128xf32, #tpu.memory_space<vmem_shared>> -> memref<10240x128xf32, #tpu.memory_space<vmem_shared>>
      tpu.wait_indirect_dma semaphore(%arg14 : memref<!tpu.dma_semaphore, #tpu.memory_space<semaphore_mem>>) src(%dma_wait3A_337 : memref<125x128xf32, #tpu.memory_space<vmem>>) dst(%dma_wait3A_343 : memref<10240x128xf32, #tpu.memory_space<vmem_shared>>)
      %dma_start3A_344 = arith.constant 7 : i32
      %dma_start3A_345 = arith.constant 1 : i32
      %dma_start3A_346 = arith.constant 0 : i32
      %dma_start3A_347 = arith.constant 0 : i32
      %dma_start3A_348 = tpu.memref_slice %arg8[%dma_start3A_345, %dma_start3A_346, %dma_start3A_347] : memref<2x125x128xf32, #tpu.memory_space<vmem>> -> memref<1x125x128xf32, #tpu.memory_space<vmem>>
      %dma_start3A_349 = tpu.memref_squeeze %dma_start3A_348 : memref<1x125x128xf32, #tpu.memory_space<vmem>> -> memref<125x128xf32, #tpu.memory_space<vmem>>
      %dma_start3A_350 = arith.constant 0 : i32
      %dma_start3A_351 = tpu.memref_slice %arg6[%rem3A_46, %dma_start3A_344, %dma_start3A_350] : memref<2x8x125xi32, #tpu.memory_space<vmem>> -> memref<1x1x125xi32, #tpu.memory_space<vmem>>
      %dma_start3A_352 = tpu.memref_squeeze %dma_start3A_351 : memref<1x1x125xi32, #tpu.memory_space<vmem>> -> memref<125xi32, #tpu.memory_space<vmem>>
      %dma_start3A_353 = arith.constant 0 : i32
      %dma_start3A_354 = arith.constant 0 : i32
      %dma_start3A_355 = tpu.memref_slice %arg2[%dma_start3A_353, %dma_start3A_354] : memref<10000x128xf32, #tpu.memory_space<hbm>> -> memref<10000x128xf32, #tpu.memory_space<hbm>>
      tpu.enqueue_indirect_dma source(%dma_start3A_355 : memref<10000x128xf32, #tpu.memory_space<hbm>>) target(%dma_start3A_349 : memref<125x128xf32, #tpu.memory_space<vmem>>) offsets(%dma_start3A_352 : memref<125xi32, #tpu.memory_space<vmem>>) semaphore(%arg12 : memref<!tpu.dma_semaphore, #tpu.memory_space<semaphore_mem>>)
      %dma_wait3A_356 = arith.constant 6 : i32
      %dma_wait3A_357 = arith.constant 0 : i32
      %dma_wait3A_358 = arith.constant 0 : i32
      %dma_wait3A_359 = arith.constant 0 : i32
      %dma_wait3A_360 = tpu.memref_slice %arg8[%dma_wait3A_357, %dma_wait3A_358, %dma_wait3A_359] : memref<2x125x128xf32, #tpu.memory_space<vmem>> -> memref<1x125x128xf32, #tpu.memory_space<vmem>>
      %dma_wait3A_361 = tpu.memref_squeeze %dma_wait3A_360 : memref<1x125x128xf32, #tpu.memory_space<vmem>> -> memref<125x128xf32, #tpu.memory_space<vmem>>
      %dma_wait3A_362 = arith.constant 0 : i32
      %dma_wait3A_363 = tpu.memref_slice %arg6[%rem3A_46, %dma_wait3A_356, %dma_wait3A_362] : memref<2x8x125xi32, #tpu.memory_space<vmem>> -> memref<1x1x125xi32, #tpu.memory_space<vmem>>
      %dma_wait3A_364 = tpu.memref_squeeze %dma_wait3A_363 : memref<1x1x125xi32, #tpu.memory_space<vmem>> -> memref<125xi32, #tpu.memory_space<vmem>>
      %dma_wait3A_365 = arith.constant 0 : i32
      %dma_wait3A_366 = arith.constant 0 : i32
      %dma_wait3A_367 = tpu.memref_slice %arg2[%dma_wait3A_365, %dma_wait3A_366] : memref<10000x128xf32, #tpu.memory_space<hbm>> -> memref<10000x128xf32, #tpu.memory_space<hbm>>
      tpu.wait_indirect_dma semaphore(%arg11 : memref<!tpu.dma_semaphore, #tpu.memory_space<semaphore_mem>>) src(%dma_wait3A_367 : memref<10000x128xf32, #tpu.memory_space<hbm>>) dst(%dma_wait3A_361 : memref<125x128xf32, #tpu.memory_space<vmem>>)
      %dma_start3A_368 = arith.constant 0 : i32
      %dma_start3A_369 = arith.constant 6 : i32
      %dma_start3A_370 = arith.constant 0 : i32
      %dma_start3A_371 = arith.constant 0 : i32
      %dma_start3A_372 = tpu.memref_slice %arg8[%dma_start3A_368, %dma_start3A_370, %dma_start3A_371] : memref<2x125x128xf32, #tpu.memory_space<vmem>> -> memref<1x125x128xf32, #tpu.memory_space<vmem>>
      %dma_start3A_373 = tpu.memref_squeeze %dma_start3A_372 : memref<1x125x128xf32, #tpu.memory_space<vmem>> -> memref<125x128xf32, #tpu.memory_space<vmem>>
      %dma_start3A_374 = arith.constant 0 : i32
      %dma_start3A_375 = tpu.memref_slice %arg7[%rem3A_46, %dma_start3A_369, %dma_start3A_374] : memref<2x8x125xi32, #tpu.memory_space<vmem>> -> memref<1x1x125xi32, #tpu.memory_space<vmem>>
      %dma_start3A_376 = tpu.memref_squeeze %dma_start3A_375 : memref<1x1x125xi32, #tpu.memory_space<vmem>> -> memref<125xi32, #tpu.memory_space<vmem>>
      %dma_start3A_377 = arith.constant 0 : i32
      %dma_start3A_378 = arith.constant 0 : i32
      %dma_start3A_379 = tpu.memref_slice %arg9[%dma_start3A_377, %dma_start3A_378] : memref<10240x128xf32, #tpu.memory_space<vmem_shared>> -> memref<10240x128xf32, #tpu.memory_space<vmem_shared>>
      tpu.enqueue_indirect_dma source(%dma_start3A_373 : memref<125x128xf32, #tpu.memory_space<vmem>>) target(%dma_start3A_379 : memref<10240x128xf32, #tpu.memory_space<vmem_shared>>) offsets(%dma_start3A_376 : memref<125xi32, #tpu.memory_space<vmem>>) semaphore(%arg13 : memref<!tpu.dma_semaphore, #tpu.memory_space<semaphore_mem>>) {add = true}
      %dma_wait3A_380 = arith.constant 0 : i32
      %dma_wait3A_381 = arith.constant 7 : i32
      %dma_wait3A_382 = arith.constant 0 : i32
      %dma_wait3A_383 = arith.constant 0 : i32
      %dma_wait3A_384 = tpu.memref_slice %arg8[%dma_wait3A_380, %dma_wait3A_382, %dma_wait3A_383] : memref<2x125x128xf32, #tpu.memory_space<vmem>> -> memref<1x125x128xf32, #tpu.memory_space<vmem>>
      %dma_wait3A_385 = tpu.memref_squeeze %dma_wait3A_384 : memref<1x125x128xf32, #tpu.memory_space<vmem>> -> memref<125x128xf32, #tpu.memory_space<vmem>>
      %dma_wait3A_386 = arith.constant 0 : i32
      %dma_wait3A_387 = tpu.memref_slice %arg7[%rem3A_46, %dma_wait3A_381, %dma_wait3A_386] : memref<2x8x125xi32, #tpu.memory_space<vmem>> -> memref<1x1x125xi32, #tpu.memory_space<vmem>>
      %dma_wait3A_388 = tpu.memref_squeeze %dma_wait3A_387 : memref<1x1x125xi32, #tpu.memory_space<vmem>> -> memref<125xi32, #tpu.memory_space<vmem>>
      %dma_wait3A_389 = arith.constant 0 : i32
      %dma_wait3A_390 = arith.constant 0 : i32
      %dma_wait3A_391 = tpu.memref_slice %arg9[%dma_wait3A_389, %dma_wait3A_390] : memref<10240x128xf32, #tpu.memory_space<vmem_shared>> -> memref<10240x128xf32, #tpu.memory_space<vmem_shared>>
      tpu.wait_indirect_dma semaphore(%arg13 : memref<!tpu.dma_semaphore, #tpu.memory_space<semaphore_mem>>) src(%dma_wait3A_385 : memref<125x128xf32, #tpu.memory_space<vmem>>) dst(%dma_wait3A_391 : memref<10240x128xf32, #tpu.memory_space<vmem_shared>>)
      %add3A_392 = arith.constant 1 : i32
      %add3A_393 = arith.addi %add3A_45, %add3A_392 : i32
      %lt3A_394 = arith.constant 10 : i32
      %lt3A_395 = arith.cmpi slt, %add3A_393, %lt3A_394 : i32
      %convert_element_type3A_396 = arith.extui %lt3A_395 : i1 to i32
      %cond3A_397 = arith.constant 0 : i32
      %cond3A_398 = arith.cmpi ne, %convert_element_type3A_396, %cond3A_397 : i32
      scf.if %cond3A_398 {
        %dma_wait3A_423 = arith.constant 0 : i32
        %dma_wait3A_424 = arith.constant 0 : i32
        %dma_wait3A_425 = arith.constant 0 : i32
        %dma_wait3A_426 = tpu.memref_slice %arg6[%sub3A_47, %dma_wait3A_424, %dma_wait3A_425] : memref<2x8x125xi32, #tpu.memory_space<vmem>> -> memref<1x8x125xi32, #tpu.memory_space<vmem>>
        %dma_wait3A_427 = tpu.memref_squeeze %dma_wait3A_426 : memref<1x8x125xi32, #tpu.memory_space<vmem>> -> memref<8x125xi32, #tpu.memory_space<vmem>>
        %dma_wait3A_428 = arith.constant 0 : i32
        %dma_wait3A_429 = tpu.memref_slice %arg3[%dma_wait3A_423, %mul3A_2, %dma_wait3A_428] : memref<2x2560x125xi32, #tpu.memory_space<hbm>> -> memref<1x8x125xi32, #tpu.memory_space<hbm>>
        %dma_wait3A_430 = tpu.memref_squeeze %dma_wait3A_429 : memref<1x8x125xi32, #tpu.memory_space<hbm>> -> memref<8x125xi32, #tpu.memory_space<hbm>>
        %dma_wait3A_431 = arith.constant 0 : i32
        %dma_wait3A_432 = arith.constant 0 : i32
        %dma_wait3A_433 = tpu.memref_slice %arg6[%sub3A_47, %dma_wait3A_431, %dma_wait3A_432] : memref<2x8x125xi32, #tpu.memory_space<vmem>> -> memref<1x8x125xi32, #tpu.memory_space<vmem>>
        %dma_wait3A_434 = tpu.memref_squeeze %dma_wait3A_433 : memref<1x8x125xi32, #tpu.memory_space<vmem>> -> memref<8x125xi32, #tpu.memory_space<vmem>>
        %dma_wait3A_435 = arith.constant 0 : i32
        %dma_wait3A_436 = tpu.memref_slice %arg3[%dma_wait3A_423, %mul3A_2, %dma_wait3A_435] : memref<2x2560x125xi32, #tpu.memory_space<hbm>> -> memref<1x8x125xi32, #tpu.memory_space<hbm>>
        %dma_wait3A_437 = tpu.memref_squeeze %dma_wait3A_436 : memref<1x8x125xi32, #tpu.memory_space<hbm>> -> memref<8x125xi32, #tpu.memory_space<hbm>>
        tpu.wait_dma2 semaphore(%arg10 : memref<!tpu.dma_semaphore, #tpu.memory_space<semaphore_mem>>) src(%dma_wait3A_437 : memref<8x125xi32, #tpu.memory_space<hbm>>) dst(%dma_wait3A_434 : memref<8x125xi32, #tpu.memory_space<vmem>>)
        %dma_wait3A_438 = arith.constant 1 : i32
        %dma_wait3A_439 = arith.constant 0 : i32
        %dma_wait3A_440 = arith.constant 0 : i32
        %dma_wait3A_441 = tpu.memref_slice %arg7[%sub3A_47, %dma_wait3A_439, %dma_wait3A_440] : memref<2x8x125xi32, #tpu.memory_space<vmem>> -> memref<1x8x125xi32, #tpu.memory_space<vmem>>
        %dma_wait3A_442 = tpu.memref_squeeze %dma_wait3A_441 : memref<1x8x125xi32, #tpu.memory_space<vmem>> -> memref<8x125xi32, #tpu.memory_space<vmem>>
        %dma_wait3A_443 = arith.constant 0 : i32
        %dma_wait3A_444 = tpu.memref_slice %arg3[%dma_wait3A_438, %mul3A_2, %dma_wait3A_443] : memref<2x2560x125xi32, #tpu.memory_space<hbm>> -> memref<1x8x125xi32, #tpu.memory_space<hbm>>
        %dma_wait3A_445 = tpu.memref_squeeze %dma_wait3A_444 : memref<1x8x125xi32, #tpu.memory_space<hbm>> -> memref<8x125xi32, #tpu.memory_space<hbm>>
        %dma_wait3A_446 = arith.constant 0 : i32
        %dma_wait3A_447 = arith.constant 0 : i32
        %dma_wait3A_448 = tpu.memref_slice %arg7[%sub3A_47, %dma_wait3A_446, %dma_wait3A_447] : memref<2x8x125xi32, #tpu.memory_space<vmem>> -> memref<1x8x125xi32, #tpu.memory_space<vmem>>
        %dma_wait3A_449 = tpu.memref_squeeze %dma_wait3A_448 : memref<1x8x125xi32, #tpu.memory_space<vmem>> -> memref<8x125xi32, #tpu.memory_space<vmem>>
        %dma_wait3A_450 = arith.constant 0 : i32
        %dma_wait3A_451 = tpu.memref_slice %arg3[%dma_wait3A_438, %mul3A_2, %dma_wait3A_450] : memref<2x2560x125xi32, #tpu.memory_space<hbm>> -> memref<1x8x125xi32, #tpu.memory_space<hbm>>
        %dma_wait3A_452 = tpu.memref_squeeze %dma_wait3A_451 : memref<1x8x125xi32, #tpu.memory_space<hbm>> -> memref<8x125xi32, #tpu.memory_space<hbm>>
        tpu.wait_dma2 semaphore(%arg10 : memref<!tpu.dma_semaphore, #tpu.memory_space<semaphore_mem>>) src(%dma_wait3A_452 : memref<8x125xi32, #tpu.memory_space<hbm>>) dst(%dma_wait3A_449 : memref<8x125xi32, #tpu.memory_space<vmem>>)
        %dma_start3A_453 = arith.constant 0 : i32
        %dma_start3A_454 = arith.constant 0 : i32
        %dma_start3A_455 = arith.constant 0 : i32
        %dma_start3A_456 = arith.constant 0 : i32
        %dma_start3A_457 = tpu.memref_slice %arg8[%dma_start3A_454, %dma_start3A_455, %dma_start3A_456] : memref<2x125x128xf32, #tpu.memory_space<vmem>> -> memref<1x125x128xf32, #tpu.memory_space<vmem>>
        %dma_start3A_458 = tpu.memref_squeeze %dma_start3A_457 : memref<1x125x128xf32, #tpu.memory_space<vmem>> -> memref<125x128xf32, #tpu.memory_space<vmem>>
        %dma_start3A_459 = arith.constant 0 : i32
        %dma_start3A_460 = tpu.memref_slice %arg6[%sub3A_47, %dma_start3A_453, %dma_start3A_459] : memref<2x8x125xi32, #tpu.memory_space<vmem>> -> memref<1x1x125xi32, #tpu.memory_space<vmem>>
        %dma_start3A_461 = tpu.memref_squeeze %dma_start3A_460 : memref<1x1x125xi32, #tpu.memory_space<vmem>> -> memref<125xi32, #tpu.memory_space<vmem>>
        %dma_start3A_462 = arith.constant 0 : i32
        %dma_start3A_463 = arith.constant 0 : i32
        %dma_start3A_464 = tpu.memref_slice %arg2[%dma_start3A_462, %dma_start3A_463] : memref<10000x128xf32, #tpu.memory_space<hbm>> -> memref<10000x128xf32, #tpu.memory_space<hbm>>
        tpu.enqueue_indirect_dma source(%dma_start3A_464 : memref<10000x128xf32, #tpu.memory_space<hbm>>) target(%dma_start3A_458 : memref<125x128xf32, #tpu.memory_space<vmem>>) offsets(%dma_start3A_461 : memref<125xi32, #tpu.memory_space<vmem>>) semaphore(%arg11 : memref<!tpu.dma_semaphore, #tpu.memory_space<semaphore_mem>>)
      } else {
      }
      %dma_wait3A_399 = arith.constant 7 : i32
      %dma_wait3A_400 = arith.constant 1 : i32
      %dma_wait3A_401 = arith.constant 0 : i32
      %dma_wait3A_402 = arith.constant 0 : i32
      %dma_wait3A_403 = tpu.memref_slice %arg8[%dma_wait3A_400, %dma_wait3A_401, %dma_wait3A_402] : memref<2x125x128xf32, #tpu.memory_space<vmem>> -> memref<1x125x128xf32, #tpu.memory_space<vmem>>
      %dma_wait3A_404 = tpu.memref_squeeze %dma_wait3A_403 : memref<1x125x128xf32, #tpu.memory_space<vmem>> -> memref<125x128xf32, #tpu.memory_space<vmem>>
      %dma_wait3A_405 = arith.constant 0 : i32
      %dma_wait3A_406 = tpu.memref_slice %arg6[%rem3A_46, %dma_wait3A_399, %dma_wait3A_405] : memref<2x8x125xi32, #tpu.memory_space<vmem>> -> memref<1x1x125xi32, #tpu.memory_space<vmem>>
      %dma_wait3A_407 = tpu.memref_squeeze %dma_wait3A_406 : memref<1x1x125xi32, #tpu.memory_space<vmem>> -> memref<125xi32, #tpu.memory_space<vmem>>
      %dma_wait3A_408 = arith.constant 0 : i32
      %dma_wait3A_409 = arith.constant 0 : i32
      %dma_wait3A_410 = tpu.memref_slice %arg2[%dma_wait3A_408, %dma_wait3A_409] : memref<10000x128xf32, #tpu.memory_space<hbm>> -> memref<10000x128xf32, #tpu.memory_space<hbm>>
      tpu.wait_indirect_dma semaphore(%arg12 : memref<!tpu.dma_semaphore, #tpu.memory_space<semaphore_mem>>) src(%dma_wait3A_410 : memref<10000x128xf32, #tpu.memory_space<hbm>>) dst(%dma_wait3A_404 : memref<125x128xf32, #tpu.memory_space<vmem>>)
      %dma_start3A_411 = arith.constant 1 : i32
      %dma_start3A_412 = arith.constant 7 : i32
      %dma_start3A_413 = arith.constant 0 : i32
      %dma_start3A_414 = arith.constant 0 : i32
      %dma_start3A_415 = tpu.memref_slice %arg8[%dma_start3A_411, %dma_start3A_413, %dma_start3A_414] : memref<2x125x128xf32, #tpu.memory_space<vmem>> -> memref<1x125x128xf32, #tpu.memory_space<vmem>>
      %dma_start3A_416 = tpu.memref_squeeze %dma_start3A_415 : memref<1x125x128xf32, #tpu.memory_space<vmem>> -> memref<125x128xf32, #tpu.memory_space<vmem>>
      %dma_start3A_417 = arith.constant 0 : i32
      %dma_start3A_418 = tpu.memref_slice %arg7[%rem3A_46, %dma_start3A_412, %dma_start3A_417] : memref<2x8x125xi32, #tpu.memory_space<vmem>> -> memref<1x1x125xi32, #tpu.memory_space<vmem>>
      %dma_start3A_419 = tpu.memref_squeeze %dma_start3A_418 : memref<1x1x125xi32, #tpu.memory_space<vmem>> -> memref<125xi32, #tpu.memory_space<vmem>>
      %dma_start3A_420 = arith.constant 0 : i32
      %dma_start3A_421 = arith.constant 0 : i32
      %dma_start3A_422 = tpu.memref_slice %arg9[%dma_start3A_420, %dma_start3A_421] : memref<10240x128xf32, #tpu.memory_space<vmem_shared>> -> memref<10240x128xf32, #tpu.memory_space<vmem_shared>>
      tpu.enqueue_indirect_dma source(%dma_start3A_416 : memref<125x128xf32, #tpu.memory_space<vmem>>) target(%dma_start3A_422 : memref<10240x128xf32, #tpu.memory_space<vmem_shared>>) offsets(%dma_start3A_419 : memref<125xi32, #tpu.memory_space<vmem>>) semaphore(%arg14 : memref<!tpu.dma_semaphore, #tpu.memory_space<semaphore_mem>>) {add = true}
    }
    %scan3A_23 = arith.constant 10 : i32
    %dma_wait3A = arith.constant 1 : i32
    %dma_wait3A_24 = arith.constant 0 : i32
    %dma_wait3A_25 = arith.constant 0 : i32
    %dma_wait3A_26 = arith.constant 0 : i32
    %dma_wait3A_27 = arith.constant 0 : i32
    %dma_wait3A_28 = tpu.memref_slice %arg8[%dma_wait3A, %dma_wait3A_26, %dma_wait3A_27] : memref<2x125x128xf32, #tpu.memory_space<vmem>> -> memref<1x125x128xf32, #tpu.memory_space<vmem>>
    %dma_wait3A_29 = tpu.memref_squeeze %dma_wait3A_28 : memref<1x125x128xf32, #tpu.memory_space<vmem>> -> memref<125x128xf32, #tpu.memory_space<vmem>>
    %dma_wait3A_30 = arith.constant 0 : i32
    %dma_wait3A_31 = tpu.memref_slice %arg7[%dma_wait3A_24, %dma_wait3A_25, %dma_wait3A_30] : memref<2x8x125xi32, #tpu.memory_space<vmem>> -> memref<1x1x125xi32, #tpu.memory_space<vmem>>
    %dma_wait3A_32 = tpu.memref_squeeze %dma_wait3A_31 : memref<1x1x125xi32, #tpu.memory_space<vmem>> -> memref<125xi32, #tpu.memory_space<vmem>>
    %dma_wait3A_33 = arith.constant 0 : i32
    %dma_wait3A_34 = arith.constant 0 : i32
    %dma_wait3A_35 = tpu.memref_slice %arg9[%dma_wait3A_33, %dma_wait3A_34] : memref<10240x128xf32, #tpu.memory_space<vmem_shared>> -> memref<10240x128xf32, #tpu.memory_space<vmem_shared>>
    tpu.wait_indirect_dma semaphore(%arg14 : memref<!tpu.dma_semaphore, #tpu.memory_space<semaphore_mem>>) src(%dma_wait3A_29 : memref<125x128xf32, #tpu.memory_space<vmem>>) dst(%dma_wait3A_35 : memref<10240x128xf32, #tpu.memory_space<vmem_shared>>)
    %barrier3A_36 = arith.constant 0 : index
    tpu.barrier barrier_id(%barrier3A_36)
    %mul3A_37 = arith.constant 640 : i32
    %mul3A_38 = arith.muli %arg1, %mul3A_37 : i32
    %mul3A_39 = arith.constant 640 : i32
    %mul3A_40 = arith.muli %arg1, %mul3A_39 : i32
    "tpu.region"() ({
      %run_scoped3A_41 = tpu.sem_alloc : memref<!tpu.dma_semaphore, #tpu.memory_space<semaphore_mem>>
      %dma_start3A_42 = arith.constant 0 : i32
      %dma_start3A_43 = tpu.memref_slice %arg5[%arg0, %mul3A_40, %dma_start3A_42] : memref<2x10240x128xf32, #tpu.memory_space<hbm>> -> memref<1x640x128xf32, #tpu.memory_space<hbm>>
      %dma_start3A_44 = tpu.memref_squeeze %dma_start3A_43 : memref<1x640x128xf32, #tpu.memory_space<hbm>> -> memref<640x128xf32, #tpu.memory_space<hbm>>
      %dma_start3A_45 = arith.constant 0 : i32
      %dma_start3A_46 = tpu.memref_slice %arg9[%mul3A_38, %dma_start3A_45] : memref<10240x128xf32, #tpu.memory_space<vmem_shared>> -> memref<640x128xf32, #tpu.memory_space<vmem_shared>>
      tpu.enqueue_dma source(%dma_start3A_46 : memref<640x128xf32, #tpu.memory_space<vmem_shared>>) target(%dma_start3A_44 : memref<640x128xf32, #tpu.memory_space<hbm>>) target_semaphore(%run_scoped3A_41 : memref<!tpu.dma_semaphore, #tpu.memory_space<semaphore_mem>>)
      %dma_wait3A_47 = arith.constant 0 : i32
      %dma_wait3A_48 = tpu.memref_slice %arg5[%arg0, %mul3A_40, %dma_wait3A_47] : memref<2x10240x128xf32, #tpu.memory_space<hbm>> -> memref<1x640x128xf32, #tpu.memory_space<hbm>>
      %dma_wait3A_49 = tpu.memref_squeeze %dma_wait3A_48 : memref<1x640x128xf32, #tpu.memory_space<hbm>> -> memref<640x128xf32, #tpu.memory_space<hbm>>
      %dma_wait3A_50 = arith.constant 0 : i32
      %dma_wait3A_51 = tpu.memref_slice %arg9[%mul3A_38, %dma_wait3A_50] : memref<10240x128xf32, #tpu.memory_space<vmem_shared>> -> memref<640x128xf32, #tpu.memory_space<vmem_shared>>
      tpu.wait_dma2 semaphore(%run_scoped3A_41 : memref<!tpu.dma_semaphore, #tpu.memory_space<semaphore_mem>>) src(%dma_wait3A_51 : memref<640x128xf32, #tpu.memory_space<vmem_shared>>) dst(%dma_wait3A_49 : memref<640x128xf32, #tpu.memory_space<hbm>>)
      tpu.yield
    }) : () -> ()
    return
  }
}

#map = affine_map<(d0, d1) -> (0, 0)>
#map1 = affine_map<(d0, d1) -> (0, 0, 0)>
module attributes {stable_mosaic.version = 14 : i64} {
  func.func @_sc_agg(%arg0: i32, %arg1: i32, %arg2: memref<10000x128xf32, #tpu.memory_space<hbm>>, %arg3: memref<2x2560x125xi32, #tpu.memory_space<hbm>>, %arg4: memref<640x128xf32, #tpu.memory_space<hbm>>, %arg5: memref<2x10240x128xf32, #tpu.memory_space<hbm>>, %arg6: memref<2x8x125xi32, #tpu.memory_space<vmem>>, %arg7: memref<2x8x125xi32, #tpu.memory_space<vmem>>, %arg8: memref<2x125x128xf32, #tpu.memory_space<vmem>>, %arg9: memref<10240x128xf32, #tpu.memory_space<vmem_shared>>, %arg10: memref<!tpu.dma_semaphore, #tpu.memory_space<semaphore_mem>>, %arg11: memref<!tpu.dma_semaphore, #tpu.memory_space<semaphore_mem>>, %arg12: memref<!tpu.dma_semaphore, #tpu.memory_space<semaphore_mem>>, %arg13: memref<!tpu.dma_semaphore, #tpu.memory_space<semaphore_mem>>, %arg14: memref<!tpu.dma_semaphore, #tpu.memory_space<semaphore_mem>>) attributes {dimension_semantics = [#tpu.dimension_semantics<core_parallel>, #tpu.dimension_semantics<subcore_parallel>], iteration_bounds = array<i64: 2, 16>, scalar_prefetch = 0 : i64, scratch_operands = 9 : i64, tpu.core_type = #tpu.core_type<sc_vector_subcore>, window_params = [{transform_indices = #map}, {transform_indices = #map1}, {transform_indices = #map}, {transform_indices = #map1}]} {
    %mul3A = arith.constant 2 : i32
    %mul3A_0 = arith.muli %arg1, %mul3A : i32
    %add3A = arith.addi %mul3A_0, %arg0 : i32
    %mul3A_1 = arith.constant 80 : i32
    %mul3A_2 = arith.muli %add3A, %mul3A_1 : i32
    %mul3A_3 = arith.constant 640 : i32
    %mul3A_4 = arith.muli %arg1, %mul3A_3 : i32
    "tpu.region"() ({
      %run_scoped3A_41 = tpu.sem_alloc : memref<!tpu.dma_semaphore, #tpu.memory_space<semaphore_mem>>
      %dma_start3A_42 = arith.constant 0 : i32
      %dma_start3A_43 = tpu.memref_slice %arg9[%mul3A_4, %dma_start3A_42] : memref<10240x128xf32, #tpu.memory_space<vmem_shared>> -> memref<640x128xf32, #tpu.memory_space<vmem_shared>>
      tpu.enqueue_dma source(%arg4 : memref<640x128xf32, #tpu.memory_space<hbm>>) target(%dma_start3A_43 : memref<640x128xf32, #tpu.memory_space<vmem_shared>>) target_semaphore(%run_scoped3A_41 : memref<!tpu.dma_semaphore, #tpu.memory_space<semaphore_mem>>)
      %dma_wait3A_44 = arith.constant 0 : i32
      %dma_wait3A_45 = tpu.memref_slice %arg9[%mul3A_4, %dma_wait3A_44] : memref<10240x128xf32, #tpu.memory_space<vmem_shared>> -> memref<640x128xf32, #tpu.memory_space<vmem_shared>>
      tpu.wait_dma2 semaphore(%run_scoped3A_41 : memref<!tpu.dma_semaphore, #tpu.memory_space<semaphore_mem>>) src(%arg4 : memref<640x128xf32, #tpu.memory_space<hbm>>) dst(%dma_wait3A_45 : memref<640x128xf32, #tpu.memory_space<vmem_shared>>)
      tpu.yield
    }) : () -> ()
    %run_scoped3A = arith.constant 0 : i32
    %run_scoped3A_5 = arith.constant 0 : i32
    "tpu.region"() ({
      %run_scoped3A_41 = tpu.sem_alloc : memref<!tpu.dma_semaphore, #tpu.memory_space<semaphore_mem>>
      %dma_start3A_42 = arith.constant 0 : i32
      %dma_start3A_43 = arith.constant 0 : i32
      %dma_start3A_44 = tpu.memref_slice %arg6[%run_scoped3A_5, %dma_start3A_42, %dma_start3A_43] : memref<2x8x125xi32, #tpu.memory_space<vmem>> -> memref<1x8x125xi32, #tpu.memory_space<vmem>>
      %dma_start3A_45 = tpu.memref_squeeze %dma_start3A_44 : memref<1x8x125xi32, #tpu.memory_space<vmem>> -> memref<8x125xi32, #tpu.memory_space<vmem>>
      %dma_start3A_46 = arith.constant 0 : i32
      %dma_start3A_47 = tpu.memref_slice %arg3[%run_scoped3A, %mul3A_2, %dma_start3A_46] : memref<2x2560x125xi32, #tpu.memory_space<hbm>> -> memref<1x8x125xi32, #tpu.memory_space<hbm>>
      %dma_start3A_48 = tpu.memref_squeeze %dma_start3A_47 : memref<1x8x125xi32, #tpu.memory_space<hbm>> -> memref<8x125xi32, #tpu.memory_space<hbm>>
      %dma_start3A_49 = arith.constant 0 : i32
      %dma_start3A_50 = arith.constant 0 : i32
      %dma_start3A_51 = tpu.memref_slice %arg6[%run_scoped3A_5, %dma_start3A_49, %dma_start3A_50] : memref<2x8x125xi32, #tpu.memory_space<vmem>> -> memref<1x8x125xi32, #tpu.memory_space<vmem>>
      %dma_start3A_52 = tpu.memref_squeeze %dma_start3A_51 : memref<1x8x125xi32, #tpu.memory_space<vmem>> -> memref<8x125xi32, #tpu.memory_space<vmem>>
      %dma_start3A_53 = arith.constant 0 : i32
      %dma_start3A_54 = tpu.memref_slice %arg3[%run_scoped3A, %mul3A_2, %dma_start3A_53] : memref<2x2560x125xi32, #tpu.memory_space<hbm>> -> memref<1x8x125xi32, #tpu.memory_space<hbm>>
      %dma_start3A_55 = tpu.memref_squeeze %dma_start3A_54 : memref<1x8x125xi32, #tpu.memory_space<hbm>> -> memref<8x125xi32, #tpu.memory_space<hbm>>
      tpu.enqueue_dma source(%dma_start3A_55 : memref<8x125xi32, #tpu.memory_space<hbm>>) target(%dma_start3A_52 : memref<8x125xi32, #tpu.memory_space<vmem>>) target_semaphore(%run_scoped3A_41 : memref<!tpu.dma_semaphore, #tpu.memory_space<semaphore_mem>>)
      %dma_wait3A_56 = arith.constant 0 : i32
      %dma_wait3A_57 = arith.constant 0 : i32
      %dma_wait3A_58 = tpu.memref_slice %arg6[%run_scoped3A_5, %dma_wait3A_56, %dma_wait3A_57] : memref<2x8x125xi32, #tpu.memory_space<vmem>> -> memref<1x8x125xi32, #tpu.memory_space<vmem>>
      %dma_wait3A_59 = tpu.memref_squeeze %dma_wait3A_58 : memref<1x8x125xi32, #tpu.memory_space<vmem>> -> memref<8x125xi32, #tpu.memory_space<vmem>>
      %dma_wait3A_60 = arith.constant 0 : i32
      %dma_wait3A_61 = tpu.memref_slice %arg3[%run_scoped3A, %mul3A_2, %dma_wait3A_60] : memref<2x2560x125xi32, #tpu.memory_space<hbm>> -> memref<1x8x125xi32, #tpu.memory_space<hbm>>
      %dma_wait3A_62 = tpu.memref_squeeze %dma_wait3A_61 : memref<1x8x125xi32, #tpu.memory_space<hbm>> -> memref<8x125xi32, #tpu.memory_space<hbm>>
      %dma_wait3A_63 = arith.constant 0 : i32
      %dma_wait3A_64 = arith.constant 0 : i32
      %dma_wait3A_65 = tpu.memref_slice %arg6[%run_scoped3A_5, %dma_wait3A_63, %dma_wait3A_64] : memref<2x8x125xi32, #tpu.memory_space<vmem>> -> memref<1x8x125xi32, #tpu.memory_space<vmem>>
      %dma_wait3A_66 = tpu.memref_squeeze %dma_wait3A_65 : memref<1x8x125xi32, #tpu.memory_space<vmem>> -> memref<8x125xi32, #tpu.memory_space<vmem>>
      %dma_wait3A_67 = arith.constant 0 : i32
      %dma_wait3A_68 = tpu.memref_slice %arg3[%run_scoped3A, %mul3A_2, %dma_wait3A_67] : memref<2x2560x125xi32, #tpu.memory_space<hbm>> -> memref<1x8x125xi32, #tpu.memory_space<hbm>>
      %dma_wait3A_69 = tpu.memref_squeeze %dma_wait3A_68 : memref<1x8x125xi32, #tpu.memory_space<hbm>> -> memref<8x125xi32, #tpu.memory_space<hbm>>
      tpu.wait_dma2 semaphore(%run_scoped3A_41 : memref<!tpu.dma_semaphore, #tpu.memory_space<semaphore_mem>>) src(%dma_wait3A_69 : memref<8x125xi32, #tpu.memory_space<hbm>>) dst(%dma_wait3A_66 : memref<8x125xi32, #tpu.memory_space<vmem>>)
      tpu.yield
    }) : () -> ()
    %run_scoped3A_6 = arith.constant 1 : i32
    %run_scoped3A_7 = arith.constant 0 : i32
    "tpu.region"() ({
      %run_scoped3A_41 = tpu.sem_alloc : memref<!tpu.dma_semaphore, #tpu.memory_space<semaphore_mem>>
      %dma_start3A_42 = arith.constant 0 : i32
      %dma_start3A_43 = arith.constant 0 : i32
      %dma_start3A_44 = tpu.memref_slice %arg7[%run_scoped3A_7, %dma_start3A_42, %dma_start3A_43] : memref<2x8x125xi32, #tpu.memory_space<vmem>> -> memref<1x8x125xi32, #tpu.memory_space<vmem>>
      %dma_start3A_45 = tpu.memref_squeeze %dma_start3A_44 : memref<1x8x125xi32, #tpu.memory_space<vmem>> -> memref<8x125xi32, #tpu.memory_space<vmem>>
      %dma_start3A_46 = arith.constant 0 : i32
      %dma_start3A_47 = tpu.memref_slice %arg3[%run_scoped3A_6, %mul3A_2, %dma_start3A_46] : memref<2x2560x125xi32, #tpu.memory_space<hbm>> -> memref<1x8x125xi32, #tpu.memory_space<hbm>>
      %dma_start3A_48 = tpu.memref_squeeze %dma_start3A_47 : memref<1x8x125xi32, #tpu.memory_space<hbm>> -> memref<8x125xi32, #tpu.memory_space<hbm>>
      %dma_start3A_49 = arith.constant 0 : i32
      %dma_start3A_50 = arith.constant 0 : i32
      %dma_start3A_51 = tpu.memref_slice %arg7[%run_scoped3A_7, %dma_start3A_49, %dma_start3A_50] : memref<2x8x125xi32, #tpu.memory_space<vmem>> -> memref<1x8x125xi32, #tpu.memory_space<vmem>>
      %dma_start3A_52 = tpu.memref_squeeze %dma_start3A_51 : memref<1x8x125xi32, #tpu.memory_space<vmem>> -> memref<8x125xi32, #tpu.memory_space<vmem>>
      %dma_start3A_53 = arith.constant 0 : i32
      %dma_start3A_54 = tpu.memref_slice %arg3[%run_scoped3A_6, %mul3A_2, %dma_start3A_53] : memref<2x2560x125xi32, #tpu.memory_space<hbm>> -> memref<1x8x125xi32, #tpu.memory_space<hbm>>
      %dma_start3A_55 = tpu.memref_squeeze %dma_start3A_54 : memref<1x8x125xi32, #tpu.memory_space<hbm>> -> memref<8x125xi32, #tpu.memory_space<hbm>>
      tpu.enqueue_dma source(%dma_start3A_55 : memref<8x125xi32, #tpu.memory_space<hbm>>) target(%dma_start3A_52 : memref<8x125xi32, #tpu.memory_space<vmem>>) target_semaphore(%run_scoped3A_41 : memref<!tpu.dma_semaphore, #tpu.memory_space<semaphore_mem>>)
      %dma_wait3A_56 = arith.constant 0 : i32
      %dma_wait3A_57 = arith.constant 0 : i32
      %dma_wait3A_58 = tpu.memref_slice %arg7[%run_scoped3A_7, %dma_wait3A_56, %dma_wait3A_57] : memref<2x8x125xi32, #tpu.memory_space<vmem>> -> memref<1x8x125xi32, #tpu.memory_space<vmem>>
      %dma_wait3A_59 = tpu.memref_squeeze %dma_wait3A_58 : memref<1x8x125xi32, #tpu.memory_space<vmem>> -> memref<8x125xi32, #tpu.memory_space<vmem>>
      %dma_wait3A_60 = arith.constant 0 : i32
      %dma_wait3A_61 = tpu.memref_slice %arg3[%run_scoped3A_6, %mul3A_2, %dma_wait3A_60] : memref<2x2560x125xi32, #tpu.memory_space<hbm>> -> memref<1x8x125xi32, #tpu.memory_space<hbm>>
      %dma_wait3A_62 = tpu.memref_squeeze %dma_wait3A_61 : memref<1x8x125xi32, #tpu.memory_space<hbm>> -> memref<8x125xi32, #tpu.memory_space<hbm>>
      %dma_wait3A_63 = arith.constant 0 : i32
      %dma_wait3A_64 = arith.constant 0 : i32
      %dma_wait3A_65 = tpu.memref_slice %arg7[%run_scoped3A_7, %dma_wait3A_63, %dma_wait3A_64] : memref<2x8x125xi32, #tpu.memory_space<vmem>> -> memref<1x8x125xi32, #tpu.memory_space<vmem>>
      %dma_wait3A_66 = tpu.memref_squeeze %dma_wait3A_65 : memref<1x8x125xi32, #tpu.memory_space<vmem>> -> memref<8x125xi32, #tpu.memory_space<vmem>>
      %dma_wait3A_67 = arith.constant 0 : i32
      %dma_wait3A_68 = tpu.memref_slice %arg3[%run_scoped3A_6, %mul3A_2, %dma_wait3A_67] : memref<2x2560x125xi32, #tpu.memory_space<hbm>> -> memref<1x8x125xi32, #tpu.memory_space<hbm>>
      %dma_wait3A_69 = tpu.memref_squeeze %dma_wait3A_68 : memref<1x8x125xi32, #tpu.memory_space<hbm>> -> memref<8x125xi32, #tpu.memory_space<hbm>>
      tpu.wait_dma2 semaphore(%run_scoped3A_41 : memref<!tpu.dma_semaphore, #tpu.memory_space<semaphore_mem>>) src(%dma_wait3A_69 : memref<8x125xi32, #tpu.memory_space<hbm>>) dst(%dma_wait3A_66 : memref<8x125xi32, #tpu.memory_space<vmem>>)
      tpu.yield
    }) : () -> ()
    %barrier3A = arith.constant 0 : index
    tpu.barrier barrier_id(%barrier3A)
    %dma_start3A = arith.constant 0 : i32
    %dma_start3A_8 = arith.constant 0 : i32
    %dma_start3A_9 = arith.constant 0 : i32
    %dma_start3A_10 = arith.constant 0 : i32
    %dma_start3A_11 = arith.constant 0 : i32
    %dma_start3A_12 = tpu.memref_slice %arg8[%dma_start3A_9, %dma_start3A_10, %dma_start3A_11] : memref<2x125x128xf32, #tpu.memory_space<vmem>> -> memref<1x125x128xf32, #tpu.memory_space<vmem>>
    %dma_start3A_13 = tpu.memref_squeeze %dma_start3A_12 : memref<1x125x128xf32, #tpu.memory_space<vmem>> -> memref<125x128xf32, #tpu.memory_space<vmem>>
    %dma_start3A_14 = arith.constant 0 : i32
    %dma_start3A_15 = tpu.memref_slice %arg6[%dma_start3A, %dma_start3A_8, %dma_start3A_14] : memref<2x8x125xi32, #tpu.memory_space<vmem>> -> memref<1x1x125xi32, #tpu.memory_space<vmem>>
    %dma_start3A_16 = tpu.memref_squeeze %dma_start3A_15 : memref<1x1x125xi32, #tpu.memory_space<vmem>> -> memref<125xi32, #tpu.memory_space<vmem>>
    %dma_start3A_17 = arith.constant 0 : i32
    %dma_start3A_18 = arith.constant 0 : i32
    %dma_start3A_19 = tpu.memref_slice %arg2[%dma_start3A_17, %dma_start3A_18] : memref<10000x128xf32, #tpu.memory_space<hbm>> -> memref<10000x128xf32, #tpu.memory_space<hbm>>
    tpu.enqueue_indirect_dma source(%dma_start3A_19 : memref<10000x128xf32, #tpu.memory_space<hbm>>) target(%dma_start3A_13 : memref<125x128xf32, #tpu.memory_space<vmem>>) offsets(%dma_start3A_16 : memref<125xi32, #tpu.memory_space<vmem>>) semaphore(%arg11 : memref<!tpu.dma_semaphore, #tpu.memory_space<semaphore_mem>>)
    %scan3A = arith.constant 0 : i32
    %scan3A_20 = arith.constant 10 : i32
    %scan3A_21 = arith.addi %scan3A, %scan3A_20 : i32
    %scan3A_22 = arith.constant 1 : i32
    scf.for %scan3A_41 = %scan3A to %scan3A_21 step %scan3A_22  : i32 {
      %mul3A_42 = arith.constant 1 : i32
      %mul3A_43 = arith.muli %scan3A_41, %mul3A_42 : i32
      %add3A_44 = arith.constant 0 : i32
      %add3A_45 = arith.addi %add3A_44, %mul3A_43 : i32
      %rem3A = arith.constant 2 : i32
      %rem3A_46 = arith.remsi %add3A_45, %rem3A : i32
      %sub3A = arith.constant 1 : i32
      %sub3A_47 = arith.subi %sub3A, %rem3A_46 : i32
      %add3A_48 = arith.constant 1 : i32
      %add3A_49 = arith.addi %add3A_45, %add3A_48 : i32
      %lt3A = arith.constant 10 : i32
      %lt3A_50 = arith.cmpi slt, %add3A_49, %lt3A : i32
      %convert_element_type3A = arith.extui %lt3A_50 : i1 to i32
      %cond3A = arith.constant 0 : i32
      %cond3A_51 = arith.cmpi ne, %convert_element_type3A, %cond3A : i32
      scf.if %cond3A_51 {
        %add3A_423 = arith.constant 1 : i32
        %add3A_424 = arith.addi %add3A_45, %add3A_423 : i32
        %mul3A_425 = arith.constant 8 : i32
        %mul3A_426 = arith.muli %add3A_424, %mul3A_425 : i32
        %add3A_427 = arith.addi %mul3A_2, %mul3A_426 : i32
        %dma_start3A_428 = arith.constant 0 : i32
        %dma_start3A_429 = arith.constant 0 : i32
        %dma_start3A_430 = arith.constant 0 : i32
        %dma_start3A_431 = tpu.memref_slice %arg6[%sub3A_47, %dma_start3A_429, %dma_start3A_430] : memref<2x8x125xi32, #tpu.memory_space<vmem>> -> memref<1x8x125xi32, #tpu.memory_space<vmem>>
        %dma_start3A_432 = tpu.memref_squeeze %dma_start3A_431 : memref<1x8x125xi32, #tpu.memory_space<vmem>> -> memref<8x125xi32, #tpu.memory_space<vmem>>
        %dma_start3A_433 = arith.constant 0 : i32
        %dma_start3A_434 = tpu.memref_slice %arg3[%dma_start3A_428, %add3A_427, %dma_start3A_433] : memref<2x2560x125xi32, #tpu.memory_space<hbm>> -> memref<1x8x125xi32, #tpu.memory_space<hbm>>
        %dma_start3A_435 = tpu.memref_squeeze %dma_start3A_434 : memref<1x8x125xi32, #tpu.memory_space<hbm>> -> memref<8x125xi32, #tpu.memory_space<hbm>>
        %dma_start3A_436 = arith.constant 0 : i32
        %dma_start3A_437 = arith.constant 0 : i32
        %dma_start3A_438 = tpu.memref_slice %arg6[%sub3A_47, %dma_start3A_436, %dma_start3A_437] : memref<2x8x125xi32, #tpu.memory_space<vmem>> -> memref<1x8x125xi32, #tpu.memory_space<vmem>>
        %dma_start3A_439 = tpu.memref_squeeze %dma_start3A_438 : memref<1x8x125xi32, #tpu.memory_space<vmem>> -> memref<8x125xi32, #tpu.memory_space<vmem>>
        %dma_start3A_440 = arith.constant 0 : i32
        %dma_start3A_441 = tpu.memref_slice %arg3[%dma_start3A_428, %add3A_427, %dma_start3A_440] : memref<2x2560x125xi32, #tpu.memory_space<hbm>> -> memref<1x8x125xi32, #tpu.memory_space<hbm>>
        %dma_start3A_442 = tpu.memref_squeeze %dma_start3A_441 : memref<1x8x125xi32, #tpu.memory_space<hbm>> -> memref<8x125xi32, #tpu.memory_space<hbm>>
        tpu.enqueue_dma source(%dma_start3A_442 : memref<8x125xi32, #tpu.memory_space<hbm>>) target(%dma_start3A_439 : memref<8x125xi32, #tpu.memory_space<vmem>>) target_semaphore(%arg10 : memref<!tpu.dma_semaphore, #tpu.memory_space<semaphore_mem>>)
        %add3A_443 = arith.constant 1 : i32
        %add3A_444 = arith.addi %add3A_45, %add3A_443 : i32
        %mul3A_445 = arith.constant 8 : i32
        %mul3A_446 = arith.muli %add3A_444, %mul3A_445 : i32
        %add3A_447 = arith.addi %mul3A_2, %mul3A_446 : i32
        %dma_start3A_448 = arith.constant 1 : i32
        %dma_start3A_449 = arith.constant 0 : i32
        %dma_start3A_450 = arith.constant 0 : i32
        %dma_start3A_451 = tpu.memref_slice %arg7[%sub3A_47, %dma_start3A_449, %dma_start3A_450] : memref<2x8x125xi32, #tpu.memory_space<vmem>> -> memref<1x8x125xi32, #tpu.memory_space<vmem>>
        %dma_start3A_452 = tpu.memref_squeeze %dma_start3A_451 : memref<1x8x125xi32, #tpu.memory_space<vmem>> -> memref<8x125xi32, #tpu.memory_space<vmem>>
        %dma_start3A_453 = arith.constant 0 : i32
        %dma_start3A_454 = tpu.memref_slice %arg3[%dma_start3A_448, %add3A_447, %dma_start3A_453] : memref<2x2560x125xi32, #tpu.memory_space<hbm>> -> memref<1x8x125xi32, #tpu.memory_space<hbm>>
        %dma_start3A_455 = tpu.memref_squeeze %dma_start3A_454 : memref<1x8x125xi32, #tpu.memory_space<hbm>> -> memref<8x125xi32, #tpu.memory_space<hbm>>
        %dma_start3A_456 = arith.constant 0 : i32
        %dma_start3A_457 = arith.constant 0 : i32
        %dma_start3A_458 = tpu.memref_slice %arg7[%sub3A_47, %dma_start3A_456, %dma_start3A_457] : memref<2x8x125xi32, #tpu.memory_space<vmem>> -> memref<1x8x125xi32, #tpu.memory_space<vmem>>
        %dma_start3A_459 = tpu.memref_squeeze %dma_start3A_458 : memref<1x8x125xi32, #tpu.memory_space<vmem>> -> memref<8x125xi32, #tpu.memory_space<vmem>>
        %dma_start3A_460 = arith.constant 0 : i32
        %dma_start3A_461 = tpu.memref_slice %arg3[%dma_start3A_448, %add3A_447, %dma_start3A_460] : memref<2x2560x125xi32, #tpu.memory_space<hbm>> -> memref<1x8x125xi32, #tpu.memory_space<hbm>>
        %dma_start3A_462 = tpu.memref_squeeze %dma_start3A_461 : memref<1x8x125xi32, #tpu.memory_space<hbm>> -> memref<8x125xi32, #tpu.memory_space<hbm>>
        tpu.enqueue_dma source(%dma_start3A_462 : memref<8x125xi32, #tpu.memory_space<hbm>>) target(%dma_start3A_459 : memref<8x125xi32, #tpu.memory_space<vmem>>) target_semaphore(%arg10 : memref<!tpu.dma_semaphore, #tpu.memory_space<semaphore_mem>>)
      } else {
      }
      %gt3A = arith.constant 0 : i32
      %gt3A_52 = arith.cmpi sgt, %add3A_45, %gt3A : i32
      %convert_element_type3A_53 = arith.extui %gt3A_52 : i1 to i32
      %cond3A_54 = arith.constant 0 : i32
      %cond3A_55 = arith.cmpi ne, %convert_element_type3A_53, %cond3A_54 : i32
      scf.if %cond3A_55 {
        %dma_wait3A_423 = arith.constant 1 : i32
        %dma_wait3A_424 = arith.constant 0 : i32
        %dma_wait3A_425 = arith.constant 0 : i32
        %dma_wait3A_426 = arith.constant 0 : i32
        %dma_wait3A_427 = tpu.memref_slice %arg8[%dma_wait3A_423, %dma_wait3A_425, %dma_wait3A_426] : memref<2x125x128xf32, #tpu.memory_space<vmem>> -> memref<1x125x128xf32, #tpu.memory_space<vmem>>
        %dma_wait3A_428 = tpu.memref_squeeze %dma_wait3A_427 : memref<1x125x128xf32, #tpu.memory_space<vmem>> -> memref<125x128xf32, #tpu.memory_space<vmem>>
        %dma_wait3A_429 = arith.constant 0 : i32
        %dma_wait3A_430 = tpu.memref_slice %arg7[%rem3A_46, %dma_wait3A_424, %dma_wait3A_429] : memref<2x8x125xi32, #tpu.memory_space<vmem>> -> memref<1x1x125xi32, #tpu.memory_space<vmem>>
        %dma_wait3A_431 = tpu.memref_squeeze %dma_wait3A_430 : memref<1x1x125xi32, #tpu.memory_space<vmem>> -> memref<125xi32, #tpu.memory_space<vmem>>
        %dma_wait3A_432 = arith.constant 0 : i32
        %dma_wait3A_433 = arith.constant 0 : i32
        %dma_wait3A_434 = tpu.memref_slice %arg9[%dma_wait3A_432, %dma_wait3A_433] : memref<10240x128xf32, #tpu.memory_space<vmem_shared>> -> memref<10240x128xf32, #tpu.memory_space<vmem_shared>>
        tpu.wait_indirect_dma semaphore(%arg14 : memref<!tpu.dma_semaphore, #tpu.memory_space<semaphore_mem>>) src(%dma_wait3A_428 : memref<125x128xf32, #tpu.memory_space<vmem>>) dst(%dma_wait3A_434 : memref<10240x128xf32, #tpu.memory_space<vmem_shared>>)
      } else {
      }
      %dma_start3A_56 = arith.constant 1 : i32
      %dma_start3A_57 = arith.constant 1 : i32
      %dma_start3A_58 = arith.constant 0 : i32
      %dma_start3A_59 = arith.constant 0 : i32
      %dma_start3A_60 = tpu.memref_slice %arg8[%dma_start3A_57, %dma_start3A_58, %dma_start3A_59] : memref<2x125x128xf32, #tpu.memory_space<vmem>> -> memref<1x125x128xf32, #tpu.memory_space<vmem>>
      %dma_start3A_61 = tpu.memref_squeeze %dma_start3A_60 : memref<1x125x128xf32, #tpu.memory_space<vmem>> -> memref<125x128xf32, #tpu.memory_space<vmem>>
      %dma_start3A_62 = arith.constant 0 : i32
      %dma_start3A_63 = tpu.memref_slice %arg6[%rem3A_46, %dma_start3A_56, %dma_start3A_62] : memref<2x8x125xi32, #tpu.memory_space<vmem>> -> memref<1x1x125xi32, #tpu.memory_space<vmem>>
      %dma_start3A_64 = tpu.memref_squeeze %dma_start3A_63 : memref<1x1x125xi32, #tpu.memory_space<vmem>> -> memref<125xi32, #tpu.memory_space<vmem>>
      %dma_start3A_65 = arith.constant 0 : i32
      %dma_start3A_66 = arith.constant 0 : i32
      %dma_start3A_67 = tpu.memref_slice %arg2[%dma_start3A_65, %dma_start3A_66] : memref<10000x128xf32, #tpu.memory_space<hbm>> -> memref<10000x128xf32, #tpu.memory_space<hbm>>
      tpu.enqueue_indirect_dma source(%dma_start3A_67 : memref<10000x128xf32, #tpu.memory_space<hbm>>) target(%dma_start3A_61 : memref<125x128xf32, #tpu.memory_space<vmem>>) offsets(%dma_start3A_64 : memref<125xi32, #tpu.memory_space<vmem>>) semaphore(%arg12 : memref<!tpu.dma_semaphore, #tpu.memory_space<semaphore_mem>>)
      %dma_wait3A_68 = arith.constant 0 : i32
      %dma_wait3A_69 = arith.constant 0 : i32
      %dma_wait3A_70 = arith.constant 0 : i32
      %dma_wait3A_71 = arith.constant 0 : i32
      %dma_wait3A_72 = tpu.memref_slice %arg8[%dma_wait3A_69, %dma_wait3A_70, %dma_wait3A_71] : memref<2x125x128xf32, #tpu.memory_space<vmem>> -> memref<1x125x128xf32, #tpu.memory_space<vmem>>
      %dma_wait3A_73 = tpu.memref_squeeze %dma_wait3A_72 : memref<1x125x128xf32, #tpu.memory_space<vmem>> -> memref<125x128xf32, #tpu.memory_space<vmem>>
      %dma_wait3A_74 = arith.constant 0 : i32
      %dma_wait3A_75 = tpu.memref_slice %arg6[%rem3A_46, %dma_wait3A_68, %dma_wait3A_74] : memref<2x8x125xi32, #tpu.memory_space<vmem>> -> memref<1x1x125xi32, #tpu.memory_space<vmem>>
      %dma_wait3A_76 = tpu.memref_squeeze %dma_wait3A_75 : memref<1x1x125xi32, #tpu.memory_space<vmem>> -> memref<125xi32, #tpu.memory_space<vmem>>
      %dma_wait3A_77 = arith.constant 0 : i32
      %dma_wait3A_78 = arith.constant 0 : i32
      %dma_wait3A_79 = tpu.memref_slice %arg2[%dma_wait3A_77, %dma_wait3A_78] : memref<10000x128xf32, #tpu.memory_space<hbm>> -> memref<10000x128xf32, #tpu.memory_space<hbm>>
      tpu.wait_indirect_dma semaphore(%arg11 : memref<!tpu.dma_semaphore, #tpu.memory_space<semaphore_mem>>) src(%dma_wait3A_79 : memref<10000x128xf32, #tpu.memory_space<hbm>>) dst(%dma_wait3A_73 : memref<125x128xf32, #tpu.memory_space<vmem>>)
      %dma_start3A_80 = arith.constant 0 : i32
      %dma_start3A_81 = arith.constant 0 : i32
      %dma_start3A_82 = arith.constant 0 : i32
      %dma_start3A_83 = arith.constant 0 : i32
      %dma_start3A_84 = tpu.memref_slice %arg8[%dma_start3A_80, %dma_start3A_82, %dma_start3A_83] : memref<2x125x128xf32, #tpu.memory_space<vmem>> -> memref<1x125x128xf32, #tpu.memory_space<vmem>>
      %dma_start3A_85 = tpu.memref_squeeze %dma_start3A_84 : memref<1x125x128xf32, #tpu.memory_space<vmem>> -> memref<125x128xf32, #tpu.memory_space<vmem>>
      %dma_start3A_86 = arith.constant 0 : i32
      %dma_start3A_87 = tpu.memref_slice %arg7[%rem3A_46, %dma_start3A_81, %dma_start3A_86] : memref<2x8x125xi32, #tpu.memory_space<vmem>> -> memref<1x1x125xi32, #tpu.memory_space<vmem>>
      %dma_start3A_88 = tpu.memref_squeeze %dma_start3A_87 : memref<1x1x125xi32, #tpu.memory_space<vmem>> -> memref<125xi32, #tpu.memory_space<vmem>>
      %dma_start3A_89 = arith.constant 0 : i32
      %dma_start3A_90 = arith.constant 0 : i32
      %dma_start3A_91 = tpu.memref_slice %arg9[%dma_start3A_89, %dma_start3A_90] : memref<10240x128xf32, #tpu.memory_space<vmem_shared>> -> memref<10240x128xf32, #tpu.memory_space<vmem_shared>>
      tpu.enqueue_indirect_dma source(%dma_start3A_85 : memref<125x128xf32, #tpu.memory_space<vmem>>) target(%dma_start3A_91 : memref<10240x128xf32, #tpu.memory_space<vmem_shared>>) offsets(%dma_start3A_88 : memref<125xi32, #tpu.memory_space<vmem>>) semaphore(%arg13 : memref<!tpu.dma_semaphore, #tpu.memory_space<semaphore_mem>>) {add = true}
      %dma_wait3A_92 = arith.constant 0 : i32
      %dma_wait3A_93 = arith.constant 1 : i32
      %dma_wait3A_94 = arith.constant 0 : i32
      %dma_wait3A_95 = arith.constant 0 : i32
      %dma_wait3A_96 = tpu.memref_slice %arg8[%dma_wait3A_92, %dma_wait3A_94, %dma_wait3A_95] : memref<2x125x128xf32, #tpu.memory_space<vmem>> -> memref<1x125x128xf32, #tpu.memory_space<vmem>>
      %dma_wait3A_97 = tpu.memref_squeeze %dma_wait3A_96 : memref<1x125x128xf32, #tpu.memory_space<vmem>> -> memref<125x128xf32, #tpu.memory_space<vmem>>
      %dma_wait3A_98 = arith.constant 0 : i32
      %dma_wait3A_99 = tpu.memref_slice %arg7[%rem3A_46, %dma_wait3A_93, %dma_wait3A_98] : memref<2x8x125xi32, #tpu.memory_space<vmem>> -> memref<1x1x125xi32, #tpu.memory_space<vmem>>
      %dma_wait3A_100 = tpu.memref_squeeze %dma_wait3A_99 : memref<1x1x125xi32, #tpu.memory_space<vmem>> -> memref<125xi32, #tpu.memory_space<vmem>>
      %dma_wait3A_101 = arith.constant 0 : i32
      %dma_wait3A_102 = arith.constant 0 : i32
      %dma_wait3A_103 = tpu.memref_slice %arg9[%dma_wait3A_101, %dma_wait3A_102] : memref<10240x128xf32, #tpu.memory_space<vmem_shared>> -> memref<10240x128xf32, #tpu.memory_space<vmem_shared>>
      tpu.wait_indirect_dma semaphore(%arg13 : memref<!tpu.dma_semaphore, #tpu.memory_space<semaphore_mem>>) src(%dma_wait3A_97 : memref<125x128xf32, #tpu.memory_space<vmem>>) dst(%dma_wait3A_103 : memref<10240x128xf32, #tpu.memory_space<vmem_shared>>)
      %dma_start3A_104 = arith.constant 2 : i32
      %dma_start3A_105 = arith.constant 0 : i32
      %dma_start3A_106 = arith.constant 0 : i32
      %dma_start3A_107 = arith.constant 0 : i32
      %dma_start3A_108 = tpu.memref_slice %arg8[%dma_start3A_105, %dma_start3A_106, %dma_start3A_107] : memref<2x125x128xf32, #tpu.memory_space<vmem>> -> memref<1x125x128xf32, #tpu.memory_space<vmem>>
      %dma_start3A_109 = tpu.memref_squeeze %dma_start3A_108 : memref<1x125x128xf32, #tpu.memory_space<vmem>> -> memref<125x128xf32, #tpu.memory_space<vmem>>
      %dma_start3A_110 = arith.constant 0 : i32
      %dma_start3A_111 = tpu.memref_slice %arg6[%rem3A_46, %dma_start3A_104, %dma_start3A_110] : memref<2x8x125xi32, #tpu.memory_space<vmem>> -> memref<1x1x125xi32, #tpu.memory_space<vmem>>
      %dma_start3A_112 = tpu.memref_squeeze %dma_start3A_111 : memref<1x1x125xi32, #tpu.memory_space<vmem>> -> memref<125xi32, #tpu.memory_space<vmem>>
      %dma_start3A_113 = arith.constant 0 : i32
      %dma_start3A_114 = arith.constant 0 : i32
      %dma_start3A_115 = tpu.memref_slice %arg2[%dma_start3A_113, %dma_start3A_114] : memref<10000x128xf32, #tpu.memory_space<hbm>> -> memref<10000x128xf32, #tpu.memory_space<hbm>>
      tpu.enqueue_indirect_dma source(%dma_start3A_115 : memref<10000x128xf32, #tpu.memory_space<hbm>>) target(%dma_start3A_109 : memref<125x128xf32, #tpu.memory_space<vmem>>) offsets(%dma_start3A_112 : memref<125xi32, #tpu.memory_space<vmem>>) semaphore(%arg11 : memref<!tpu.dma_semaphore, #tpu.memory_space<semaphore_mem>>)
      %dma_wait3A_116 = arith.constant 1 : i32
      %dma_wait3A_117 = arith.constant 1 : i32
      %dma_wait3A_118 = arith.constant 0 : i32
      %dma_wait3A_119 = arith.constant 0 : i32
      %dma_wait3A_120 = tpu.memref_slice %arg8[%dma_wait3A_117, %dma_wait3A_118, %dma_wait3A_119] : memref<2x125x128xf32, #tpu.memory_space<vmem>> -> memref<1x125x128xf32, #tpu.memory_space<vmem>>
      %dma_wait3A_121 = tpu.memref_squeeze %dma_wait3A_120 : memref<1x125x128xf32, #tpu.memory_space<vmem>> -> memref<125x128xf32, #tpu.memory_space<vmem>>
      %dma_wait3A_122 = arith.constant 0 : i32
      %dma_wait3A_123 = tpu.memref_slice %arg6[%rem3A_46, %dma_wait3A_116, %dma_wait3A_122] : memref<2x8x125xi32, #tpu.memory_space<vmem>> -> memref<1x1x125xi32, #tpu.memory_space<vmem>>
      %dma_wait3A_124 = tpu.memref_squeeze %dma_wait3A_123 : memref<1x1x125xi32, #tpu.memory_space<vmem>> -> memref<125xi32, #tpu.memory_space<vmem>>
      %dma_wait3A_125 = arith.constant 0 : i32
      %dma_wait3A_126 = arith.constant 0 : i32
      %dma_wait3A_127 = tpu.memref_slice %arg2[%dma_wait3A_125, %dma_wait3A_126] : memref<10000x128xf32, #tpu.memory_space<hbm>> -> memref<10000x128xf32, #tpu.memory_space<hbm>>
      tpu.wait_indirect_dma semaphore(%arg12 : memref<!tpu.dma_semaphore, #tpu.memory_space<semaphore_mem>>) src(%dma_wait3A_127 : memref<10000x128xf32, #tpu.memory_space<hbm>>) dst(%dma_wait3A_121 : memref<125x128xf32, #tpu.memory_space<vmem>>)
      %dma_start3A_128 = arith.constant 1 : i32
      %dma_start3A_129 = arith.constant 1 : i32
      %dma_start3A_130 = arith.constant 0 : i32
      %dma_start3A_131 = arith.constant 0 : i32
      %dma_start3A_132 = tpu.memref_slice %arg8[%dma_start3A_128, %dma_start3A_130, %dma_start3A_131] : memref<2x125x128xf32, #tpu.memory_space<vmem>> -> memref<1x125x128xf32, #tpu.memory_space<vmem>>
      %dma_start3A_133 = tpu.memref_squeeze %dma_start3A_132 : memref<1x125x128xf32, #tpu.memory_space<vmem>> -> memref<125x128xf32, #tpu.memory_space<vmem>>
      %dma_start3A_134 = arith.constant 0 : i32
      %dma_start3A_135 = tpu.memref_slice %arg7[%rem3A_46, %dma_start3A_129, %dma_start3A_134] : memref<2x8x125xi32, #tpu.memory_space<vmem>> -> memref<1x1x125xi32, #tpu.memory_space<vmem>>
      %dma_start3A_136 = tpu.memref_squeeze %dma_start3A_135 : memref<1x1x125xi32, #tpu.memory_space<vmem>> -> memref<125xi32, #tpu.memory_space<vmem>>
      %dma_start3A_137 = arith.constant 0 : i32
      %dma_start3A_138 = arith.constant 0 : i32
      %dma_start3A_139 = tpu.memref_slice %arg9[%dma_start3A_137, %dma_start3A_138] : memref<10240x128xf32, #tpu.memory_space<vmem_shared>> -> memref<10240x128xf32, #tpu.memory_space<vmem_shared>>
      tpu.enqueue_indirect_dma source(%dma_start3A_133 : memref<125x128xf32, #tpu.memory_space<vmem>>) target(%dma_start3A_139 : memref<10240x128xf32, #tpu.memory_space<vmem_shared>>) offsets(%dma_start3A_136 : memref<125xi32, #tpu.memory_space<vmem>>) semaphore(%arg14 : memref<!tpu.dma_semaphore, #tpu.memory_space<semaphore_mem>>) {add = true}
      %dma_wait3A_140 = arith.constant 1 : i32
      %dma_wait3A_141 = arith.constant 2 : i32
      %dma_wait3A_142 = arith.constant 0 : i32
      %dma_wait3A_143 = arith.constant 0 : i32
      %dma_wait3A_144 = tpu.memref_slice %arg8[%dma_wait3A_140, %dma_wait3A_142, %dma_wait3A_143] : memref<2x125x128xf32, #tpu.memory_space<vmem>> -> memref<1x125x128xf32, #tpu.memory_space<vmem>>
      %dma_wait3A_145 = tpu.memref_squeeze %dma_wait3A_144 : memref<1x125x128xf32, #tpu.memory_space<vmem>> -> memref<125x128xf32, #tpu.memory_space<vmem>>
      %dma_wait3A_146 = arith.constant 0 : i32
      %dma_wait3A_147 = tpu.memref_slice %arg7[%rem3A_46, %dma_wait3A_141, %dma_wait3A_146] : memref<2x8x125xi32, #tpu.memory_space<vmem>> -> memref<1x1x125xi32, #tpu.memory_space<vmem>>
      %dma_wait3A_148 = tpu.memref_squeeze %dma_wait3A_147 : memref<1x1x125xi32, #tpu.memory_space<vmem>> -> memref<125xi32, #tpu.memory_space<vmem>>
      %dma_wait3A_149 = arith.constant 0 : i32
      %dma_wait3A_150 = arith.constant 0 : i32
      %dma_wait3A_151 = tpu.memref_slice %arg9[%dma_wait3A_149, %dma_wait3A_150] : memref<10240x128xf32, #tpu.memory_space<vmem_shared>> -> memref<10240x128xf32, #tpu.memory_space<vmem_shared>>
      tpu.wait_indirect_dma semaphore(%arg14 : memref<!tpu.dma_semaphore, #tpu.memory_space<semaphore_mem>>) src(%dma_wait3A_145 : memref<125x128xf32, #tpu.memory_space<vmem>>) dst(%dma_wait3A_151 : memref<10240x128xf32, #tpu.memory_space<vmem_shared>>)
      %dma_start3A_152 = arith.constant 3 : i32
      %dma_start3A_153 = arith.constant 1 : i32
      %dma_start3A_154 = arith.constant 0 : i32
      %dma_start3A_155 = arith.constant 0 : i32
      %dma_start3A_156 = tpu.memref_slice %arg8[%dma_start3A_153, %dma_start3A_154, %dma_start3A_155] : memref<2x125x128xf32, #tpu.memory_space<vmem>> -> memref<1x125x128xf32, #tpu.memory_space<vmem>>
      %dma_start3A_157 = tpu.memref_squeeze %dma_start3A_156 : memref<1x125x128xf32, #tpu.memory_space<vmem>> -> memref<125x128xf32, #tpu.memory_space<vmem>>
      %dma_start3A_158 = arith.constant 0 : i32
      %dma_start3A_159 = tpu.memref_slice %arg6[%rem3A_46, %dma_start3A_152, %dma_start3A_158] : memref<2x8x125xi32, #tpu.memory_space<vmem>> -> memref<1x1x125xi32, #tpu.memory_space<vmem>>
      %dma_start3A_160 = tpu.memref_squeeze %dma_start3A_159 : memref<1x1x125xi32, #tpu.memory_space<vmem>> -> memref<125xi32, #tpu.memory_space<vmem>>
      %dma_start3A_161 = arith.constant 0 : i32
      %dma_start3A_162 = arith.constant 0 : i32
      %dma_start3A_163 = tpu.memref_slice %arg2[%dma_start3A_161, %dma_start3A_162] : memref<10000x128xf32, #tpu.memory_space<hbm>> -> memref<10000x128xf32, #tpu.memory_space<hbm>>
      tpu.enqueue_indirect_dma source(%dma_start3A_163 : memref<10000x128xf32, #tpu.memory_space<hbm>>) target(%dma_start3A_157 : memref<125x128xf32, #tpu.memory_space<vmem>>) offsets(%dma_start3A_160 : memref<125xi32, #tpu.memory_space<vmem>>) semaphore(%arg12 : memref<!tpu.dma_semaphore, #tpu.memory_space<semaphore_mem>>)
      %dma_wait3A_164 = arith.constant 2 : i32
      %dma_wait3A_165 = arith.constant 0 : i32
      %dma_wait3A_166 = arith.constant 0 : i32
      %dma_wait3A_167 = arith.constant 0 : i32
      %dma_wait3A_168 = tpu.memref_slice %arg8[%dma_wait3A_165, %dma_wait3A_166, %dma_wait3A_167] : memref<2x125x128xf32, #tpu.memory_space<vmem>> -> memref<1x125x128xf32, #tpu.memory_space<vmem>>
      %dma_wait3A_169 = tpu.memref_squeeze %dma_wait3A_168 : memref<1x125x128xf32, #tpu.memory_space<vmem>> -> memref<125x128xf32, #tpu.memory_space<vmem>>
      %dma_wait3A_170 = arith.constant 0 : i32
      %dma_wait3A_171 = tpu.memref_slice %arg6[%rem3A_46, %dma_wait3A_164, %dma_wait3A_170] : memref<2x8x125xi32, #tpu.memory_space<vmem>> -> memref<1x1x125xi32, #tpu.memory_space<vmem>>
      %dma_wait3A_172 = tpu.memref_squeeze %dma_wait3A_171 : memref<1x1x125xi32, #tpu.memory_space<vmem>> -> memref<125xi32, #tpu.memory_space<vmem>>
      %dma_wait3A_173 = arith.constant 0 : i32
      %dma_wait3A_174 = arith.constant 0 : i32
      %dma_wait3A_175 = tpu.memref_slice %arg2[%dma_wait3A_173, %dma_wait3A_174] : memref<10000x128xf32, #tpu.memory_space<hbm>> -> memref<10000x128xf32, #tpu.memory_space<hbm>>
      tpu.wait_indirect_dma semaphore(%arg11 : memref<!tpu.dma_semaphore, #tpu.memory_space<semaphore_mem>>) src(%dma_wait3A_175 : memref<10000x128xf32, #tpu.memory_space<hbm>>) dst(%dma_wait3A_169 : memref<125x128xf32, #tpu.memory_space<vmem>>)
      %dma_start3A_176 = arith.constant 0 : i32
      %dma_start3A_177 = arith.constant 2 : i32
      %dma_start3A_178 = arith.constant 0 : i32
      %dma_start3A_179 = arith.constant 0 : i32
      %dma_start3A_180 = tpu.memref_slice %arg8[%dma_start3A_176, %dma_start3A_178, %dma_start3A_179] : memref<2x125x128xf32, #tpu.memory_space<vmem>> -> memref<1x125x128xf32, #tpu.memory_space<vmem>>
      %dma_start3A_181 = tpu.memref_squeeze %dma_start3A_180 : memref<1x125x128xf32, #tpu.memory_space<vmem>> -> memref<125x128xf32, #tpu.memory_space<vmem>>
      %dma_start3A_182 = arith.constant 0 : i32
      %dma_start3A_183 = tpu.memref_slice %arg7[%rem3A_46, %dma_start3A_177, %dma_start3A_182] : memref<2x8x125xi32, #tpu.memory_space<vmem>> -> memref<1x1x125xi32, #tpu.memory_space<vmem>>
      %dma_start3A_184 = tpu.memref_squeeze %dma_start3A_183 : memref<1x1x125xi32, #tpu.memory_space<vmem>> -> memref<125xi32, #tpu.memory_space<vmem>>
      %dma_start3A_185 = arith.constant 0 : i32
      %dma_start3A_186 = arith.constant 0 : i32
      %dma_start3A_187 = tpu.memref_slice %arg9[%dma_start3A_185, %dma_start3A_186] : memref<10240x128xf32, #tpu.memory_space<vmem_shared>> -> memref<10240x128xf32, #tpu.memory_space<vmem_shared>>
      tpu.enqueue_indirect_dma source(%dma_start3A_181 : memref<125x128xf32, #tpu.memory_space<vmem>>) target(%dma_start3A_187 : memref<10240x128xf32, #tpu.memory_space<vmem_shared>>) offsets(%dma_start3A_184 : memref<125xi32, #tpu.memory_space<vmem>>) semaphore(%arg13 : memref<!tpu.dma_semaphore, #tpu.memory_space<semaphore_mem>>) {add = true}
      %dma_wait3A_188 = arith.constant 0 : i32
      %dma_wait3A_189 = arith.constant 3 : i32
      %dma_wait3A_190 = arith.constant 0 : i32
      %dma_wait3A_191 = arith.constant 0 : i32
      %dma_wait3A_192 = tpu.memref_slice %arg8[%dma_wait3A_188, %dma_wait3A_190, %dma_wait3A_191] : memref<2x125x128xf32, #tpu.memory_space<vmem>> -> memref<1x125x128xf32, #tpu.memory_space<vmem>>
      %dma_wait3A_193 = tpu.memref_squeeze %dma_wait3A_192 : memref<1x125x128xf32, #tpu.memory_space<vmem>> -> memref<125x128xf32, #tpu.memory_space<vmem>>
      %dma_wait3A_194 = arith.constant 0 : i32
      %dma_wait3A_195 = tpu.memref_slice %arg7[%rem3A_46, %dma_wait3A_189, %dma_wait3A_194] : memref<2x8x125xi32, #tpu.memory_space<vmem>> -> memref<1x1x125xi32, #tpu.memory_space<vmem>>
      %dma_wait3A_196 = tpu.memref_squeeze %dma_wait3A_195 : memref<1x1x125xi32, #tpu.memory_space<vmem>> -> memref<125xi32, #tpu.memory_space<vmem>>
      %dma_wait3A_197 = arith.constant 0 : i32
      %dma_wait3A_198 = arith.constant 0 : i32
      %dma_wait3A_199 = tpu.memref_slice %arg9[%dma_wait3A_197, %dma_wait3A_198] : memref<10240x128xf32, #tpu.memory_space<vmem_shared>> -> memref<10240x128xf32, #tpu.memory_space<vmem_shared>>
      tpu.wait_indirect_dma semaphore(%arg13 : memref<!tpu.dma_semaphore, #tpu.memory_space<semaphore_mem>>) src(%dma_wait3A_193 : memref<125x128xf32, #tpu.memory_space<vmem>>) dst(%dma_wait3A_199 : memref<10240x128xf32, #tpu.memory_space<vmem_shared>>)
      %dma_start3A_200 = arith.constant 4 : i32
      %dma_start3A_201 = arith.constant 0 : i32
      %dma_start3A_202 = arith.constant 0 : i32
      %dma_start3A_203 = arith.constant 0 : i32
      %dma_start3A_204 = tpu.memref_slice %arg8[%dma_start3A_201, %dma_start3A_202, %dma_start3A_203] : memref<2x125x128xf32, #tpu.memory_space<vmem>> -> memref<1x125x128xf32, #tpu.memory_space<vmem>>
      %dma_start3A_205 = tpu.memref_squeeze %dma_start3A_204 : memref<1x125x128xf32, #tpu.memory_space<vmem>> -> memref<125x128xf32, #tpu.memory_space<vmem>>
      %dma_start3A_206 = arith.constant 0 : i32
      %dma_start3A_207 = tpu.memref_slice %arg6[%rem3A_46, %dma_start3A_200, %dma_start3A_206] : memref<2x8x125xi32, #tpu.memory_space<vmem>> -> memref<1x1x125xi32, #tpu.memory_space<vmem>>
      %dma_start3A_208 = tpu.memref_squeeze %dma_start3A_207 : memref<1x1x125xi32, #tpu.memory_space<vmem>> -> memref<125xi32, #tpu.memory_space<vmem>>
      %dma_start3A_209 = arith.constant 0 : i32
      %dma_start3A_210 = arith.constant 0 : i32
      %dma_start3A_211 = tpu.memref_slice %arg2[%dma_start3A_209, %dma_start3A_210] : memref<10000x128xf32, #tpu.memory_space<hbm>> -> memref<10000x128xf32, #tpu.memory_space<hbm>>
      tpu.enqueue_indirect_dma source(%dma_start3A_211 : memref<10000x128xf32, #tpu.memory_space<hbm>>) target(%dma_start3A_205 : memref<125x128xf32, #tpu.memory_space<vmem>>) offsets(%dma_start3A_208 : memref<125xi32, #tpu.memory_space<vmem>>) semaphore(%arg11 : memref<!tpu.dma_semaphore, #tpu.memory_space<semaphore_mem>>)
      %dma_wait3A_212 = arith.constant 3 : i32
      %dma_wait3A_213 = arith.constant 1 : i32
      %dma_wait3A_214 = arith.constant 0 : i32
      %dma_wait3A_215 = arith.constant 0 : i32
      %dma_wait3A_216 = tpu.memref_slice %arg8[%dma_wait3A_213, %dma_wait3A_214, %dma_wait3A_215] : memref<2x125x128xf32, #tpu.memory_space<vmem>> -> memref<1x125x128xf32, #tpu.memory_space<vmem>>
      %dma_wait3A_217 = tpu.memref_squeeze %dma_wait3A_216 : memref<1x125x128xf32, #tpu.memory_space<vmem>> -> memref<125x128xf32, #tpu.memory_space<vmem>>
      %dma_wait3A_218 = arith.constant 0 : i32
      %dma_wait3A_219 = tpu.memref_slice %arg6[%rem3A_46, %dma_wait3A_212, %dma_wait3A_218] : memref<2x8x125xi32, #tpu.memory_space<vmem>> -> memref<1x1x125xi32, #tpu.memory_space<vmem>>
      %dma_wait3A_220 = tpu.memref_squeeze %dma_wait3A_219 : memref<1x1x125xi32, #tpu.memory_space<vmem>> -> memref<125xi32, #tpu.memory_space<vmem>>
      %dma_wait3A_221 = arith.constant 0 : i32
      %dma_wait3A_222 = arith.constant 0 : i32
      %dma_wait3A_223 = tpu.memref_slice %arg2[%dma_wait3A_221, %dma_wait3A_222] : memref<10000x128xf32, #tpu.memory_space<hbm>> -> memref<10000x128xf32, #tpu.memory_space<hbm>>
      tpu.wait_indirect_dma semaphore(%arg12 : memref<!tpu.dma_semaphore, #tpu.memory_space<semaphore_mem>>) src(%dma_wait3A_223 : memref<10000x128xf32, #tpu.memory_space<hbm>>) dst(%dma_wait3A_217 : memref<125x128xf32, #tpu.memory_space<vmem>>)
      %dma_start3A_224 = arith.constant 1 : i32
      %dma_start3A_225 = arith.constant 3 : i32
      %dma_start3A_226 = arith.constant 0 : i32
      %dma_start3A_227 = arith.constant 0 : i32
      %dma_start3A_228 = tpu.memref_slice %arg8[%dma_start3A_224, %dma_start3A_226, %dma_start3A_227] : memref<2x125x128xf32, #tpu.memory_space<vmem>> -> memref<1x125x128xf32, #tpu.memory_space<vmem>>
      %dma_start3A_229 = tpu.memref_squeeze %dma_start3A_228 : memref<1x125x128xf32, #tpu.memory_space<vmem>> -> memref<125x128xf32, #tpu.memory_space<vmem>>
      %dma_start3A_230 = arith.constant 0 : i32
      %dma_start3A_231 = tpu.memref_slice %arg7[%rem3A_46, %dma_start3A_225, %dma_start3A_230] : memref<2x8x125xi32, #tpu.memory_space<vmem>> -> memref<1x1x125xi32, #tpu.memory_space<vmem>>
      %dma_start3A_232 = tpu.memref_squeeze %dma_start3A_231 : memref<1x1x125xi32, #tpu.memory_space<vmem>> -> memref<125xi32, #tpu.memory_space<vmem>>
      %dma_start3A_233 = arith.constant 0 : i32
      %dma_start3A_234 = arith.constant 0 : i32
      %dma_start3A_235 = tpu.memref_slice %arg9[%dma_start3A_233, %dma_start3A_234] : memref<10240x128xf32, #tpu.memory_space<vmem_shared>> -> memref<10240x128xf32, #tpu.memory_space<vmem_shared>>
      tpu.enqueue_indirect_dma source(%dma_start3A_229 : memref<125x128xf32, #tpu.memory_space<vmem>>) target(%dma_start3A_235 : memref<10240x128xf32, #tpu.memory_space<vmem_shared>>) offsets(%dma_start3A_232 : memref<125xi32, #tpu.memory_space<vmem>>) semaphore(%arg14 : memref<!tpu.dma_semaphore, #tpu.memory_space<semaphore_mem>>) {add = true}
      %dma_wait3A_236 = arith.constant 1 : i32
      %dma_wait3A_237 = arith.constant 4 : i32
      %dma_wait3A_238 = arith.constant 0 : i32
      %dma_wait3A_239 = arith.constant 0 : i32
      %dma_wait3A_240 = tpu.memref_slice %arg8[%dma_wait3A_236, %dma_wait3A_238, %dma_wait3A_239] : memref<2x125x128xf32, #tpu.memory_space<vmem>> -> memref<1x125x128xf32, #tpu.memory_space<vmem>>
      %dma_wait3A_241 = tpu.memref_squeeze %dma_wait3A_240 : memref<1x125x128xf32, #tpu.memory_space<vmem>> -> memref<125x128xf32, #tpu.memory_space<vmem>>
      %dma_wait3A_242 = arith.constant 0 : i32
      %dma_wait3A_243 = tpu.memref_slice %arg7[%rem3A_46, %dma_wait3A_237, %dma_wait3A_242] : memref<2x8x125xi32, #tpu.memory_space<vmem>> -> memref<1x1x125xi32, #tpu.memory_space<vmem>>
      %dma_wait3A_244 = tpu.memref_squeeze %dma_wait3A_243 : memref<1x1x125xi32, #tpu.memory_space<vmem>> -> memref<125xi32, #tpu.memory_space<vmem>>
      %dma_wait3A_245 = arith.constant 0 : i32
      %dma_wait3A_246 = arith.constant 0 : i32
      %dma_wait3A_247 = tpu.memref_slice %arg9[%dma_wait3A_245, %dma_wait3A_246] : memref<10240x128xf32, #tpu.memory_space<vmem_shared>> -> memref<10240x128xf32, #tpu.memory_space<vmem_shared>>
      tpu.wait_indirect_dma semaphore(%arg14 : memref<!tpu.dma_semaphore, #tpu.memory_space<semaphore_mem>>) src(%dma_wait3A_241 : memref<125x128xf32, #tpu.memory_space<vmem>>) dst(%dma_wait3A_247 : memref<10240x128xf32, #tpu.memory_space<vmem_shared>>)
      %dma_start3A_248 = arith.constant 5 : i32
      %dma_start3A_249 = arith.constant 1 : i32
      %dma_start3A_250 = arith.constant 0 : i32
      %dma_start3A_251 = arith.constant 0 : i32
      %dma_start3A_252 = tpu.memref_slice %arg8[%dma_start3A_249, %dma_start3A_250, %dma_start3A_251] : memref<2x125x128xf32, #tpu.memory_space<vmem>> -> memref<1x125x128xf32, #tpu.memory_space<vmem>>
      %dma_start3A_253 = tpu.memref_squeeze %dma_start3A_252 : memref<1x125x128xf32, #tpu.memory_space<vmem>> -> memref<125x128xf32, #tpu.memory_space<vmem>>
      %dma_start3A_254 = arith.constant 0 : i32
      %dma_start3A_255 = tpu.memref_slice %arg6[%rem3A_46, %dma_start3A_248, %dma_start3A_254] : memref<2x8x125xi32, #tpu.memory_space<vmem>> -> memref<1x1x125xi32, #tpu.memory_space<vmem>>
      %dma_start3A_256 = tpu.memref_squeeze %dma_start3A_255 : memref<1x1x125xi32, #tpu.memory_space<vmem>> -> memref<125xi32, #tpu.memory_space<vmem>>
      %dma_start3A_257 = arith.constant 0 : i32
      %dma_start3A_258 = arith.constant 0 : i32
      %dma_start3A_259 = tpu.memref_slice %arg2[%dma_start3A_257, %dma_start3A_258] : memref<10000x128xf32, #tpu.memory_space<hbm>> -> memref<10000x128xf32, #tpu.memory_space<hbm>>
      tpu.enqueue_indirect_dma source(%dma_start3A_259 : memref<10000x128xf32, #tpu.memory_space<hbm>>) target(%dma_start3A_253 : memref<125x128xf32, #tpu.memory_space<vmem>>) offsets(%dma_start3A_256 : memref<125xi32, #tpu.memory_space<vmem>>) semaphore(%arg12 : memref<!tpu.dma_semaphore, #tpu.memory_space<semaphore_mem>>)
      %dma_wait3A_260 = arith.constant 4 : i32
      %dma_wait3A_261 = arith.constant 0 : i32
      %dma_wait3A_262 = arith.constant 0 : i32
      %dma_wait3A_263 = arith.constant 0 : i32
      %dma_wait3A_264 = tpu.memref_slice %arg8[%dma_wait3A_261, %dma_wait3A_262, %dma_wait3A_263] : memref<2x125x128xf32, #tpu.memory_space<vmem>> -> memref<1x125x128xf32, #tpu.memory_space<vmem>>
      %dma_wait3A_265 = tpu.memref_squeeze %dma_wait3A_264 : memref<1x125x128xf32, #tpu.memory_space<vmem>> -> memref<125x128xf32, #tpu.memory_space<vmem>>
      %dma_wait3A_266 = arith.constant 0 : i32
      %dma_wait3A_267 = tpu.memref_slice %arg6[%rem3A_46, %dma_wait3A_260, %dma_wait3A_266] : memref<2x8x125xi32, #tpu.memory_space<vmem>> -> memref<1x1x125xi32, #tpu.memory_space<vmem>>
      %dma_wait3A_268 = tpu.memref_squeeze %dma_wait3A_267 : memref<1x1x125xi32, #tpu.memory_space<vmem>> -> memref<125xi32, #tpu.memory_space<vmem>>
      %dma_wait3A_269 = arith.constant 0 : i32
      %dma_wait3A_270 = arith.constant 0 : i32
      %dma_wait3A_271 = tpu.memref_slice %arg2[%dma_wait3A_269, %dma_wait3A_270] : memref<10000x128xf32, #tpu.memory_space<hbm>> -> memref<10000x128xf32, #tpu.memory_space<hbm>>
      tpu.wait_indirect_dma semaphore(%arg11 : memref<!tpu.dma_semaphore, #tpu.memory_space<semaphore_mem>>) src(%dma_wait3A_271 : memref<10000x128xf32, #tpu.memory_space<hbm>>) dst(%dma_wait3A_265 : memref<125x128xf32, #tpu.memory_space<vmem>>)
      %dma_start3A_272 = arith.constant 0 : i32
      %dma_start3A_273 = arith.constant 4 : i32
      %dma_start3A_274 = arith.constant 0 : i32
      %dma_start3A_275 = arith.constant 0 : i32
      %dma_start3A_276 = tpu.memref_slice %arg8[%dma_start3A_272, %dma_start3A_274, %dma_start3A_275] : memref<2x125x128xf32, #tpu.memory_space<vmem>> -> memref<1x125x128xf32, #tpu.memory_space<vmem>>
      %dma_start3A_277 = tpu.memref_squeeze %dma_start3A_276 : memref<1x125x128xf32, #tpu.memory_space<vmem>> -> memref<125x128xf32, #tpu.memory_space<vmem>>
      %dma_start3A_278 = arith.constant 0 : i32
      %dma_start3A_279 = tpu.memref_slice %arg7[%rem3A_46, %dma_start3A_273, %dma_start3A_278] : memref<2x8x125xi32, #tpu.memory_space<vmem>> -> memref<1x1x125xi32, #tpu.memory_space<vmem>>
      %dma_start3A_280 = tpu.memref_squeeze %dma_start3A_279 : memref<1x1x125xi32, #tpu.memory_space<vmem>> -> memref<125xi32, #tpu.memory_space<vmem>>
      %dma_start3A_281 = arith.constant 0 : i32
      %dma_start3A_282 = arith.constant 0 : i32
      %dma_start3A_283 = tpu.memref_slice %arg9[%dma_start3A_281, %dma_start3A_282] : memref<10240x128xf32, #tpu.memory_space<vmem_shared>> -> memref<10240x128xf32, #tpu.memory_space<vmem_shared>>
      tpu.enqueue_indirect_dma source(%dma_start3A_277 : memref<125x128xf32, #tpu.memory_space<vmem>>) target(%dma_start3A_283 : memref<10240x128xf32, #tpu.memory_space<vmem_shared>>) offsets(%dma_start3A_280 : memref<125xi32, #tpu.memory_space<vmem>>) semaphore(%arg13 : memref<!tpu.dma_semaphore, #tpu.memory_space<semaphore_mem>>) {add = true}
      %dma_wait3A_284 = arith.constant 0 : i32
      %dma_wait3A_285 = arith.constant 5 : i32
      %dma_wait3A_286 = arith.constant 0 : i32
      %dma_wait3A_287 = arith.constant 0 : i32
      %dma_wait3A_288 = tpu.memref_slice %arg8[%dma_wait3A_284, %dma_wait3A_286, %dma_wait3A_287] : memref<2x125x128xf32, #tpu.memory_space<vmem>> -> memref<1x125x128xf32, #tpu.memory_space<vmem>>
      %dma_wait3A_289 = tpu.memref_squeeze %dma_wait3A_288 : memref<1x125x128xf32, #tpu.memory_space<vmem>> -> memref<125x128xf32, #tpu.memory_space<vmem>>
      %dma_wait3A_290 = arith.constant 0 : i32
      %dma_wait3A_291 = tpu.memref_slice %arg7[%rem3A_46, %dma_wait3A_285, %dma_wait3A_290] : memref<2x8x125xi32, #tpu.memory_space<vmem>> -> memref<1x1x125xi32, #tpu.memory_space<vmem>>
      %dma_wait3A_292 = tpu.memref_squeeze %dma_wait3A_291 : memref<1x1x125xi32, #tpu.memory_space<vmem>> -> memref<125xi32, #tpu.memory_space<vmem>>
      %dma_wait3A_293 = arith.constant 0 : i32
      %dma_wait3A_294 = arith.constant 0 : i32
      %dma_wait3A_295 = tpu.memref_slice %arg9[%dma_wait3A_293, %dma_wait3A_294] : memref<10240x128xf32, #tpu.memory_space<vmem_shared>> -> memref<10240x128xf32, #tpu.memory_space<vmem_shared>>
      tpu.wait_indirect_dma semaphore(%arg13 : memref<!tpu.dma_semaphore, #tpu.memory_space<semaphore_mem>>) src(%dma_wait3A_289 : memref<125x128xf32, #tpu.memory_space<vmem>>) dst(%dma_wait3A_295 : memref<10240x128xf32, #tpu.memory_space<vmem_shared>>)
      %dma_start3A_296 = arith.constant 6 : i32
      %dma_start3A_297 = arith.constant 0 : i32
      %dma_start3A_298 = arith.constant 0 : i32
      %dma_start3A_299 = arith.constant 0 : i32
      %dma_start3A_300 = tpu.memref_slice %arg8[%dma_start3A_297, %dma_start3A_298, %dma_start3A_299] : memref<2x125x128xf32, #tpu.memory_space<vmem>> -> memref<1x125x128xf32, #tpu.memory_space<vmem>>
      %dma_start3A_301 = tpu.memref_squeeze %dma_start3A_300 : memref<1x125x128xf32, #tpu.memory_space<vmem>> -> memref<125x128xf32, #tpu.memory_space<vmem>>
      %dma_start3A_302 = arith.constant 0 : i32
      %dma_start3A_303 = tpu.memref_slice %arg6[%rem3A_46, %dma_start3A_296, %dma_start3A_302] : memref<2x8x125xi32, #tpu.memory_space<vmem>> -> memref<1x1x125xi32, #tpu.memory_space<vmem>>
      %dma_start3A_304 = tpu.memref_squeeze %dma_start3A_303 : memref<1x1x125xi32, #tpu.memory_space<vmem>> -> memref<125xi32, #tpu.memory_space<vmem>>
      %dma_start3A_305 = arith.constant 0 : i32
      %dma_start3A_306 = arith.constant 0 : i32
      %dma_start3A_307 = tpu.memref_slice %arg2[%dma_start3A_305, %dma_start3A_306] : memref<10000x128xf32, #tpu.memory_space<hbm>> -> memref<10000x128xf32, #tpu.memory_space<hbm>>
      tpu.enqueue_indirect_dma source(%dma_start3A_307 : memref<10000x128xf32, #tpu.memory_space<hbm>>) target(%dma_start3A_301 : memref<125x128xf32, #tpu.memory_space<vmem>>) offsets(%dma_start3A_304 : memref<125xi32, #tpu.memory_space<vmem>>) semaphore(%arg11 : memref<!tpu.dma_semaphore, #tpu.memory_space<semaphore_mem>>)
      %dma_wait3A_308 = arith.constant 5 : i32
      %dma_wait3A_309 = arith.constant 1 : i32
      %dma_wait3A_310 = arith.constant 0 : i32
      %dma_wait3A_311 = arith.constant 0 : i32
      %dma_wait3A_312 = tpu.memref_slice %arg8[%dma_wait3A_309, %dma_wait3A_310, %dma_wait3A_311] : memref<2x125x128xf32, #tpu.memory_space<vmem>> -> memref<1x125x128xf32, #tpu.memory_space<vmem>>
      %dma_wait3A_313 = tpu.memref_squeeze %dma_wait3A_312 : memref<1x125x128xf32, #tpu.memory_space<vmem>> -> memref<125x128xf32, #tpu.memory_space<vmem>>
      %dma_wait3A_314 = arith.constant 0 : i32
      %dma_wait3A_315 = tpu.memref_slice %arg6[%rem3A_46, %dma_wait3A_308, %dma_wait3A_314] : memref<2x8x125xi32, #tpu.memory_space<vmem>> -> memref<1x1x125xi32, #tpu.memory_space<vmem>>
      %dma_wait3A_316 = tpu.memref_squeeze %dma_wait3A_315 : memref<1x1x125xi32, #tpu.memory_space<vmem>> -> memref<125xi32, #tpu.memory_space<vmem>>
      %dma_wait3A_317 = arith.constant 0 : i32
      %dma_wait3A_318 = arith.constant 0 : i32
      %dma_wait3A_319 = tpu.memref_slice %arg2[%dma_wait3A_317, %dma_wait3A_318] : memref<10000x128xf32, #tpu.memory_space<hbm>> -> memref<10000x128xf32, #tpu.memory_space<hbm>>
      tpu.wait_indirect_dma semaphore(%arg12 : memref<!tpu.dma_semaphore, #tpu.memory_space<semaphore_mem>>) src(%dma_wait3A_319 : memref<10000x128xf32, #tpu.memory_space<hbm>>) dst(%dma_wait3A_313 : memref<125x128xf32, #tpu.memory_space<vmem>>)
      %dma_start3A_320 = arith.constant 1 : i32
      %dma_start3A_321 = arith.constant 5 : i32
      %dma_start3A_322 = arith.constant 0 : i32
      %dma_start3A_323 = arith.constant 0 : i32
      %dma_start3A_324 = tpu.memref_slice %arg8[%dma_start3A_320, %dma_start3A_322, %dma_start3A_323] : memref<2x125x128xf32, #tpu.memory_space<vmem>> -> memref<1x125x128xf32, #tpu.memory_space<vmem>>
      %dma_start3A_325 = tpu.memref_squeeze %dma_start3A_324 : memref<1x125x128xf32, #tpu.memory_space<vmem>> -> memref<125x128xf32, #tpu.memory_space<vmem>>
      %dma_start3A_326 = arith.constant 0 : i32
      %dma_start3A_327 = tpu.memref_slice %arg7[%rem3A_46, %dma_start3A_321, %dma_start3A_326] : memref<2x8x125xi32, #tpu.memory_space<vmem>> -> memref<1x1x125xi32, #tpu.memory_space<vmem>>
      %dma_start3A_328 = tpu.memref_squeeze %dma_start3A_327 : memref<1x1x125xi32, #tpu.memory_space<vmem>> -> memref<125xi32, #tpu.memory_space<vmem>>
      %dma_start3A_329 = arith.constant 0 : i32
      %dma_start3A_330 = arith.constant 0 : i32
      %dma_start3A_331 = tpu.memref_slice %arg9[%dma_start3A_329, %dma_start3A_330] : memref<10240x128xf32, #tpu.memory_space<vmem_shared>> -> memref<10240x128xf32, #tpu.memory_space<vmem_shared>>
      tpu.enqueue_indirect_dma source(%dma_start3A_325 : memref<125x128xf32, #tpu.memory_space<vmem>>) target(%dma_start3A_331 : memref<10240x128xf32, #tpu.memory_space<vmem_shared>>) offsets(%dma_start3A_328 : memref<125xi32, #tpu.memory_space<vmem>>) semaphore(%arg14 : memref<!tpu.dma_semaphore, #tpu.memory_space<semaphore_mem>>) {add = true}
      %dma_wait3A_332 = arith.constant 1 : i32
      %dma_wait3A_333 = arith.constant 6 : i32
      %dma_wait3A_334 = arith.constant 0 : i32
      %dma_wait3A_335 = arith.constant 0 : i32
      %dma_wait3A_336 = tpu.memref_slice %arg8[%dma_wait3A_332, %dma_wait3A_334, %dma_wait3A_335] : memref<2x125x128xf32, #tpu.memory_space<vmem>> -> memref<1x125x128xf32, #tpu.memory_space<vmem>>
      %dma_wait3A_337 = tpu.memref_squeeze %dma_wait3A_336 : memref<1x125x128xf32, #tpu.memory_space<vmem>> -> memref<125x128xf32, #tpu.memory_space<vmem>>
      %dma_wait3A_338 = arith.constant 0 : i32
      %dma_wait3A_339 = tpu.memref_slice %arg7[%rem3A_46, %dma_wait3A_333, %dma_wait3A_338] : memref<2x8x125xi32, #tpu.memory_space<vmem>> -> memref<1x1x125xi32, #tpu.memory_space<vmem>>
      %dma_wait3A_340 = tpu.memref_squeeze %dma_wait3A_339 : memref<1x1x125xi32, #tpu.memory_space<vmem>> -> memref<125xi32, #tpu.memory_space<vmem>>
      %dma_wait3A_341 = arith.constant 0 : i32
      %dma_wait3A_342 = arith.constant 0 : i32
      %dma_wait3A_343 = tpu.memref_slice %arg9[%dma_wait3A_341, %dma_wait3A_342] : memref<10240x128xf32, #tpu.memory_space<vmem_shared>> -> memref<10240x128xf32, #tpu.memory_space<vmem_shared>>
      tpu.wait_indirect_dma semaphore(%arg14 : memref<!tpu.dma_semaphore, #tpu.memory_space<semaphore_mem>>) src(%dma_wait3A_337 : memref<125x128xf32, #tpu.memory_space<vmem>>) dst(%dma_wait3A_343 : memref<10240x128xf32, #tpu.memory_space<vmem_shared>>)
      %dma_start3A_344 = arith.constant 7 : i32
      %dma_start3A_345 = arith.constant 1 : i32
      %dma_start3A_346 = arith.constant 0 : i32
      %dma_start3A_347 = arith.constant 0 : i32
      %dma_start3A_348 = tpu.memref_slice %arg8[%dma_start3A_345, %dma_start3A_346, %dma_start3A_347] : memref<2x125x128xf32, #tpu.memory_space<vmem>> -> memref<1x125x128xf32, #tpu.memory_space<vmem>>
      %dma_start3A_349 = tpu.memref_squeeze %dma_start3A_348 : memref<1x125x128xf32, #tpu.memory_space<vmem>> -> memref<125x128xf32, #tpu.memory_space<vmem>>
      %dma_start3A_350 = arith.constant 0 : i32
      %dma_start3A_351 = tpu.memref_slice %arg6[%rem3A_46, %dma_start3A_344, %dma_start3A_350] : memref<2x8x125xi32, #tpu.memory_space<vmem>> -> memref<1x1x125xi32, #tpu.memory_space<vmem>>
      %dma_start3A_352 = tpu.memref_squeeze %dma_start3A_351 : memref<1x1x125xi32, #tpu.memory_space<vmem>> -> memref<125xi32, #tpu.memory_space<vmem>>
      %dma_start3A_353 = arith.constant 0 : i32
      %dma_start3A_354 = arith.constant 0 : i32
      %dma_start3A_355 = tpu.memref_slice %arg2[%dma_start3A_353, %dma_start3A_354] : memref<10000x128xf32, #tpu.memory_space<hbm>> -> memref<10000x128xf32, #tpu.memory_space<hbm>>
      tpu.enqueue_indirect_dma source(%dma_start3A_355 : memref<10000x128xf32, #tpu.memory_space<hbm>>) target(%dma_start3A_349 : memref<125x128xf32, #tpu.memory_space<vmem>>) offsets(%dma_start3A_352 : memref<125xi32, #tpu.memory_space<vmem>>) semaphore(%arg12 : memref<!tpu.dma_semaphore, #tpu.memory_space<semaphore_mem>>)
      %dma_wait3A_356 = arith.constant 6 : i32
      %dma_wait3A_357 = arith.constant 0 : i32
      %dma_wait3A_358 = arith.constant 0 : i32
      %dma_wait3A_359 = arith.constant 0 : i32
      %dma_wait3A_360 = tpu.memref_slice %arg8[%dma_wait3A_357, %dma_wait3A_358, %dma_wait3A_359] : memref<2x125x128xf32, #tpu.memory_space<vmem>> -> memref<1x125x128xf32, #tpu.memory_space<vmem>>
      %dma_wait3A_361 = tpu.memref_squeeze %dma_wait3A_360 : memref<1x125x128xf32, #tpu.memory_space<vmem>> -> memref<125x128xf32, #tpu.memory_space<vmem>>
      %dma_wait3A_362 = arith.constant 0 : i32
      %dma_wait3A_363 = tpu.memref_slice %arg6[%rem3A_46, %dma_wait3A_356, %dma_wait3A_362] : memref<2x8x125xi32, #tpu.memory_space<vmem>> -> memref<1x1x125xi32, #tpu.memory_space<vmem>>
      %dma_wait3A_364 = tpu.memref_squeeze %dma_wait3A_363 : memref<1x1x125xi32, #tpu.memory_space<vmem>> -> memref<125xi32, #tpu.memory_space<vmem>>
      %dma_wait3A_365 = arith.constant 0 : i32
      %dma_wait3A_366 = arith.constant 0 : i32
      %dma_wait3A_367 = tpu.memref_slice %arg2[%dma_wait3A_365, %dma_wait3A_366] : memref<10000x128xf32, #tpu.memory_space<hbm>> -> memref<10000x128xf32, #tpu.memory_space<hbm>>
      tpu.wait_indirect_dma semaphore(%arg11 : memref<!tpu.dma_semaphore, #tpu.memory_space<semaphore_mem>>) src(%dma_wait3A_367 : memref<10000x128xf32, #tpu.memory_space<hbm>>) dst(%dma_wait3A_361 : memref<125x128xf32, #tpu.memory_space<vmem>>)
      %dma_start3A_368 = arith.constant 0 : i32
      %dma_start3A_369 = arith.constant 6 : i32
      %dma_start3A_370 = arith.constant 0 : i32
      %dma_start3A_371 = arith.constant 0 : i32
      %dma_start3A_372 = tpu.memref_slice %arg8[%dma_start3A_368, %dma_start3A_370, %dma_start3A_371] : memref<2x125x128xf32, #tpu.memory_space<vmem>> -> memref<1x125x128xf32, #tpu.memory_space<vmem>>
      %dma_start3A_373 = tpu.memref_squeeze %dma_start3A_372 : memref<1x125x128xf32, #tpu.memory_space<vmem>> -> memref<125x128xf32, #tpu.memory_space<vmem>>
      %dma_start3A_374 = arith.constant 0 : i32
      %dma_start3A_375 = tpu.memref_slice %arg7[%rem3A_46, %dma_start3A_369, %dma_start3A_374] : memref<2x8x125xi32, #tpu.memory_space<vmem>> -> memref<1x1x125xi32, #tpu.memory_space<vmem>>
      %dma_start3A_376 = tpu.memref_squeeze %dma_start3A_375 : memref<1x1x125xi32, #tpu.memory_space<vmem>> -> memref<125xi32, #tpu.memory_space<vmem>>
      %dma_start3A_377 = arith.constant 0 : i32
      %dma_start3A_378 = arith.constant 0 : i32
      %dma_start3A_379 = tpu.memref_slice %arg9[%dma_start3A_377, %dma_start3A_378] : memref<10240x128xf32, #tpu.memory_space<vmem_shared>> -> memref<10240x128xf32, #tpu.memory_space<vmem_shared>>
      tpu.enqueue_indirect_dma source(%dma_start3A_373 : memref<125x128xf32, #tpu.memory_space<vmem>>) target(%dma_start3A_379 : memref<10240x128xf32, #tpu.memory_space<vmem_shared>>) offsets(%dma_start3A_376 : memref<125xi32, #tpu.memory_space<vmem>>) semaphore(%arg13 : memref<!tpu.dma_semaphore, #tpu.memory_space<semaphore_mem>>) {add = true}
      %dma_wait3A_380 = arith.constant 0 : i32
      %dma_wait3A_381 = arith.constant 7 : i32
      %dma_wait3A_382 = arith.constant 0 : i32
      %dma_wait3A_383 = arith.constant 0 : i32
      %dma_wait3A_384 = tpu.memref_slice %arg8[%dma_wait3A_380, %dma_wait3A_382, %dma_wait3A_383] : memref<2x125x128xf32, #tpu.memory_space<vmem>> -> memref<1x125x128xf32, #tpu.memory_space<vmem>>
      %dma_wait3A_385 = tpu.memref_squeeze %dma_wait3A_384 : memref<1x125x128xf32, #tpu.memory_space<vmem>> -> memref<125x128xf32, #tpu.memory_space<vmem>>
      %dma_wait3A_386 = arith.constant 0 : i32
      %dma_wait3A_387 = tpu.memref_slice %arg7[%rem3A_46, %dma_wait3A_381, %dma_wait3A_386] : memref<2x8x125xi32, #tpu.memory_space<vmem>> -> memref<1x1x125xi32, #tpu.memory_space<vmem>>
      %dma_wait3A_388 = tpu.memref_squeeze %dma_wait3A_387 : memref<1x1x125xi32, #tpu.memory_space<vmem>> -> memref<125xi32, #tpu.memory_space<vmem>>
      %dma_wait3A_389 = arith.constant 0 : i32
      %dma_wait3A_390 = arith.constant 0 : i32
      %dma_wait3A_391 = tpu.memref_slice %arg9[%dma_wait3A_389, %dma_wait3A_390] : memref<10240x128xf32, #tpu.memory_space<vmem_shared>> -> memref<10240x128xf32, #tpu.memory_space<vmem_shared>>
      tpu.wait_indirect_dma semaphore(%arg13 : memref<!tpu.dma_semaphore, #tpu.memory_space<semaphore_mem>>) src(%dma_wait3A_385 : memref<125x128xf32, #tpu.memory_space<vmem>>) dst(%dma_wait3A_391 : memref<10240x128xf32, #tpu.memory_space<vmem_shared>>)
      %add3A_392 = arith.constant 1 : i32
      %add3A_393 = arith.addi %add3A_45, %add3A_392 : i32
      %lt3A_394 = arith.constant 10 : i32
      %lt3A_395 = arith.cmpi slt, %add3A_393, %lt3A_394 : i32
      %convert_element_type3A_396 = arith.extui %lt3A_395 : i1 to i32
      %cond3A_397 = arith.constant 0 : i32
      %cond3A_398 = arith.cmpi ne, %convert_element_type3A_396, %cond3A_397 : i32
      scf.if %cond3A_398 {
        %dma_wait3A_423 = arith.constant 0 : i32
        %dma_wait3A_424 = arith.constant 0 : i32
        %dma_wait3A_425 = arith.constant 0 : i32
        %dma_wait3A_426 = tpu.memref_slice %arg6[%sub3A_47, %dma_wait3A_424, %dma_wait3A_425] : memref<2x8x125xi32, #tpu.memory_space<vmem>> -> memref<1x8x125xi32, #tpu.memory_space<vmem>>
        %dma_wait3A_427 = tpu.memref_squeeze %dma_wait3A_426 : memref<1x8x125xi32, #tpu.memory_space<vmem>> -> memref<8x125xi32, #tpu.memory_space<vmem>>
        %dma_wait3A_428 = arith.constant 0 : i32
        %dma_wait3A_429 = tpu.memref_slice %arg3[%dma_wait3A_423, %mul3A_2, %dma_wait3A_428] : memref<2x2560x125xi32, #tpu.memory_space<hbm>> -> memref<1x8x125xi32, #tpu.memory_space<hbm>>
        %dma_wait3A_430 = tpu.memref_squeeze %dma_wait3A_429 : memref<1x8x125xi32, #tpu.memory_space<hbm>> -> memref<8x125xi32, #tpu.memory_space<hbm>>
        %dma_wait3A_431 = arith.constant 0 : i32
        %dma_wait3A_432 = arith.constant 0 : i32
        %dma_wait3A_433 = tpu.memref_slice %arg6[%sub3A_47, %dma_wait3A_431, %dma_wait3A_432] : memref<2x8x125xi32, #tpu.memory_space<vmem>> -> memref<1x8x125xi32, #tpu.memory_space<vmem>>
        %dma_wait3A_434 = tpu.memref_squeeze %dma_wait3A_433 : memref<1x8x125xi32, #tpu.memory_space<vmem>> -> memref<8x125xi32, #tpu.memory_space<vmem>>
        %dma_wait3A_435 = arith.constant 0 : i32
        %dma_wait3A_436 = tpu.memref_slice %arg3[%dma_wait3A_423, %mul3A_2, %dma_wait3A_435] : memref<2x2560x125xi32, #tpu.memory_space<hbm>> -> memref<1x8x125xi32, #tpu.memory_space<hbm>>
        %dma_wait3A_437 = tpu.memref_squeeze %dma_wait3A_436 : memref<1x8x125xi32, #tpu.memory_space<hbm>> -> memref<8x125xi32, #tpu.memory_space<hbm>>
        tpu.wait_dma2 semaphore(%arg10 : memref<!tpu.dma_semaphore, #tpu.memory_space<semaphore_mem>>) src(%dma_wait3A_437 : memref<8x125xi32, #tpu.memory_space<hbm>>) dst(%dma_wait3A_434 : memref<8x125xi32, #tpu.memory_space<vmem>>)
        %dma_wait3A_438 = arith.constant 1 : i32
        %dma_wait3A_439 = arith.constant 0 : i32
        %dma_wait3A_440 = arith.constant 0 : i32
        %dma_wait3A_441 = tpu.memref_slice %arg7[%sub3A_47, %dma_wait3A_439, %dma_wait3A_440] : memref<2x8x125xi32, #tpu.memory_space<vmem>> -> memref<1x8x125xi32, #tpu.memory_space<vmem>>
        %dma_wait3A_442 = tpu.memref_squeeze %dma_wait3A_441 : memref<1x8x125xi32, #tpu.memory_space<vmem>> -> memref<8x125xi32, #tpu.memory_space<vmem>>
        %dma_wait3A_443 = arith.constant 0 : i32
        %dma_wait3A_444 = tpu.memref_slice %arg3[%dma_wait3A_438, %mul3A_2, %dma_wait3A_443] : memref<2x2560x125xi32, #tpu.memory_space<hbm>> -> memref<1x8x125xi32, #tpu.memory_space<hbm>>
        %dma_wait3A_445 = tpu.memref_squeeze %dma_wait3A_444 : memref<1x8x125xi32, #tpu.memory_space<hbm>> -> memref<8x125xi32, #tpu.memory_space<hbm>>
        %dma_wait3A_446 = arith.constant 0 : i32
        %dma_wait3A_447 = arith.constant 0 : i32
        %dma_wait3A_448 = tpu.memref_slice %arg7[%sub3A_47, %dma_wait3A_446, %dma_wait3A_447] : memref<2x8x125xi32, #tpu.memory_space<vmem>> -> memref<1x8x125xi32, #tpu.memory_space<vmem>>
        %dma_wait3A_449 = tpu.memref_squeeze %dma_wait3A_448 : memref<1x8x125xi32, #tpu.memory_space<vmem>> -> memref<8x125xi32, #tpu.memory_space<vmem>>
        %dma_wait3A_450 = arith.constant 0 : i32
        %dma_wait3A_451 = tpu.memref_slice %arg3[%dma_wait3A_438, %mul3A_2, %dma_wait3A_450] : memref<2x2560x125xi32, #tpu.memory_space<hbm>> -> memref<1x8x125xi32, #tpu.memory_space<hbm>>
        %dma_wait3A_452 = tpu.memref_squeeze %dma_wait3A_451 : memref<1x8x125xi32, #tpu.memory_space<hbm>> -> memref<8x125xi32, #tpu.memory_space<hbm>>
        tpu.wait_dma2 semaphore(%arg10 : memref<!tpu.dma_semaphore, #tpu.memory_space<semaphore_mem>>) src(%dma_wait3A_452 : memref<8x125xi32, #tpu.memory_space<hbm>>) dst(%dma_wait3A_449 : memref<8x125xi32, #tpu.memory_space<vmem>>)
        %dma_start3A_453 = arith.constant 0 : i32
        %dma_start3A_454 = arith.constant 0 : i32
        %dma_start3A_455 = arith.constant 0 : i32
        %dma_start3A_456 = arith.constant 0 : i32
        %dma_start3A_457 = tpu.memref_slice %arg8[%dma_start3A_454, %dma_start3A_455, %dma_start3A_456] : memref<2x125x128xf32, #tpu.memory_space<vmem>> -> memref<1x125x128xf32, #tpu.memory_space<vmem>>
        %dma_start3A_458 = tpu.memref_squeeze %dma_start3A_457 : memref<1x125x128xf32, #tpu.memory_space<vmem>> -> memref<125x128xf32, #tpu.memory_space<vmem>>
        %dma_start3A_459 = arith.constant 0 : i32
        %dma_start3A_460 = tpu.memref_slice %arg6[%sub3A_47, %dma_start3A_453, %dma_start3A_459] : memref<2x8x125xi32, #tpu.memory_space<vmem>> -> memref<1x1x125xi32, #tpu.memory_space<vmem>>
        %dma_start3A_461 = tpu.memref_squeeze %dma_start3A_460 : memref<1x1x125xi32, #tpu.memory_space<vmem>> -> memref<125xi32, #tpu.memory_space<vmem>>
        %dma_start3A_462 = arith.constant 0 : i32
        %dma_start3A_463 = arith.constant 0 : i32
        %dma_start3A_464 = tpu.memref_slice %arg2[%dma_start3A_462, %dma_start3A_463] : memref<10000x128xf32, #tpu.memory_space<hbm>> -> memref<10000x128xf32, #tpu.memory_space<hbm>>
        tpu.enqueue_indirect_dma source(%dma_start3A_464 : memref<10000x128xf32, #tpu.memory_space<hbm>>) target(%dma_start3A_458 : memref<125x128xf32, #tpu.memory_space<vmem>>) offsets(%dma_start3A_461 : memref<125xi32, #tpu.memory_space<vmem>>) semaphore(%arg11 : memref<!tpu.dma_semaphore, #tpu.memory_space<semaphore_mem>>)
      } else {
      }
      %dma_wait3A_399 = arith.constant 7 : i32
      %dma_wait3A_400 = arith.constant 1 : i32
      %dma_wait3A_401 = arith.constant 0 : i32
      %dma_wait3A_402 = arith.constant 0 : i32
      %dma_wait3A_403 = tpu.memref_slice %arg8[%dma_wait3A_400, %dma_wait3A_401, %dma_wait3A_402] : memref<2x125x128xf32, #tpu.memory_space<vmem>> -> memref<1x125x128xf32, #tpu.memory_space<vmem>>
      %dma_wait3A_404 = tpu.memref_squeeze %dma_wait3A_403 : memref<1x125x128xf32, #tpu.memory_space<vmem>> -> memref<125x128xf32, #tpu.memory_space<vmem>>
      %dma_wait3A_405 = arith.constant 0 : i32
      %dma_wait3A_406 = tpu.memref_slice %arg6[%rem3A_46, %dma_wait3A_399, %dma_wait3A_405] : memref<2x8x125xi32, #tpu.memory_space<vmem>> -> memref<1x1x125xi32, #tpu.memory_space<vmem>>
      %dma_wait3A_407 = tpu.memref_squeeze %dma_wait3A_406 : memref<1x1x125xi32, #tpu.memory_space<vmem>> -> memref<125xi32, #tpu.memory_space<vmem>>
      %dma_wait3A_408 = arith.constant 0 : i32
      %dma_wait3A_409 = arith.constant 0 : i32
      %dma_wait3A_410 = tpu.memref_slice %arg2[%dma_wait3A_408, %dma_wait3A_409] : memref<10000x128xf32, #tpu.memory_space<hbm>> -> memref<10000x128xf32, #tpu.memory_space<hbm>>
      tpu.wait_indirect_dma semaphore(%arg12 : memref<!tpu.dma_semaphore, #tpu.memory_space<semaphore_mem>>) src(%dma_wait3A_410 : memref<10000x128xf32, #tpu.memory_space<hbm>>) dst(%dma_wait3A_404 : memref<125x128xf32, #tpu.memory_space<vmem>>)
      %dma_start3A_411 = arith.constant 1 : i32
      %dma_start3A_412 = arith.constant 7 : i32
      %dma_start3A_413 = arith.constant 0 : i32
      %dma_start3A_414 = arith.constant 0 : i32
      %dma_start3A_415 = tpu.memref_slice %arg8[%dma_start3A_411, %dma_start3A_413, %dma_start3A_414] : memref<2x125x128xf32, #tpu.memory_space<vmem>> -> memref<1x125x128xf32, #tpu.memory_space<vmem>>
      %dma_start3A_416 = tpu.memref_squeeze %dma_start3A_415 : memref<1x125x128xf32, #tpu.memory_space<vmem>> -> memref<125x128xf32, #tpu.memory_space<vmem>>
      %dma_start3A_417 = arith.constant 0 : i32
      %dma_start3A_418 = tpu.memref_slice %arg7[%rem3A_46, %dma_start3A_412, %dma_start3A_417] : memref<2x8x125xi32, #tpu.memory_space<vmem>> -> memref<1x1x125xi32, #tpu.memory_space<vmem>>
      %dma_start3A_419 = tpu.memref_squeeze %dma_start3A_418 : memref<1x1x125xi32, #tpu.memory_space<vmem>> -> memref<125xi32, #tpu.memory_space<vmem>>
      %dma_start3A_420 = arith.constant 0 : i32
      %dma_start3A_421 = arith.constant 0 : i32
      %dma_start3A_422 = tpu.memref_slice %arg9[%dma_start3A_420, %dma_start3A_421] : memref<10240x128xf32, #tpu.memory_space<vmem_shared>> -> memref<10240x128xf32, #tpu.memory_space<vmem_shared>>
      tpu.enqueue_indirect_dma source(%dma_start3A_416 : memref<125x128xf32, #tpu.memory_space<vmem>>) target(%dma_start3A_422 : memref<10240x128xf32, #tpu.memory_space<vmem_shared>>) offsets(%dma_start3A_419 : memref<125xi32, #tpu.memory_space<vmem>>) semaphore(%arg14 : memref<!tpu.dma_semaphore, #tpu.memory_space<semaphore_mem>>) {add = true}
    }
    %scan3A_23 = arith.constant 10 : i32
    %dma_wait3A = arith.constant 1 : i32
    %dma_wait3A_24 = arith.constant 0 : i32
    %dma_wait3A_25 = arith.constant 0 : i32
    %dma_wait3A_26 = arith.constant 0 : i32
    %dma_wait3A_27 = arith.constant 0 : i32
    %dma_wait3A_28 = tpu.memref_slice %arg8[%dma_wait3A, %dma_wait3A_26, %dma_wait3A_27] : memref<2x125x128xf32, #tpu.memory_space<vmem>> -> memref<1x125x128xf32, #tpu.memory_space<vmem>>
    %dma_wait3A_29 = tpu.memref_squeeze %dma_wait3A_28 : memref<1x125x128xf32, #tpu.memory_space<vmem>> -> memref<125x128xf32, #tpu.memory_space<vmem>>
    %dma_wait3A_30 = arith.constant 0 : i32
    %dma_wait3A_31 = tpu.memref_slice %arg7[%dma_wait3A_24, %dma_wait3A_25, %dma_wait3A_30] : memref<2x8x125xi32, #tpu.memory_space<vmem>> -> memref<1x1x125xi32, #tpu.memory_space<vmem>>
    %dma_wait3A_32 = tpu.memref_squeeze %dma_wait3A_31 : memref<1x1x125xi32, #tpu.memory_space<vmem>> -> memref<125xi32, #tpu.memory_space<vmem>>
    %dma_wait3A_33 = arith.constant 0 : i32
    %dma_wait3A_34 = arith.constant 0 : i32
    %dma_wait3A_35 = tpu.memref_slice %arg9[%dma_wait3A_33, %dma_wait3A_34] : memref<10240x128xf32, #tpu.memory_space<vmem_shared>> -> memref<10240x128xf32, #tpu.memory_space<vmem_shared>>
    tpu.wait_indirect_dma semaphore(%arg14 : memref<!tpu.dma_semaphore, #tpu.memory_space<semaphore_mem>>) src(%dma_wait3A_29 : memref<125x128xf32, #tpu.memory_space<vmem>>) dst(%dma_wait3A_35 : memref<10240x128xf32, #tpu.memory_space<vmem_shared>>)
    %barrier3A_36 = arith.constant 0 : index
    tpu.barrier barrier_id(%barrier3A_36)
    %mul3A_37 = arith.constant 640 : i32
    %mul3A_38 = arith.muli %arg1, %mul3A_37 : i32
    %mul3A_39 = arith.constant 640 : i32
    %mul3A_40 = arith.muli %arg1, %mul3A_39 : i32
    "tpu.region"() ({
      %run_scoped3A_41 = tpu.sem_alloc : memref<!tpu.dma_semaphore, #tpu.memory_space<semaphore_mem>>
      %dma_start3A_42 = arith.constant 0 : i32
      %dma_start3A_43 = tpu.memref_slice %arg5[%arg0, %mul3A_40, %dma_start3A_42] : memref<2x10240x128xf32, #tpu.memory_space<hbm>> -> memref<1x640x128xf32, #tpu.memory_space<hbm>>
      %dma_start3A_44 = tpu.memref_squeeze %dma_start3A_43 : memref<1x640x128xf32, #tpu.memory_space<hbm>> -> memref<640x128xf32, #tpu.memory_space<hbm>>
      %dma_start3A_45 = arith.constant 0 : i32
      %dma_start3A_46 = tpu.memref_slice %arg9[%mul3A_38, %dma_start3A_45] : memref<10240x128xf32, #tpu.memory_space<vmem_shared>> -> memref<640x128xf32, #tpu.memory_space<vmem_shared>>
      tpu.enqueue_dma source(%dma_start3A_46 : memref<640x128xf32, #tpu.memory_space<vmem_shared>>) target(%dma_start3A_44 : memref<640x128xf32, #tpu.memory_space<hbm>>) target_semaphore(%run_scoped3A_41 : memref<!tpu.dma_semaphore, #tpu.memory_space<semaphore_mem>>)
      %dma_wait3A_47 = arith.constant 0 : i32
      %dma_wait3A_48 = tpu.memref_slice %arg5[%arg0, %mul3A_40, %dma_wait3A_47] : memref<2x10240x128xf32, #tpu.memory_space<hbm>> -> memref<1x640x128xf32, #tpu.memory_space<hbm>>
      %dma_wait3A_49 = tpu.memref_squeeze %dma_wait3A_48 : memref<1x640x128xf32, #tpu.memory_space<hbm>> -> memref<640x128xf32, #tpu.memory_space<hbm>>
      %dma_wait3A_50 = arith.constant 0 : i32
      %dma_wait3A_51 = tpu.memref_slice %arg9[%mul3A_38, %dma_wait3A_50] : memref<10240x128xf32, #tpu.memory_space<vmem_shared>> -> memref<640x128xf32, #tpu.memory_space<vmem_shared>>
      tpu.wait_dma2 semaphore(%run_scoped3A_41 : memref<!tpu.dma_semaphore, #tpu.memory_space<semaphore_mem>>) src(%dma_wait3A_51 : memref<640x128xf32, #tpu.memory_space<vmem_shared>>) dst(%dma_wait3A_49 : memref<640x128xf32, #tpu.memory_space<hbm>>)
      tpu.yield
    }) : () -> ()
    return
  }
}

#map = affine_map<(d0, d1) -> (0, 0)>
#map1 = affine_map<(d0, d1) -> (0, 0, 0)>
module attributes {stable_mosaic.version = 14 : i64} {
  func.func @_sc_agg(%arg0: i32, %arg1: i32, %arg2: memref<10000x128xf32, #tpu.memory_space<hbm>>, %arg3: memref<2x2560x125xi32, #tpu.memory_space<hbm>>, %arg4: memref<640x128xf32, #tpu.memory_space<hbm>>, %arg5: memref<2x10240x128xf32, #tpu.memory_space<hbm>>, %arg6: memref<2x8x125xi32, #tpu.memory_space<vmem>>, %arg7: memref<2x8x125xi32, #tpu.memory_space<vmem>>, %arg8: memref<2x125x128xf32, #tpu.memory_space<vmem>>, %arg9: memref<10240x128xf32, #tpu.memory_space<vmem_shared>>, %arg10: memref<!tpu.dma_semaphore, #tpu.memory_space<semaphore_mem>>, %arg11: memref<!tpu.dma_semaphore, #tpu.memory_space<semaphore_mem>>, %arg12: memref<!tpu.dma_semaphore, #tpu.memory_space<semaphore_mem>>, %arg13: memref<!tpu.dma_semaphore, #tpu.memory_space<semaphore_mem>>, %arg14: memref<!tpu.dma_semaphore, #tpu.memory_space<semaphore_mem>>) attributes {dimension_semantics = [#tpu.dimension_semantics<core_parallel>, #tpu.dimension_semantics<subcore_parallel>], iteration_bounds = array<i64: 2, 16>, scalar_prefetch = 0 : i64, scratch_operands = 9 : i64, tpu.core_type = #tpu.core_type<sc_vector_subcore>, window_params = [{transform_indices = #map}, {transform_indices = #map1}, {transform_indices = #map}, {transform_indices = #map1}]} {
    %mul3A = arith.constant 2 : i32
    %mul3A_0 = arith.muli %arg1, %mul3A : i32
    %add3A = arith.addi %mul3A_0, %arg0 : i32
    %mul3A_1 = arith.constant 80 : i32
    %mul3A_2 = arith.muli %add3A, %mul3A_1 : i32
    %mul3A_3 = arith.constant 640 : i32
    %mul3A_4 = arith.muli %arg1, %mul3A_3 : i32
    "tpu.region"() ({
      %run_scoped3A_41 = tpu.sem_alloc : memref<!tpu.dma_semaphore, #tpu.memory_space<semaphore_mem>>
      %dma_start3A_42 = arith.constant 0 : i32
      %dma_start3A_43 = tpu.memref_slice %arg9[%mul3A_4, %dma_start3A_42] : memref<10240x128xf32, #tpu.memory_space<vmem_shared>> -> memref<640x128xf32, #tpu.memory_space<vmem_shared>>
      tpu.enqueue_dma source(%arg4 : memref<640x128xf32, #tpu.memory_space<hbm>>) target(%dma_start3A_43 : memref<640x128xf32, #tpu.memory_space<vmem_shared>>) target_semaphore(%run_scoped3A_41 : memref<!tpu.dma_semaphore, #tpu.memory_space<semaphore_mem>>)
      %dma_wait3A_44 = arith.constant 0 : i32
      %dma_wait3A_45 = tpu.memref_slice %arg9[%mul3A_4, %dma_wait3A_44] : memref<10240x128xf32, #tpu.memory_space<vmem_shared>> -> memref<640x128xf32, #tpu.memory_space<vmem_shared>>
      tpu.wait_dma2 semaphore(%run_scoped3A_41 : memref<!tpu.dma_semaphore, #tpu.memory_space<semaphore_mem>>) src(%arg4 : memref<640x128xf32, #tpu.memory_space<hbm>>) dst(%dma_wait3A_45 : memref<640x128xf32, #tpu.memory_space<vmem_shared>>)
      tpu.yield
    }) : () -> ()
    %run_scoped3A = arith.constant 0 : i32
    %run_scoped3A_5 = arith.constant 0 : i32
    "tpu.region"() ({
      %run_scoped3A_41 = tpu.sem_alloc : memref<!tpu.dma_semaphore, #tpu.memory_space<semaphore_mem>>
      %dma_start3A_42 = arith.constant 0 : i32
      %dma_start3A_43 = arith.constant 0 : i32
      %dma_start3A_44 = tpu.memref_slice %arg6[%run_scoped3A_5, %dma_start3A_42, %dma_start3A_43] : memref<2x8x125xi32, #tpu.memory_space<vmem>> -> memref<1x8x125xi32, #tpu.memory_space<vmem>>
      %dma_start3A_45 = tpu.memref_squeeze %dma_start3A_44 : memref<1x8x125xi32, #tpu.memory_space<vmem>> -> memref<8x125xi32, #tpu.memory_space<vmem>>
      %dma_start3A_46 = arith.constant 0 : i32
      %dma_start3A_47 = tpu.memref_slice %arg3[%run_scoped3A, %mul3A_2, %dma_start3A_46] : memref<2x2560x125xi32, #tpu.memory_space<hbm>> -> memref<1x8x125xi32, #tpu.memory_space<hbm>>
      %dma_start3A_48 = tpu.memref_squeeze %dma_start3A_47 : memref<1x8x125xi32, #tpu.memory_space<hbm>> -> memref<8x125xi32, #tpu.memory_space<hbm>>
      %dma_start3A_49 = arith.constant 0 : i32
      %dma_start3A_50 = arith.constant 0 : i32
      %dma_start3A_51 = tpu.memref_slice %arg6[%run_scoped3A_5, %dma_start3A_49, %dma_start3A_50] : memref<2x8x125xi32, #tpu.memory_space<vmem>> -> memref<1x8x125xi32, #tpu.memory_space<vmem>>
      %dma_start3A_52 = tpu.memref_squeeze %dma_start3A_51 : memref<1x8x125xi32, #tpu.memory_space<vmem>> -> memref<8x125xi32, #tpu.memory_space<vmem>>
      %dma_start3A_53 = arith.constant 0 : i32
      %dma_start3A_54 = tpu.memref_slice %arg3[%run_scoped3A, %mul3A_2, %dma_start3A_53] : memref<2x2560x125xi32, #tpu.memory_space<hbm>> -> memref<1x8x125xi32, #tpu.memory_space<hbm>>
      %dma_start3A_55 = tpu.memref_squeeze %dma_start3A_54 : memref<1x8x125xi32, #tpu.memory_space<hbm>> -> memref<8x125xi32, #tpu.memory_space<hbm>>
      tpu.enqueue_dma source(%dma_start3A_55 : memref<8x125xi32, #tpu.memory_space<hbm>>) target(%dma_start3A_52 : memref<8x125xi32, #tpu.memory_space<vmem>>) target_semaphore(%run_scoped3A_41 : memref<!tpu.dma_semaphore, #tpu.memory_space<semaphore_mem>>)
      %dma_wait3A_56 = arith.constant 0 : i32
      %dma_wait3A_57 = arith.constant 0 : i32
      %dma_wait3A_58 = tpu.memref_slice %arg6[%run_scoped3A_5, %dma_wait3A_56, %dma_wait3A_57] : memref<2x8x125xi32, #tpu.memory_space<vmem>> -> memref<1x8x125xi32, #tpu.memory_space<vmem>>
      %dma_wait3A_59 = tpu.memref_squeeze %dma_wait3A_58 : memref<1x8x125xi32, #tpu.memory_space<vmem>> -> memref<8x125xi32, #tpu.memory_space<vmem>>
      %dma_wait3A_60 = arith.constant 0 : i32
      %dma_wait3A_61 = tpu.memref_slice %arg3[%run_scoped3A, %mul3A_2, %dma_wait3A_60] : memref<2x2560x125xi32, #tpu.memory_space<hbm>> -> memref<1x8x125xi32, #tpu.memory_space<hbm>>
      %dma_wait3A_62 = tpu.memref_squeeze %dma_wait3A_61 : memref<1x8x125xi32, #tpu.memory_space<hbm>> -> memref<8x125xi32, #tpu.memory_space<hbm>>
      %dma_wait3A_63 = arith.constant 0 : i32
      %dma_wait3A_64 = arith.constant 0 : i32
      %dma_wait3A_65 = tpu.memref_slice %arg6[%run_scoped3A_5, %dma_wait3A_63, %dma_wait3A_64] : memref<2x8x125xi32, #tpu.memory_space<vmem>> -> memref<1x8x125xi32, #tpu.memory_space<vmem>>
      %dma_wait3A_66 = tpu.memref_squeeze %dma_wait3A_65 : memref<1x8x125xi32, #tpu.memory_space<vmem>> -> memref<8x125xi32, #tpu.memory_space<vmem>>
      %dma_wait3A_67 = arith.constant 0 : i32
      %dma_wait3A_68 = tpu.memref_slice %arg3[%run_scoped3A, %mul3A_2, %dma_wait3A_67] : memref<2x2560x125xi32, #tpu.memory_space<hbm>> -> memref<1x8x125xi32, #tpu.memory_space<hbm>>
      %dma_wait3A_69 = tpu.memref_squeeze %dma_wait3A_68 : memref<1x8x125xi32, #tpu.memory_space<hbm>> -> memref<8x125xi32, #tpu.memory_space<hbm>>
      tpu.wait_dma2 semaphore(%run_scoped3A_41 : memref<!tpu.dma_semaphore, #tpu.memory_space<semaphore_mem>>) src(%dma_wait3A_69 : memref<8x125xi32, #tpu.memory_space<hbm>>) dst(%dma_wait3A_66 : memref<8x125xi32, #tpu.memory_space<vmem>>)
      tpu.yield
    }) : () -> ()
    %run_scoped3A_6 = arith.constant 1 : i32
    %run_scoped3A_7 = arith.constant 0 : i32
    "tpu.region"() ({
      %run_scoped3A_41 = tpu.sem_alloc : memref<!tpu.dma_semaphore, #tpu.memory_space<semaphore_mem>>
      %dma_start3A_42 = arith.constant 0 : i32
      %dma_start3A_43 = arith.constant 0 : i32
      %dma_start3A_44 = tpu.memref_slice %arg7[%run_scoped3A_7, %dma_start3A_42, %dma_start3A_43] : memref<2x8x125xi32, #tpu.memory_space<vmem>> -> memref<1x8x125xi32, #tpu.memory_space<vmem>>
      %dma_start3A_45 = tpu.memref_squeeze %dma_start3A_44 : memref<1x8x125xi32, #tpu.memory_space<vmem>> -> memref<8x125xi32, #tpu.memory_space<vmem>>
      %dma_start3A_46 = arith.constant 0 : i32
      %dma_start3A_47 = tpu.memref_slice %arg3[%run_scoped3A_6, %mul3A_2, %dma_start3A_46] : memref<2x2560x125xi32, #tpu.memory_space<hbm>> -> memref<1x8x125xi32, #tpu.memory_space<hbm>>
      %dma_start3A_48 = tpu.memref_squeeze %dma_start3A_47 : memref<1x8x125xi32, #tpu.memory_space<hbm>> -> memref<8x125xi32, #tpu.memory_space<hbm>>
      %dma_start3A_49 = arith.constant 0 : i32
      %dma_start3A_50 = arith.constant 0 : i32
      %dma_start3A_51 = tpu.memref_slice %arg7[%run_scoped3A_7, %dma_start3A_49, %dma_start3A_50] : memref<2x8x125xi32, #tpu.memory_space<vmem>> -> memref<1x8x125xi32, #tpu.memory_space<vmem>>
      %dma_start3A_52 = tpu.memref_squeeze %dma_start3A_51 : memref<1x8x125xi32, #tpu.memory_space<vmem>> -> memref<8x125xi32, #tpu.memory_space<vmem>>
      %dma_start3A_53 = arith.constant 0 : i32
      %dma_start3A_54 = tpu.memref_slice %arg3[%run_scoped3A_6, %mul3A_2, %dma_start3A_53] : memref<2x2560x125xi32, #tpu.memory_space<hbm>> -> memref<1x8x125xi32, #tpu.memory_space<hbm>>
      %dma_start3A_55 = tpu.memref_squeeze %dma_start3A_54 : memref<1x8x125xi32, #tpu.memory_space<hbm>> -> memref<8x125xi32, #tpu.memory_space<hbm>>
      tpu.enqueue_dma source(%dma_start3A_55 : memref<8x125xi32, #tpu.memory_space<hbm>>) target(%dma_start3A_52 : memref<8x125xi32, #tpu.memory_space<vmem>>) target_semaphore(%run_scoped3A_41 : memref<!tpu.dma_semaphore, #tpu.memory_space<semaphore_mem>>)
      %dma_wait3A_56 = arith.constant 0 : i32
      %dma_wait3A_57 = arith.constant 0 : i32
      %dma_wait3A_58 = tpu.memref_slice %arg7[%run_scoped3A_7, %dma_wait3A_56, %dma_wait3A_57] : memref<2x8x125xi32, #tpu.memory_space<vmem>> -> memref<1x8x125xi32, #tpu.memory_space<vmem>>
      %dma_wait3A_59 = tpu.memref_squeeze %dma_wait3A_58 : memref<1x8x125xi32, #tpu.memory_space<vmem>> -> memref<8x125xi32, #tpu.memory_space<vmem>>
      %dma_wait3A_60 = arith.constant 0 : i32
      %dma_wait3A_61 = tpu.memref_slice %arg3[%run_scoped3A_6, %mul3A_2, %dma_wait3A_60] : memref<2x2560x125xi32, #tpu.memory_space<hbm>> -> memref<1x8x125xi32, #tpu.memory_space<hbm>>
      %dma_wait3A_62 = tpu.memref_squeeze %dma_wait3A_61 : memref<1x8x125xi32, #tpu.memory_space<hbm>> -> memref<8x125xi32, #tpu.memory_space<hbm>>
      %dma_wait3A_63 = arith.constant 0 : i32
      %dma_wait3A_64 = arith.constant 0 : i32
      %dma_wait3A_65 = tpu.memref_slice %arg7[%run_scoped3A_7, %dma_wait3A_63, %dma_wait3A_64] : memref<2x8x125xi32, #tpu.memory_space<vmem>> -> memref<1x8x125xi32, #tpu.memory_space<vmem>>
      %dma_wait3A_66 = tpu.memref_squeeze %dma_wait3A_65 : memref<1x8x125xi32, #tpu.memory_space<vmem>> -> memref<8x125xi32, #tpu.memory_space<vmem>>
      %dma_wait3A_67 = arith.constant 0 : i32
      %dma_wait3A_68 = tpu.memref_slice %arg3[%run_scoped3A_6, %mul3A_2, %dma_wait3A_67] : memref<2x2560x125xi32, #tpu.memory_space<hbm>> -> memref<1x8x125xi32, #tpu.memory_space<hbm>>
      %dma_wait3A_69 = tpu.memref_squeeze %dma_wait3A_68 : memref<1x8x125xi32, #tpu.memory_space<hbm>> -> memref<8x125xi32, #tpu.memory_space<hbm>>
      tpu.wait_dma2 semaphore(%run_scoped3A_41 : memref<!tpu.dma_semaphore, #tpu.memory_space<semaphore_mem>>) src(%dma_wait3A_69 : memref<8x125xi32, #tpu.memory_space<hbm>>) dst(%dma_wait3A_66 : memref<8x125xi32, #tpu.memory_space<vmem>>)
      tpu.yield
    }) : () -> ()
    %barrier3A = arith.constant 0 : index
    tpu.barrier barrier_id(%barrier3A)
    %dma_start3A = arith.constant 0 : i32
    %dma_start3A_8 = arith.constant 0 : i32
    %dma_start3A_9 = arith.constant 0 : i32
    %dma_start3A_10 = arith.constant 0 : i32
    %dma_start3A_11 = arith.constant 0 : i32
    %dma_start3A_12 = tpu.memref_slice %arg8[%dma_start3A_9, %dma_start3A_10, %dma_start3A_11] : memref<2x125x128xf32, #tpu.memory_space<vmem>> -> memref<1x125x128xf32, #tpu.memory_space<vmem>>
    %dma_start3A_13 = tpu.memref_squeeze %dma_start3A_12 : memref<1x125x128xf32, #tpu.memory_space<vmem>> -> memref<125x128xf32, #tpu.memory_space<vmem>>
    %dma_start3A_14 = arith.constant 0 : i32
    %dma_start3A_15 = tpu.memref_slice %arg6[%dma_start3A, %dma_start3A_8, %dma_start3A_14] : memref<2x8x125xi32, #tpu.memory_space<vmem>> -> memref<1x1x125xi32, #tpu.memory_space<vmem>>
    %dma_start3A_16 = tpu.memref_squeeze %dma_start3A_15 : memref<1x1x125xi32, #tpu.memory_space<vmem>> -> memref<125xi32, #tpu.memory_space<vmem>>
    %dma_start3A_17 = arith.constant 0 : i32
    %dma_start3A_18 = arith.constant 0 : i32
    %dma_start3A_19 = tpu.memref_slice %arg2[%dma_start3A_17, %dma_start3A_18] : memref<10000x128xf32, #tpu.memory_space<hbm>> -> memref<10000x128xf32, #tpu.memory_space<hbm>>
    tpu.enqueue_indirect_dma source(%dma_start3A_19 : memref<10000x128xf32, #tpu.memory_space<hbm>>) target(%dma_start3A_13 : memref<125x128xf32, #tpu.memory_space<vmem>>) offsets(%dma_start3A_16 : memref<125xi32, #tpu.memory_space<vmem>>) semaphore(%arg11 : memref<!tpu.dma_semaphore, #tpu.memory_space<semaphore_mem>>)
    %scan3A = arith.constant 0 : i32
    %scan3A_20 = arith.constant 10 : i32
    %scan3A_21 = arith.addi %scan3A, %scan3A_20 : i32
    %scan3A_22 = arith.constant 1 : i32
    scf.for %scan3A_41 = %scan3A to %scan3A_21 step %scan3A_22  : i32 {
      %mul3A_42 = arith.constant 1 : i32
      %mul3A_43 = arith.muli %scan3A_41, %mul3A_42 : i32
      %add3A_44 = arith.constant 0 : i32
      %add3A_45 = arith.addi %add3A_44, %mul3A_43 : i32
      %rem3A = arith.constant 2 : i32
      %rem3A_46 = arith.remsi %add3A_45, %rem3A : i32
      %sub3A = arith.constant 1 : i32
      %sub3A_47 = arith.subi %sub3A, %rem3A_46 : i32
      %add3A_48 = arith.constant 1 : i32
      %add3A_49 = arith.addi %add3A_45, %add3A_48 : i32
      %lt3A = arith.constant 10 : i32
      %lt3A_50 = arith.cmpi slt, %add3A_49, %lt3A : i32
      %convert_element_type3A = arith.extui %lt3A_50 : i1 to i32
      %cond3A = arith.constant 0 : i32
      %cond3A_51 = arith.cmpi ne, %convert_element_type3A, %cond3A : i32
      scf.if %cond3A_51 {
        %add3A_423 = arith.constant 1 : i32
        %add3A_424 = arith.addi %add3A_45, %add3A_423 : i32
        %mul3A_425 = arith.constant 8 : i32
        %mul3A_426 = arith.muli %add3A_424, %mul3A_425 : i32
        %add3A_427 = arith.addi %mul3A_2, %mul3A_426 : i32
        %dma_start3A_428 = arith.constant 0 : i32
        %dma_start3A_429 = arith.constant 0 : i32
        %dma_start3A_430 = arith.constant 0 : i32
        %dma_start3A_431 = tpu.memref_slice %arg6[%sub3A_47, %dma_start3A_429, %dma_start3A_430] : memref<2x8x125xi32, #tpu.memory_space<vmem>> -> memref<1x8x125xi32, #tpu.memory_space<vmem>>
        %dma_start3A_432 = tpu.memref_squeeze %dma_start3A_431 : memref<1x8x125xi32, #tpu.memory_space<vmem>> -> memref<8x125xi32, #tpu.memory_space<vmem>>
        %dma_start3A_433 = arith.constant 0 : i32
        %dma_start3A_434 = tpu.memref_slice %arg3[%dma_start3A_428, %add3A_427, %dma_start3A_433] : memref<2x2560x125xi32, #tpu.memory_space<hbm>> -> memref<1x8x125xi32, #tpu.memory_space<hbm>>
        %dma_start3A_435 = tpu.memref_squeeze %dma_start3A_434 : memref<1x8x125xi32, #tpu.memory_space<hbm>> -> memref<8x125xi32, #tpu.memory_space<hbm>>
        %dma_start3A_436 = arith.constant 0 : i32
        %dma_start3A_437 = arith.constant 0 : i32
        %dma_start3A_438 = tpu.memref_slice %arg6[%sub3A_47, %dma_start3A_436, %dma_start3A_437] : memref<2x8x125xi32, #tpu.memory_space<vmem>> -> memref<1x8x125xi32, #tpu.memory_space<vmem>>
        %dma_start3A_439 = tpu.memref_squeeze %dma_start3A_438 : memref<1x8x125xi32, #tpu.memory_space<vmem>> -> memref<8x125xi32, #tpu.memory_space<vmem>>
        %dma_start3A_440 = arith.constant 0 : i32
        %dma_start3A_441 = tpu.memref_slice %arg3[%dma_start3A_428, %add3A_427, %dma_start3A_440] : memref<2x2560x125xi32, #tpu.memory_space<hbm>> -> memref<1x8x125xi32, #tpu.memory_space<hbm>>
        %dma_start3A_442 = tpu.memref_squeeze %dma_start3A_441 : memref<1x8x125xi32, #tpu.memory_space<hbm>> -> memref<8x125xi32, #tpu.memory_space<hbm>>
        tpu.enqueue_dma source(%dma_start3A_442 : memref<8x125xi32, #tpu.memory_space<hbm>>) target(%dma_start3A_439 : memref<8x125xi32, #tpu.memory_space<vmem>>) target_semaphore(%arg10 : memref<!tpu.dma_semaphore, #tpu.memory_space<semaphore_mem>>)
        %add3A_443 = arith.constant 1 : i32
        %add3A_444 = arith.addi %add3A_45, %add3A_443 : i32
        %mul3A_445 = arith.constant 8 : i32
        %mul3A_446 = arith.muli %add3A_444, %mul3A_445 : i32
        %add3A_447 = arith.addi %mul3A_2, %mul3A_446 : i32
        %dma_start3A_448 = arith.constant 1 : i32
        %dma_start3A_449 = arith.constant 0 : i32
        %dma_start3A_450 = arith.constant 0 : i32
        %dma_start3A_451 = tpu.memref_slice %arg7[%sub3A_47, %dma_start3A_449, %dma_start3A_450] : memref<2x8x125xi32, #tpu.memory_space<vmem>> -> memref<1x8x125xi32, #tpu.memory_space<vmem>>
        %dma_start3A_452 = tpu.memref_squeeze %dma_start3A_451 : memref<1x8x125xi32, #tpu.memory_space<vmem>> -> memref<8x125xi32, #tpu.memory_space<vmem>>
        %dma_start3A_453 = arith.constant 0 : i32
        %dma_start3A_454 = tpu.memref_slice %arg3[%dma_start3A_448, %add3A_447, %dma_start3A_453] : memref<2x2560x125xi32, #tpu.memory_space<hbm>> -> memref<1x8x125xi32, #tpu.memory_space<hbm>>
        %dma_start3A_455 = tpu.memref_squeeze %dma_start3A_454 : memref<1x8x125xi32, #tpu.memory_space<hbm>> -> memref<8x125xi32, #tpu.memory_space<hbm>>
        %dma_start3A_456 = arith.constant 0 : i32
        %dma_start3A_457 = arith.constant 0 : i32
        %dma_start3A_458 = tpu.memref_slice %arg7[%sub3A_47, %dma_start3A_456, %dma_start3A_457] : memref<2x8x125xi32, #tpu.memory_space<vmem>> -> memref<1x8x125xi32, #tpu.memory_space<vmem>>
        %dma_start3A_459 = tpu.memref_squeeze %dma_start3A_458 : memref<1x8x125xi32, #tpu.memory_space<vmem>> -> memref<8x125xi32, #tpu.memory_space<vmem>>
        %dma_start3A_460 = arith.constant 0 : i32
        %dma_start3A_461 = tpu.memref_slice %arg3[%dma_start3A_448, %add3A_447, %dma_start3A_460] : memref<2x2560x125xi32, #tpu.memory_space<hbm>> -> memref<1x8x125xi32, #tpu.memory_space<hbm>>
        %dma_start3A_462 = tpu.memref_squeeze %dma_start3A_461 : memref<1x8x125xi32, #tpu.memory_space<hbm>> -> memref<8x125xi32, #tpu.memory_space<hbm>>
        tpu.enqueue_dma source(%dma_start3A_462 : memref<8x125xi32, #tpu.memory_space<hbm>>) target(%dma_start3A_459 : memref<8x125xi32, #tpu.memory_space<vmem>>) target_semaphore(%arg10 : memref<!tpu.dma_semaphore, #tpu.memory_space<semaphore_mem>>)
      } else {
      }
      %gt3A = arith.constant 0 : i32
      %gt3A_52 = arith.cmpi sgt, %add3A_45, %gt3A : i32
      %convert_element_type3A_53 = arith.extui %gt3A_52 : i1 to i32
      %cond3A_54 = arith.constant 0 : i32
      %cond3A_55 = arith.cmpi ne, %convert_element_type3A_53, %cond3A_54 : i32
      scf.if %cond3A_55 {
        %dma_wait3A_423 = arith.constant 1 : i32
        %dma_wait3A_424 = arith.constant 0 : i32
        %dma_wait3A_425 = arith.constant 0 : i32
        %dma_wait3A_426 = arith.constant 0 : i32
        %dma_wait3A_427 = tpu.memref_slice %arg8[%dma_wait3A_423, %dma_wait3A_425, %dma_wait3A_426] : memref<2x125x128xf32, #tpu.memory_space<vmem>> -> memref<1x125x128xf32, #tpu.memory_space<vmem>>
        %dma_wait3A_428 = tpu.memref_squeeze %dma_wait3A_427 : memref<1x125x128xf32, #tpu.memory_space<vmem>> -> memref<125x128xf32, #tpu.memory_space<vmem>>
        %dma_wait3A_429 = arith.constant 0 : i32
        %dma_wait3A_430 = tpu.memref_slice %arg7[%rem3A_46, %dma_wait3A_424, %dma_wait3A_429] : memref<2x8x125xi32, #tpu.memory_space<vmem>> -> memref<1x1x125xi32, #tpu.memory_space<vmem>>
        %dma_wait3A_431 = tpu.memref_squeeze %dma_wait3A_430 : memref<1x1x125xi32, #tpu.memory_space<vmem>> -> memref<125xi32, #tpu.memory_space<vmem>>
        %dma_wait3A_432 = arith.constant 0 : i32
        %dma_wait3A_433 = arith.constant 0 : i32
        %dma_wait3A_434 = tpu.memref_slice %arg9[%dma_wait3A_432, %dma_wait3A_433] : memref<10240x128xf32, #tpu.memory_space<vmem_shared>> -> memref<10240x128xf32, #tpu.memory_space<vmem_shared>>
        tpu.wait_indirect_dma semaphore(%arg14 : memref<!tpu.dma_semaphore, #tpu.memory_space<semaphore_mem>>) src(%dma_wait3A_428 : memref<125x128xf32, #tpu.memory_space<vmem>>) dst(%dma_wait3A_434 : memref<10240x128xf32, #tpu.memory_space<vmem_shared>>)
      } else {
      }
      %dma_start3A_56 = arith.constant 1 : i32
      %dma_start3A_57 = arith.constant 1 : i32
      %dma_start3A_58 = arith.constant 0 : i32
      %dma_start3A_59 = arith.constant 0 : i32
      %dma_start3A_60 = tpu.memref_slice %arg8[%dma_start3A_57, %dma_start3A_58, %dma_start3A_59] : memref<2x125x128xf32, #tpu.memory_space<vmem>> -> memref<1x125x128xf32, #tpu.memory_space<vmem>>
      %dma_start3A_61 = tpu.memref_squeeze %dma_start3A_60 : memref<1x125x128xf32, #tpu.memory_space<vmem>> -> memref<125x128xf32, #tpu.memory_space<vmem>>
      %dma_start3A_62 = arith.constant 0 : i32
      %dma_start3A_63 = tpu.memref_slice %arg6[%rem3A_46, %dma_start3A_56, %dma_start3A_62] : memref<2x8x125xi32, #tpu.memory_space<vmem>> -> memref<1x1x125xi32, #tpu.memory_space<vmem>>
      %dma_start3A_64 = tpu.memref_squeeze %dma_start3A_63 : memref<1x1x125xi32, #tpu.memory_space<vmem>> -> memref<125xi32, #tpu.memory_space<vmem>>
      %dma_start3A_65 = arith.constant 0 : i32
      %dma_start3A_66 = arith.constant 0 : i32
      %dma_start3A_67 = tpu.memref_slice %arg2[%dma_start3A_65, %dma_start3A_66] : memref<10000x128xf32, #tpu.memory_space<hbm>> -> memref<10000x128xf32, #tpu.memory_space<hbm>>
      tpu.enqueue_indirect_dma source(%dma_start3A_67 : memref<10000x128xf32, #tpu.memory_space<hbm>>) target(%dma_start3A_61 : memref<125x128xf32, #tpu.memory_space<vmem>>) offsets(%dma_start3A_64 : memref<125xi32, #tpu.memory_space<vmem>>) semaphore(%arg12 : memref<!tpu.dma_semaphore, #tpu.memory_space<semaphore_mem>>)
      %dma_wait3A_68 = arith.constant 0 : i32
      %dma_wait3A_69 = arith.constant 0 : i32
      %dma_wait3A_70 = arith.constant 0 : i32
      %dma_wait3A_71 = arith.constant 0 : i32
      %dma_wait3A_72 = tpu.memref_slice %arg8[%dma_wait3A_69, %dma_wait3A_70, %dma_wait3A_71] : memref<2x125x128xf32, #tpu.memory_space<vmem>> -> memref<1x125x128xf32, #tpu.memory_space<vmem>>
      %dma_wait3A_73 = tpu.memref_squeeze %dma_wait3A_72 : memref<1x125x128xf32, #tpu.memory_space<vmem>> -> memref<125x128xf32, #tpu.memory_space<vmem>>
      %dma_wait3A_74 = arith.constant 0 : i32
      %dma_wait3A_75 = tpu.memref_slice %arg6[%rem3A_46, %dma_wait3A_68, %dma_wait3A_74] : memref<2x8x125xi32, #tpu.memory_space<vmem>> -> memref<1x1x125xi32, #tpu.memory_space<vmem>>
      %dma_wait3A_76 = tpu.memref_squeeze %dma_wait3A_75 : memref<1x1x125xi32, #tpu.memory_space<vmem>> -> memref<125xi32, #tpu.memory_space<vmem>>
      %dma_wait3A_77 = arith.constant 0 : i32
      %dma_wait3A_78 = arith.constant 0 : i32
      %dma_wait3A_79 = tpu.memref_slice %arg2[%dma_wait3A_77, %dma_wait3A_78] : memref<10000x128xf32, #tpu.memory_space<hbm>> -> memref<10000x128xf32, #tpu.memory_space<hbm>>
      tpu.wait_indirect_dma semaphore(%arg11 : memref<!tpu.dma_semaphore, #tpu.memory_space<semaphore_mem>>) src(%dma_wait3A_79 : memref<10000x128xf32, #tpu.memory_space<hbm>>) dst(%dma_wait3A_73 : memref<125x128xf32, #tpu.memory_space<vmem>>)
      %dma_start3A_80 = arith.constant 0 : i32
      %dma_start3A_81 = arith.constant 0 : i32
      %dma_start3A_82 = arith.constant 0 : i32
      %dma_start3A_83 = arith.constant 0 : i32
      %dma_start3A_84 = tpu.memref_slice %arg8[%dma_start3A_80, %dma_start3A_82, %dma_start3A_83] : memref<2x125x128xf32, #tpu.memory_space<vmem>> -> memref<1x125x128xf32, #tpu.memory_space<vmem>>
      %dma_start3A_85 = tpu.memref_squeeze %dma_start3A_84 : memref<1x125x128xf32, #tpu.memory_space<vmem>> -> memref<125x128xf32, #tpu.memory_space<vmem>>
      %dma_start3A_86 = arith.constant 0 : i32
      %dma_start3A_87 = tpu.memref_slice %arg7[%rem3A_46, %dma_start3A_81, %dma_start3A_86] : memref<2x8x125xi32, #tpu.memory_space<vmem>> -> memref<1x1x125xi32, #tpu.memory_space<vmem>>
      %dma_start3A_88 = tpu.memref_squeeze %dma_start3A_87 : memref<1x1x125xi32, #tpu.memory_space<vmem>> -> memref<125xi32, #tpu.memory_space<vmem>>
      %dma_start3A_89 = arith.constant 0 : i32
      %dma_start3A_90 = arith.constant 0 : i32
      %dma_start3A_91 = tpu.memref_slice %arg9[%dma_start3A_89, %dma_start3A_90] : memref<10240x128xf32, #tpu.memory_space<vmem_shared>> -> memref<10240x128xf32, #tpu.memory_space<vmem_shared>>
      tpu.enqueue_indirect_dma source(%dma_start3A_85 : memref<125x128xf32, #tpu.memory_space<vmem>>) target(%dma_start3A_91 : memref<10240x128xf32, #tpu.memory_space<vmem_shared>>) offsets(%dma_start3A_88 : memref<125xi32, #tpu.memory_space<vmem>>) semaphore(%arg13 : memref<!tpu.dma_semaphore, #tpu.memory_space<semaphore_mem>>) {add = true}
      %dma_wait3A_92 = arith.constant 0 : i32
      %dma_wait3A_93 = arith.constant 1 : i32
      %dma_wait3A_94 = arith.constant 0 : i32
      %dma_wait3A_95 = arith.constant 0 : i32
      %dma_wait3A_96 = tpu.memref_slice %arg8[%dma_wait3A_92, %dma_wait3A_94, %dma_wait3A_95] : memref<2x125x128xf32, #tpu.memory_space<vmem>> -> memref<1x125x128xf32, #tpu.memory_space<vmem>>
      %dma_wait3A_97 = tpu.memref_squeeze %dma_wait3A_96 : memref<1x125x128xf32, #tpu.memory_space<vmem>> -> memref<125x128xf32, #tpu.memory_space<vmem>>
      %dma_wait3A_98 = arith.constant 0 : i32
      %dma_wait3A_99 = tpu.memref_slice %arg7[%rem3A_46, %dma_wait3A_93, %dma_wait3A_98] : memref<2x8x125xi32, #tpu.memory_space<vmem>> -> memref<1x1x125xi32, #tpu.memory_space<vmem>>
      %dma_wait3A_100 = tpu.memref_squeeze %dma_wait3A_99 : memref<1x1x125xi32, #tpu.memory_space<vmem>> -> memref<125xi32, #tpu.memory_space<vmem>>
      %dma_wait3A_101 = arith.constant 0 : i32
      %dma_wait3A_102 = arith.constant 0 : i32
      %dma_wait3A_103 = tpu.memref_slice %arg9[%dma_wait3A_101, %dma_wait3A_102] : memref<10240x128xf32, #tpu.memory_space<vmem_shared>> -> memref<10240x128xf32, #tpu.memory_space<vmem_shared>>
      tpu.wait_indirect_dma semaphore(%arg13 : memref<!tpu.dma_semaphore, #tpu.memory_space<semaphore_mem>>) src(%dma_wait3A_97 : memref<125x128xf32, #tpu.memory_space<vmem>>) dst(%dma_wait3A_103 : memref<10240x128xf32, #tpu.memory_space<vmem_shared>>)
      %dma_start3A_104 = arith.constant 2 : i32
      %dma_start3A_105 = arith.constant 0 : i32
      %dma_start3A_106 = arith.constant 0 : i32
      %dma_start3A_107 = arith.constant 0 : i32
      %dma_start3A_108 = tpu.memref_slice %arg8[%dma_start3A_105, %dma_start3A_106, %dma_start3A_107] : memref<2x125x128xf32, #tpu.memory_space<vmem>> -> memref<1x125x128xf32, #tpu.memory_space<vmem>>
      %dma_start3A_109 = tpu.memref_squeeze %dma_start3A_108 : memref<1x125x128xf32, #tpu.memory_space<vmem>> -> memref<125x128xf32, #tpu.memory_space<vmem>>
      %dma_start3A_110 = arith.constant 0 : i32
      %dma_start3A_111 = tpu.memref_slice %arg6[%rem3A_46, %dma_start3A_104, %dma_start3A_110] : memref<2x8x125xi32, #tpu.memory_space<vmem>> -> memref<1x1x125xi32, #tpu.memory_space<vmem>>
      %dma_start3A_112 = tpu.memref_squeeze %dma_start3A_111 : memref<1x1x125xi32, #tpu.memory_space<vmem>> -> memref<125xi32, #tpu.memory_space<vmem>>
      %dma_start3A_113 = arith.constant 0 : i32
      %dma_start3A_114 = arith.constant 0 : i32
      %dma_start3A_115 = tpu.memref_slice %arg2[%dma_start3A_113, %dma_start3A_114] : memref<10000x128xf32, #tpu.memory_space<hbm>> -> memref<10000x128xf32, #tpu.memory_space<hbm>>
      tpu.enqueue_indirect_dma source(%dma_start3A_115 : memref<10000x128xf32, #tpu.memory_space<hbm>>) target(%dma_start3A_109 : memref<125x128xf32, #tpu.memory_space<vmem>>) offsets(%dma_start3A_112 : memref<125xi32, #tpu.memory_space<vmem>>) semaphore(%arg11 : memref<!tpu.dma_semaphore, #tpu.memory_space<semaphore_mem>>)
      %dma_wait3A_116 = arith.constant 1 : i32
      %dma_wait3A_117 = arith.constant 1 : i32
      %dma_wait3A_118 = arith.constant 0 : i32
      %dma_wait3A_119 = arith.constant 0 : i32
      %dma_wait3A_120 = tpu.memref_slice %arg8[%dma_wait3A_117, %dma_wait3A_118, %dma_wait3A_119] : memref<2x125x128xf32, #tpu.memory_space<vmem>> -> memref<1x125x128xf32, #tpu.memory_space<vmem>>
      %dma_wait3A_121 = tpu.memref_squeeze %dma_wait3A_120 : memref<1x125x128xf32, #tpu.memory_space<vmem>> -> memref<125x128xf32, #tpu.memory_space<vmem>>
      %dma_wait3A_122 = arith.constant 0 : i32
      %dma_wait3A_123 = tpu.memref_slice %arg6[%rem3A_46, %dma_wait3A_116, %dma_wait3A_122] : memref<2x8x125xi32, #tpu.memory_space<vmem>> -> memref<1x1x125xi32, #tpu.memory_space<vmem>>
      %dma_wait3A_124 = tpu.memref_squeeze %dma_wait3A_123 : memref<1x1x125xi32, #tpu.memory_space<vmem>> -> memref<125xi32, #tpu.memory_space<vmem>>
      %dma_wait3A_125 = arith.constant 0 : i32
      %dma_wait3A_126 = arith.constant 0 : i32
      %dma_wait3A_127 = tpu.memref_slice %arg2[%dma_wait3A_125, %dma_wait3A_126] : memref<10000x128xf32, #tpu.memory_space<hbm>> -> memref<10000x128xf32, #tpu.memory_space<hbm>>
      tpu.wait_indirect_dma semaphore(%arg12 : memref<!tpu.dma_semaphore, #tpu.memory_space<semaphore_mem>>) src(%dma_wait3A_127 : memref<10000x128xf32, #tpu.memory_space<hbm>>) dst(%dma_wait3A_121 : memref<125x128xf32, #tpu.memory_space<vmem>>)
      %dma_start3A_128 = arith.constant 1 : i32
      %dma_start3A_129 = arith.constant 1 : i32
      %dma_start3A_130 = arith.constant 0 : i32
      %dma_start3A_131 = arith.constant 0 : i32
      %dma_start3A_132 = tpu.memref_slice %arg8[%dma_start3A_128, %dma_start3A_130, %dma_start3A_131] : memref<2x125x128xf32, #tpu.memory_space<vmem>> -> memref<1x125x128xf32, #tpu.memory_space<vmem>>
      %dma_start3A_133 = tpu.memref_squeeze %dma_start3A_132 : memref<1x125x128xf32, #tpu.memory_space<vmem>> -> memref<125x128xf32, #tpu.memory_space<vmem>>
      %dma_start3A_134 = arith.constant 0 : i32
      %dma_start3A_135 = tpu.memref_slice %arg7[%rem3A_46, %dma_start3A_129, %dma_start3A_134] : memref<2x8x125xi32, #tpu.memory_space<vmem>> -> memref<1x1x125xi32, #tpu.memory_space<vmem>>
      %dma_start3A_136 = tpu.memref_squeeze %dma_start3A_135 : memref<1x1x125xi32, #tpu.memory_space<vmem>> -> memref<125xi32, #tpu.memory_space<vmem>>
      %dma_start3A_137 = arith.constant 0 : i32
      %dma_start3A_138 = arith.constant 0 : i32
      %dma_start3A_139 = tpu.memref_slice %arg9[%dma_start3A_137, %dma_start3A_138] : memref<10240x128xf32, #tpu.memory_space<vmem_shared>> -> memref<10240x128xf32, #tpu.memory_space<vmem_shared>>
      tpu.enqueue_indirect_dma source(%dma_start3A_133 : memref<125x128xf32, #tpu.memory_space<vmem>>) target(%dma_start3A_139 : memref<10240x128xf32, #tpu.memory_space<vmem_shared>>) offsets(%dma_start3A_136 : memref<125xi32, #tpu.memory_space<vmem>>) semaphore(%arg14 : memref<!tpu.dma_semaphore, #tpu.memory_space<semaphore_mem>>) {add = true}
      %dma_wait3A_140 = arith.constant 1 : i32
      %dma_wait3A_141 = arith.constant 2 : i32
      %dma_wait3A_142 = arith.constant 0 : i32
      %dma_wait3A_143 = arith.constant 0 : i32
      %dma_wait3A_144 = tpu.memref_slice %arg8[%dma_wait3A_140, %dma_wait3A_142, %dma_wait3A_143] : memref<2x125x128xf32, #tpu.memory_space<vmem>> -> memref<1x125x128xf32, #tpu.memory_space<vmem>>
      %dma_wait3A_145 = tpu.memref_squeeze %dma_wait3A_144 : memref<1x125x128xf32, #tpu.memory_space<vmem>> -> memref<125x128xf32, #tpu.memory_space<vmem>>
      %dma_wait3A_146 = arith.constant 0 : i32
      %dma_wait3A_147 = tpu.memref_slice %arg7[%rem3A_46, %dma_wait3A_141, %dma_wait3A_146] : memref<2x8x125xi32, #tpu.memory_space<vmem>> -> memref<1x1x125xi32, #tpu.memory_space<vmem>>
      %dma_wait3A_148 = tpu.memref_squeeze %dma_wait3A_147 : memref<1x1x125xi32, #tpu.memory_space<vmem>> -> memref<125xi32, #tpu.memory_space<vmem>>
      %dma_wait3A_149 = arith.constant 0 : i32
      %dma_wait3A_150 = arith.constant 0 : i32
      %dma_wait3A_151 = tpu.memref_slice %arg9[%dma_wait3A_149, %dma_wait3A_150] : memref<10240x128xf32, #tpu.memory_space<vmem_shared>> -> memref<10240x128xf32, #tpu.memory_space<vmem_shared>>
      tpu.wait_indirect_dma semaphore(%arg14 : memref<!tpu.dma_semaphore, #tpu.memory_space<semaphore_mem>>) src(%dma_wait3A_145 : memref<125x128xf32, #tpu.memory_space<vmem>>) dst(%dma_wait3A_151 : memref<10240x128xf32, #tpu.memory_space<vmem_shared>>)
      %dma_start3A_152 = arith.constant 3 : i32
      %dma_start3A_153 = arith.constant 1 : i32
      %dma_start3A_154 = arith.constant 0 : i32
      %dma_start3A_155 = arith.constant 0 : i32
      %dma_start3A_156 = tpu.memref_slice %arg8[%dma_start3A_153, %dma_start3A_154, %dma_start3A_155] : memref<2x125x128xf32, #tpu.memory_space<vmem>> -> memref<1x125x128xf32, #tpu.memory_space<vmem>>
      %dma_start3A_157 = tpu.memref_squeeze %dma_start3A_156 : memref<1x125x128xf32, #tpu.memory_space<vmem>> -> memref<125x128xf32, #tpu.memory_space<vmem>>
      %dma_start3A_158 = arith.constant 0 : i32
      %dma_start3A_159 = tpu.memref_slice %arg6[%rem3A_46, %dma_start3A_152, %dma_start3A_158] : memref<2x8x125xi32, #tpu.memory_space<vmem>> -> memref<1x1x125xi32, #tpu.memory_space<vmem>>
      %dma_start3A_160 = tpu.memref_squeeze %dma_start3A_159 : memref<1x1x125xi32, #tpu.memory_space<vmem>> -> memref<125xi32, #tpu.memory_space<vmem>>
      %dma_start3A_161 = arith.constant 0 : i32
      %dma_start3A_162 = arith.constant 0 : i32
      %dma_start3A_163 = tpu.memref_slice %arg2[%dma_start3A_161, %dma_start3A_162] : memref<10000x128xf32, #tpu.memory_space<hbm>> -> memref<10000x128xf32, #tpu.memory_space<hbm>>
      tpu.enqueue_indirect_dma source(%dma_start3A_163 : memref<10000x128xf32, #tpu.memory_space<hbm>>) target(%dma_start3A_157 : memref<125x128xf32, #tpu.memory_space<vmem>>) offsets(%dma_start3A_160 : memref<125xi32, #tpu.memory_space<vmem>>) semaphore(%arg12 : memref<!tpu.dma_semaphore, #tpu.memory_space<semaphore_mem>>)
      %dma_wait3A_164 = arith.constant 2 : i32
      %dma_wait3A_165 = arith.constant 0 : i32
      %dma_wait3A_166 = arith.constant 0 : i32
      %dma_wait3A_167 = arith.constant 0 : i32
      %dma_wait3A_168 = tpu.memref_slice %arg8[%dma_wait3A_165, %dma_wait3A_166, %dma_wait3A_167] : memref<2x125x128xf32, #tpu.memory_space<vmem>> -> memref<1x125x128xf32, #tpu.memory_space<vmem>>
      %dma_wait3A_169 = tpu.memref_squeeze %dma_wait3A_168 : memref<1x125x128xf32, #tpu.memory_space<vmem>> -> memref<125x128xf32, #tpu.memory_space<vmem>>
      %dma_wait3A_170 = arith.constant 0 : i32
      %dma_wait3A_171 = tpu.memref_slice %arg6[%rem3A_46, %dma_wait3A_164, %dma_wait3A_170] : memref<2x8x125xi32, #tpu.memory_space<vmem>> -> memref<1x1x125xi32, #tpu.memory_space<vmem>>
      %dma_wait3A_172 = tpu.memref_squeeze %dma_wait3A_171 : memref<1x1x125xi32, #tpu.memory_space<vmem>> -> memref<125xi32, #tpu.memory_space<vmem>>
      %dma_wait3A_173 = arith.constant 0 : i32
      %dma_wait3A_174 = arith.constant 0 : i32
      %dma_wait3A_175 = tpu.memref_slice %arg2[%dma_wait3A_173, %dma_wait3A_174] : memref<10000x128xf32, #tpu.memory_space<hbm>> -> memref<10000x128xf32, #tpu.memory_space<hbm>>
      tpu.wait_indirect_dma semaphore(%arg11 : memref<!tpu.dma_semaphore, #tpu.memory_space<semaphore_mem>>) src(%dma_wait3A_175 : memref<10000x128xf32, #tpu.memory_space<hbm>>) dst(%dma_wait3A_169 : memref<125x128xf32, #tpu.memory_space<vmem>>)
      %dma_start3A_176 = arith.constant 0 : i32
      %dma_start3A_177 = arith.constant 2 : i32
      %dma_start3A_178 = arith.constant 0 : i32
      %dma_start3A_179 = arith.constant 0 : i32
      %dma_start3A_180 = tpu.memref_slice %arg8[%dma_start3A_176, %dma_start3A_178, %dma_start3A_179] : memref<2x125x128xf32, #tpu.memory_space<vmem>> -> memref<1x125x128xf32, #tpu.memory_space<vmem>>
      %dma_start3A_181 = tpu.memref_squeeze %dma_start3A_180 : memref<1x125x128xf32, #tpu.memory_space<vmem>> -> memref<125x128xf32, #tpu.memory_space<vmem>>
      %dma_start3A_182 = arith.constant 0 : i32
      %dma_start3A_183 = tpu.memref_slice %arg7[%rem3A_46, %dma_start3A_177, %dma_start3A_182] : memref<2x8x125xi32, #tpu.memory_space<vmem>> -> memref<1x1x125xi32, #tpu.memory_space<vmem>>
      %dma_start3A_184 = tpu.memref_squeeze %dma_start3A_183 : memref<1x1x125xi32, #tpu.memory_space<vmem>> -> memref<125xi32, #tpu.memory_space<vmem>>
      %dma_start3A_185 = arith.constant 0 : i32
      %dma_start3A_186 = arith.constant 0 : i32
      %dma_start3A_187 = tpu.memref_slice %arg9[%dma_start3A_185, %dma_start3A_186] : memref<10240x128xf32, #tpu.memory_space<vmem_shared>> -> memref<10240x128xf32, #tpu.memory_space<vmem_shared>>
      tpu.enqueue_indirect_dma source(%dma_start3A_181 : memref<125x128xf32, #tpu.memory_space<vmem>>) target(%dma_start3A_187 : memref<10240x128xf32, #tpu.memory_space<vmem_shared>>) offsets(%dma_start3A_184 : memref<125xi32, #tpu.memory_space<vmem>>) semaphore(%arg13 : memref<!tpu.dma_semaphore, #tpu.memory_space<semaphore_mem>>) {add = true}
      %dma_wait3A_188 = arith.constant 0 : i32
      %dma_wait3A_189 = arith.constant 3 : i32
      %dma_wait3A_190 = arith.constant 0 : i32
      %dma_wait3A_191 = arith.constant 0 : i32
      %dma_wait3A_192 = tpu.memref_slice %arg8[%dma_wait3A_188, %dma_wait3A_190, %dma_wait3A_191] : memref<2x125x128xf32, #tpu.memory_space<vmem>> -> memref<1x125x128xf32, #tpu.memory_space<vmem>>
      %dma_wait3A_193 = tpu.memref_squeeze %dma_wait3A_192 : memref<1x125x128xf32, #tpu.memory_space<vmem>> -> memref<125x128xf32, #tpu.memory_space<vmem>>
      %dma_wait3A_194 = arith.constant 0 : i32
      %dma_wait3A_195 = tpu.memref_slice %arg7[%rem3A_46, %dma_wait3A_189, %dma_wait3A_194] : memref<2x8x125xi32, #tpu.memory_space<vmem>> -> memref<1x1x125xi32, #tpu.memory_space<vmem>>
      %dma_wait3A_196 = tpu.memref_squeeze %dma_wait3A_195 : memref<1x1x125xi32, #tpu.memory_space<vmem>> -> memref<125xi32, #tpu.memory_space<vmem>>
      %dma_wait3A_197 = arith.constant 0 : i32
      %dma_wait3A_198 = arith.constant 0 : i32
      %dma_wait3A_199 = tpu.memref_slice %arg9[%dma_wait3A_197, %dma_wait3A_198] : memref<10240x128xf32, #tpu.memory_space<vmem_shared>> -> memref<10240x128xf32, #tpu.memory_space<vmem_shared>>
      tpu.wait_indirect_dma semaphore(%arg13 : memref<!tpu.dma_semaphore, #tpu.memory_space<semaphore_mem>>) src(%dma_wait3A_193 : memref<125x128xf32, #tpu.memory_space<vmem>>) dst(%dma_wait3A_199 : memref<10240x128xf32, #tpu.memory_space<vmem_shared>>)
      %dma_start3A_200 = arith.constant 4 : i32
      %dma_start3A_201 = arith.constant 0 : i32
      %dma_start3A_202 = arith.constant 0 : i32
      %dma_start3A_203 = arith.constant 0 : i32
      %dma_start3A_204 = tpu.memref_slice %arg8[%dma_start3A_201, %dma_start3A_202, %dma_start3A_203] : memref<2x125x128xf32, #tpu.memory_space<vmem>> -> memref<1x125x128xf32, #tpu.memory_space<vmem>>
      %dma_start3A_205 = tpu.memref_squeeze %dma_start3A_204 : memref<1x125x128xf32, #tpu.memory_space<vmem>> -> memref<125x128xf32, #tpu.memory_space<vmem>>
      %dma_start3A_206 = arith.constant 0 : i32
      %dma_start3A_207 = tpu.memref_slice %arg6[%rem3A_46, %dma_start3A_200, %dma_start3A_206] : memref<2x8x125xi32, #tpu.memory_space<vmem>> -> memref<1x1x125xi32, #tpu.memory_space<vmem>>
      %dma_start3A_208 = tpu.memref_squeeze %dma_start3A_207 : memref<1x1x125xi32, #tpu.memory_space<vmem>> -> memref<125xi32, #tpu.memory_space<vmem>>
      %dma_start3A_209 = arith.constant 0 : i32
      %dma_start3A_210 = arith.constant 0 : i32
      %dma_start3A_211 = tpu.memref_slice %arg2[%dma_start3A_209, %dma_start3A_210] : memref<10000x128xf32, #tpu.memory_space<hbm>> -> memref<10000x128xf32, #tpu.memory_space<hbm>>
      tpu.enqueue_indirect_dma source(%dma_start3A_211 : memref<10000x128xf32, #tpu.memory_space<hbm>>) target(%dma_start3A_205 : memref<125x128xf32, #tpu.memory_space<vmem>>) offsets(%dma_start3A_208 : memref<125xi32, #tpu.memory_space<vmem>>) semaphore(%arg11 : memref<!tpu.dma_semaphore, #tpu.memory_space<semaphore_mem>>)
      %dma_wait3A_212 = arith.constant 3 : i32
      %dma_wait3A_213 = arith.constant 1 : i32
      %dma_wait3A_214 = arith.constant 0 : i32
      %dma_wait3A_215 = arith.constant 0 : i32
      %dma_wait3A_216 = tpu.memref_slice %arg8[%dma_wait3A_213, %dma_wait3A_214, %dma_wait3A_215] : memref<2x125x128xf32, #tpu.memory_space<vmem>> -> memref<1x125x128xf32, #tpu.memory_space<vmem>>
      %dma_wait3A_217 = tpu.memref_squeeze %dma_wait3A_216 : memref<1x125x128xf32, #tpu.memory_space<vmem>> -> memref<125x128xf32, #tpu.memory_space<vmem>>
      %dma_wait3A_218 = arith.constant 0 : i32
      %dma_wait3A_219 = tpu.memref_slice %arg6[%rem3A_46, %dma_wait3A_212, %dma_wait3A_218] : memref<2x8x125xi32, #tpu.memory_space<vmem>> -> memref<1x1x125xi32, #tpu.memory_space<vmem>>
      %dma_wait3A_220 = tpu.memref_squeeze %dma_wait3A_219 : memref<1x1x125xi32, #tpu.memory_space<vmem>> -> memref<125xi32, #tpu.memory_space<vmem>>
      %dma_wait3A_221 = arith.constant 0 : i32
      %dma_wait3A_222 = arith.constant 0 : i32
      %dma_wait3A_223 = tpu.memref_slice %arg2[%dma_wait3A_221, %dma_wait3A_222] : memref<10000x128xf32, #tpu.memory_space<hbm>> -> memref<10000x128xf32, #tpu.memory_space<hbm>>
      tpu.wait_indirect_dma semaphore(%arg12 : memref<!tpu.dma_semaphore, #tpu.memory_space<semaphore_mem>>) src(%dma_wait3A_223 : memref<10000x128xf32, #tpu.memory_space<hbm>>) dst(%dma_wait3A_217 : memref<125x128xf32, #tpu.memory_space<vmem>>)
      %dma_start3A_224 = arith.constant 1 : i32
      %dma_start3A_225 = arith.constant 3 : i32
      %dma_start3A_226 = arith.constant 0 : i32
      %dma_start3A_227 = arith.constant 0 : i32
      %dma_start3A_228 = tpu.memref_slice %arg8[%dma_start3A_224, %dma_start3A_226, %dma_start3A_227] : memref<2x125x128xf32, #tpu.memory_space<vmem>> -> memref<1x125x128xf32, #tpu.memory_space<vmem>>
      %dma_start3A_229 = tpu.memref_squeeze %dma_start3A_228 : memref<1x125x128xf32, #tpu.memory_space<vmem>> -> memref<125x128xf32, #tpu.memory_space<vmem>>
      %dma_start3A_230 = arith.constant 0 : i32
      %dma_start3A_231 = tpu.memref_slice %arg7[%rem3A_46, %dma_start3A_225, %dma_start3A_230] : memref<2x8x125xi32, #tpu.memory_space<vmem>> -> memref<1x1x125xi32, #tpu.memory_space<vmem>>
      %dma_start3A_232 = tpu.memref_squeeze %dma_start3A_231 : memref<1x1x125xi32, #tpu.memory_space<vmem>> -> memref<125xi32, #tpu.memory_space<vmem>>
      %dma_start3A_233 = arith.constant 0 : i32
      %dma_start3A_234 = arith.constant 0 : i32
      %dma_start3A_235 = tpu.memref_slice %arg9[%dma_start3A_233, %dma_start3A_234] : memref<10240x128xf32, #tpu.memory_space<vmem_shared>> -> memref<10240x128xf32, #tpu.memory_space<vmem_shared>>
      tpu.enqueue_indirect_dma source(%dma_start3A_229 : memref<125x128xf32, #tpu.memory_space<vmem>>) target(%dma_start3A_235 : memref<10240x128xf32, #tpu.memory_space<vmem_shared>>) offsets(%dma_start3A_232 : memref<125xi32, #tpu.memory_space<vmem>>) semaphore(%arg14 : memref<!tpu.dma_semaphore, #tpu.memory_space<semaphore_mem>>) {add = true}
      %dma_wait3A_236 = arith.constant 1 : i32
      %dma_wait3A_237 = arith.constant 4 : i32
      %dma_wait3A_238 = arith.constant 0 : i32
      %dma_wait3A_239 = arith.constant 0 : i32
      %dma_wait3A_240 = tpu.memref_slice %arg8[%dma_wait3A_236, %dma_wait3A_238, %dma_wait3A_239] : memref<2x125x128xf32, #tpu.memory_space<vmem>> -> memref<1x125x128xf32, #tpu.memory_space<vmem>>
      %dma_wait3A_241 = tpu.memref_squeeze %dma_wait3A_240 : memref<1x125x128xf32, #tpu.memory_space<vmem>> -> memref<125x128xf32, #tpu.memory_space<vmem>>
      %dma_wait3A_242 = arith.constant 0 : i32
      %dma_wait3A_243 = tpu.memref_slice %arg7[%rem3A_46, %dma_wait3A_237, %dma_wait3A_242] : memref<2x8x125xi32, #tpu.memory_space<vmem>> -> memref<1x1x125xi32, #tpu.memory_space<vmem>>
      %dma_wait3A_244 = tpu.memref_squeeze %dma_wait3A_243 : memref<1x1x125xi32, #tpu.memory_space<vmem>> -> memref<125xi32, #tpu.memory_space<vmem>>
      %dma_wait3A_245 = arith.constant 0 : i32
      %dma_wait3A_246 = arith.constant 0 : i32
      %dma_wait3A_247 = tpu.memref_slice %arg9[%dma_wait3A_245, %dma_wait3A_246] : memref<10240x128xf32, #tpu.memory_space<vmem_shared>> -> memref<10240x128xf32, #tpu.memory_space<vmem_shared>>
      tpu.wait_indirect_dma semaphore(%arg14 : memref<!tpu.dma_semaphore, #tpu.memory_space<semaphore_mem>>) src(%dma_wait3A_241 : memref<125x128xf32, #tpu.memory_space<vmem>>) dst(%dma_wait3A_247 : memref<10240x128xf32, #tpu.memory_space<vmem_shared>>)
      %dma_start3A_248 = arith.constant 5 : i32
      %dma_start3A_249 = arith.constant 1 : i32
      %dma_start3A_250 = arith.constant 0 : i32
      %dma_start3A_251 = arith.constant 0 : i32
      %dma_start3A_252 = tpu.memref_slice %arg8[%dma_start3A_249, %dma_start3A_250, %dma_start3A_251] : memref<2x125x128xf32, #tpu.memory_space<vmem>> -> memref<1x125x128xf32, #tpu.memory_space<vmem>>
      %dma_start3A_253 = tpu.memref_squeeze %dma_start3A_252 : memref<1x125x128xf32, #tpu.memory_space<vmem>> -> memref<125x128xf32, #tpu.memory_space<vmem>>
      %dma_start3A_254 = arith.constant 0 : i32
      %dma_start3A_255 = tpu.memref_slice %arg6[%rem3A_46, %dma_start3A_248, %dma_start3A_254] : memref<2x8x125xi32, #tpu.memory_space<vmem>> -> memref<1x1x125xi32, #tpu.memory_space<vmem>>
      %dma_start3A_256 = tpu.memref_squeeze %dma_start3A_255 : memref<1x1x125xi32, #tpu.memory_space<vmem>> -> memref<125xi32, #tpu.memory_space<vmem>>
      %dma_start3A_257 = arith.constant 0 : i32
      %dma_start3A_258 = arith.constant 0 : i32
      %dma_start3A_259 = tpu.memref_slice %arg2[%dma_start3A_257, %dma_start3A_258] : memref<10000x128xf32, #tpu.memory_space<hbm>> -> memref<10000x128xf32, #tpu.memory_space<hbm>>
      tpu.enqueue_indirect_dma source(%dma_start3A_259 : memref<10000x128xf32, #tpu.memory_space<hbm>>) target(%dma_start3A_253 : memref<125x128xf32, #tpu.memory_space<vmem>>) offsets(%dma_start3A_256 : memref<125xi32, #tpu.memory_space<vmem>>) semaphore(%arg12 : memref<!tpu.dma_semaphore, #tpu.memory_space<semaphore_mem>>)
      %dma_wait3A_260 = arith.constant 4 : i32
      %dma_wait3A_261 = arith.constant 0 : i32
      %dma_wait3A_262 = arith.constant 0 : i32
      %dma_wait3A_263 = arith.constant 0 : i32
      %dma_wait3A_264 = tpu.memref_slice %arg8[%dma_wait3A_261, %dma_wait3A_262, %dma_wait3A_263] : memref<2x125x128xf32, #tpu.memory_space<vmem>> -> memref<1x125x128xf32, #tpu.memory_space<vmem>>
      %dma_wait3A_265 = tpu.memref_squeeze %dma_wait3A_264 : memref<1x125x128xf32, #tpu.memory_space<vmem>> -> memref<125x128xf32, #tpu.memory_space<vmem>>
      %dma_wait3A_266 = arith.constant 0 : i32
      %dma_wait3A_267 = tpu.memref_slice %arg6[%rem3A_46, %dma_wait3A_260, %dma_wait3A_266] : memref<2x8x125xi32, #tpu.memory_space<vmem>> -> memref<1x1x125xi32, #tpu.memory_space<vmem>>
      %dma_wait3A_268 = tpu.memref_squeeze %dma_wait3A_267 : memref<1x1x125xi32, #tpu.memory_space<vmem>> -> memref<125xi32, #tpu.memory_space<vmem>>
      %dma_wait3A_269 = arith.constant 0 : i32
      %dma_wait3A_270 = arith.constant 0 : i32
      %dma_wait3A_271 = tpu.memref_slice %arg2[%dma_wait3A_269, %dma_wait3A_270] : memref<10000x128xf32, #tpu.memory_space<hbm>> -> memref<10000x128xf32, #tpu.memory_space<hbm>>
      tpu.wait_indirect_dma semaphore(%arg11 : memref<!tpu.dma_semaphore, #tpu.memory_space<semaphore_mem>>) src(%dma_wait3A_271 : memref<10000x128xf32, #tpu.memory_space<hbm>>) dst(%dma_wait3A_265 : memref<125x128xf32, #tpu.memory_space<vmem>>)
      %dma_start3A_272 = arith.constant 0 : i32
      %dma_start3A_273 = arith.constant 4 : i32
      %dma_start3A_274 = arith.constant 0 : i32
      %dma_start3A_275 = arith.constant 0 : i32
      %dma_start3A_276 = tpu.memref_slice %arg8[%dma_start3A_272, %dma_start3A_274, %dma_start3A_275] : memref<2x125x128xf32, #tpu.memory_space<vmem>> -> memref<1x125x128xf32, #tpu.memory_space<vmem>>
      %dma_start3A_277 = tpu.memref_squeeze %dma_start3A_276 : memref<1x125x128xf32, #tpu.memory_space<vmem>> -> memref<125x128xf32, #tpu.memory_space<vmem>>
      %dma_start3A_278 = arith.constant 0 : i32
      %dma_start3A_279 = tpu.memref_slice %arg7[%rem3A_46, %dma_start3A_273, %dma_start3A_278] : memref<2x8x125xi32, #tpu.memory_space<vmem>> -> memref<1x1x125xi32, #tpu.memory_space<vmem>>
      %dma_start3A_280 = tpu.memref_squeeze %dma_start3A_279 : memref<1x1x125xi32, #tpu.memory_space<vmem>> -> memref<125xi32, #tpu.memory_space<vmem>>
      %dma_start3A_281 = arith.constant 0 : i32
      %dma_start3A_282 = arith.constant 0 : i32
      %dma_start3A_283 = tpu.memref_slice %arg9[%dma_start3A_281, %dma_start3A_282] : memref<10240x128xf32, #tpu.memory_space<vmem_shared>> -> memref<10240x128xf32, #tpu.memory_space<vmem_shared>>
      tpu.enqueue_indirect_dma source(%dma_start3A_277 : memref<125x128xf32, #tpu.memory_space<vmem>>) target(%dma_start3A_283 : memref<10240x128xf32, #tpu.memory_space<vmem_shared>>) offsets(%dma_start3A_280 : memref<125xi32, #tpu.memory_space<vmem>>) semaphore(%arg13 : memref<!tpu.dma_semaphore, #tpu.memory_space<semaphore_mem>>) {add = true}
      %dma_wait3A_284 = arith.constant 0 : i32
      %dma_wait3A_285 = arith.constant 5 : i32
      %dma_wait3A_286 = arith.constant 0 : i32
      %dma_wait3A_287 = arith.constant 0 : i32
      %dma_wait3A_288 = tpu.memref_slice %arg8[%dma_wait3A_284, %dma_wait3A_286, %dma_wait3A_287] : memref<2x125x128xf32, #tpu.memory_space<vmem>> -> memref<1x125x128xf32, #tpu.memory_space<vmem>>
      %dma_wait3A_289 = tpu.memref_squeeze %dma_wait3A_288 : memref<1x125x128xf32, #tpu.memory_space<vmem>> -> memref<125x128xf32, #tpu.memory_space<vmem>>
      %dma_wait3A_290 = arith.constant 0 : i32
      %dma_wait3A_291 = tpu.memref_slice %arg7[%rem3A_46, %dma_wait3A_285, %dma_wait3A_290] : memref<2x8x125xi32, #tpu.memory_space<vmem>> -> memref<1x1x125xi32, #tpu.memory_space<vmem>>
      %dma_wait3A_292 = tpu.memref_squeeze %dma_wait3A_291 : memref<1x1x125xi32, #tpu.memory_space<vmem>> -> memref<125xi32, #tpu.memory_space<vmem>>
      %dma_wait3A_293 = arith.constant 0 : i32
      %dma_wait3A_294 = arith.constant 0 : i32
      %dma_wait3A_295 = tpu.memref_slice %arg9[%dma_wait3A_293, %dma_wait3A_294] : memref<10240x128xf32, #tpu.memory_space<vmem_shared>> -> memref<10240x128xf32, #tpu.memory_space<vmem_shared>>
      tpu.wait_indirect_dma semaphore(%arg13 : memref<!tpu.dma_semaphore, #tpu.memory_space<semaphore_mem>>) src(%dma_wait3A_289 : memref<125x128xf32, #tpu.memory_space<vmem>>) dst(%dma_wait3A_295 : memref<10240x128xf32, #tpu.memory_space<vmem_shared>>)
      %dma_start3A_296 = arith.constant 6 : i32
      %dma_start3A_297 = arith.constant 0 : i32
      %dma_start3A_298 = arith.constant 0 : i32
      %dma_start3A_299 = arith.constant 0 : i32
      %dma_start3A_300 = tpu.memref_slice %arg8[%dma_start3A_297, %dma_start3A_298, %dma_start3A_299] : memref<2x125x128xf32, #tpu.memory_space<vmem>> -> memref<1x125x128xf32, #tpu.memory_space<vmem>>
      %dma_start3A_301 = tpu.memref_squeeze %dma_start3A_300 : memref<1x125x128xf32, #tpu.memory_space<vmem>> -> memref<125x128xf32, #tpu.memory_space<vmem>>
      %dma_start3A_302 = arith.constant 0 : i32
      %dma_start3A_303 = tpu.memref_slice %arg6[%rem3A_46, %dma_start3A_296, %dma_start3A_302] : memref<2x8x125xi32, #tpu.memory_space<vmem>> -> memref<1x1x125xi32, #tpu.memory_space<vmem>>
      %dma_start3A_304 = tpu.memref_squeeze %dma_start3A_303 : memref<1x1x125xi32, #tpu.memory_space<vmem>> -> memref<125xi32, #tpu.memory_space<vmem>>
      %dma_start3A_305 = arith.constant 0 : i32
      %dma_start3A_306 = arith.constant 0 : i32
      %dma_start3A_307 = tpu.memref_slice %arg2[%dma_start3A_305, %dma_start3A_306] : memref<10000x128xf32, #tpu.memory_space<hbm>> -> memref<10000x128xf32, #tpu.memory_space<hbm>>
      tpu.enqueue_indirect_dma source(%dma_start3A_307 : memref<10000x128xf32, #tpu.memory_space<hbm>>) target(%dma_start3A_301 : memref<125x128xf32, #tpu.memory_space<vmem>>) offsets(%dma_start3A_304 : memref<125xi32, #tpu.memory_space<vmem>>) semaphore(%arg11 : memref<!tpu.dma_semaphore, #tpu.memory_space<semaphore_mem>>)
      %dma_wait3A_308 = arith.constant 5 : i32
      %dma_wait3A_309 = arith.constant 1 : i32
      %dma_wait3A_310 = arith.constant 0 : i32
      %dma_wait3A_311 = arith.constant 0 : i32
      %dma_wait3A_312 = tpu.memref_slice %arg8[%dma_wait3A_309, %dma_wait3A_310, %dma_wait3A_311] : memref<2x125x128xf32, #tpu.memory_space<vmem>> -> memref<1x125x128xf32, #tpu.memory_space<vmem>>
      %dma_wait3A_313 = tpu.memref_squeeze %dma_wait3A_312 : memref<1x125x128xf32, #tpu.memory_space<vmem>> -> memref<125x128xf32, #tpu.memory_space<vmem>>
      %dma_wait3A_314 = arith.constant 0 : i32
      %dma_wait3A_315 = tpu.memref_slice %arg6[%rem3A_46, %dma_wait3A_308, %dma_wait3A_314] : memref<2x8x125xi32, #tpu.memory_space<vmem>> -> memref<1x1x125xi32, #tpu.memory_space<vmem>>
      %dma_wait3A_316 = tpu.memref_squeeze %dma_wait3A_315 : memref<1x1x125xi32, #tpu.memory_space<vmem>> -> memref<125xi32, #tpu.memory_space<vmem>>
      %dma_wait3A_317 = arith.constant 0 : i32
      %dma_wait3A_318 = arith.constant 0 : i32
      %dma_wait3A_319 = tpu.memref_slice %arg2[%dma_wait3A_317, %dma_wait3A_318] : memref<10000x128xf32, #tpu.memory_space<hbm>> -> memref<10000x128xf32, #tpu.memory_space<hbm>>
      tpu.wait_indirect_dma semaphore(%arg12 : memref<!tpu.dma_semaphore, #tpu.memory_space<semaphore_mem>>) src(%dma_wait3A_319 : memref<10000x128xf32, #tpu.memory_space<hbm>>) dst(%dma_wait3A_313 : memref<125x128xf32, #tpu.memory_space<vmem>>)
      %dma_start3A_320 = arith.constant 1 : i32
      %dma_start3A_321 = arith.constant 5 : i32
      %dma_start3A_322 = arith.constant 0 : i32
      %dma_start3A_323 = arith.constant 0 : i32
      %dma_start3A_324 = tpu.memref_slice %arg8[%dma_start3A_320, %dma_start3A_322, %dma_start3A_323] : memref<2x125x128xf32, #tpu.memory_space<vmem>> -> memref<1x125x128xf32, #tpu.memory_space<vmem>>
      %dma_start3A_325 = tpu.memref_squeeze %dma_start3A_324 : memref<1x125x128xf32, #tpu.memory_space<vmem>> -> memref<125x128xf32, #tpu.memory_space<vmem>>
      %dma_start3A_326 = arith.constant 0 : i32
      %dma_start3A_327 = tpu.memref_slice %arg7[%rem3A_46, %dma_start3A_321, %dma_start3A_326] : memref<2x8x125xi32, #tpu.memory_space<vmem>> -> memref<1x1x125xi32, #tpu.memory_space<vmem>>
      %dma_start3A_328 = tpu.memref_squeeze %dma_start3A_327 : memref<1x1x125xi32, #tpu.memory_space<vmem>> -> memref<125xi32, #tpu.memory_space<vmem>>
      %dma_start3A_329 = arith.constant 0 : i32
      %dma_start3A_330 = arith.constant 0 : i32
      %dma_start3A_331 = tpu.memref_slice %arg9[%dma_start3A_329, %dma_start3A_330] : memref<10240x128xf32, #tpu.memory_space<vmem_shared>> -> memref<10240x128xf32, #tpu.memory_space<vmem_shared>>
      tpu.enqueue_indirect_dma source(%dma_start3A_325 : memref<125x128xf32, #tpu.memory_space<vmem>>) target(%dma_start3A_331 : memref<10240x128xf32, #tpu.memory_space<vmem_shared>>) offsets(%dma_start3A_328 : memref<125xi32, #tpu.memory_space<vmem>>) semaphore(%arg14 : memref<!tpu.dma_semaphore, #tpu.memory_space<semaphore_mem>>) {add = true}
      %dma_wait3A_332 = arith.constant 1 : i32
      %dma_wait3A_333 = arith.constant 6 : i32
      %dma_wait3A_334 = arith.constant 0 : i32
      %dma_wait3A_335 = arith.constant 0 : i32
      %dma_wait3A_336 = tpu.memref_slice %arg8[%dma_wait3A_332, %dma_wait3A_334, %dma_wait3A_335] : memref<2x125x128xf32, #tpu.memory_space<vmem>> -> memref<1x125x128xf32, #tpu.memory_space<vmem>>
      %dma_wait3A_337 = tpu.memref_squeeze %dma_wait3A_336 : memref<1x125x128xf32, #tpu.memory_space<vmem>> -> memref<125x128xf32, #tpu.memory_space<vmem>>
      %dma_wait3A_338 = arith.constant 0 : i32
      %dma_wait3A_339 = tpu.memref_slice %arg7[%rem3A_46, %dma_wait3A_333, %dma_wait3A_338] : memref<2x8x125xi32, #tpu.memory_space<vmem>> -> memref<1x1x125xi32, #tpu.memory_space<vmem>>
      %dma_wait3A_340 = tpu.memref_squeeze %dma_wait3A_339 : memref<1x1x125xi32, #tpu.memory_space<vmem>> -> memref<125xi32, #tpu.memory_space<vmem>>
      %dma_wait3A_341 = arith.constant 0 : i32
      %dma_wait3A_342 = arith.constant 0 : i32
      %dma_wait3A_343 = tpu.memref_slice %arg9[%dma_wait3A_341, %dma_wait3A_342] : memref<10240x128xf32, #tpu.memory_space<vmem_shared>> -> memref<10240x128xf32, #tpu.memory_space<vmem_shared>>
      tpu.wait_indirect_dma semaphore(%arg14 : memref<!tpu.dma_semaphore, #tpu.memory_space<semaphore_mem>>) src(%dma_wait3A_337 : memref<125x128xf32, #tpu.memory_space<vmem>>) dst(%dma_wait3A_343 : memref<10240x128xf32, #tpu.memory_space<vmem_shared>>)
      %dma_start3A_344 = arith.constant 7 : i32
      %dma_start3A_345 = arith.constant 1 : i32
      %dma_start3A_346 = arith.constant 0 : i32
      %dma_start3A_347 = arith.constant 0 : i32
      %dma_start3A_348 = tpu.memref_slice %arg8[%dma_start3A_345, %dma_start3A_346, %dma_start3A_347] : memref<2x125x128xf32, #tpu.memory_space<vmem>> -> memref<1x125x128xf32, #tpu.memory_space<vmem>>
      %dma_start3A_349 = tpu.memref_squeeze %dma_start3A_348 : memref<1x125x128xf32, #tpu.memory_space<vmem>> -> memref<125x128xf32, #tpu.memory_space<vmem>>
      %dma_start3A_350 = arith.constant 0 : i32
      %dma_start3A_351 = tpu.memref_slice %arg6[%rem3A_46, %dma_start3A_344, %dma_start3A_350] : memref<2x8x125xi32, #tpu.memory_space<vmem>> -> memref<1x1x125xi32, #tpu.memory_space<vmem>>
      %dma_start3A_352 = tpu.memref_squeeze %dma_start3A_351 : memref<1x1x125xi32, #tpu.memory_space<vmem>> -> memref<125xi32, #tpu.memory_space<vmem>>
      %dma_start3A_353 = arith.constant 0 : i32
      %dma_start3A_354 = arith.constant 0 : i32
      %dma_start3A_355 = tpu.memref_slice %arg2[%dma_start3A_353, %dma_start3A_354] : memref<10000x128xf32, #tpu.memory_space<hbm>> -> memref<10000x128xf32, #tpu.memory_space<hbm>>
      tpu.enqueue_indirect_dma source(%dma_start3A_355 : memref<10000x128xf32, #tpu.memory_space<hbm>>) target(%dma_start3A_349 : memref<125x128xf32, #tpu.memory_space<vmem>>) offsets(%dma_start3A_352 : memref<125xi32, #tpu.memory_space<vmem>>) semaphore(%arg12 : memref<!tpu.dma_semaphore, #tpu.memory_space<semaphore_mem>>)
      %dma_wait3A_356 = arith.constant 6 : i32
      %dma_wait3A_357 = arith.constant 0 : i32
      %dma_wait3A_358 = arith.constant 0 : i32
      %dma_wait3A_359 = arith.constant 0 : i32
      %dma_wait3A_360 = tpu.memref_slice %arg8[%dma_wait3A_357, %dma_wait3A_358, %dma_wait3A_359] : memref<2x125x128xf32, #tpu.memory_space<vmem>> -> memref<1x125x128xf32, #tpu.memory_space<vmem>>
      %dma_wait3A_361 = tpu.memref_squeeze %dma_wait3A_360 : memref<1x125x128xf32, #tpu.memory_space<vmem>> -> memref<125x128xf32, #tpu.memory_space<vmem>>
      %dma_wait3A_362 = arith.constant 0 : i32
      %dma_wait3A_363 = tpu.memref_slice %arg6[%rem3A_46, %dma_wait3A_356, %dma_wait3A_362] : memref<2x8x125xi32, #tpu.memory_space<vmem>> -> memref<1x1x125xi32, #tpu.memory_space<vmem>>
      %dma_wait3A_364 = tpu.memref_squeeze %dma_wait3A_363 : memref<1x1x125xi32, #tpu.memory_space<vmem>> -> memref<125xi32, #tpu.memory_space<vmem>>
      %dma_wait3A_365 = arith.constant 0 : i32
      %dma_wait3A_366 = arith.constant 0 : i32
      %dma_wait3A_367 = tpu.memref_slice %arg2[%dma_wait3A_365, %dma_wait3A_366] : memref<10000x128xf32, #tpu.memory_space<hbm>> -> memref<10000x128xf32, #tpu.memory_space<hbm>>
      tpu.wait_indirect_dma semaphore(%arg11 : memref<!tpu.dma_semaphore, #tpu.memory_space<semaphore_mem>>) src(%dma_wait3A_367 : memref<10000x128xf32, #tpu.memory_space<hbm>>) dst(%dma_wait3A_361 : memref<125x128xf32, #tpu.memory_space<vmem>>)
      %dma_start3A_368 = arith.constant 0 : i32
      %dma_start3A_369 = arith.constant 6 : i32
      %dma_start3A_370 = arith.constant 0 : i32
      %dma_start3A_371 = arith.constant 0 : i32
      %dma_start3A_372 = tpu.memref_slice %arg8[%dma_start3A_368, %dma_start3A_370, %dma_start3A_371] : memref<2x125x128xf32, #tpu.memory_space<vmem>> -> memref<1x125x128xf32, #tpu.memory_space<vmem>>
      %dma_start3A_373 = tpu.memref_squeeze %dma_start3A_372 : memref<1x125x128xf32, #tpu.memory_space<vmem>> -> memref<125x128xf32, #tpu.memory_space<vmem>>
      %dma_start3A_374 = arith.constant 0 : i32
      %dma_start3A_375 = tpu.memref_slice %arg7[%rem3A_46, %dma_start3A_369, %dma_start3A_374] : memref<2x8x125xi32, #tpu.memory_space<vmem>> -> memref<1x1x125xi32, #tpu.memory_space<vmem>>
      %dma_start3A_376 = tpu.memref_squeeze %dma_start3A_375 : memref<1x1x125xi32, #tpu.memory_space<vmem>> -> memref<125xi32, #tpu.memory_space<vmem>>
      %dma_start3A_377 = arith.constant 0 : i32
      %dma_start3A_378 = arith.constant 0 : i32
      %dma_start3A_379 = tpu.memref_slice %arg9[%dma_start3A_377, %dma_start3A_378] : memref<10240x128xf32, #tpu.memory_space<vmem_shared>> -> memref<10240x128xf32, #tpu.memory_space<vmem_shared>>
      tpu.enqueue_indirect_dma source(%dma_start3A_373 : memref<125x128xf32, #tpu.memory_space<vmem>>) target(%dma_start3A_379 : memref<10240x128xf32, #tpu.memory_space<vmem_shared>>) offsets(%dma_start3A_376 : memref<125xi32, #tpu.memory_space<vmem>>) semaphore(%arg13 : memref<!tpu.dma_semaphore, #tpu.memory_space<semaphore_mem>>) {add = true}
      %dma_wait3A_380 = arith.constant 0 : i32
      %dma_wait3A_381 = arith.constant 7 : i32
      %dma_wait3A_382 = arith.constant 0 : i32
      %dma_wait3A_383 = arith.constant 0 : i32
      %dma_wait3A_384 = tpu.memref_slice %arg8[%dma_wait3A_380, %dma_wait3A_382, %dma_wait3A_383] : memref<2x125x128xf32, #tpu.memory_space<vmem>> -> memref<1x125x128xf32, #tpu.memory_space<vmem>>
      %dma_wait3A_385 = tpu.memref_squeeze %dma_wait3A_384 : memref<1x125x128xf32, #tpu.memory_space<vmem>> -> memref<125x128xf32, #tpu.memory_space<vmem>>
      %dma_wait3A_386 = arith.constant 0 : i32
      %dma_wait3A_387 = tpu.memref_slice %arg7[%rem3A_46, %dma_wait3A_381, %dma_wait3A_386] : memref<2x8x125xi32, #tpu.memory_space<vmem>> -> memref<1x1x125xi32, #tpu.memory_space<vmem>>
      %dma_wait3A_388 = tpu.memref_squeeze %dma_wait3A_387 : memref<1x1x125xi32, #tpu.memory_space<vmem>> -> memref<125xi32, #tpu.memory_space<vmem>>
      %dma_wait3A_389 = arith.constant 0 : i32
      %dma_wait3A_390 = arith.constant 0 : i32
      %dma_wait3A_391 = tpu.memref_slice %arg9[%dma_wait3A_389, %dma_wait3A_390] : memref<10240x128xf32, #tpu.memory_space<vmem_shared>> -> memref<10240x128xf32, #tpu.memory_space<vmem_shared>>
      tpu.wait_indirect_dma semaphore(%arg13 : memref<!tpu.dma_semaphore, #tpu.memory_space<semaphore_mem>>) src(%dma_wait3A_385 : memref<125x128xf32, #tpu.memory_space<vmem>>) dst(%dma_wait3A_391 : memref<10240x128xf32, #tpu.memory_space<vmem_shared>>)
      %add3A_392 = arith.constant 1 : i32
      %add3A_393 = arith.addi %add3A_45, %add3A_392 : i32
      %lt3A_394 = arith.constant 10 : i32
      %lt3A_395 = arith.cmpi slt, %add3A_393, %lt3A_394 : i32
      %convert_element_type3A_396 = arith.extui %lt3A_395 : i1 to i32
      %cond3A_397 = arith.constant 0 : i32
      %cond3A_398 = arith.cmpi ne, %convert_element_type3A_396, %cond3A_397 : i32
      scf.if %cond3A_398 {
        %dma_wait3A_423 = arith.constant 0 : i32
        %dma_wait3A_424 = arith.constant 0 : i32
        %dma_wait3A_425 = arith.constant 0 : i32
        %dma_wait3A_426 = tpu.memref_slice %arg6[%sub3A_47, %dma_wait3A_424, %dma_wait3A_425] : memref<2x8x125xi32, #tpu.memory_space<vmem>> -> memref<1x8x125xi32, #tpu.memory_space<vmem>>
        %dma_wait3A_427 = tpu.memref_squeeze %dma_wait3A_426 : memref<1x8x125xi32, #tpu.memory_space<vmem>> -> memref<8x125xi32, #tpu.memory_space<vmem>>
        %dma_wait3A_428 = arith.constant 0 : i32
        %dma_wait3A_429 = tpu.memref_slice %arg3[%dma_wait3A_423, %mul3A_2, %dma_wait3A_428] : memref<2x2560x125xi32, #tpu.memory_space<hbm>> -> memref<1x8x125xi32, #tpu.memory_space<hbm>>
        %dma_wait3A_430 = tpu.memref_squeeze %dma_wait3A_429 : memref<1x8x125xi32, #tpu.memory_space<hbm>> -> memref<8x125xi32, #tpu.memory_space<hbm>>
        %dma_wait3A_431 = arith.constant 0 : i32
        %dma_wait3A_432 = arith.constant 0 : i32
        %dma_wait3A_433 = tpu.memref_slice %arg6[%sub3A_47, %dma_wait3A_431, %dma_wait3A_432] : memref<2x8x125xi32, #tpu.memory_space<vmem>> -> memref<1x8x125xi32, #tpu.memory_space<vmem>>
        %dma_wait3A_434 = tpu.memref_squeeze %dma_wait3A_433 : memref<1x8x125xi32, #tpu.memory_space<vmem>> -> memref<8x125xi32, #tpu.memory_space<vmem>>
        %dma_wait3A_435 = arith.constant 0 : i32
        %dma_wait3A_436 = tpu.memref_slice %arg3[%dma_wait3A_423, %mul3A_2, %dma_wait3A_435] : memref<2x2560x125xi32, #tpu.memory_space<hbm>> -> memref<1x8x125xi32, #tpu.memory_space<hbm>>
        %dma_wait3A_437 = tpu.memref_squeeze %dma_wait3A_436 : memref<1x8x125xi32, #tpu.memory_space<hbm>> -> memref<8x125xi32, #tpu.memory_space<hbm>>
        tpu.wait_dma2 semaphore(%arg10 : memref<!tpu.dma_semaphore, #tpu.memory_space<semaphore_mem>>) src(%dma_wait3A_437 : memref<8x125xi32, #tpu.memory_space<hbm>>) dst(%dma_wait3A_434 : memref<8x125xi32, #tpu.memory_space<vmem>>)
        %dma_wait3A_438 = arith.constant 1 : i32
        %dma_wait3A_439 = arith.constant 0 : i32
        %dma_wait3A_440 = arith.constant 0 : i32
        %dma_wait3A_441 = tpu.memref_slice %arg7[%sub3A_47, %dma_wait3A_439, %dma_wait3A_440] : memref<2x8x125xi32, #tpu.memory_space<vmem>> -> memref<1x8x125xi32, #tpu.memory_space<vmem>>
        %dma_wait3A_442 = tpu.memref_squeeze %dma_wait3A_441 : memref<1x8x125xi32, #tpu.memory_space<vmem>> -> memref<8x125xi32, #tpu.memory_space<vmem>>
        %dma_wait3A_443 = arith.constant 0 : i32
        %dma_wait3A_444 = tpu.memref_slice %arg3[%dma_wait3A_438, %mul3A_2, %dma_wait3A_443] : memref<2x2560x125xi32, #tpu.memory_space<hbm>> -> memref<1x8x125xi32, #tpu.memory_space<hbm>>
        %dma_wait3A_445 = tpu.memref_squeeze %dma_wait3A_444 : memref<1x8x125xi32, #tpu.memory_space<hbm>> -> memref<8x125xi32, #tpu.memory_space<hbm>>
        %dma_wait3A_446 = arith.constant 0 : i32
        %dma_wait3A_447 = arith.constant 0 : i32
        %dma_wait3A_448 = tpu.memref_slice %arg7[%sub3A_47, %dma_wait3A_446, %dma_wait3A_447] : memref<2x8x125xi32, #tpu.memory_space<vmem>> -> memref<1x8x125xi32, #tpu.memory_space<vmem>>
        %dma_wait3A_449 = tpu.memref_squeeze %dma_wait3A_448 : memref<1x8x125xi32, #tpu.memory_space<vmem>> -> memref<8x125xi32, #tpu.memory_space<vmem>>
        %dma_wait3A_450 = arith.constant 0 : i32
        %dma_wait3A_451 = tpu.memref_slice %arg3[%dma_wait3A_438, %mul3A_2, %dma_wait3A_450] : memref<2x2560x125xi32, #tpu.memory_space<hbm>> -> memref<1x8x125xi32, #tpu.memory_space<hbm>>
        %dma_wait3A_452 = tpu.memref_squeeze %dma_wait3A_451 : memref<1x8x125xi32, #tpu.memory_space<hbm>> -> memref<8x125xi32, #tpu.memory_space<hbm>>
        tpu.wait_dma2 semaphore(%arg10 : memref<!tpu.dma_semaphore, #tpu.memory_space<semaphore_mem>>) src(%dma_wait3A_452 : memref<8x125xi32, #tpu.memory_space<hbm>>) dst(%dma_wait3A_449 : memref<8x125xi32, #tpu.memory_space<vmem>>)
        %dma_start3A_453 = arith.constant 0 : i32
        %dma_start3A_454 = arith.constant 0 : i32
        %dma_start3A_455 = arith.constant 0 : i32
        %dma_start3A_456 = arith.constant 0 : i32
        %dma_start3A_457 = tpu.memref_slice %arg8[%dma_start3A_454, %dma_start3A_455, %dma_start3A_456] : memref<2x125x128xf32, #tpu.memory_space<vmem>> -> memref<1x125x128xf32, #tpu.memory_space<vmem>>
        %dma_start3A_458 = tpu.memref_squeeze %dma_start3A_457 : memref<1x125x128xf32, #tpu.memory_space<vmem>> -> memref<125x128xf32, #tpu.memory_space<vmem>>
        %dma_start3A_459 = arith.constant 0 : i32
        %dma_start3A_460 = tpu.memref_slice %arg6[%sub3A_47, %dma_start3A_453, %dma_start3A_459] : memref<2x8x125xi32, #tpu.memory_space<vmem>> -> memref<1x1x125xi32, #tpu.memory_space<vmem>>
        %dma_start3A_461 = tpu.memref_squeeze %dma_start3A_460 : memref<1x1x125xi32, #tpu.memory_space<vmem>> -> memref<125xi32, #tpu.memory_space<vmem>>
        %dma_start3A_462 = arith.constant 0 : i32
        %dma_start3A_463 = arith.constant 0 : i32
        %dma_start3A_464 = tpu.memref_slice %arg2[%dma_start3A_462, %dma_start3A_463] : memref<10000x128xf32, #tpu.memory_space<hbm>> -> memref<10000x128xf32, #tpu.memory_space<hbm>>
        tpu.enqueue_indirect_dma source(%dma_start3A_464 : memref<10000x128xf32, #tpu.memory_space<hbm>>) target(%dma_start3A_458 : memref<125x128xf32, #tpu.memory_space<vmem>>) offsets(%dma_start3A_461 : memref<125xi32, #tpu.memory_space<vmem>>) semaphore(%arg11 : memref<!tpu.dma_semaphore, #tpu.memory_space<semaphore_mem>>)
      } else {
      }
      %dma_wait3A_399 = arith.constant 7 : i32
      %dma_wait3A_400 = arith.constant 1 : i32
      %dma_wait3A_401 = arith.constant 0 : i32
      %dma_wait3A_402 = arith.constant 0 : i32
      %dma_wait3A_403 = tpu.memref_slice %arg8[%dma_wait3A_400, %dma_wait3A_401, %dma_wait3A_402] : memref<2x125x128xf32, #tpu.memory_space<vmem>> -> memref<1x125x128xf32, #tpu.memory_space<vmem>>
      %dma_wait3A_404 = tpu.memref_squeeze %dma_wait3A_403 : memref<1x125x128xf32, #tpu.memory_space<vmem>> -> memref<125x128xf32, #tpu.memory_space<vmem>>
      %dma_wait3A_405 = arith.constant 0 : i32
      %dma_wait3A_406 = tpu.memref_slice %arg6[%rem3A_46, %dma_wait3A_399, %dma_wait3A_405] : memref<2x8x125xi32, #tpu.memory_space<vmem>> -> memref<1x1x125xi32, #tpu.memory_space<vmem>>
      %dma_wait3A_407 = tpu.memref_squeeze %dma_wait3A_406 : memref<1x1x125xi32, #tpu.memory_space<vmem>> -> memref<125xi32, #tpu.memory_space<vmem>>
      %dma_wait3A_408 = arith.constant 0 : i32
      %dma_wait3A_409 = arith.constant 0 : i32
      %dma_wait3A_410 = tpu.memref_slice %arg2[%dma_wait3A_408, %dma_wait3A_409] : memref<10000x128xf32, #tpu.memory_space<hbm>> -> memref<10000x128xf32, #tpu.memory_space<hbm>>
      tpu.wait_indirect_dma semaphore(%arg12 : memref<!tpu.dma_semaphore, #tpu.memory_space<semaphore_mem>>) src(%dma_wait3A_410 : memref<10000x128xf32, #tpu.memory_space<hbm>>) dst(%dma_wait3A_404 : memref<125x128xf32, #tpu.memory_space<vmem>>)
      %dma_start3A_411 = arith.constant 1 : i32
      %dma_start3A_412 = arith.constant 7 : i32
      %dma_start3A_413 = arith.constant 0 : i32
      %dma_start3A_414 = arith.constant 0 : i32
      %dma_start3A_415 = tpu.memref_slice %arg8[%dma_start3A_411, %dma_start3A_413, %dma_start3A_414] : memref<2x125x128xf32, #tpu.memory_space<vmem>> -> memref<1x125x128xf32, #tpu.memory_space<vmem>>
      %dma_start3A_416 = tpu.memref_squeeze %dma_start3A_415 : memref<1x125x128xf32, #tpu.memory_space<vmem>> -> memref<125x128xf32, #tpu.memory_space<vmem>>
      %dma_start3A_417 = arith.constant 0 : i32
      %dma_start3A_418 = tpu.memref_slice %arg7[%rem3A_46, %dma_start3A_412, %dma_start3A_417] : memref<2x8x125xi32, #tpu.memory_space<vmem>> -> memref<1x1x125xi32, #tpu.memory_space<vmem>>
      %dma_start3A_419 = tpu.memref_squeeze %dma_start3A_418 : memref<1x1x125xi32, #tpu.memory_space<vmem>> -> memref<125xi32, #tpu.memory_space<vmem>>
      %dma_start3A_420 = arith.constant 0 : i32
      %dma_start3A_421 = arith.constant 0 : i32
      %dma_start3A_422 = tpu.memref_slice %arg9[%dma_start3A_420, %dma_start3A_421] : memref<10240x128xf32, #tpu.memory_space<vmem_shared>> -> memref<10240x128xf32, #tpu.memory_space<vmem_shared>>
      tpu.enqueue_indirect_dma source(%dma_start3A_416 : memref<125x128xf32, #tpu.memory_space<vmem>>) target(%dma_start3A_422 : memref<10240x128xf32, #tpu.memory_space<vmem_shared>>) offsets(%dma_start3A_419 : memref<125xi32, #tpu.memory_space<vmem>>) semaphore(%arg14 : memref<!tpu.dma_semaphore, #tpu.memory_space<semaphore_mem>>) {add = true}
    }
    %scan3A_23 = arith.constant 10 : i32
    %dma_wait3A = arith.constant 1 : i32
    %dma_wait3A_24 = arith.constant 0 : i32
    %dma_wait3A_25 = arith.constant 0 : i32
    %dma_wait3A_26 = arith.constant 0 : i32
    %dma_wait3A_27 = arith.constant 0 : i32
    %dma_wait3A_28 = tpu.memref_slice %arg8[%dma_wait3A, %dma_wait3A_26, %dma_wait3A_27] : memref<2x125x128xf32, #tpu.memory_space<vmem>> -> memref<1x125x128xf32, #tpu.memory_space<vmem>>
    %dma_wait3A_29 = tpu.memref_squeeze %dma_wait3A_28 : memref<1x125x128xf32, #tpu.memory_space<vmem>> -> memref<125x128xf32, #tpu.memory_space<vmem>>
    %dma_wait3A_30 = arith.constant 0 : i32
    %dma_wait3A_31 = tpu.memref_slice %arg7[%dma_wait3A_24, %dma_wait3A_25, %dma_wait3A_30] : memref<2x8x125xi32, #tpu.memory_space<vmem>> -> memref<1x1x125xi32, #tpu.memory_space<vmem>>
    %dma_wait3A_32 = tpu.memref_squeeze %dma_wait3A_31 : memref<1x1x125xi32, #tpu.memory_space<vmem>> -> memref<125xi32, #tpu.memory_space<vmem>>
    %dma_wait3A_33 = arith.constant 0 : i32
    %dma_wait3A_34 = arith.constant 0 : i32
    %dma_wait3A_35 = tpu.memref_slice %arg9[%dma_wait3A_33, %dma_wait3A_34] : memref<10240x128xf32, #tpu.memory_space<vmem_shared>> -> memref<10240x128xf32, #tpu.memory_space<vmem_shared>>
    tpu.wait_indirect_dma semaphore(%arg14 : memref<!tpu.dma_semaphore, #tpu.memory_space<semaphore_mem>>) src(%dma_wait3A_29 : memref<125x128xf32, #tpu.memory_space<vmem>>) dst(%dma_wait3A_35 : memref<10240x128xf32, #tpu.memory_space<vmem_shared>>)
    %barrier3A_36 = arith.constant 0 : index
    tpu.barrier barrier_id(%barrier3A_36)
    %mul3A_37 = arith.constant 640 : i32
    %mul3A_38 = arith.muli %arg1, %mul3A_37 : i32
    %mul3A_39 = arith.constant 640 : i32
    %mul3A_40 = arith.muli %arg1, %mul3A_39 : i32
    "tpu.region"() ({
      %run_scoped3A_41 = tpu.sem_alloc : memref<!tpu.dma_semaphore, #tpu.memory_space<semaphore_mem>>
      %dma_start3A_42 = arith.constant 0 : i32
      %dma_start3A_43 = tpu.memref_slice %arg5[%arg0, %mul3A_40, %dma_start3A_42] : memref<2x10240x128xf32, #tpu.memory_space<hbm>> -> memref<1x640x128xf32, #tpu.memory_space<hbm>>
      %dma_start3A_44 = tpu.memref_squeeze %dma_start3A_43 : memref<1x640x128xf32, #tpu.memory_space<hbm>> -> memref<640x128xf32, #tpu.memory_space<hbm>>
      %dma_start3A_45 = arith.constant 0 : i32
      %dma_start3A_46 = tpu.memref_slice %arg9[%mul3A_38, %dma_start3A_45] : memref<10240x128xf32, #tpu.memory_space<vmem_shared>> -> memref<640x128xf32, #tpu.memory_space<vmem_shared>>
      tpu.enqueue_dma source(%dma_start3A_46 : memref<640x128xf32, #tpu.memory_space<vmem_shared>>) target(%dma_start3A_44 : memref<640x128xf32, #tpu.memory_space<hbm>>) target_semaphore(%run_scoped3A_41 : memref<!tpu.dma_semaphore, #tpu.memory_space<semaphore_mem>>)
      %dma_wait3A_47 = arith.constant 0 : i32
      %dma_wait3A_48 = tpu.memref_slice %arg5[%arg0, %mul3A_40, %dma_wait3A_47] : memref<2x10240x128xf32, #tpu.memory_space<hbm>> -> memref<1x640x128xf32, #tpu.memory_space<hbm>>
      %dma_wait3A_49 = tpu.memref_squeeze %dma_wait3A_48 : memref<1x640x128xf32, #tpu.memory_space<hbm>> -> memref<640x128xf32, #tpu.memory_space<hbm>>
      %dma_wait3A_50 = arith.constant 0 : i32
      %dma_wait3A_51 = tpu.memref_slice %arg9[%mul3A_38, %dma_wait3A_50] : memref<10240x128xf32, #tpu.memory_space<vmem_shared>> -> memref<640x128xf32, #tpu.memory_space<vmem_shared>>
      tpu.wait_dma2 semaphore(%run_scoped3A_41 : memref<!tpu.dma_semaphore, #tpu.memory_space<semaphore_mem>>) src(%dma_wait3A_51 : memref<640x128xf32, #tpu.memory_space<vmem_shared>>) dst(%dma_wait3A_49 : memref<640x128xf32, #tpu.memory_space<hbm>>)
      tpu.yield
    }) : () -> ()
    return
  }
}

module attributes {stable_mosaic.version = 14 : i64} {
  func.func @_tc_layer_body(%arg0: memref<10000x128xf32, #tpu.memory_space<vmem>>, %arg1: memref<2x10240x128xf32, #tpu.memory_space<vmem>>, %arg2: memref<128x128xf32, #tpu.memory_space<vmem>>, %arg3: memref<1x128xf32, #tpu.memory_space<vmem>>, %arg4: memref<1x128xf32, #tpu.memory_space<vmem>>, %arg5: memref<1x128xf32, #tpu.memory_space<vmem>>, %arg6: memref<128x128xf32, #tpu.memory_space<vmem>>, %arg7: memref<1x128xf32, #tpu.memory_space<vmem>>, %arg8: memref<1x10000xi32, #tpu.memory_space<vmem>>, %arg9: memref<10000x128xf32, #tpu.memory_space<vmem>>, %arg10: memref<64x128xf32, #tpu.memory_space<vmem>>) attributes {dimension_semantics = [], scalar_prefetch = 0 : i64, scratch_operands = 0 : i64, tpu.core_type = #tpu.core_type<tc>} {
    %get3A = arith.constant 0 : index
    %get3A_0 = arith.constant 0 : index
    %get3A_1 = arith.constant 0 : index
    %get3A_2 = vector.load %arg1[%get3A, %get3A_0, %get3A_1] : memref<2x10240x128xf32, #tpu.memory_space<vmem>>, vector<2x10240x128xf32>
    %get3A_3 = arith.constant 0 : index
    %get3A_4 = arith.constant 0 : index
    %get3A_5 = vector.load %arg0[%get3A_3, %get3A_4] : memref<10000x128xf32, #tpu.memory_space<vmem>>, vector<10000x128xf32>
    %slice3A = vector.extract_strided_slice %get3A_2 {offsets = [0, 0, 0], sizes = [1, 10000, 128], strides = [1, 1, 1]} : vector<2x10240x128xf32> to vector<1x10000x128xf32>
    %squeeze3A = vector.shape_cast %slice3A : vector<1x10000x128xf32> to vector<10000x128xf32>
    %add3A = arith.addf %get3A_5, %squeeze3A : vector<10000x128xf32>
    %slice3A_6 = vector.extract_strided_slice %get3A_2 {offsets = [1, 0, 0], sizes = [1, 10000, 128], strides = [1, 1, 1]} : vector<2x10240x128xf32> to vector<1x10000x128xf32>
    %squeeze3A_7 = vector.shape_cast %slice3A_6 : vector<1x10000x128xf32> to vector<10000x128xf32>
    %add3A_8 = arith.addf %add3A, %squeeze3A_7 : vector<10000x128xf32>
    %get3A_9 = arith.constant 0 : index
    %get3A_10 = arith.constant 0 : index
    %get3A_11 = vector.load %arg2[%get3A_9, %get3A_10] : memref<128x128xf32, #tpu.memory_space<vmem>>, vector<128x128xf32>
    %dot_general3A = arith.constant dense<0.000000e+00> : vector<10000x128xf32>
    %dot_general3A_12 = tpu.matmul %add3A_8, %get3A_11, %dot_general3A {dimension_numbers = #tpu.dot_dimension_numbers<[1], [0], [0], [1], [0, 0, 1, 1], [], []>, transpose_lhs_hint = false} : vector<10000x128xf32>, vector<128x128xf32>, vector<10000x128xf32> -> vector<10000x128xf32>
    %get3A_13 = arith.constant 0 : index
    %get3A_14 = arith.constant 0 : index
    %get3A_15 = vector.load %arg3[%get3A_13, %get3A_14] : memref<1x128xf32, #tpu.memory_space<vmem>>, vector<1x128xf32>
    %add3A_16 = vector.broadcast %get3A_15 : vector<1x128xf32> to vector<10000x128xf32>
    %add3A_17 = arith.addf %dot_general3A_12, %add3A_16 : vector<10000x128xf32>
    %reduce_sum3A = arith.constant dense<0.000000e+00> : vector<128xf32>
    %reduce_sum3A_18 = vector.multi_reduction <add>, %add3A_17, %reduce_sum3A [0] : vector<10000x128xf32> to vector<128xf32>
    %broadcast_in_dim3A = vector.shape_cast %reduce_sum3A_18 : vector<128xf32> to vector<1x128xf32>
    %div3A = arith.constant 1.000000e+04 : f32
    %div3A_19 = vector.broadcast %div3A : f32 to vector<1x128xf32>
    %div3A_20 = arith.divf %broadcast_in_dim3A, %div3A_19 : vector<1x128xf32>
    %sub3A = vector.broadcast %div3A_20 : vector<1x128xf32> to vector<10000x128xf32>
    %sub3A_21 = arith.subf %add3A_17, %sub3A : vector<10000x128xf32>
    %mul3A = arith.mulf %sub3A_21, %sub3A_21 : vector<10000x128xf32>
    %reduce_sum3A_22 = arith.constant dense<0.000000e+00> : vector<128xf32>
    %reduce_sum3A_23 = vector.multi_reduction <add>, %mul3A, %reduce_sum3A_22 [0] : vector<10000x128xf32> to vector<128xf32>
    %broadcast_in_dim3A_24 = vector.shape_cast %reduce_sum3A_23 : vector<128xf32> to vector<1x128xf32>
    %div3A_25 = arith.constant 1.000000e+04 : f32
    %div3A_26 = vector.broadcast %div3A_25 : f32 to vector<1x128xf32>
    %div3A_27 = arith.divf %broadcast_in_dim3A_24, %div3A_26 : vector<1x128xf32>
    %add3A_28 = arith.constant 9.99999974E-6 : f32
    %add3A_29 = vector.broadcast %add3A_28 : f32 to vector<1x128xf32>
    %add3A_30 = arith.addf %div3A_27, %add3A_29 : vector<1x128xf32>
    %rsqrt3A = math.rsqrt %add3A_30 : vector<1x128xf32>
    %mul3A_31 = vector.broadcast %rsqrt3A : vector<1x128xf32> to vector<10000x128xf32>
    %mul3A_32 = arith.mulf %sub3A_21, %mul3A_31 : vector<10000x128xf32>
    %get3A_33 = arith.constant 0 : index
    %get3A_34 = arith.constant 0 : index
    %get3A_35 = vector.load %arg4[%get3A_33, %get3A_34] : memref<1x128xf32, #tpu.memory_space<vmem>>, vector<1x128xf32>
    %mul3A_36 = vector.broadcast %get3A_35 : vector<1x128xf32> to vector<10000x128xf32>
    %mul3A_37 = arith.mulf %mul3A_32, %mul3A_36 : vector<10000x128xf32>
    %get3A_38 = arith.constant 0 : index
    %get3A_39 = arith.constant 0 : index
    %get3A_40 = vector.load %arg5[%get3A_38, %get3A_39] : memref<1x128xf32, #tpu.memory_space<vmem>>, vector<1x128xf32>
    %add3A_41 = vector.broadcast %get3A_40 : vector<1x128xf32> to vector<10000x128xf32>
    %add3A_42 = arith.addf %mul3A_37, %add3A_41 : vector<10000x128xf32>
    %max3A = arith.constant 0.000000e+00 : f32
    %max3A_43 = vector.broadcast %max3A : f32 to vector<10000x128xf32>
    %max3A_44 = arith.maximumf %add3A_42, %max3A_43 : vector<10000x128xf32>
    %get3A_45 = arith.constant 0 : index
    %get3A_46 = arith.constant 0 : index
    %get3A_47 = vector.load %arg6[%get3A_45, %get3A_46] : memref<128x128xf32, #tpu.memory_space<vmem>>, vector<128x128xf32>
    %dot_general3A_48 = arith.constant dense<0.000000e+00> : vector<10000x128xf32>
    %dot_general3A_49 = tpu.matmul %max3A_44, %get3A_47, %dot_general3A_48 {dimension_numbers = #tpu.dot_dimension_numbers<[1], [0], [0], [1], [0, 0, 1, 1], [], []>, transpose_lhs_hint = false} : vector<10000x128xf32>, vector<128x128xf32>, vector<10000x128xf32> -> vector<10000x128xf32>
    %get3A_50 = arith.constant 0 : index
    %get3A_51 = arith.constant 0 : index
    %get3A_52 = vector.load %arg7[%get3A_50, %get3A_51] : memref<1x128xf32, #tpu.memory_space<vmem>>, vector<1x128xf32>
    %add3A_53 = vector.broadcast %get3A_52 : vector<1x128xf32> to vector<10000x128xf32>
    %add3A_54 = arith.addf %dot_general3A_49, %add3A_53 : vector<10000x128xf32>
    %max3A_55 = arith.constant 0.000000e+00 : f32
    %max3A_56 = vector.broadcast %max3A_55 : f32 to vector<10000x128xf32>
    %max3A_57 = arith.maximumf %add3A_54, %max3A_56 : vector<10000x128xf32>
    %swap3A = arith.constant 0 : index
    %swap3A_58 = arith.constant 0 : index
    %swap3A_59 = vector.load %arg9[%swap3A, %swap3A_58] : memref<10000x128xf32, #tpu.memory_space<vmem>>, vector<10000x128xf32>
    tpu.vector_store %arg9[%swap3A, %swap3A_58], %max3A_57 {strides = array<i32>} : memref<10000x128xf32, #tpu.memory_space<vmem>>, vector<10000x128xf32>,
    %iota3A = tpu.iota {dimensions = array<i32: 0>} : vector<64x10000xi32>
    %get3A_60 = arith.constant 0 : index
    %get3A_61 = arith.constant 0 : index
    %get3A_62 = vector.load %arg8[%get3A_60, %get3A_61] : memref<1x10000xi32, #tpu.memory_space<vmem>>, vector<1x10000xi32>
    %eq3A = vector.broadcast %get3A_62 : vector<1x10000xi32> to vector<64x10000xi32>
    %eq3A_63 = arith.cmpi eq, %eq3A, %iota3A : vector<64x10000xi32>
    %convert_element_type3A = arith.extui %eq3A_63 : vector<64x10000xi1> to vector<64x10000xi32>
    %convert_element_type3A_64 = arith.sitofp %convert_element_type3A : vector<64x10000xi32> to vector<64x10000xf32>
    %dot_general3A_65 = arith.constant dense<0.000000e+00> : vector<64x128xf32>
    %dot_general3A_66 = tpu.matmul %convert_element_type3A_64, %max3A_57, %dot_general3A_65 {dimension_numbers = #tpu.dot_dimension_numbers<[1], [0], [0], [1], [0, 0, 1, 1], [], []>, transpose_lhs_hint = false} : vector<64x10000xf32>, vector<10000x128xf32>, vector<64x128xf32> -> vector<64x128xf32>
    %reduce_sum3A_67 = arith.constant dense<0.000000e+00> : vector<64xf32>
    %reduce_sum3A_68 = vector.multi_reduction <add>, %convert_element_type3A_64, %reduce_sum3A_67 [1] : vector<64x10000xf32> to vector<64xf32>
    %broadcast_in_dim3A_69 = vector.shape_cast %reduce_sum3A_68 : vector<64xf32> to vector<64x1xf32>
    %max3A_70 = arith.constant 1.000000e+00 : f32
    %max3A_71 = vector.broadcast %max3A_70 : f32 to vector<64x1xf32>
    %max3A_72 = arith.maximumf %broadcast_in_dim3A_69, %max3A_71 : vector<64x1xf32>
    %div3A_73 = vector.broadcast %max3A_72 : vector<64x1xf32> to vector<64x128xf32>
    %div3A_74 = arith.divf %dot_general3A_66, %div3A_73 : vector<64x128xf32>
    %swap3A_75 = arith.constant 0 : index
    %swap3A_76 = arith.constant 0 : index
    %swap3A_77 = vector.load %arg10[%swap3A_75, %swap3A_76] : memref<64x128xf32, #tpu.memory_space<vmem>>, vector<64x128xf32>
    tpu.vector_store %arg10[%swap3A_75, %swap3A_76], %div3A_74 {strides = array<i32>} : memref<64x128xf32, #tpu.memory_space<vmem>>, vector<64x128xf32>,
    return
  }
}

module attributes {stable_mosaic.version = 14 : i64} {
  func.func @_tc_layer_body(%arg0: memref<10000x128xf32, #tpu.memory_space<vmem>>, %arg1: memref<2x10240x128xf32, #tpu.memory_space<vmem>>, %arg2: memref<128x128xf32, #tpu.memory_space<vmem>>, %arg3: memref<1x128xf32, #tpu.memory_space<vmem>>, %arg4: memref<1x128xf32, #tpu.memory_space<vmem>>, %arg5: memref<1x128xf32, #tpu.memory_space<vmem>>, %arg6: memref<128x128xf32, #tpu.memory_space<vmem>>, %arg7: memref<1x128xf32, #tpu.memory_space<vmem>>, %arg8: memref<1x10000xi32, #tpu.memory_space<vmem>>, %arg9: memref<10000x128xf32, #tpu.memory_space<vmem>>, %arg10: memref<64x128xf32, #tpu.memory_space<vmem>>) attributes {dimension_semantics = [], scalar_prefetch = 0 : i64, scratch_operands = 0 : i64, tpu.core_type = #tpu.core_type<tc>} {
    %get3A = arith.constant 0 : index
    %get3A_0 = arith.constant 0 : index
    %get3A_1 = arith.constant 0 : index
    %get3A_2 = vector.load %arg1[%get3A, %get3A_0, %get3A_1] : memref<2x10240x128xf32, #tpu.memory_space<vmem>>, vector<2x10240x128xf32>
    %get3A_3 = arith.constant 0 : index
    %get3A_4 = arith.constant 0 : index
    %get3A_5 = vector.load %arg0[%get3A_3, %get3A_4] : memref<10000x128xf32, #tpu.memory_space<vmem>>, vector<10000x128xf32>
    %slice3A = vector.extract_strided_slice %get3A_2 {offsets = [0, 0, 0], sizes = [1, 10000, 128], strides = [1, 1, 1]} : vector<2x10240x128xf32> to vector<1x10000x128xf32>
    %squeeze3A = vector.shape_cast %slice3A : vector<1x10000x128xf32> to vector<10000x128xf32>
    %add3A = arith.addf %get3A_5, %squeeze3A : vector<10000x128xf32>
    %slice3A_6 = vector.extract_strided_slice %get3A_2 {offsets = [1, 0, 0], sizes = [1, 10000, 128], strides = [1, 1, 1]} : vector<2x10240x128xf32> to vector<1x10000x128xf32>
    %squeeze3A_7 = vector.shape_cast %slice3A_6 : vector<1x10000x128xf32> to vector<10000x128xf32>
    %add3A_8 = arith.addf %add3A, %squeeze3A_7 : vector<10000x128xf32>
    %get3A_9 = arith.constant 0 : index
    %get3A_10 = arith.constant 0 : index
    %get3A_11 = vector.load %arg2[%get3A_9, %get3A_10] : memref<128x128xf32, #tpu.memory_space<vmem>>, vector<128x128xf32>
    %dot_general3A = arith.constant dense<0.000000e+00> : vector<10000x128xf32>
    %dot_general3A_12 = tpu.matmul %add3A_8, %get3A_11, %dot_general3A {dimension_numbers = #tpu.dot_dimension_numbers<[1], [0], [0], [1], [0, 0, 1, 1], [], []>, transpose_lhs_hint = false} : vector<10000x128xf32>, vector<128x128xf32>, vector<10000x128xf32> -> vector<10000x128xf32>
    %get3A_13 = arith.constant 0 : index
    %get3A_14 = arith.constant 0 : index
    %get3A_15 = vector.load %arg3[%get3A_13, %get3A_14] : memref<1x128xf32, #tpu.memory_space<vmem>>, vector<1x128xf32>
    %add3A_16 = vector.broadcast %get3A_15 : vector<1x128xf32> to vector<10000x128xf32>
    %add3A_17 = arith.addf %dot_general3A_12, %add3A_16 : vector<10000x128xf32>
    %reduce_sum3A = arith.constant dense<0.000000e+00> : vector<128xf32>
    %reduce_sum3A_18 = vector.multi_reduction <add>, %add3A_17, %reduce_sum3A [0] : vector<10000x128xf32> to vector<128xf32>
    %broadcast_in_dim3A = vector.shape_cast %reduce_sum3A_18 : vector<128xf32> to vector<1x128xf32>
    %div3A = arith.constant 1.000000e+04 : f32
    %div3A_19 = vector.broadcast %div3A : f32 to vector<1x128xf32>
    %div3A_20 = arith.divf %broadcast_in_dim3A, %div3A_19 : vector<1x128xf32>
    %sub3A = vector.broadcast %div3A_20 : vector<1x128xf32> to vector<10000x128xf32>
    %sub3A_21 = arith.subf %add3A_17, %sub3A : vector<10000x128xf32>
    %mul3A = arith.mulf %sub3A_21, %sub3A_21 : vector<10000x128xf32>
    %reduce_sum3A_22 = arith.constant dense<0.000000e+00> : vector<128xf32>
    %reduce_sum3A_23 = vector.multi_reduction <add>, %mul3A, %reduce_sum3A_22 [0] : vector<10000x128xf32> to vector<128xf32>
    %broadcast_in_dim3A_24 = vector.shape_cast %reduce_sum3A_23 : vector<128xf32> to vector<1x128xf32>
    %div3A_25 = arith.constant 1.000000e+04 : f32
    %div3A_26 = vector.broadcast %div3A_25 : f32 to vector<1x128xf32>
    %div3A_27 = arith.divf %broadcast_in_dim3A_24, %div3A_26 : vector<1x128xf32>
    %add3A_28 = arith.constant 9.99999974E-6 : f32
    %add3A_29 = vector.broadcast %add3A_28 : f32 to vector<1x128xf32>
    %add3A_30 = arith.addf %div3A_27, %add3A_29 : vector<1x128xf32>
    %rsqrt3A = math.rsqrt %add3A_30 : vector<1x128xf32>
    %mul3A_31 = vector.broadcast %rsqrt3A : vector<1x128xf32> to vector<10000x128xf32>
    %mul3A_32 = arith.mulf %sub3A_21, %mul3A_31 : vector<10000x128xf32>
    %get3A_33 = arith.constant 0 : index
    %get3A_34 = arith.constant 0 : index
    %get3A_35 = vector.load %arg4[%get3A_33, %get3A_34] : memref<1x128xf32, #tpu.memory_space<vmem>>, vector<1x128xf32>
    %mul3A_36 = vector.broadcast %get3A_35 : vector<1x128xf32> to vector<10000x128xf32>
    %mul3A_37 = arith.mulf %mul3A_32, %mul3A_36 : vector<10000x128xf32>
    %get3A_38 = arith.constant 0 : index
    %get3A_39 = arith.constant 0 : index
    %get3A_40 = vector.load %arg5[%get3A_38, %get3A_39] : memref<1x128xf32, #tpu.memory_space<vmem>>, vector<1x128xf32>
    %add3A_41 = vector.broadcast %get3A_40 : vector<1x128xf32> to vector<10000x128xf32>
    %add3A_42 = arith.addf %mul3A_37, %add3A_41 : vector<10000x128xf32>
    %max3A = arith.constant 0.000000e+00 : f32
    %max3A_43 = vector.broadcast %max3A : f32 to vector<10000x128xf32>
    %max3A_44 = arith.maximumf %add3A_42, %max3A_43 : vector<10000x128xf32>
    %get3A_45 = arith.constant 0 : index
    %get3A_46 = arith.constant 0 : index
    %get3A_47 = vector.load %arg6[%get3A_45, %get3A_46] : memref<128x128xf32, #tpu.memory_space<vmem>>, vector<128x128xf32>
    %dot_general3A_48 = arith.constant dense<0.000000e+00> : vector<10000x128xf32>
    %dot_general3A_49 = tpu.matmul %max3A_44, %get3A_47, %dot_general3A_48 {dimension_numbers = #tpu.dot_dimension_numbers<[1], [0], [0], [1], [0, 0, 1, 1], [], []>, transpose_lhs_hint = false} : vector<10000x128xf32>, vector<128x128xf32>, vector<10000x128xf32> -> vector<10000x128xf32>
    %get3A_50 = arith.constant 0 : index
    %get3A_51 = arith.constant 0 : index
    %get3A_52 = vector.load %arg7[%get3A_50, %get3A_51] : memref<1x128xf32, #tpu.memory_space<vmem>>, vector<1x128xf32>
    %add3A_53 = vector.broadcast %get3A_52 : vector<1x128xf32> to vector<10000x128xf32>
    %add3A_54 = arith.addf %dot_general3A_49, %add3A_53 : vector<10000x128xf32>
    %max3A_55 = arith.constant 0.000000e+00 : f32
    %max3A_56 = vector.broadcast %max3A_55 : f32 to vector<10000x128xf32>
    %max3A_57 = arith.maximumf %add3A_54, %max3A_56 : vector<10000x128xf32>
    %swap3A = arith.constant 0 : index
    %swap3A_58 = arith.constant 0 : index
    %swap3A_59 = vector.load %arg9[%swap3A, %swap3A_58] : memref<10000x128xf32, #tpu.memory_space<vmem>>, vector<10000x128xf32>
    tpu.vector_store %arg9[%swap3A, %swap3A_58], %max3A_57 {strides = array<i32>} : memref<10000x128xf32, #tpu.memory_space<vmem>>, vector<10000x128xf32>,
    %iota3A = tpu.iota {dimensions = array<i32: 0>} : vector<64x10000xi32>
    %get3A_60 = arith.constant 0 : index
    %get3A_61 = arith.constant 0 : index
    %get3A_62 = vector.load %arg8[%get3A_60, %get3A_61] : memref<1x10000xi32, #tpu.memory_space<vmem>>, vector<1x10000xi32>
    %eq3A = vector.broadcast %get3A_62 : vector<1x10000xi32> to vector<64x10000xi32>
    %eq3A_63 = arith.cmpi eq, %eq3A, %iota3A : vector<64x10000xi32>
    %convert_element_type3A = arith.extui %eq3A_63 : vector<64x10000xi1> to vector<64x10000xi32>
    %convert_element_type3A_64 = arith.sitofp %convert_element_type3A : vector<64x10000xi32> to vector<64x10000xf32>
    %dot_general3A_65 = arith.constant dense<0.000000e+00> : vector<64x128xf32>
    %dot_general3A_66 = tpu.matmul %convert_element_type3A_64, %max3A_57, %dot_general3A_65 {dimension_numbers = #tpu.dot_dimension_numbers<[1], [0], [0], [1], [0, 0, 1, 1], [], []>, transpose_lhs_hint = false} : vector<64x10000xf32>, vector<10000x128xf32>, vector<64x128xf32> -> vector<64x128xf32>
    %reduce_sum3A_67 = arith.constant dense<0.000000e+00> : vector<64xf32>
    %reduce_sum3A_68 = vector.multi_reduction <add>, %convert_element_type3A_64, %reduce_sum3A_67 [1] : vector<64x10000xf32> to vector<64xf32>
    %broadcast_in_dim3A_69 = vector.shape_cast %reduce_sum3A_68 : vector<64xf32> to vector<64x1xf32>
    %max3A_70 = arith.constant 1.000000e+00 : f32
    %max3A_71 = vector.broadcast %max3A_70 : f32 to vector<64x1xf32>
    %max3A_72 = arith.maximumf %broadcast_in_dim3A_69, %max3A_71 : vector<64x1xf32>
    %div3A_73 = vector.broadcast %max3A_72 : vector<64x1xf32> to vector<64x128xf32>
    %div3A_74 = arith.divf %dot_general3A_66, %div3A_73 : vector<64x128xf32>
    %swap3A_75 = arith.constant 0 : index
    %swap3A_76 = arith.constant 0 : index
    %swap3A_77 = vector.load %arg10[%swap3A_75, %swap3A_76] : memref<64x128xf32, #tpu.memory_space<vmem>>, vector<64x128xf32>
    tpu.vector_store %arg10[%swap3A_75, %swap3A_76], %div3A_74 {strides = array<i32>} : memref<64x128xf32, #tpu.memory_space<vmem>>, vector<64x128xf32>,
    return
  }
}

module attributes {stable_mosaic.version = 14 : i64} {
  func.func @_tc_head_body(%arg0: memref<64x640xf32, #tpu.memory_space<vmem>>, %arg1: memref<640x640xf32, #tpu.memory_space<vmem>>, %arg2: memref<1x640xf32, #tpu.memory_space<vmem>>, %arg3: memref<640x8xf32, #tpu.memory_space<vmem>>, %arg4: memref<1x8xf32, #tpu.memory_space<vmem>>, %arg5: memref<64x8xf32, #tpu.memory_space<vmem>>) attributes {dimension_semantics = [], scalar_prefetch = 0 : i64, scratch_operands = 0 : i64, tpu.core_type = #tpu.core_type<tc>} {
    %get3A = arith.constant 0 : index
    %get3A_0 = arith.constant 0 : index
    %get3A_1 = vector.load %arg0[%get3A, %get3A_0] : memref<64x640xf32, #tpu.memory_space<vmem>>, vector<64x640xf32>
    %get3A_2 = arith.constant 0 : index
    %get3A_3 = arith.constant 0 : index
    %get3A_4 = vector.load %arg1[%get3A_2, %get3A_3] : memref<640x640xf32, #tpu.memory_space<vmem>>, vector<640x640xf32>
    %dot_general3A = arith.constant dense<0.000000e+00> : vector<64x640xf32>
    %dot_general3A_5 = tpu.matmul %get3A_1, %get3A_4, %dot_general3A {dimension_numbers = #tpu.dot_dimension_numbers<[1], [0], [0], [1], [0, 0, 1, 1], [], []>, transpose_lhs_hint = false} : vector<64x640xf32>, vector<640x640xf32>, vector<64x640xf32> -> vector<64x640xf32>
    %get3A_6 = arith.constant 0 : index
    %get3A_7 = arith.constant 0 : index
    %get3A_8 = vector.load %arg2[%get3A_6, %get3A_7] : memref<1x640xf32, #tpu.memory_space<vmem>>, vector<1x640xf32>
    %add3A = vector.broadcast %get3A_8 : vector<1x640xf32> to vector<64x640xf32>
    %add3A_9 = arith.addf %dot_general3A_5, %add3A : vector<64x640xf32>
    %max3A = arith.constant 0.000000e+00 : f32
    %max3A_10 = vector.broadcast %max3A : f32 to vector<64x640xf32>
    %max3A_11 = arith.maximumf %add3A_9, %max3A_10 : vector<64x640xf32>
    %get3A_12 = arith.constant 0 : index
    %get3A_13 = arith.constant 0 : index
    %get3A_14 = vector.load %arg3[%get3A_12, %get3A_13] : memref<640x8xf32, #tpu.memory_space<vmem>>, vector<640x8xf32>
    %dot_general3A_15 = arith.constant dense<0.000000e+00> : vector<64x8xf32>
    %dot_general3A_16 = tpu.matmul %max3A_11, %get3A_14, %dot_general3A_15 {dimension_numbers = #tpu.dot_dimension_numbers<[1], [0], [0], [1], [0, 0, 1, 1], [], []>, transpose_lhs_hint = false} : vector<64x640xf32>, vector<640x8xf32>, vector<64x8xf32> -> vector<64x8xf32>
    %get3A_17 = arith.constant 0 : index
    %get3A_18 = arith.constant 0 : index
    %get3A_19 = vector.load %arg4[%get3A_17, %get3A_18] : memref<1x8xf32, #tpu.memory_space<vmem>>, vector<1x8xf32>
    %add3A_20 = vector.broadcast %get3A_19 : vector<1x8xf32> to vector<64x8xf32>
    %add3A_21 = arith.addf %dot_general3A_16, %add3A_20 : vector<64x8xf32>
    %swap3A = arith.constant 0 : index
    %swap3A_22 = arith.constant 0 : index
    %swap3A_23 = vector.load %arg5[%swap3A, %swap3A_22] : memref<64x8xf32, #tpu.memory_space<vmem>>, vector<64x8xf32>
    tpu.vector_store %arg5[%swap3A, %swap3A_22], %add3A_21 {strides = array<i32>} : memref<64x8xf32, #tpu.memory_space<vmem>>, vector<64x8xf32>,
    return
  }
}

</mosaic_0001>

<sc_bundles>
// kernel: kernel.13.cloned.1.call-start
scs
__scs_entry_jumppad:
0x0: {  	(pc) =	sbr.rel $0x88, $3  }
0x1: {  	(tag) =	ssettag $0x0;
	lr =	simm.s32 $0x1  }
0x2: {  	[smem:$0x3F7C] =	sst lr;
	_ =	strace $0xD0000000  }
0x3: {  	_ = 	snop  }
0x4: {  	_ = 	snop  }
0x5: {  	_ = 	snop  }
0x6: {  	_ = 	snop  }
0x7: {  	_ = 	snop  }
__scs_overlays_trampoline_lowered:
0x8: {  	[smem:$0x3F8B] =	sst s0  }
0x9: {  	[smem:$0x3F8C] =	sst s1  }
0xa: {  	[smem:$0x3F8D] =	sst s2  }
0xb: {  	[smem:$0x3F8E] =	sst s3  }
0xc: {  	[smem:$0x3F8F] =	sst s4  }
0xd: {  	[smem:$0x3F90] =	sst s5  }
0xe: {  	[smem:$0x3F91] =	sst s6  }
0xf: {  	[smem:$0x3F92] =	sst s7  }
0x10: {  	[smem:$0x3F93] =	sst s8  }
0x11: {  	[smem:$0x3F94] =	sst s9;
	s0 =	simm.s32 @!p0 $0x0  }
0x12: {  	s1 =	sld [smem:$0x3F7A];
	s0 =	simm.s32 @p0 $0x1  }
0x13: {  	[smem:$0x3F95] =	sst s0;
	s0 =	simm.s32 @!p1 $0x0  }
0x14: {  	s2 =	sld [smem:$0x3F79];
	s0 =	simm.s32 @p1 $0x1  }
0x15: {  	[smem:$0x3F96] =	sst s0;
	s0 =	simm.s32 @!p2 $0x0  }
0x16: {  	s3 =	sld [smem:$0x3FDB];
	s0 =	simm.s32 @p2 $0x1  }
0x17: {  	s4 =	simm.s32 $0x1BF5;
	[smem:$0x3F98] =	sst s0  }
0x18: {  	s0 =	sld [smem:$0x3F7B];
	_ =	swait.ge [sflag:s4], $0x0  }
0x19: {  	s7 =	sld [smem:$0x3F7C]  }
0x1a: {  	s8 =	sadd.s32 $0xFFFFE003, lr  }
0x1b: {  	s9 =	sadd.s32 $0xFFFFFEF7, lr;
	s5 =	simm.s32 $0xFFFFFFFF;
	p2 =	slt.u32 s8, $0xFFFFF086  }
0x1c: {  	p1 =	slt.u32 s9, $0xF7A;
	s5 =	simm.s32 @!p2 $0x0  }
0x1d: {  	s5 =	simm.s32 @p1 $0x1;
	p0 =	seq.s32 s7, s2  }
0x1e: {  	s7 =	smul.u32 @!p0 $0xF7A, s2;
	p2 =	seq.s32 @!p0 s5, $0x0  }
0x1f: {  	s9 =	smul.u32 $0xF7A, s1;
	s8 =	simm.s32 @!p0 $0x1BF5;
	p2 =	por !p2, p0  }
0x20: {  	[sflag:s8] =	ssyncset.s32 @!p0 $0xFFFFF086;
	s6 =	sadd.s32 @!p0 s3, s7;
	s7 =	simm.s32 @!p0 $0x108  }
0x21: {  	s3 =	sadd.s32 s3, s9;
	s6 =	sadd.s32 @!p0 $0x88, s6;
	s7 =	simm.s32 @p2 $0x1082  }
0x22: {  	[simem:s7], [sflag:s8] =	dma.local @!p0 [hbm:s6], $0xF7A  }
0x23: {  	s9 =	sor.u32 $0xD0000000, s2;
	s6 =	simm.s32 $0x108;
	_ =	swait.ge @!p0 [sflag:s8], $0x0  }
0x24: {  	s3 =	sadd.s32 $0x88, s3;
	s6 =	simm.s32 @!p1 $0x1082;
	[sflag:s4] =	ssyncset.s32 $0xFFFFF086  }
0x25: {  	[simem:s6], [sflag:s4] =	dma.local [hbm:s3], $0xF7A  }
0x26: {  	[smem:$0x3F7C] =	sst s1;
	(tag) =	ssettag s2;
	_ =	strace s9  }
0x27: {  	s1 =	sld [smem:$0x3F8C]  }
0x28: {  	s2 =	sld [smem:$0x3F8D]  }
0x29: {  	s4 =	sld [smem:$0x3F8F]  }
0x2a: {  	p0 =	seq.s32 s5, $0x0;
	s5 =	sld [smem:$0x3F90]  }
0x2b: {  	s6 =	sld [smem:$0x3F91]  }
0x2c: {  	s7 =	sld [smem:$0x3F92]  }
0x2d: {  	s3 =	simm.s32 $0x108;
	s8 =	sld [smem:$0x3F93]  }
0x2e: {  	s3 =	simm.s32 @!p0 $0x1082;
	s9 =	sld [smem:$0x3F94]  }
0x2f: {  	lr =	sadd.s32 s0, s3;
	s0 =	sld [smem:$0x3F8B]  }
0x30: {  	s3 =	sld [smem:$0x3F8E]  }
0x31: {  	[smem:$0x3F97] =	sst s10  }
0x32: {  	s10 =	sld [smem:$0x3F95];
	_ =	sdelay $0x3  }
0x33: {  	p0 =	seq.s32 s10, $0x1;
	s10 =	sld [smem:$0x3F97];
	_ =	sdelay $0x3  }
0x34: {  	[smem:$0x3F97] =	sst s10  }
0x35: {  	s10 =	sld [smem:$0x3F96];
	_ =	sdelay $0x3  }
0x36: {  	p1 =	seq.s32 s10, $0x1;
	s10 =	sld [smem:$0x3F97];
	_ =	sdelay $0x3  }
0x37: {  	[smem:$0x3F97] =	sst s10  }
0x38: {  	s10 =	sld [smem:$0x3F98]  }
0x39: {  	_ = 	snop;
	(pc) =	sbr.ind lr, $3  }
0x3a: {  	_ = 	snop  }
0x3b: {  	_ = 	snop  }
0x3c: {  	p2 =	seq.s32 s10, $0x1;
	s10 =	sld [smem:$0x3F97]  }
0x3d: {  	_ =	shalt  }
0x3e: {  	_ =	shalt  }
0x3f: {  	_ =	shalt  }
0x40: {  	_ =	shalt  }
0x41: {  	_ =	shalt  }
0x42: {  	_ =	shalt  }
0x43: {  	_ =	shalt  }
0x44: {  	_ =	shalt  }
0x45: {  	_ =	shalt  }
0x46: {  	_ =	shalt  }
0x47: {  	_ =	shalt  }
0x48: {  	_ =	shalt  }
0x49: {  	_ =	shalt  }
0x4a: {  	_ =	shalt  }
0x4b: {  	_ =	shalt  }
0x4c: {  	_ =	shalt  }
0x4d: {  	_ =	shalt  }
0x4e: {  	_ =	shalt  }
0x4f: {  	_ =	shalt  }
0x50: {  	_ =	shalt  }
0x51: {  	_ =	shalt  }
0x52: {  	_ =	shalt  }
0x53: {  	_ =	shalt  }
0x54: {  	_ =	shalt  }
0x55: {  	_ =	shalt  }
0x56: {  	_ =	shalt  }
0x57: {  	_ =	shalt  }
0x58: {  	_ =	shalt  }
0x59: {  	_ =	shalt  }
0x5a: {  	_ =	shalt  }
0x5b: {  	_ =	shalt  }
0x5c: {  	_ =	shalt  }
0x5d: {  	_ =	shalt  }
0x5e: {  	_ =	shalt  }
0x5f: {  	_ =	shalt  }
0x60: {  	_ =	shalt  }
0x61: {  	_ =	shalt  }
0x62: {  	_ =	shalt  }
0x63: {  	_ =	shalt  }
0x64: {  	_ =	shalt  }
0x65: {  	_ =	shalt  }
0x66: {  	_ =	shalt  }
0x67: {  	_ =	shalt  }
0x68: {  	_ =	shalt  }
0x69: {  	_ =	shalt  }
0x6a: {  	_ =	shalt  }
0x6b: {  	_ =	shalt  }
0x6c: {  	_ =	shalt  }
0x6d: {  	_ =	shalt  }
0x6e: {  	_ =	shalt  }
0x6f: {  	_ =	shalt  }
0x70: {  	_ =	shalt  }
0x71: {  	_ =	shalt  }
0x72: {  	_ =	shalt  }
0x73: {  	_ =	shalt  }
0x74: {  	_ =	shalt  }
0x75: {  	_ =	shalt  }
0x76: {  	_ =	shalt  }
0x77: {  	_ =	shalt  }
0x78: {  	_ =	shalt  }
0x79: {  	_ =	shalt  }
0x7a: {  	_ =	shalt  }
0x7b: {  	_ =	shalt  }
0x7c: {  	_ =	shalt  }
0x7d: {  	_ =	shalt  }
0x7e: {  	_ =	shalt  }
0x7f: {  	_ =	shalt  }
0x80: {  	_ =	shalt  }
0x81: {  	_ =	shalt  }
0x82: {  	_ =	shalt  }
0x83: {  	_ =	shalt  }
0x84: {  	_ =	shalt  }
0x85: {  	_ =	shalt  }
0x86: {  	_ =	shalt  }
0x87: {  	_ =	shalt  }
.Lfunc_end0:
.L_simem_size_0:
called_computation_lowered:
.L_overlay_start_0:
0x88: {  	s2 =	sld [smem:$0x3FD9]  }
0x89: {  	s3 =	sld [smem:$0x3FFE];
	_ =	sdelay $0x1  }
0x8a: {  	s1 =	srdreg.scid  }
0x8b: {  	s0 =	sand.u32 $0x1, s1  }
0x8c: {  	s17 =	sshll.u32 s0, $0xA;
	s2 =	sadd.s32 s3, s2  }
0x8d: {  	s2 =	sadd.s32 s2, s17  }
0x8e: {  	[smem:$0x3FA3] =	sst s2  }
0x8f: {  	_ = 	snop  }
0x90: {  	s2 =	sld [smem:$0x3FC9];
	(tm) =	ssettm $0x1  }
0x91: {  	s18 =	sld [smem:$0x3FFB];
	_ =	sdelay $0x3  }
0x92: {  	_ =	strace s18  }
0x93: {  	s3 =	sld [smem:$0x3FFC];
	_ =	sdelay $0x3  }
0x94: {  	_ =	strace s3  }
0x95: {  	s3 =	sld [smem:$0x3FFD];
	_ =	sdelay $0x3  }
0x96: {  	_ =	strace s3  }
0x97: {  	_ =	strace $0x8FFFFFFF  }
0x98: {  	s19 =	sld [smem:$0x3FDB];
	_ =	sdelay $0x1  }
0x99: {  	s4 =	simm.s32 $_scs_section_size  }
0x9a: {  	s5 =	simm.s32 $_size__tile_overlayer_lowered;
	s6 =	simm.s32 $_tile_overlayer_lowered  }
0x9b: {  	s22 =	simm.s32 $0x1BFF;
	s21 =	sshll.u32 s6, $0x1;
	s3 =	sadd.s32 s4, s19  }
0x9c: {  	s7 =	simm.s32 $0x0;
	s20 =	sshll.u32 s5, $0x1;
	s5 =	sadd.s32 s21, s3  }
0x9d: {  	[timem:s7], [sflag:s22] =	dma.local [hbm:s5], s20  }
0x9e: {  	_ =	swait.ge [sflag:s22], s20  }
0x9f: {  	s4 =	ssub.s32 $0x0, s20;
	[sflag:s22] =	ssyncset.done $0x0  }
0xa0: {  	[sflag:s22] =	ssyncadd.s32 s4;
	_ =	sdelay $0x1  }
0xa1: {  	s23 =	simm.s32 $0x1B8B  }
0xa2: {  	_ =	swait.ge [sflag:s23], $0x1  }
0xa3: {  	[sflag:s23] =	ssyncset.done $0x0  }
0xa4: {  	s25 =	simm.s32 $0x1B8E;
	s24 =	sld [smem:$0x3FFE];
	[sflag:s23] =	ssyncadd.s32 $0xFFFFFFFF  }
0xa5: {  	s26 =	simm.s32 $execute0_lowered;
	[smem:$0x3FD2] =	sst s25  }
0xa6: {  	s5 =	sshll.u32 s26, $0x1;
	_ =	strace $0x80000046;
	[dreg:$0x1] =	wrdreg $0xFFFFFFFF  }
0xa7: {  	s28 =	simm.s32 $_size_execute0_lowered;
	s3 =	sadd.s32 s3, s5;
	[dreg:$0x0] =	wrdreg $0x0  }
0xa8: {  	s5 =	sshll.u32 s28, $0x1;
	[dreg:$0x2] =	wrdreg s3  }
0xa9: {  	[dreg:$0x3] =	wrdreg s5  }
0xaa: {  	[dreg:$0x4] =	wrdreg $0xC0  }
0xab: {  	_ =	task [dreg:s7], $0x5FFFF  }
0xac: {  	[dreg:$0x1] =	wrdreg $0xFFFFFFFF  }
0xad: {  	[dreg:$0x0] =	wrdreg $0x60  }
0xae: {  	[dreg:$0x2] =	wrdreg s2  }
0xaf: {  	[dreg:$0x3] =	wrdreg s24  }
0xb0: {  	[dreg:$0x4] =	wrdreg $0x90000  }
0xb1: {  	[dreg:$0x5] =	wrdreg $0x9  }
0xb2: {  	_ =	task.clear_ibuf [dreg:s7], $0x6FFFF;
	_ =	strace $0x90000046  }
0xb3: {  	s29 =	simm.s32 $0x9;
	_ =	strace $0x80000048  }
0xb4: {  	_ =	swait.ge [sflag:s29], $0x1  }
0xb5: {  	[sflag:s29] =	ssyncadd.s32 $0xFFFFFFFF  }
0xb6: {  	_ =	strace $0x90000048  }
0xb7: {  	_ =	sfence  }
0xb8: {  	s30 =	sld [smem:$0x0];
	_ =	sdelay $0x2  }
0xb9: {  	s31 =	sshll.u32 s1, $0xD;
	s1 =	sshrl.u32 s1, $0x2  }
0xba: {  	s3 =	sand.u32 $0x4000, s31;
	s1 =	sadd.s32 s1, s30  }
0xbb: {  	s0 =	sor.u32 s3, s0;
	s1 =	sshll.u32 s1, $0x11  }
0xbc: {  	s0 =	sor.u32 s1, s0  }
0xbd: {  	s0 =	sadd.s32 $0x8F2B, s0  }
0xbe: {  	[sflag:s0] =	ssyncadd.remote.s32 $0x1  }
0xbf: {  	_ =	sfence.sel $0xFFFF  }
0xc0: {  	[dreg:$0x0] =	wrdreg $0xFFFFFFFF;
	(pc) =	sbr.abs _section_cstart, $3  }
0xc1: {  	[dreg:$0x1] =	wrdreg $0xFFFFFFFF  }
0xc2: {  	_ =	task.clear_ibuf [dreg:s7], $0x2FFFF;
	_ =	strace $0x9FFFFFFF  }
0xc3: {  	(tm) =	ssettm $0x7FFFFFFF  }
tec
execute0_lowered:
.L_overlay_start_1:
0x0: {  	(tag) =	ssettag $0x1  }
0x1: {  	s1 =	rddreg [dreg:$0x0]  }
0x2: {  	s6 =	rddreg [dreg:$0x1]  }
0x3: {  	s2 =	rddreg [dreg:$0x2]  }
0x4: {  	s0 =	rddreg [dreg:$0x3];
	s4 =	simm.s32 $0x0;
	s3 =	srdreg.scid  }
0x5: {  	s16 =	simm.s32 $0x1000;
	s17 =	simm.s32 $0x5000;
	s18 =	simm.s32 $0x2  }
0x6: {  	s19 =	simm.s32 $0x4;
	s20 =	simm.s32 $0x3;
	s9 =	sand.u32 $0x1, s3  }
0x7: {  	s21 =	simm.s32 $0x5;
	s3 =	stileid.u32;
	s7 =	smul.u32 $0x140000, s9  }
0x8: {  	s22 =	simm.s32 $0x0;
	[smem:$0x7FF] =	sst s4;
	s8 =	smul.u32 $0x14000, s3  }
0x9: {  	s11 =	sadd.s32 $0x8600, s6;
	s5 =	sadd.s32 $0x1C600, s6;
	s24 =	smul.u32 $0x50000, s3  }
0xa: {  	_ =	strace $0x80000047;
	s10 =	sshll.u32 s3, $0x1;
	s14 =	smul.u32 $0xA00, s3  }
0xb: {  	s12 =	ssub.s32 $0x2, s9;
	s31 =	sshll.u32 s3, $0x6;
	s15 =	smul.u32 $0x500, s9  }
0xc: {  	s23 =	sor.u32 s9, s10;
	s25 =	sshrl.u32 s12, $0x1;
	s7 =	sadd.s32 s8, s7  }
0xd: {  	s8 =	smul.u32 $0x2800, s23;
	s26 =	sshrl.u32 s24, $0x2;
	s28 =	ssub.s32 s12, s25  }
0xe: {  	s7 =	sshrl.u32 s7, $0x3;
	s29 =	sadd.s32 s26, s2;
	s10 =	smax.u32 s28, $0x1  }
0xf: {  	s13 =	sadd.s32 s7, s6;
	s30 =	sshrl.u32 s8, $0x3;
	s7 =	sor.u32 $0x1C06, s31  }
0x10: {  	s12 =	sshrl.u32 s29, $0x3;
	s6 =	sadd.s32 s11, s30;
	s9 =	sadd.s32 $0x1EE00, s13  }
0x11: {  	s11 =	sadd.s32 s14, s11;
	s13 =	simm.s32 $0x6;
	s14 =	simm.s32 $0x800  }
0x12: {  	s8 =	sadd.s32 $0xA000, s6;
	s11 =	sadd.s32 s15, s11;
	s15 =	simm.s32 $0x7D  }
.LBB2_1:
0x13: {  	[spmem:s12], [sflag:s7] =	dma.local [hbm:s5], $0x2800  }
0x14: {  	_ =	swait.ge [sflag:s13], $0x2800  }
0x15: {  	[sflag:s13] =	ssyncset.done $0x0  }
0x16: {  	[sflag:s13] =	ssyncadd.s32 $0xFFFFD800  }
0x17: {  	[tilespmem:s4], [sflag:$0x6] =	stream.linear.gather [hbm4b:s6+s4], $0x400, $0x38;
	[tilespmem:$0x1D000] =	vst v63  }
0x18: {  	_ =	swait.ge [sflag:s13], $0x400  }
0x19: {  	[sflag:s13] =	ssyncset.done $0x0  }
0x1a: {  	[sflag:s13] =	ssyncadd.s32 $0xFFFFFC00  }
0x1b: {  	[tilespmem:s14], [sflag:$0x6] =	stream.linear.gather [hbm4b:s8+s4], $0x400, $0x38;
	[tilespmem:$0x1D000] =	vst v63  }
0x1c: {  	_ =	swait.ge [sflag:s13], $0x400  }
0x1d: {  	[sflag:s13] =	ssyncset.done $0x0  }
0x1e: {  	[sflag:s13] =	ssyncadd.s32 $0xFFFFFC00  }
0x1f: {  	s23 =	simm.s32 $0x0;
	s24 =	simm.s32 $0x0;
	[bflag:$0x0] =	sbarrier.arrive $0xFFFF  }
0x20: {  	[tilespmem:s16], [sflag:$0x2] =	stream.indirect.gather [hbm4b:s1+s15], $0x80, s4, s15, $0xb8;
	[tilespmem:$0x1D000] =	vst v63  }
.LBB2_2:
0x21: {  	s26 =	sand.u32 $0x1, s24;
	p0 =	seq.s32 s23, $0x480  }
0x22: {  	s25 =	sxor.u32 $0x1, s26;
	s28 =	sadd.s32 @!p0 s23, s11;
	s30 =	simm.s32 @!p0 $0x0  }
0x23: {  	p1 =	seq.s32 @!p0 s23, $0x0;
	s25 =	sshll.u32 @!p0 s25, $0xA;
	s29 =	sadd.s32 @!p0 $0x80, s28  }
0x24: {  	[tilespmem:s25], [sflag:$0x1] =	stream.linear.gather @!p0 [hbm4b:s29+s30], $0x400, $0x38;
	[tilespmem:$0x1D000] =	vst v63  }
0x25: {  	s28 =	sadd.s32 @!p0 $0xA080, s28;
	p1 =	por p0, !p1;
	s29 =	sor.u32 @!p0 $0x800, s25  }
0x26: {  	[tilespmem:s29], [sflag:$0x1] =	stream.linear.gather @!p0 [hbm4b:s28+s30], $0x400, $0x38;
	[tilespmem:$0x1D000] =	vst v63  }
0x27: {  	_ =	swait.ge @p1 [sflag:s21], $0x3E80  }
0x28: {  	s26 =	sshll.u32 s26, $0xA;
	[sflag:s21] =	ssyncset.done @p1 $0x0  }
0x29: {  	s30 =	sor.u32 $0x80, s26;
	[sflag:s21] =	ssyncadd.s32 @p1 $0xFFFFC180  }
0x2a: {  	[tilespmem:s17], [sflag:$0x3] =	stream.indirect.gather [hbm4b:s1+s15], $0x80, s30, s15, $0xb8;
	[tilespmem:$0x1D000] =	vst v63  }
0x2b: {  	_ =	swait.ge [sflag:s18], $0x3E80  }
0x2c: {  	[sflag:s18] =	ssyncset.done $0x0  }
0x2d: {  	s31 =	sor.u32 $0x800, s26;
	[sflag:s18] =	ssyncadd.s32 $0xFFFFC180  }
0x2e: {  	[spmem:s2] =	stream.indirect.scatter.add.f32 [tilespmem:s16], [sflag:$0x4], $0x80, s31, s15, $0xb8;
	[tilespmem:$0x1D000] =	vst v63  }
0x2f: {  	_ =	swait.ge [sflag:s19], $0x3E80  }
0x30: {  	[sflag:s19] =	ssyncset.done $0x0  }
0x31: {  	s29 =	sor.u32 $0x100, s26;
	[sflag:s19] =	ssyncadd.s32 $0xFFFFC180  }
0x32: {  	[tilespmem:s16], [sflag:$0x2] =	stream.indirect.gather [hbm4b:s1+s15], $0x80, s29, s15, $0xb8;
	[tilespmem:$0x1D000] =	vst v63  }
0x33: {  	_ =	swait.ge [sflag:s20], $0x3E80  }
0x34: {  	[sflag:s20] =	ssyncset.done $0x0  }
0x35: {  	s30 =	sor.u32 $0x880, s26;
	[sflag:s20] =	ssyncadd.s32 $0xFFFFC180  }
0x36: {  	[spmem:s2] =	stream.indirect.scatter.add.f32 [tilespmem:s17], [sflag:$0x5], $0x80, s30, s15, $0xb8;
	[tilespmem:$0x1D000] =	vst v63  }
0x37: {  	_ =	swait.ge [sflag:s21], $0x3E80  }
0x38: {  	[sflag:s21] =	ssyncset.done $0x0  }
0x39: {  	s31 =	sor.u32 $0x180, s26;
	[sflag:s21] =	ssyncadd.s32 $0xFFFFC180  }
0x3a: {  	[tilespmem:s17], [sflag:$0x3] =	stream.indirect.gather [hbm4b:s1+s15], $0x80, s31, s15, $0xb8;
	[tilespmem:$0x1D000] =	vst v63  }
0x3b: {  	_ =	swait.ge [sflag:s18], $0x3E80  }
0x3c: {  	[sflag:s18] =	ssyncset.done $0x0  }
0x3d: {  	s29 =	sor.u32 $0x900, s26;
	[sflag:s18] =	ssyncadd.s32 $0xFFFFC180  }
0x3e: {  	[spmem:s2] =	stream.indirect.scatter.add.f32 [tilespmem:s16], [sflag:$0x4], $0x80, s29, s15, $0xb8;
	[tilespmem:$0x1D000] =	vst v63  }
0x3f: {  	_ =	swait.ge [sflag:s19], $0x3E80  }
0x40: {  	[sflag:s19] =	ssyncset.done $0x0  }
0x41: {  	s30 =	sor.u32 $0x200, s26;
	[sflag:s19] =	ssyncadd.s32 $0xFFFFC180  }
0x42: {  	[tilespmem:s16], [sflag:$0x2] =	stream.indirect.gather [hbm4b:s1+s15], $0x80, s30, s15, $0xb8;
	[tilespmem:$0x1D000] =	vst v63  }
0x43: {  	_ =	swait.ge [sflag:s20], $0x3E80  }
0x44: {  	[sflag:s20] =	ssyncset.done $0x0  }
0x45: {  	s31 =	sor.u32 $0x980, s26;
	[sflag:s20] =	ssyncadd.s32 $0xFFFFC180  }
0x46: {  	[spmem:s2] =	stream.indirect.scatter.add.f32 [tilespmem:s17], [sflag:$0x5], $0x80, s31, s15, $0xb8;
	[tilespmem:$0x1D000] =	vst v63  }
0x47: {  	_ =	swait.ge [sflag:s21], $0x3E80  }
0x48: {  	[sflag:s21] =	ssyncset.done $0x0  }
0x49: {  	s29 =	sor.u32 $0x280, s26;
	[sflag:s21] =	ssyncadd.s32 $0xFFFFC180  }
0x4a: {  	[tilespmem:s17], [sflag:$0x3] =	stream.indirect.gather [hbm4b:s1+s15], $0x80, s29, s15, $0xb8;
	[tilespmem:$0x1D000] =	vst v63  }
0x4b: {  	_ =	swait.ge [sflag:s18], $0x3E80  }
0x4c: {  	[sflag:s18] =	ssyncset.done $0x0  }
0x4d: {  	s30 =	sor.u32 $0xA00, s26;
	[sflag:s18] =	ssyncadd.s32 $0xFFFFC180  }
0x4e: {  	[spmem:s2] =	stream.indirect.scatter.add.f32 [tilespmem:s16], [sflag:$0x4], $0x80, s30, s15, $0xb8;
	[tilespmem:$0x1D000] =	vst v63  }
0x4f: {  	_ =	swait.ge [sflag:s19], $0x3E80  }
0x50: {  	[sflag:s19] =	ssyncset.done $0x0  }
0x51: {  	s31 =	sor.u32 $0x300, s26;
	[sflag:s19] =	ssyncadd.s32 $0xFFFFC180  }
0x52: {  	[tilespmem:s16], [sflag:$0x2] =	stream.indirect.gather [hbm4b:s1+s15], $0x80, s31, s15, $0xb8;
	[tilespmem:$0x1D000] =	vst v63  }
0x53: {  	_ =	swait.ge [sflag:s20], $0x3E80  }
0x54: {  	[sflag:s20] =	ssyncset.done $0x0  }
0x55: {  	s29 =	sor.u32 $0xA80, s26;
	[sflag:s20] =	ssyncadd.s32 $0xFFFFC180  }
0x56: {  	[spmem:s2] =	stream.indirect.scatter.add.f32 [tilespmem:s17], [sflag:$0x5], $0x80, s29, s15, $0xb8;
	[tilespmem:$0x1D000] =	vst v63  }
0x57: {  	_ =	swait.ge [sflag:s21], $0x3E80  }
0x58: {  	[sflag:s21] =	ssyncset.done $0x0  }
0x59: {  	s30 =	sor.u32 $0x380, s26;
	[sflag:s21] =	ssyncadd.s32 $0xFFFFC180  }
0x5a: {  	[tilespmem:s17], [sflag:$0x3] =	stream.indirect.gather [hbm4b:s1+s15], $0x80, s30, s15, $0xb8;
	[tilespmem:$0x1D000] =	vst v63  }
0x5b: {  	_ =	swait.ge [sflag:s18], $0x3E80  }
0x5c: {  	[sflag:s18] =	ssyncset.done $0x0  }
0x5d: {  	s26 =	sor.u32 $0xB00, s26;
	[sflag:s18] =	ssyncadd.s32 $0xFFFFC180  }
0x5e: {  	[spmem:s2] =	stream.indirect.scatter.add.f32 [tilespmem:s16], [sflag:$0x4], $0x80, s26, s15, $0xb8;
	[tilespmem:$0x1D000] =	vst v63  }
0x5f: {  	_ =	swait.ge [sflag:s19], $0x3E80  }
0x60: {  	[sflag:s19] =	ssyncset.done $0x0  }
0x61: {  	s26 =	simm.s32 @!p0 $0x1;
	[sflag:s19] =	ssyncadd.s32 $0xFFFFC180  }
0x62: {  	_ =	swait.ge @!p0 [sflag:s26], $0x400  }
0x63: {  	[sflag:s26] =	ssyncset.done @!p0 $0x0  }
0x64: {  	[sflag:s26] =	ssyncadd.s32 @!p0 $0xFFFFFC00  }
0x65: {  	_ =	swait.ge @!p0 [sflag:s26], $0x400  }
0x66: {  	s23 =	sadd.s32 $0x80, s23;
	[sflag:s26] =	ssyncset.done @!p0 $0x0  }
0x67: {  	s29 =	simm.s32 @!p0 $0x1000;
	[sflag:s26] =	ssyncadd.s32 @!p0 $0xFFFFFC00;
	s26 =	simm.s32 @!p0 $0x7D  }
0x68: {  	[tilespmem:s29], [sflag:$0x2] =	stream.indirect.gather @!p0 [hbm4b:s1+s26], $0x80, s25, s26, $0xb8;
	[tilespmem:$0x1D000] =	vst v63  }
0x69: {  	p0 =	sne.s32 s23, $0x500  }
.Ltmp0:
0x6a: {  	_ = 	snop;
	(pc) =	sbr.rel @p0 .LBB2_2-.Ltmp0, $4  }
0x6b: {  	_ =	swait.ge [sflag:s20], $0x3E80  }
0x6c: {  	[sflag:s20] =	ssyncset.done $0x0  }
0x6d: {  	s24 =	sadd.s32 $0x1, s24;
	s31 =	sor.u32 $0x800, s30;
	[sflag:s20] =	ssyncadd.s32 $0xFFFFC180  }
0x6e: {  	[spmem:s2] =	stream.indirect.scatter.add.f32 [tilespmem:s17], [sflag:$0x5], $0x80, s31, s15, $0xb8;
	[tilespmem:$0x1D000] =	vst v63  }
0x6f: {  	_ =	swait.ge [sflag:s21], $0x3E80  }
0x70: {  	s22 =	sadd.s32 $0x1, s22;
	[sflag:s21] =	ssyncset.done $0x0  }
0x71: {  	p0 =	sne.s32 s22, s10;
	[sflag:s21] =	ssyncadd.s32 $0xFFFFC180  }
.Ltmp1:
0x72: {  	[bflag:$0x0] =	sbarrier.arrive $0xFFFF;
	(pc) =	sbr.rel @p0 .LBB2_1-.Ltmp1, $4  }
0x73: {  	[hbm:s9], [sflag:s7] =	dma.local [spmem:s12], $0x2800  }
0x74: {  	_ =	swait.ge [sflag:s13], $0x2800  }
0x75: {  	[sflag:s13] =	ssyncset.done $0x0  }
0x76: {  	[sflag:s13] =	ssyncadd.s32 $0xFFFFD800  }
0x77: {  	_ =	sfence.sel $0x180000  }
0x78: {  	[bflag:$0x0] =	sbarrier.arrive $0xFFFF  }
0x79: {  	p0 =	sne.s32 s3, $0x0;
	_ =	strace $0x90000047  }
0x7a: {  	s0 =	sadd.s32 @!p0 $0x100000, s0;
	[bflag:$0x2] =	sbarrier.arrive $0xFFFF  }
0x7b: {  	[sflag:s0] =	ssyncadd.tile.s32 @!p0 $0x1;
	_ =	shalt  }
.Lfunc_end2:
_tile_overlayer_lowered:
.L_overlay_start_2:
0x7c: {  	(tag) =	ssettag $0x2  }
0x7d: {  	s0 =	rddreg [dreg:$0x0];
	s2 =	stileid.u32  }
0x7e: {  	s1 =	rddreg [dreg:$0x1];
	p0 =	sne.s32 s2, $0x0  }
0x7f: {  	s3 =	rddreg [dreg:$0x2];
	[bflag:$0x3] =	sbarrier.arrive $0xFFFF;
	s2 =	simm.s32 @!p0 $0x1C06  }
0x80: {  	[timem:s3], [sflag:s2] =	dma.local @!p0 [hbm:s0], s1  }
0x81: {  	s0 =	simm.s32 @!p0 $0x6  }
0x82: {  	_ =	swait.ge @!p0 [sflag:s0], s1  }
0x83: {  	s1 =	ssub.s32 @!p0 $0x0, s1;
	[sflag:s0] =	ssyncset.done @!p0 $0x0  }
0x84: {  	[sflag:s0] =	ssyncadd.s32 @!p0 s1  }
0x85: {  	[bflag:$0x3] =	sbarrier.arrive $0xFFFF  }
0x86: {  	_ =	shalt  }

// kernel: kernel.16.cloned.1.call-start
scs
__scs_entry_jumppad:
0x0: {  	(pc) =	sbr.rel $0x88, $3  }
0x1: {  	(tag) =	ssettag $0x0;
	lr =	simm.s32 $0x1  }
0x2: {  	[smem:$0x3F7C] =	sst lr;
	_ =	strace $0xD0000000  }
0x3: {  	_ = 	snop  }
0x4: {  	_ = 	snop  }
0x5: {  	_ = 	snop  }
0x6: {  	_ = 	snop  }
0x7: {  	_ = 	snop  }
__scs_overlays_trampoline_lowered:
0x8: {  	[smem:$0x3F8B] =	sst s0  }
0x9: {  	[smem:$0x3F8C] =	sst s1  }
0xa: {  	[smem:$0x3F8D] =	sst s2  }
0xb: {  	[smem:$0x3F8E] =	sst s3  }
0xc: {  	[smem:$0x3F8F] =	sst s4  }
0xd: {  	[smem:$0x3F90] =	sst s5  }
0xe: {  	[smem:$0x3F91] =	sst s6  }
0xf: {  	[smem:$0x3F92] =	sst s7  }
0x10: {  	[smem:$0x3F93] =	sst s8  }
0x11: {  	[smem:$0x3F94] =	sst s9;
	s0 =	simm.s32 @!p0 $0x0  }
0x12: {  	s1 =	sld [smem:$0x3F7A];
	s0 =	simm.s32 @p0 $0x1  }
0x13: {  	[smem:$0x3F95] =	sst s0;
	s0 =	simm.s32 @!p1 $0x0  }
0x14: {  	s2 =	sld [smem:$0x3F79];
	s0 =	simm.s32 @p1 $0x1  }
0x15: {  	[smem:$0x3F96] =	sst s0;
	s0 =	simm.s32 @!p2 $0x0  }
0x16: {  	s3 =	sld [smem:$0x3FDB];
	s0 =	simm.s32 @p2 $0x1  }
0x17: {  	s4 =	simm.s32 $0x1BF5;
	[smem:$0x3F98] =	sst s0  }
0x18: {  	s0 =	sld [smem:$0x3F7B];
	_ =	swait.ge [sflag:s4], $0x0  }
0x19: {  	s7 =	sld [smem:$0x3F7C]  }
0x1a: {  	s8 =	sadd.s32 $0xFFFFE003, lr  }
0x1b: {  	s9 =	sadd.s32 $0xFFFFFEF7, lr;
	s5 =	simm.s32 $0xFFFFFFFF;
	p2 =	slt.u32 s8, $0xFFFFF086  }
0x1c: {  	p1 =	slt.u32 s9, $0xF7A;
	s5 =	simm.s32 @!p2 $0x0  }
0x1d: {  	s5 =	simm.s32 @p1 $0x1;
	p0 =	seq.s32 s7, s2  }
0x1e: {  	s7 =	smul.u32 @!p0 $0xF7A, s2;
	p2 =	seq.s32 @!p0 s5, $0x0  }
0x1f: {  	s9 =	smul.u32 $0xF7A, s1;
	s8 =	simm.s32 @!p0 $0x1BF5;
	p2 =	por !p2, p0  }
0x20: {  	[sflag:s8] =	ssyncset.s32 @!p0 $0xFFFFF086;
	s6 =	sadd.s32 @!p0 s3, s7;
	s7 =	simm.s32 @!p0 $0x108  }
0x21: {  	s3 =	sadd.s32 s3, s9;
	s6 =	sadd.s32 @!p0 $0x88, s6;
	s7 =	simm.s32 @p2 $0x1082  }
0x22: {  	[simem:s7], [sflag:s8] =	dma.local @!p0 [hbm:s6], $0xF7A  }
0x23: {  	s9 =	sor.u32 $0xD0000000, s2;
	s6 =	simm.s32 $0x108;
	_ =	swait.ge @!p0 [sflag:s8], $0x0  }
0x24: {  	s3 =	sadd.s32 $0x88, s3;
	s6 =	simm.s32 @!p1 $0x1082;
	[sflag:s4] =	ssyncset.s32 $0xFFFFF086  }
0x25: {  	[simem:s6], [sflag:s4] =	dma.local [hbm:s3], $0xF7A  }
0x26: {  	[smem:$0x3F7C] =	sst s1;
	(tag) =	ssettag s2;
	_ =	strace s9  }
0x27: {  	s1 =	sld [smem:$0x3F8C]  }
0x28: {  	s2 =	sld [smem:$0x3F8D]  }
0x29: {  	s4 =	sld [smem:$0x3F8F]  }
0x2a: {  	p0 =	seq.s32 s5, $0x0;
	s5 =	sld [smem:$0x3F90]  }
0x2b: {  	s6 =	sld [smem:$0x3F91]  }
0x2c: {  	s7 =	sld [smem:$0x3F92]  }
0x2d: {  	s3 =	simm.s32 $0x108;
	s8 =	sld [smem:$0x3F93]  }
0x2e: {  	s3 =	simm.s32 @!p0 $0x1082;
	s9 =	sld [smem:$0x3F94]  }
0x2f: {  	lr =	sadd.s32 s0, s3;
	s0 =	sld [smem:$0x3F8B]  }
0x30: {  	s3 =	sld [smem:$0x3F8E]  }
0x31: {  	[smem:$0x3F97] =	sst s10  }
0x32: {  	s10 =	sld [smem:$0x3F95];
	_ =	sdelay $0x3  }
0x33: {  	p0 =	seq.s32 s10, $0x1;
	s10 =	sld [smem:$0x3F97];
	_ =	sdelay $0x3  }
0x34: {  	[smem:$0x3F97] =	sst s10  }
0x35: {  	s10 =	sld [smem:$0x3F96];
	_ =	sdelay $0x3  }
0x36: {  	p1 =	seq.s32 s10, $0x1;
	s10 =	sld [smem:$0x3F97];
	_ =	sdelay $0x3  }
0x37: {  	[smem:$0x3F97] =	sst s10  }
0x38: {  	s10 =	sld [smem:$0x3F98]  }
0x39: {  	_ = 	snop;
	(pc) =	sbr.ind lr, $3  }
0x3a: {  	_ = 	snop  }
0x3b: {  	_ = 	snop  }
0x3c: {  	p2 =	seq.s32 s10, $0x1;
	s10 =	sld [smem:$0x3F97]  }
0x3d: {  	_ =	shalt  }
0x3e: {  	_ =	shalt  }
0x3f: {  	_ =	shalt  }
0x40: {  	_ =	shalt  }
0x41: {  	_ =	shalt  }
0x42: {  	_ =	shalt  }
0x43: {  	_ =	shalt  }
0x44: {  	_ =	shalt  }
0x45: {  	_ =	shalt  }
0x46: {  	_ =	shalt  }
0x47: {  	_ =	shalt  }
0x48: {  	_ =	shalt  }
0x49: {  	_ =	shalt  }
0x4a: {  	_ =	shalt  }
0x4b: {  	_ =	shalt  }
0x4c: {  	_ =	shalt  }
0x4d: {  	_ =	shalt  }
0x4e: {  	_ =	shalt  }
0x4f: {  	_ =	shalt  }
0x50: {  	_ =	shalt  }
0x51: {  	_ =	shalt  }
0x52: {  	_ =	shalt  }
0x53: {  	_ =	shalt  }
0x54: {  	_ =	shalt  }
0x55: {  	_ =	shalt  }
0x56: {  	_ =	shalt  }
0x57: {  	_ =	shalt  }
0x58: {  	_ =	shalt  }
0x59: {  	_ =	shalt  }
0x5a: {  	_ =	shalt  }
0x5b: {  	_ =	shalt  }
0x5c: {  	_ =	shalt  }
0x5d: {  	_ =	shalt  }
0x5e: {  	_ =	shalt  }
0x5f: {  	_ =	shalt  }
0x60: {  	_ =	shalt  }
0x61: {  	_ =	shalt  }
0x62: {  	_ =	shalt  }
0x63: {  	_ =	shalt  }
0x64: {  	_ =	shalt  }
0x65: {  	_ =	shalt  }
0x66: {  	_ =	shalt  }
0x67: {  	_ =	shalt  }
0x68: {  	_ =	shalt  }
0x69: {  	_ =	shalt  }
0x6a: {  	_ =	shalt  }
0x6b: {  	_ =	shalt  }
0x6c: {  	_ =	shalt  }
0x6d: {  	_ =	shalt  }
0x6e: {  	_ =	shalt  }
0x6f: {  	_ =	shalt  }
0x70: {  	_ =	shalt  }
0x71: {  	_ =	shalt  }
0x72: {  	_ =	shalt  }
0x73: {  	_ =	shalt  }
0x74: {  	_ =	shalt  }
0x75: {  	_ =	shalt  }
0x76: {  	_ =	shalt  }
0x77: {  	_ =	shalt  }
0x78: {  	_ =	shalt  }
0x79: {  	_ =	shalt  }
0x7a: {  	_ =	shalt  }
0x7b: {  	_ =	shalt  }
0x7c: {  	_ =	shalt  }
0x7d: {  	_ =	shalt  }
0x7e: {  	_ =	shalt  }
0x7f: {  	_ =	shalt  }
0x80: {  	_ =	shalt  }
0x81: {  	_ =	shalt  }
0x82: {  	_ =	shalt  }
0x83: {  	_ =	shalt  }
0x84: {  	_ =	shalt  }
0x85: {  	_ =	shalt  }
0x86: {  	_ =	shalt  }
0x87: {  	_ =	shalt  }
.Lfunc_end0:
.L_simem_size_0:
called_computation.1_lowered:
.L_overlay_start_0:
0x88: {  	s2 =	sld [smem:$0x3FD9]  }
0x89: {  	s3 =	sld [smem:$0x3FFE];
	_ =	sdelay $0x1  }
0x8a: {  	s1 =	srdreg.scid  }
0x8b: {  	s0 =	sand.u32 $0x1, s1  }
0x8c: {  	s16 =	sshll.u32 s0, $0xA;
	s2 =	sadd.s32 s3, s2  }
0x8d: {  	s2 =	sadd.s32 s2, s16  }
0x8e: {  	[smem:$0x3FA3] =	sst s2  }
0x8f: {  	_ = 	snop  }
0x90: {  	(tm) =	ssettm $0x1  }
0x91: {  	s17 =	sld [smem:$0x3FFB];
	_ =	sdelay $0x3  }
0x92: {  	_ =	strace s17  }
0x93: {  	s2 =	sld [smem:$0x3FFC];
	_ =	sdelay $0x3  }
0x94: {  	_ =	strace s2  }
0x95: {  	s2 =	sld [smem:$0x3FFD];
	_ =	sdelay $0x3  }
0x96: {  	_ =	strace s2  }
0x97: {  	_ =	strace $0x8FFFFFFF  }
0x98: {  	s18 =	sld [smem:$0x3FDB];
	_ =	sdelay $0x1  }
0x99: {  	s19 =	simm.s32 $_scs_section_size  }
0x9a: {  	s4 =	simm.s32 $_size__tile_overlayer_lowered;
	s5 =	simm.s32 $_tile_overlayer_lowered  }
0x9b: {  	s22 =	simm.s32 $0x1BFF;
	s21 =	sshll.u32 s5, $0x1;
	s2 =	sadd.s32 s19, s18  }
0x9c: {  	s6 =	simm.s32 $0x0;
	s20 =	sshll.u32 s4, $0x1;
	s4 =	sadd.s32 s21, s2  }
0x9d: {  	[timem:s6], [sflag:s22] =	dma.local [hbm:s4], s20  }
0x9e: {  	_ =	swait.ge [sflag:s22], s20  }
0x9f: {  	s3 =	ssub.s32 $0x0, s20;
	[sflag:s22] =	ssyncset.done $0x0  }
0xa0: {  	[sflag:s22] =	ssyncadd.s32 s3;
	_ =	sdelay $0x1  }
0xa1: {  	s23 =	simm.s32 $0x1B8B  }
0xa2: {  	_ =	swait.ge [sflag:s23], $0x1  }
0xa3: {  	[sflag:s23] =	ssyncset.done $0x0  }
0xa4: {  	s25 =	simm.s32 $0x1B8E;
	s24 =	sld [smem:$0x3FFE];
	[sflag:s23] =	ssyncadd.s32 $0xFFFFFFFF  }
0xa5: {  	s26 =	simm.s32 $execute0_lowered;
	[smem:$0x3FD2] =	sst s25  }
0xa6: {  	s4 =	sshll.u32 s26, $0x1;
	_ =	strace $0x80000049;
	[dreg:$0x1] =	wrdreg $0xFFFFFFFF  }
0xa7: {  	s28 =	simm.s32 $_size_execute0_lowered;
	s2 =	sadd.s32 s2, s4;
	[dreg:$0x0] =	wrdreg $0x0  }
0xa8: {  	s4 =	sshll.u32 s28, $0x1;
	[dreg:$0x2] =	wrdreg s2  }
0xa9: {  	[dreg:$0x3] =	wrdreg s4  }
0xaa: {  	[dreg:$0x4] =	wrdreg $0xC0  }
0xab: {  	_ =	task [dreg:s6], $0x5FFFF  }
0xac: {  	[dreg:$0x1] =	wrdreg $0xFFFFFFFF  }
0xad: {  	[dreg:$0x0] =	wrdreg $0x60  }
0xae: {  	[dreg:$0x2] =	wrdreg s24  }
0xaf: {  	[dreg:$0x3] =	wrdreg $0x90000  }
0xb0: {  	[dreg:$0x4] =	wrdreg $0x9  }
0xb1: {  	_ =	task.clear_ibuf [dreg:s6], $0x5FFFF;
	_ =	strace $0x90000049  }
0xb2: {  	s29 =	simm.s32 $0x9;
	_ =	strace $0x8000004B  }
0xb3: {  	_ =	swait.ge [sflag:s29], $0x1  }
0xb4: {  	[sflag:s29] =	ssyncadd.s32 $0xFFFFFFFF  }
0xb5: {  	_ =	strace $0x9000004B  }
0xb6: {  	_ =	sfence  }
0xb7: {  	s30 =	sld [smem:$0x0];
	_ =	sdelay $0x2  }
0xb8: {  	s31 =	sshll.u32 s1, $0xD;
	s1 =	sshrl.u32 s1, $0x2  }
0xb9: {  	s3 =	sand.u32 $0x4000, s31;
	s1 =	sadd.s32 s1, s30  }
0xba: {  	s0 =	sor.u32 s3, s0;
	s1 =	sshll.u32 s1, $0x11  }
0xbb: {  	s0 =	sor.u32 s1, s0  }
0xbc: {  	s0 =	sadd.s32 $0x8F2B, s0  }
0xbd: {  	[sflag:s0] =	ssyncadd.remote.s32 $0x1  }
0xbe: {  	_ =	sfence.sel $0xFFFF  }
0xbf: {  	[dreg:$0x0] =	wrdreg $0xFFFFFFFF;
	(pc) =	sbr.abs _section_cstart, $3  }
0xc0: {  	[dreg:$0x1] =	wrdreg $0xFFFFFFFF  }
0xc1: {  	_ =	task.clear_ibuf [dreg:s6], $0x2FFFF;
	_ =	strace $0x9FFFFFFF  }
0xc2: {  	(tm) =	ssettm $0x7FFFFFFF  }
0xc3: {  	_ =	shalt  }
tec
execute0_lowered:
.L_overlay_start_1:
0x0: {  	(tag) =	ssettag $0x1  }
0x1: {  	s6 =	rddreg [dreg:$0x0]  }
0x2: {  	s1 =	rddreg [dreg:$0x1]  }
0x3: {  	s0 =	rddreg [dreg:$0x2]  }
0x4: {  	s3 =	simm.s32 $0x0;
	s2 =	srdreg.scid;
	s16 =	simm.s32 $0x1000  }
0x5: {  	s17 =	simm.s32 $0x5000;
	s18 =	simm.s32 $0x2;
	s19 =	simm.s32 $0x4  }
0x6: {  	s20 =	simm.s32 $0x3;
	s21 =	simm.s32 $0x5;
	s9 =	sand.u32 $0x1, s2  }
0x7: {  	s22 =	simm.s32 $0x0;
	s2 =	stileid.u32;
	s7 =	smul.u32 $0x140000, s9  }
0x8: {  	[smem:$0x7FF] =	sst s3;
	s4 =	sadd.s32 $0x1EE00, s6;
	s8 =	smul.u32 $0x14000, s2  }
0x9: {  	s11 =	sadd.s32 $0x8600, s6;
	s5 =	sadd.s32 $0x1C600, s6;
	s24 =	smul.u32 $0x50000, s2  }
0xa: {  	_ =	strace $0x8000004A;
	s10 =	sshll.u32 s2, $0x1;
	s14 =	smul.u32 $0xA00, s2  }
0xb: {  	s12 =	ssub.s32 $0x2, s9;
	s31 =	sshll.u32 s2, $0x6;
	s15 =	smul.u32 $0x500, s9  }
0xc: {  	s23 =	sor.u32 s9, s10;
	s25 =	sshrl.u32 s12, $0x1;
	s7 =	sadd.s32 s8, s7  }
0xd: {  	s8 =	smul.u32 $0x2800, s23;
	s26 =	sshrl.u32 s24, $0x2;
	s28 =	ssub.s32 s12, s25  }
0xe: {  	s7 =	sshrl.u32 s7, $0x3;
	s29 =	sadd.s32 s26, s1;
	s10 =	smax.u32 s28, $0x1  }
0xf: {  	s13 =	sadd.s32 s7, s6;
	s30 =	sshrl.u32 s8, $0x3;
	s7 =	sor.u32 $0x1C06, s31  }
0x10: {  	s12 =	sshrl.u32 s29, $0x3;
	s6 =	sadd.s32 s11, s30;
	s9 =	sadd.s32 $0x46000, s13  }
0x11: {  	s11 =	sadd.s32 s14, s11;
	s13 =	simm.s32 $0x6;
	s14 =	simm.s32 $0x800  }
0x12: {  	s8 =	sadd.s32 $0xA000, s6;
	s11 =	sadd.s32 s15, s11;
	s15 =	simm.s32 $0x7D  }
.LBB2_1:
0x13: {  	[spmem:s12], [sflag:s7] =	dma.local [hbm:s5], $0x2800  }
0x14: {  	_ =	swait.ge [sflag:s13], $0x2800  }
0x15: {  	[sflag:s13] =	ssyncset.done $0x0  }
0x16: {  	[sflag:s13] =	ssyncadd.s32 $0xFFFFD800  }
0x17: {  	[tilespmem:s3], [sflag:$0x6] =	stream.linear.gather [hbm4b:s6+s3], $0x400, $0x38;
	[tilespmem:$0x1D000] =	vst v63  }
0x18: {  	_ =	swait.ge [sflag:s13], $0x400  }
0x19: {  	[sflag:s13] =	ssyncset.done $0x0  }
0x1a: {  	[sflag:s13] =	ssyncadd.s32 $0xFFFFFC00  }
0x1b: {  	[tilespmem:s14], [sflag:$0x6] =	stream.linear.gather [hbm4b:s8+s3], $0x400, $0x38;
	[tilespmem:$0x1D000] =	vst v63  }
0x1c: {  	_ =	swait.ge [sflag:s13], $0x400  }
0x1d: {  	[sflag:s13] =	ssyncset.done $0x0  }
0x1e: {  	[sflag:s13] =	ssyncadd.s32 $0xFFFFFC00  }
0x1f: {  	s23 =	simm.s32 $0x0;
	s24 =	simm.s32 $0x0;
	[bflag:$0x0] =	sbarrier.arrive $0xFFFF  }
0x20: {  	[tilespmem:s16], [sflag:$0x2] =	stream.indirect.gather [hbm4b:s4+s15], $0x80, s3, s15, $0xb8;
	[tilespmem:$0x1D000] =	vst v63  }
.LBB2_2:
0x21: {  	s26 =	sand.u32 $0x1, s24;
	p0 =	seq.s32 s23, $0x480  }
0x22: {  	s25 =	sxor.u32 $0x1, s26;
	s28 =	sadd.s32 @!p0 s23, s11;
	s30 =	simm.s32 @!p0 $0x0  }
0x23: {  	p1 =	seq.s32 @!p0 s23, $0x0;
	s25 =	sshll.u32 @!p0 s25, $0xA;
	s29 =	sadd.s32 @!p0 $0x80, s28  }
0x24: {  	[tilespmem:s25], [sflag:$0x1] =	stream.linear.gather @!p0 [hbm4b:s29+s30], $0x400, $0x38;
	[tilespmem:$0x1D000] =	vst v63  }
0x25: {  	s28 =	sadd.s32 @!p0 $0xA080, s28;
	p1 =	por p0, !p1;
	s29 =	sor.u32 @!p0 $0x800, s25  }
0x26: {  	[tilespmem:s29], [sflag:$0x1] =	stream.linear.gather @!p0 [hbm4b:s28+s30], $0x400, $0x38;
	[tilespmem:$0x1D000] =	vst v63  }
0x27: {  	_ =	swait.ge @p1 [sflag:s21], $0x3E80  }
0x28: {  	s26 =	sshll.u32 s26, $0xA;
	[sflag:s21] =	ssyncset.done @p1 $0x0  }
0x29: {  	s30 =	sor.u32 $0x80, s26;
	[sflag:s21] =	ssyncadd.s32 @p1 $0xFFFFC180  }
0x2a: {  	[tilespmem:s17], [sflag:$0x3] =	stream.indirect.gather [hbm4b:s4+s15], $0x80, s30, s15, $0xb8;
	[tilespmem:$0x1D000] =	vst v63  }
0x2b: {  	_ =	swait.ge [sflag:s18], $0x3E80  }
0x2c: {  	[sflag:s18] =	ssyncset.done $0x0  }
0x2d: {  	s31 =	sor.u32 $0x800, s26;
	[sflag:s18] =	ssyncadd.s32 $0xFFFFC180  }
0x2e: {  	[spmem:s1] =	stream.indirect.scatter.add.f32 [tilespmem:s16], [sflag:$0x4], $0x80, s31, s15, $0xb8;
	[tilespmem:$0x1D000] =	vst v63  }
0x2f: {  	_ =	swait.ge [sflag:s19], $0x3E80  }
0x30: {  	[sflag:s19] =	ssyncset.done $0x0  }
0x31: {  	s29 =	sor.u32 $0x100, s26;
	[sflag:s19] =	ssyncadd.s32 $0xFFFFC180  }
0x32: {  	[tilespmem:s16], [sflag:$0x2] =	stream.indirect.gather [hbm4b:s4+s15], $0x80, s29, s15, $0xb8;
	[tilespmem:$0x1D000] =	vst v63  }
0x33: {  	_ =	swait.ge [sflag:s20], $0x3E80  }
0x34: {  	[sflag:s20] =	ssyncset.done $0x0  }
0x35: {  	s30 =	sor.u32 $0x880, s26;
	[sflag:s20] =	ssyncadd.s32 $0xFFFFC180  }
0x36: {  	[spmem:s1] =	stream.indirect.scatter.add.f32 [tilespmem:s17], [sflag:$0x5], $0x80, s30, s15, $0xb8;
	[tilespmem:$0x1D000] =	vst v63  }
0x37: {  	_ =	swait.ge [sflag:s21], $0x3E80  }
0x38: {  	[sflag:s21] =	ssyncset.done $0x0  }
0x39: {  	s31 =	sor.u32 $0x180, s26;
	[sflag:s21] =	ssyncadd.s32 $0xFFFFC180  }
0x3a: {  	[tilespmem:s17], [sflag:$0x3] =	stream.indirect.gather [hbm4b:s4+s15], $0x80, s31, s15, $0xb8;
	[tilespmem:$0x1D000] =	vst v63  }
0x3b: {  	_ =	swait.ge [sflag:s18], $0x3E80  }
0x3c: {  	[sflag:s18] =	ssyncset.done $0x0  }
0x3d: {  	s29 =	sor.u32 $0x900, s26;
	[sflag:s18] =	ssyncadd.s32 $0xFFFFC180  }
0x3e: {  	[spmem:s1] =	stream.indirect.scatter.add.f32 [tilespmem:s16], [sflag:$0x4], $0x80, s29, s15, $0xb8;
	[tilespmem:$0x1D000] =	vst v63  }
0x3f: {  	_ =	swait.ge [sflag:s19], $0x3E80  }
0x40: {  	[sflag:s19] =	ssyncset.done $0x0  }
0x41: {  	s30 =	sor.u32 $0x200, s26;
	[sflag:s19] =	ssyncadd.s32 $0xFFFFC180  }
0x42: {  	[tilespmem:s16], [sflag:$0x2] =	stream.indirect.gather [hbm4b:s4+s15], $0x80, s30, s15, $0xb8;
	[tilespmem:$0x1D000] =	vst v63  }
0x43: {  	_ =	swait.ge [sflag:s20], $0x3E80  }
0x44: {  	[sflag:s20] =	ssyncset.done $0x0  }
0x45: {  	s31 =	sor.u32 $0x980, s26;
	[sflag:s20] =	ssyncadd.s32 $0xFFFFC180  }
0x46: {  	[spmem:s1] =	stream.indirect.scatter.add.f32 [tilespmem:s17], [sflag:$0x5], $0x80, s31, s15, $0xb8;
	[tilespmem:$0x1D000] =	vst v63  }
0x47: {  	_ =	swait.ge [sflag:s21], $0x3E80  }
0x48: {  	[sflag:s21] =	ssyncset.done $0x0  }
0x49: {  	s29 =	sor.u32 $0x280, s26;
	[sflag:s21] =	ssyncadd.s32 $0xFFFFC180  }
0x4a: {  	[tilespmem:s17], [sflag:$0x3] =	stream.indirect.gather [hbm4b:s4+s15], $0x80, s29, s15, $0xb8;
	[tilespmem:$0x1D000] =	vst v63  }
0x4b: {  	_ =	swait.ge [sflag:s18], $0x3E80  }
0x4c: {  	[sflag:s18] =	ssyncset.done $0x0  }
0x4d: {  	s30 =	sor.u32 $0xA00, s26;
	[sflag:s18] =	ssyncadd.s32 $0xFFFFC180  }
0x4e: {  	[spmem:s1] =	stream.indirect.scatter.add.f32 [tilespmem:s16], [sflag:$0x4], $0x80, s30, s15, $0xb8;
	[tilespmem:$0x1D000] =	vst v63  }
0x4f: {  	_ =	swait.ge [sflag:s19], $0x3E80  }
0x50: {  	[sflag:s19] =	ssyncset.done $0x0  }
0x51: {  	s31 =	sor.u32 $0x300, s26;
	[sflag:s19] =	ssyncadd.s32 $0xFFFFC180  }
0x52: {  	[tilespmem:s16], [sflag:$0x2] =	stream.indirect.gather [hbm4b:s4+s15], $0x80, s31, s15, $0xb8;
	[tilespmem:$0x1D000] =	vst v63  }
0x53: {  	_ =	swait.ge [sflag:s20], $0x3E80  }
0x54: {  	[sflag:s20] =	ssyncset.done $0x0  }
0x55: {  	s29 =	sor.u32 $0xA80, s26;
	[sflag:s20] =	ssyncadd.s32 $0xFFFFC180  }
0x56: {  	[spmem:s1] =	stream.indirect.scatter.add.f32 [tilespmem:s17], [sflag:$0x5], $0x80, s29, s15, $0xb8;
	[tilespmem:$0x1D000] =	vst v63  }
0x57: {  	_ =	swait.ge [sflag:s21], $0x3E80  }
0x58: {  	[sflag:s21] =	ssyncset.done $0x0  }
0x59: {  	s30 =	sor.u32 $0x380, s26;
	[sflag:s21] =	ssyncadd.s32 $0xFFFFC180  }
0x5a: {  	[tilespmem:s17], [sflag:$0x3] =	stream.indirect.gather [hbm4b:s4+s15], $0x80, s30, s15, $0xb8;
	[tilespmem:$0x1D000] =	vst v63  }
0x5b: {  	_ =	swait.ge [sflag:s18], $0x3E80  }
0x5c: {  	[sflag:s18] =	ssyncset.done $0x0  }
0x5d: {  	s26 =	sor.u32 $0xB00, s26;
	[sflag:s18] =	ssyncadd.s32 $0xFFFFC180  }
0x5e: {  	[spmem:s1] =	stream.indirect.scatter.add.f32 [tilespmem:s16], [sflag:$0x4], $0x80, s26, s15, $0xb8;
	[tilespmem:$0x1D000] =	vst v63  }
0x5f: {  	_ =	swait.ge [sflag:s19], $0x3E80  }
0x60: {  	[sflag:s19] =	ssyncset.done $0x0  }
0x61: {  	s26 =	simm.s32 @!p0 $0x1;
	[sflag:s19] =	ssyncadd.s32 $0xFFFFC180  }
0x62: {  	_ =	swait.ge @!p0 [sflag:s26], $0x400  }
0x63: {  	[sflag:s26] =	ssyncset.done @!p0 $0x0  }
0x64: {  	[sflag:s26] =	ssyncadd.s32 @!p0 $0xFFFFFC00  }
0x65: {  	_ =	swait.ge @!p0 [sflag:s26], $0x400  }
0x66: {  	s23 =	sadd.s32 $0x80, s23;
	[sflag:s26] =	ssyncset.done @!p0 $0x0  }
0x67: {  	s29 =	simm.s32 @!p0 $0x1000;
	[sflag:s26] =	ssyncadd.s32 @!p0 $0xFFFFFC00;
	s26 =	simm.s32 @!p0 $0x7D  }
0x68: {  	[tilespmem:s29], [sflag:$0x2] =	stream.indirect.gather @!p0 [hbm4b:s4+s26], $0x80, s25, s26, $0xb8;
	[tilespmem:$0x1D000] =	vst v63  }
0x69: {  	p0 =	sne.s32 s23, $0x500  }
.Ltmp0:
0x6a: {  	_ = 	snop;
	(pc) =	sbr.rel @p0 .LBB2_2-.Ltmp0, $4  }
0x6b: {  	_ =	swait.ge [sflag:s20], $0x3E80  }
0x6c: {  	[sflag:s20] =	ssyncset.done $0x0  }
0x6d: {  	s24 =	sadd.s32 $0x1, s24;
	s31 =	sor.u32 $0x800, s30;
	[sflag:s20] =	ssyncadd.s32 $0xFFFFC180  }
0x6e: {  	[spmem:s1] =	stream.indirect.scatter.add.f32 [tilespmem:s17], [sflag:$0x5], $0x80, s31, s15, $0xb8;
	[tilespmem:$0x1D000] =	vst v63  }
0x6f: {  	_ =	swait.ge [sflag:s21], $0x3E80  }
0x70: {  	s22 =	sadd.s32 $0x1, s22;
	[sflag:s21] =	ssyncset.done $0x0  }
0x71: {  	p0 =	sne.s32 s22, s10;
	[sflag:s21] =	ssyncadd.s32 $0xFFFFC180  }
.Ltmp1:
0x72: {  	[bflag:$0x0] =	sbarrier.arrive $0xFFFF;
	(pc) =	sbr.rel @p0 .LBB2_1-.Ltmp1, $4  }
0x73: {  	[hbm:s9], [sflag:s7] =	dma.local [spmem:s12], $0x2800  }
0x74: {  	_ =	swait.ge [sflag:s13], $0x2800  }
0x75: {  	[sflag:s13] =	ssyncset.done $0x0  }
0x76: {  	[sflag:s13] =	ssyncadd.s32 $0xFFFFD800  }
0x77: {  	_ =	sfence.sel $0x180000  }
0x78: {  	[bflag:$0x0] =	sbarrier.arrive $0xFFFF  }
0x79: {  	p0 =	sne.s32 s2, $0x0;
	_ =	strace $0x9000004A  }
0x7a: {  	s0 =	sadd.s32 @!p0 $0x100000, s0;
	[bflag:$0x2] =	sbarrier.arrive $0xFFFF  }
0x7b: {  	[sflag:s0] =	ssyncadd.tile.s32 @!p0 $0x1;
	_ =	shalt  }
.Lfunc_end2:
_tile_overlayer_lowered:
.L_overlay_start_2:
0x7c: {  	(tag) =	ssettag $0x2  }
0x7d: {  	s0 =	rddreg [dreg:$0x0];
	s2 =	stileid.u32  }
0x7e: {  	s1 =	rddreg [dreg:$0x1];
	p0 =	sne.s32 s2, $0x0  }
0x7f: {  	s3 =	rddreg [dreg:$0x2];
	[bflag:$0x3] =	sbarrier.arrive $0xFFFF;
	s2 =	simm.s32 @!p0 $0x1C06  }
0x80: {  	[timem:s3], [sflag:s2] =	dma.local @!p0 [hbm:s0], s1  }
0x81: {  	s0 =	simm.s32 @!p0 $0x6  }
0x82: {  	_ =	swait.ge @!p0 [sflag:s0], s1  }
0x83: {  	s1 =	ssub.s32 @!p0 $0x0, s1;
	[sflag:s0] =	ssyncset.done @!p0 $0x0  }
0x84: {  	[sflag:s0] =	ssyncadd.s32 @!p0 s1  }
0x85: {  	[bflag:$0x3] =	sbarrier.arrive $0xFFFF  }
0x86: {  	_ =	shalt  }

// kernel: kernel.19.cloned.1.call-start
scs
__scs_entry_jumppad:
0x0: {  	(pc) =	sbr.rel $0x88, $3  }
0x1: {  	(tag) =	ssettag $0x0;
	lr =	simm.s32 $0x1  }
0x2: {  	[smem:$0x3F7C] =	sst lr;
	_ =	strace $0xD0000000  }
0x3: {  	_ = 	snop  }
0x4: {  	_ = 	snop  }
0x5: {  	_ = 	snop  }
0x6: {  	_ = 	snop  }
0x7: {  	_ = 	snop  }
__scs_overlays_trampoline_lowered:
0x8: {  	[smem:$0x3F8B] =	sst s0  }
0x9: {  	[smem:$0x3F8C] =	sst s1  }
0xa: {  	[smem:$0x3F8D] =	sst s2  }
0xb: {  	[smem:$0x3F8E] =	sst s3  }
0xc: {  	[smem:$0x3F8F] =	sst s4  }
0xd: {  	[smem:$0x3F90] =	sst s5  }
0xe: {  	[smem:$0x3F91] =	sst s6  }
0xf: {  	[smem:$0x3F92] =	sst s7  }
0x10: {  	[smem:$0x3F93] =	sst s8  }
0x11: {  	[smem:$0x3F94] =	sst s9;
	s0 =	simm.s32 @!p0 $0x0  }
0x12: {  	s1 =	sld [smem:$0x3F7A];
	s0 =	simm.s32 @p0 $0x1  }
0x13: {  	[smem:$0x3F95] =	sst s0;
	s0 =	simm.s32 @!p1 $0x0  }
0x14: {  	s2 =	sld [smem:$0x3F79];
	s0 =	simm.s32 @p1 $0x1  }
0x15: {  	[smem:$0x3F96] =	sst s0;
	s0 =	simm.s32 @!p2 $0x0  }
0x16: {  	s3 =	sld [smem:$0x3FDB];
	s0 =	simm.s32 @p2 $0x1  }
0x17: {  	s4 =	simm.s32 $0x1BF5;
	[smem:$0x3F98] =	sst s0  }
0x18: {  	s0 =	sld [smem:$0x3F7B];
	_ =	swait.ge [sflag:s4], $0x0  }
0x19: {  	s7 =	sld [smem:$0x3F7C]  }
0x1a: {  	s8 =	sadd.s32 $0xFFFFE003, lr  }
0x1b: {  	s9 =	sadd.s32 $0xFFFFFEF7, lr;
	s5 =	simm.s32 $0xFFFFFFFF;
	p2 =	slt.u32 s8, $0xFFFFF086  }
0x1c: {  	p1 =	slt.u32 s9, $0xF7A;
	s5 =	simm.s32 @!p2 $0x0  }
0x1d: {  	s5 =	simm.s32 @p1 $0x1;
	p0 =	seq.s32 s7, s2  }
0x1e: {  	s7 =	smul.u32 @!p0 $0xF7A, s2;
	p2 =	seq.s32 @!p0 s5, $0x0  }
0x1f: {  	s9 =	smul.u32 $0xF7A, s1;
	s8 =	simm.s32 @!p0 $0x1BF5;
	p2 =	por !p2, p0  }
0x20: {  	[sflag:s8] =	ssyncset.s32 @!p0 $0xFFFFF086;
	s6 =	sadd.s32 @!p0 s3, s7;
	s7 =	simm.s32 @!p0 $0x108  }
0x21: {  	s3 =	sadd.s32 s3, s9;
	s6 =	sadd.s32 @!p0 $0x88, s6;
	s7 =	simm.s32 @p2 $0x1082  }
0x22: {  	[simem:s7], [sflag:s8] =	dma.local @!p0 [hbm:s6], $0xF7A  }
0x23: {  	s9 =	sor.u32 $0xD0000000, s2;
	s6 =	simm.s32 $0x108;
	_ =	swait.ge @!p0 [sflag:s8], $0x0  }
0x24: {  	s3 =	sadd.s32 $0x88, s3;
	s6 =	simm.s32 @!p1 $0x1082;
	[sflag:s4] =	ssyncset.s32 $0xFFFFF086  }
0x25: {  	[simem:s6], [sflag:s4] =	dma.local [hbm:s3], $0xF7A  }
0x26: {  	[smem:$0x3F7C] =	sst s1;
	(tag) =	ssettag s2;
	_ =	strace s9  }
0x27: {  	s1 =	sld [smem:$0x3F8C]  }
0x28: {  	s2 =	sld [smem:$0x3F8D]  }
0x29: {  	s4 =	sld [smem:$0x3F8F]  }
0x2a: {  	p0 =	seq.s32 s5, $0x0;
	s5 =	sld [smem:$0x3F90]  }
0x2b: {  	s6 =	sld [smem:$0x3F91]  }
0x2c: {  	s7 =	sld [smem:$0x3F92]  }
0x2d: {  	s3 =	simm.s32 $0x108;
	s8 =	sld [smem:$0x3F93]  }
0x2e: {  	s3 =	simm.s32 @!p0 $0x1082;
	s9 =	sld [smem:$0x3F94]  }
0x2f: {  	lr =	sadd.s32 s0, s3;
	s0 =	sld [smem:$0x3F8B]  }
0x30: {  	s3 =	sld [smem:$0x3F8E]  }
0x31: {  	[smem:$0x3F97] =	sst s10  }
0x32: {  	s10 =	sld [smem:$0x3F95];
	_ =	sdelay $0x3  }
0x33: {  	p0 =	seq.s32 s10, $0x1;
	s10 =	sld [smem:$0x3F97];
	_ =	sdelay $0x3  }
0x34: {  	[smem:$0x3F97] =	sst s10  }
0x35: {  	s10 =	sld [smem:$0x3F96];
	_ =	sdelay $0x3  }
0x36: {  	p1 =	seq.s32 s10, $0x1;
	s10 =	sld [smem:$0x3F97];
	_ =	sdelay $0x3  }
0x37: {  	[smem:$0x3F97] =	sst s10  }
0x38: {  	s10 =	sld [smem:$0x3F98]  }
0x39: {  	_ = 	snop;
	(pc) =	sbr.ind lr, $3  }
0x3a: {  	_ = 	snop  }
0x3b: {  	_ = 	snop  }
0x3c: {  	p2 =	seq.s32 s10, $0x1;
	s10 =	sld [smem:$0x3F97]  }
0x3d: {  	_ =	shalt  }
0x3e: {  	_ =	shalt  }
0x3f: {  	_ =	shalt  }
0x40: {  	_ =	shalt  }
0x41: {  	_ =	shalt  }
0x42: {  	_ =	shalt  }
0x43: {  	_ =	shalt  }
0x44: {  	_ =	shalt  }
0x45: {  	_ =	shalt  }
0x46: {  	_ =	shalt  }
0x47: {  	_ =	shalt  }
0x48: {  	_ =	shalt  }
0x49: {  	_ =	shalt  }
0x4a: {  	_ =	shalt  }
0x4b: {  	_ =	shalt  }
0x4c: {  	_ =	shalt  }
0x4d: {  	_ =	shalt  }
0x4e: {  	_ =	shalt  }
0x4f: {  	_ =	shalt  }
0x50: {  	_ =	shalt  }
0x51: {  	_ =	shalt  }
0x52: {  	_ =	shalt  }
0x53: {  	_ =	shalt  }
0x54: {  	_ =	shalt  }
0x55: {  	_ =	shalt  }
0x56: {  	_ =	shalt  }
0x57: {  	_ =	shalt  }
0x58: {  	_ =	shalt  }
0x59: {  	_ =	shalt  }
0x5a: {  	_ =	shalt  }
0x5b: {  	_ =	shalt  }
0x5c: {  	_ =	shalt  }
0x5d: {  	_ =	shalt  }
0x5e: {  	_ =	shalt  }
0x5f: {  	_ =	shalt  }
0x60: {  	_ =	shalt  }
0x61: {  	_ =	shalt  }
0x62: {  	_ =	shalt  }
0x63: {  	_ =	shalt  }
0x64: {  	_ =	shalt  }
0x65: {  	_ =	shalt  }
0x66: {  	_ =	shalt  }
0x67: {  	_ =	shalt  }
0x68: {  	_ =	shalt  }
0x69: {  	_ =	shalt  }
0x6a: {  	_ =	shalt  }
0x6b: {  	_ =	shalt  }
0x6c: {  	_ =	shalt  }
0x6d: {  	_ =	shalt  }
0x6e: {  	_ =	shalt  }
0x6f: {  	_ =	shalt  }
0x70: {  	_ =	shalt  }
0x71: {  	_ =	shalt  }
0x72: {  	_ =	shalt  }
0x73: {  	_ =	shalt  }
0x74: {  	_ =	shalt  }
0x75: {  	_ =	shalt  }
0x76: {  	_ =	shalt  }
0x77: {  	_ =	shalt  }
0x78: {  	_ =	shalt  }
0x79: {  	_ =	shalt  }
0x7a: {  	_ =	shalt  }
0x7b: {  	_ =	shalt  }
0x7c: {  	_ =	shalt  }
0x7d: {  	_ =	shalt  }
0x7e: {  	_ =	shalt  }
0x7f: {  	_ =	shalt  }
0x80: {  	_ =	shalt  }
0x81: {  	_ =	shalt  }
0x82: {  	_ =	shalt  }
0x83: {  	_ =	shalt  }
0x84: {  	_ =	shalt  }
0x85: {  	_ =	shalt  }
0x86: {  	_ =	shalt  }
0x87: {  	_ =	shalt  }
.Lfunc_end0:
.L_simem_size_0:
called_computation.2_lowered:
.L_overlay_start_0:
0x88: {  	s2 =	sld [smem:$0x3FD9]  }
0x89: {  	s3 =	sld [smem:$0x3FFE];
	_ =	sdelay $0x1  }
0x8a: {  	s1 =	srdreg.scid  }
0x8b: {  	s0 =	sand.u32 $0x1, s1  }
0x8c: {  	s16 =	sshll.u32 s0, $0xA;
	s2 =	sadd.s32 s3, s2  }
0x8d: {  	s2 =	sadd.s32 s2, s16  }
0x8e: {  	[smem:$0x3FA3] =	sst s2  }
0x8f: {  	_ = 	snop  }
0x90: {  	(tm) =	ssettm $0x1  }
0x91: {  	s17 =	sld [smem:$0x3FFB];
	_ =	sdelay $0x3  }
0x92: {  	_ =	strace s17  }
0x93: {  	s2 =	sld [smem:$0x3FFC];
	_ =	sdelay $0x3  }
0x94: {  	_ =	strace s2  }
0x95: {  	s2 =	sld [smem:$0x3FFD];
	_ =	sdelay $0x3  }
0x96: {  	_ =	strace s2  }
0x97: {  	_ =	strace $0x8FFFFFFF  }
0x98: {  	s18 =	sld [smem:$0x3FDB];
	_ =	sdelay $0x1  }
0x99: {  	s19 =	simm.s32 $_scs_section_size  }
0x9a: {  	s4 =	simm.s32 $_size__tile_overlayer_lowered;
	s5 =	simm.s32 $_tile_overlayer_lowered  }
0x9b: {  	s22 =	simm.s32 $0x1BFF;
	s21 =	sshll.u32 s5, $0x1;
	s2 =	sadd.s32 s19, s18  }
0x9c: {  	s6 =	simm.s32 $0x0;
	s20 =	sshll.u32 s4, $0x1;
	s4 =	sadd.s32 s21, s2  }
0x9d: {  	[timem:s6], [sflag:s22] =	dma.local [hbm:s4], s20  }
0x9e: {  	_ =	swait.ge [sflag:s22], s20  }
0x9f: {  	s3 =	ssub.s32 $0x0, s20;
	[sflag:s22] =	ssyncset.done $0x0  }
0xa0: {  	[sflag:s22] =	ssyncadd.s32 s3;
	_ =	sdelay $0x1  }
0xa1: {  	s23 =	simm.s32 $0x1B8B  }
0xa2: {  	_ =	swait.ge [sflag:s23], $0x1  }
0xa3: {  	[sflag:s23] =	ssyncset.done $0x0  }
0xa4: {  	s25 =	simm.s32 $0x1B8E;
	s24 =	sld [smem:$0x3FFE];
	[sflag:s23] =	ssyncadd.s32 $0xFFFFFFFF  }
0xa5: {  	s26 =	simm.s32 $execute0_lowered;
	[smem:$0x3FD2] =	sst s25  }
0xa6: {  	s4 =	sshll.u32 s26, $0x1;
	_ =	strace $0x8000004C;
	[dreg:$0x1] =	wrdreg $0xFFFFFFFF  }
0xa7: {  	s28 =	simm.s32 $_size_execute0_lowered;
	s2 =	sadd.s32 s2, s4;
	[dreg:$0x0] =	wrdreg $0x0  }
0xa8: {  	s4 =	sshll.u32 s28, $0x1;
	[dreg:$0x2] =	wrdreg s2  }
0xa9: {  	[dreg:$0x3] =	wrdreg s4  }
0xaa: {  	[dreg:$0x4] =	wrdreg $0xC0  }
0xab: {  	_ =	task [dreg:s6], $0x5FFFF  }
0xac: {  	[dreg:$0x1] =	wrdreg $0xFFFFFFFF  }
0xad: {  	[dreg:$0x0] =	wrdreg $0x60  }
0xae: {  	[dreg:$0x2] =	wrdreg s24  }
0xaf: {  	[dreg:$0x3] =	wrdreg $0x90000  }
0xb0: {  	[dreg:$0x4] =	wrdreg $0x9  }
0xb1: {  	_ =	task.clear_ibuf [dreg:s6], $0x5FFFF;
	_ =	strace $0x9000004C  }
0xb2: {  	s29 =	simm.s32 $0x9;
	_ =	strace $0x8000004E  }
0xb3: {  	_ =	swait.ge [sflag:s29], $0x1  }
0xb4: {  	[sflag:s29] =	ssyncadd.s32 $0xFFFFFFFF  }
0xb5: {  	_ =	strace $0x9000004E  }
0xb6: {  	_ =	sfence  }
0xb7: {  	s30 =	sld [smem:$0x0];
	_ =	sdelay $0x2  }
0xb8: {  	s31 =	sshll.u32 s1, $0xD;
	s1 =	sshrl.u32 s1, $0x2  }
0xb9: {  	s3 =	sand.u32 $0x4000, s31;
	s1 =	sadd.s32 s1, s30  }
0xba: {  	s0 =	sor.u32 s3, s0;
	s1 =	sshll.u32 s1, $0x11  }
0xbb: {  	s0 =	sor.u32 s1, s0  }
0xbc: {  	s0 =	sadd.s32 $0x8F2B, s0  }
0xbd: {  	[sflag:s0] =	ssyncadd.remote.s32 $0x1  }
0xbe: {  	_ =	sfence.sel $0xFFFF  }
0xbf: {  	[dreg:$0x0] =	wrdreg $0xFFFFFFFF;
	(pc) =	sbr.abs _section_cstart, $3  }
0xc0: {  	[dreg:$0x1] =	wrdreg $0xFFFFFFFF  }
0xc1: {  	_ =	task.clear_ibuf [dreg:s6], $0x2FFFF;
	_ =	strace $0x9FFFFFFF  }
0xc2: {  	(tm) =	ssettm $0x7FFFFFFF  }
0xc3: {  	_ =	shalt  }
tec
execute0_lowered:
.L_overlay_start_1:
0x0: {  	(tag) =	ssettag $0x1  }
0x1: {  	s6 =	rddreg [dreg:$0x0]  }
0x2: {  	s1 =	rddreg [dreg:$0x1]  }
0x3: {  	s0 =	rddreg [dreg:$0x2]  }
0x4: {  	s3 =	simm.s32 $0x0;
	s2 =	srdreg.scid;
	s16 =	simm.s32 $0x1000  }
0x5: {  	s17 =	simm.s32 $0x5000;
	s18 =	simm.s32 $0x2;
	s19 =	simm.s32 $0x4  }
0x6: {  	s20 =	simm.s32 $0x3;
	s21 =	simm.s32 $0x5;
	s9 =	sand.u32 $0x1, s2  }
0x7: {  	s22 =	simm.s32 $0x0;
	s2 =	stileid.u32;
	s7 =	smul.u32 $0x140000, s9  }
0x8: {  	[smem:$0x7FF] =	sst s3;
	s4 =	sadd.s32 $0x1EE00, s6;
	s8 =	smul.u32 $0x14000, s2  }
0x9: {  	s11 =	sadd.s32 $0x8600, s6;
	s5 =	sadd.s32 $0x1C600, s6;
	s24 =	smul.u32 $0x50000, s2  }
0xa: {  	_ =	strace $0x8000004D;
	s10 =	sshll.u32 s2, $0x1;
	s14 =	smul.u32 $0xA00, s2  }
0xb: {  	s12 =	ssub.s32 $0x2, s9;
	s31 =	sshll.u32 s2, $0x6;
	s15 =	smul.u32 $0x500, s9  }
0xc: {  	s23 =	sor.u32 s9, s10;
	s25 =	sshrl.u32 s12, $0x1;
	s7 =	sadd.s32 s8, s7  }
0xd: {  	s8 =	smul.u32 $0x2800, s23;
	s26 =	sshrl.u32 s24, $0x2;
	s28 =	ssub.s32 s12, s25  }
0xe: {  	s7 =	sshrl.u32 s7, $0x3;
	s29 =	sadd.s32 s26, s1;
	s10 =	smax.u32 s28, $0x1  }
0xf: {  	s13 =	sadd.s32 s7, s6;
	s30 =	sshrl.u32 s8, $0x3;
	s7 =	sor.u32 $0x1C06, s31  }
0x10: {  	s12 =	sshrl.u32 s29, $0x3;
	s6 =	sadd.s32 s11, s30;
	s9 =	sadd.s32 $0x46000, s13  }
0x11: {  	s11 =	sadd.s32 s14, s11;
	s13 =	simm.s32 $0x6;
	s14 =	simm.s32 $0x800  }
0x12: {  	s8 =	sadd.s32 $0xA000, s6;
	s11 =	sadd.s32 s15, s11;
	s15 =	simm.s32 $0x7D  }
.LBB2_1:
0x13: {  	[spmem:s12], [sflag:s7] =	dma.local [hbm:s5], $0x2800  }
0x14: {  	_ =	swait.ge [sflag:s13], $0x2800  }
0x15: {  	[sflag:s13] =	ssyncset.done $0x0  }
0x16: {  	[sflag:s13] =	ssyncadd.s32 $0xFFFFD800  }
0x17: {  	[tilespmem:s3], [sflag:$0x6] =	stream.linear.gather [hbm4b:s6+s3], $0x400, $0x38;
	[tilespmem:$0x1D000] =	vst v63  }
0x18: {  	_ =	swait.ge [sflag:s13], $0x400  }
0x19: {  	[sflag:s13] =	ssyncset.done $0x0  }
0x1a: {  	[sflag:s13] =	ssyncadd.s32 $0xFFFFFC00  }
0x1b: {  	[tilespmem:s14], [sflag:$0x6] =	stream.linear.gather [hbm4b:s8+s3], $0x400, $0x38;
	[tilespmem:$0x1D000] =	vst v63  }
0x1c: {  	_ =	swait.ge [sflag:s13], $0x400  }
0x1d: {  	[sflag:s13] =	ssyncset.done $0x0  }
0x1e: {  	[sflag:s13] =	ssyncadd.s32 $0xFFFFFC00  }
0x1f: {  	s23 =	simm.s32 $0x0;
	s24 =	simm.s32 $0x0;
	[bflag:$0x0] =	sbarrier.arrive $0xFFFF  }
0x20: {  	[tilespmem:s16], [sflag:$0x2] =	stream.indirect.gather [hbm4b:s4+s15], $0x80, s3, s15, $0xb8;
	[tilespmem:$0x1D000] =	vst v63  }
.LBB2_2:
0x21: {  	s26 =	sand.u32 $0x1, s24;
	p0 =	seq.s32 s23, $0x480  }
0x22: {  	s25 =	sxor.u32 $0x1, s26;
	s28 =	sadd.s32 @!p0 s23, s11;
	s30 =	simm.s32 @!p0 $0x0  }
0x23: {  	p1 =	seq.s32 @!p0 s23, $0x0;
	s25 =	sshll.u32 @!p0 s25, $0xA;
	s29 =	sadd.s32 @!p0 $0x80, s28  }
0x24: {  	[tilespmem:s25], [sflag:$0x1] =	stream.linear.gather @!p0 [hbm4b:s29+s30], $0x400, $0x38;
	[tilespmem:$0x1D000] =	vst v63  }
0x25: {  	s28 =	sadd.s32 @!p0 $0xA080, s28;
	p1 =	por p0, !p1;
	s29 =	sor.u32 @!p0 $0x800, s25  }
0x26: {  	[tilespmem:s29], [sflag:$0x1] =	stream.linear.gather @!p0 [hbm4b:s28+s30], $0x400, $0x38;
	[tilespmem:$0x1D000] =	vst v63  }
0x27: {  	_ =	swait.ge @p1 [sflag:s21], $0x3E80  }
0x28: {  	s26 =	sshll.u32 s26, $0xA;
	[sflag:s21] =	ssyncset.done @p1 $0x0  }
0x29: {  	s30 =	sor.u32 $0x80, s26;
	[sflag:s21] =	ssyncadd.s32 @p1 $0xFFFFC180  }
0x2a: {  	[tilespmem:s17], [sflag:$0x3] =	stream.indirect.gather [hbm4b:s4+s15], $0x80, s30, s15, $0xb8;
	[tilespmem:$0x1D000] =	vst v63  }
0x2b: {  	_ =	swait.ge [sflag:s18], $0x3E80  }
0x2c: {  	[sflag:s18] =	ssyncset.done $0x0  }
0x2d: {  	s31 =	sor.u32 $0x800, s26;
	[sflag:s18] =	ssyncadd.s32 $0xFFFFC180  }
0x2e: {  	[spmem:s1] =	stream.indirect.scatter.add.f32 [tilespmem:s16], [sflag:$0x4], $0x80, s31, s15, $0xb8;
	[tilespmem:$0x1D000] =	vst v63  }
0x2f: {  	_ =	swait.ge [sflag:s19], $0x3E80  }
0x30: {  	[sflag:s19] =	ssyncset.done $0x0  }
0x31: {  	s29 =	sor.u32 $0x100, s26;
	[sflag:s19] =	ssyncadd.s32 $0xFFFFC180  }
0x32: {  	[tilespmem:s16], [sflag:$0x2] =	stream.indirect.gather [hbm4b:s4+s15], $0x80, s29, s15, $0xb8;
	[tilespmem:$0x1D000] =	vst v63  }
0x33: {  	_ =	swait.ge [sflag:s20], $0x3E80  }
0x34: {  	[sflag:s20] =	ssyncset.done $0x0  }
0x35: {  	s30 =	sor.u32 $0x880, s26;
	[sflag:s20] =	ssyncadd.s32 $0xFFFFC180  }
0x36: {  	[spmem:s1] =	stream.indirect.scatter.add.f32 [tilespmem:s17], [sflag:$0x5], $0x80, s30, s15, $0xb8;
	[tilespmem:$0x1D000] =	vst v63  }
0x37: {  	_ =	swait.ge [sflag:s21], $0x3E80  }
0x38: {  	[sflag:s21] =	ssyncset.done $0x0  }
0x39: {  	s31 =	sor.u32 $0x180, s26;
	[sflag:s21] =	ssyncadd.s32 $0xFFFFC180  }
0x3a: {  	[tilespmem:s17], [sflag:$0x3] =	stream.indirect.gather [hbm4b:s4+s15], $0x80, s31, s15, $0xb8;
	[tilespmem:$0x1D000] =	vst v63  }
0x3b: {  	_ =	swait.ge [sflag:s18], $0x3E80  }
0x3c: {  	[sflag:s18] =	ssyncset.done $0x0  }
0x3d: {  	s29 =	sor.u32 $0x900, s26;
	[sflag:s18] =	ssyncadd.s32 $0xFFFFC180  }
0x3e: {  	[spmem:s1] =	stream.indirect.scatter.add.f32 [tilespmem:s16], [sflag:$0x4], $0x80, s29, s15, $0xb8;
	[tilespmem:$0x1D000] =	vst v63  }
0x3f: {  	_ =	swait.ge [sflag:s19], $0x3E80  }
0x40: {  	[sflag:s19] =	ssyncset.done $0x0  }
0x41: {  	s30 =	sor.u32 $0x200, s26;
	[sflag:s19] =	ssyncadd.s32 $0xFFFFC180  }
0x42: {  	[tilespmem:s16], [sflag:$0x2] =	stream.indirect.gather [hbm4b:s4+s15], $0x80, s30, s15, $0xb8;
	[tilespmem:$0x1D000] =	vst v63  }
0x43: {  	_ =	swait.ge [sflag:s20], $0x3E80  }
0x44: {  	[sflag:s20] =	ssyncset.done $0x0  }
0x45: {  	s31 =	sor.u32 $0x980, s26;
	[sflag:s20] =	ssyncadd.s32 $0xFFFFC180  }
0x46: {  	[spmem:s1] =	stream.indirect.scatter.add.f32 [tilespmem:s17], [sflag:$0x5], $0x80, s31, s15, $0xb8;
	[tilespmem:$0x1D000] =	vst v63  }
0x47: {  	_ =	swait.ge [sflag:s21], $0x3E80  }
0x48: {  	[sflag:s21] =	ssyncset.done $0x0  }
0x49: {  	s29 =	sor.u32 $0x280, s26;
	[sflag:s21] =	ssyncadd.s32 $0xFFFFC180  }
0x4a: {  	[tilespmem:s17], [sflag:$0x3] =	stream.indirect.gather [hbm4b:s4+s15], $0x80, s29, s15, $0xb8;
	[tilespmem:$0x1D000] =	vst v63  }
0x4b: {  	_ =	swait.ge [sflag:s18], $0x3E80  }
0x4c: {  	[sflag:s18] =	ssyncset.done $0x0  }
0x4d: {  	s30 =	sor.u32 $0xA00, s26;
	[sflag:s18] =	ssyncadd.s32 $0xFFFFC180  }
0x4e: {  	[spmem:s1] =	stream.indirect.scatter.add.f32 [tilespmem:s16], [sflag:$0x4], $0x80, s30, s15, $0xb8;
	[tilespmem:$0x1D000] =	vst v63  }
0x4f: {  	_ =	swait.ge [sflag:s19], $0x3E80  }
0x50: {  	[sflag:s19] =	ssyncset.done $0x0  }
0x51: {  	s31 =	sor.u32 $0x300, s26;
	[sflag:s19] =	ssyncadd.s32 $0xFFFFC180  }
0x52: {  	[tilespmem:s16], [sflag:$0x2] =	stream.indirect.gather [hbm4b:s4+s15], $0x80, s31, s15, $0xb8;
	[tilespmem:$0x1D000] =	vst v63  }
0x53: {  	_ =	swait.ge [sflag:s20], $0x3E80  }
0x54: {  	[sflag:s20] =	ssyncset.done $0x0  }
0x55: {  	s29 =	sor.u32 $0xA80, s26;
	[sflag:s20] =	ssyncadd.s32 $0xFFFFC180  }
0x56: {  	[spmem:s1] =	stream.indirect.scatter.add.f32 [tilespmem:s17], [sflag:$0x5], $0x80, s29, s15, $0xb8;
	[tilespmem:$0x1D000] =	vst v63  }
0x57: {  	_ =	swait.ge [sflag:s21], $0x3E80  }
0x58: {  	[sflag:s21] =	ssyncset.done $0x0  }
0x59: {  	s30 =	sor.u32 $0x380, s26;
	[sflag:s21] =	ssyncadd.s32 $0xFFFFC180  }
0x5a: {  	[tilespmem:s17], [sflag:$0x3] =	stream.indirect.gather [hbm4b:s4+s15], $0x80, s30, s15, $0xb8;
	[tilespmem:$0x1D000] =	vst v63  }
0x5b: {  	_ =	swait.ge [sflag:s18], $0x3E80  }
0x5c: {  	[sflag:s18] =	ssyncset.done $0x0  }
0x5d: {  	s26 =	sor.u32 $0xB00, s26;
	[sflag:s18] =	ssyncadd.s32 $0xFFFFC180  }
0x5e: {  	[spmem:s1] =	stream.indirect.scatter.add.f32 [tilespmem:s16], [sflag:$0x4], $0x80, s26, s15, $0xb8;
	[tilespmem:$0x1D000] =	vst v63  }
0x5f: {  	_ =	swait.ge [sflag:s19], $0x3E80  }
0x60: {  	[sflag:s19] =	ssyncset.done $0x0  }
0x61: {  	s26 =	simm.s32 @!p0 $0x1;
	[sflag:s19] =	ssyncadd.s32 $0xFFFFC180  }
0x62: {  	_ =	swait.ge @!p0 [sflag:s26], $0x400  }
0x63: {  	[sflag:s26] =	ssyncset.done @!p0 $0x0  }
0x64: {  	[sflag:s26] =	ssyncadd.s32 @!p0 $0xFFFFFC00  }
0x65: {  	_ =	swait.ge @!p0 [sflag:s26], $0x400  }
0x66: {  	s23 =	sadd.s32 $0x80, s23;
	[sflag:s26] =	ssyncset.done @!p0 $0x0  }
0x67: {  	s29 =	simm.s32 @!p0 $0x1000;
	[sflag:s26] =	ssyncadd.s32 @!p0 $0xFFFFFC00;
	s26 =	simm.s32 @!p0 $0x7D  }
0x68: {  	[tilespmem:s29], [sflag:$0x2] =	stream.indirect.gather @!p0 [hbm4b:s4+s26], $0x80, s25, s26, $0xb8;
	[tilespmem:$0x1D000] =	vst v63  }
0x69: {  	p0 =	sne.s32 s23, $0x500  }
.Ltmp0:
0x6a: {  	_ = 	snop;
	(pc) =	sbr.rel @p0 .LBB2_2-.Ltmp0, $4  }
0x6b: {  	_ =	swait.ge [sflag:s20], $0x3E80  }
0x6c: {  	[sflag:s20] =	ssyncset.done $0x0  }
0x6d: {  	s24 =	sadd.s32 $0x1, s24;
	s31 =	sor.u32 $0x800, s30;
	[sflag:s20] =	ssyncadd.s32 $0xFFFFC180  }
0x6e: {  	[spmem:s1] =	stream.indirect.scatter.add.f32 [tilespmem:s17], [sflag:$0x5], $0x80, s31, s15, $0xb8;
	[tilespmem:$0x1D000] =	vst v63  }
0x6f: {  	_ =	swait.ge [sflag:s21], $0x3E80  }
0x70: {  	s22 =	sadd.s32 $0x1, s22;
	[sflag:s21] =	ssyncset.done $0x0  }
0x71: {  	p0 =	sne.s32 s22, s10;
	[sflag:s21] =	ssyncadd.s32 $0xFFFFC180  }
.Ltmp1:
0x72: {  	[bflag:$0x0] =	sbarrier.arrive $0xFFFF;
	(pc) =	sbr.rel @p0 .LBB2_1-.Ltmp1, $4  }
0x73: {  	[hbm:s9], [sflag:s7] =	dma.local [spmem:s12], $0x2800  }
0x74: {  	_ =	swait.ge [sflag:s13], $0x2800  }
0x75: {  	[sflag:s13] =	ssyncset.done $0x0  }
0x76: {  	[sflag:s13] =	ssyncadd.s32 $0xFFFFD800  }
0x77: {  	_ =	sfence.sel $0x180000  }
0x78: {  	[bflag:$0x0] =	sbarrier.arrive $0xFFFF  }
0x79: {  	p0 =	sne.s32 s2, $0x0;
	_ =	strace $0x9000004D  }
0x7a: {  	s0 =	sadd.s32 @!p0 $0x100000, s0;
	[bflag:$0x2] =	sbarrier.arrive $0xFFFF  }
0x7b: {  	[sflag:s0] =	ssyncadd.tile.s32 @!p0 $0x1;
	_ =	shalt  }
.Lfunc_end2:
_tile_overlayer_lowered:
.L_overlay_start_2:
0x7c: {  	(tag) =	ssettag $0x2  }
0x7d: {  	s0 =	rddreg [dreg:$0x0];
	s2 =	stileid.u32  }
0x7e: {  	s1 =	rddreg [dreg:$0x1];
	p0 =	sne.s32 s2, $0x0  }
0x7f: {  	s3 =	rddreg [dreg:$0x2];
	[bflag:$0x3] =	sbarrier.arrive $0xFFFF;
	s2 =	simm.s32 @!p0 $0x1C06  }
0x80: {  	[timem:s3], [sflag:s2] =	dma.local @!p0 [hbm:s0], s1  }
0x81: {  	s0 =	simm.s32 @!p0 $0x6  }
0x82: {  	_ =	swait.ge @!p0 [sflag:s0], s1  }
0x83: {  	s1 =	ssub.s32 @!p0 $0x0, s1;
	[sflag:s0] =	ssyncset.done @!p0 $0x0  }
0x84: {  	[sflag:s0] =	ssyncadd.s32 @!p0 s1  }
0x85: {  	[bflag:$0x3] =	sbarrier.arrive $0xFFFF  }
0x86: {  	_ =	shalt  }

// kernel: kernel.22.cloned.1.call-start
scs
__scs_entry_jumppad:
0x0: {  	(pc) =	sbr.rel $0x88, $3  }
0x1: {  	(tag) =	ssettag $0x0;
	lr =	simm.s32 $0x1  }
0x2: {  	[smem:$0x3F7C] =	sst lr;
	_ =	strace $0xD0000000  }
0x3: {  	_ = 	snop  }
0x4: {  	_ = 	snop  }
0x5: {  	_ = 	snop  }
0x6: {  	_ = 	snop  }
0x7: {  	_ = 	snop  }
__scs_overlays_trampoline_lowered:
0x8: {  	[smem:$0x3F8B] =	sst s0  }
0x9: {  	[smem:$0x3F8C] =	sst s1  }
0xa: {  	[smem:$0x3F8D] =	sst s2  }
0xb: {  	[smem:$0x3F8E] =	sst s3  }
0xc: {  	[smem:$0x3F8F] =	sst s4  }
0xd: {  	[smem:$0x3F90] =	sst s5  }
0xe: {  	[smem:$0x3F91] =	sst s6  }
0xf: {  	[smem:$0x3F92] =	sst s7  }
0x10: {  	[smem:$0x3F93] =	sst s8  }
0x11: {  	[smem:$0x3F94] =	sst s9;
	s0 =	simm.s32 @!p0 $0x0  }
0x12: {  	s1 =	sld [smem:$0x3F7A];
	s0 =	simm.s32 @p0 $0x1  }
0x13: {  	[smem:$0x3F95] =	sst s0;
	s0 =	simm.s32 @!p1 $0x0  }
0x14: {  	s2 =	sld [smem:$0x3F79];
	s0 =	simm.s32 @p1 $0x1  }
0x15: {  	[smem:$0x3F96] =	sst s0;
	s0 =	simm.s32 @!p2 $0x0  }
0x16: {  	s3 =	sld [smem:$0x3FDB];
	s0 =	simm.s32 @p2 $0x1  }
0x17: {  	s4 =	simm.s32 $0x1BF5;
	[smem:$0x3F98] =	sst s0  }
0x18: {  	s0 =	sld [smem:$0x3F7B];
	_ =	swait.ge [sflag:s4], $0x0  }
0x19: {  	s7 =	sld [smem:$0x3F7C]  }
0x1a: {  	s8 =	sadd.s32 $0xFFFFE003, lr  }
0x1b: {  	s9 =	sadd.s32 $0xFFFFFEF7, lr;
	s5 =	simm.s32 $0xFFFFFFFF;
	p2 =	slt.u32 s8, $0xFFFFF086  }
0x1c: {  	p1 =	slt.u32 s9, $0xF7A;
	s5 =	simm.s32 @!p2 $0x0  }
0x1d: {  	s5 =	simm.s32 @p1 $0x1;
	p0 =	seq.s32 s7, s2  }
0x1e: {  	s7 =	smul.u32 @!p0 $0xF7A, s2;
	p2 =	seq.s32 @!p0 s5, $0x0  }
0x1f: {  	s9 =	smul.u32 $0xF7A, s1;
	s8 =	simm.s32 @!p0 $0x1BF5;
	p2 =	por !p2, p0  }
0x20: {  	[sflag:s8] =	ssyncset.s32 @!p0 $0xFFFFF086;
	s6 =	sadd.s32 @!p0 s3, s7;
	s7 =	simm.s32 @!p0 $0x108  }
0x21: {  	s3 =	sadd.s32 s3, s9;
	s6 =	sadd.s32 @!p0 $0x88, s6;
	s7 =	simm.s32 @p2 $0x1082  }
0x22: {  	[simem:s7], [sflag:s8] =	dma.local @!p0 [hbm:s6], $0xF7A  }
0x23: {  	s9 =	sor.u32 $0xD0000000, s2;
	s6 =	simm.s32 $0x108;
	_ =	swait.ge @!p0 [sflag:s8], $0x0  }
0x24: {  	s3 =	sadd.s32 $0x88, s3;
	s6 =	simm.s32 @!p1 $0x1082;
	[sflag:s4] =	ssyncset.s32 $0xFFFFF086  }
0x25: {  	[simem:s6], [sflag:s4] =	dma.local [hbm:s3], $0xF7A  }
0x26: {  	[smem:$0x3F7C] =	sst s1;
	(tag) =	ssettag s2;
	_ =	strace s9  }
0x27: {  	s1 =	sld [smem:$0x3F8C]  }
0x28: {  	s2 =	sld [smem:$0x3F8D]  }
0x29: {  	s4 =	sld [smem:$0x3F8F]  }
0x2a: {  	p0 =	seq.s32 s5, $0x0;
	s5 =	sld [smem:$0x3F90]  }
0x2b: {  	s6 =	sld [smem:$0x3F91]  }
0x2c: {  	s7 =	sld [smem:$0x3F92]  }
0x2d: {  	s3 =	simm.s32 $0x108;
	s8 =	sld [smem:$0x3F93]  }
0x2e: {  	s3 =	simm.s32 @!p0 $0x1082;
	s9 =	sld [smem:$0x3F94]  }
0x2f: {  	lr =	sadd.s32 s0, s3;
	s0 =	sld [smem:$0x3F8B]  }
0x30: {  	s3 =	sld [smem:$0x3F8E]  }
0x31: {  	[smem:$0x3F97] =	sst s10  }
0x32: {  	s10 =	sld [smem:$0x3F95];
	_ =	sdelay $0x3  }
0x33: {  	p0 =	seq.s32 s10, $0x1;
	s10 =	sld [smem:$0x3F97];
	_ =	sdelay $0x3  }
0x34: {  	[smem:$0x3F97] =	sst s10  }
0x35: {  	s10 =	sld [smem:$0x3F96];
	_ =	sdelay $0x3  }
0x36: {  	p1 =	seq.s32 s10, $0x1;
	s10 =	sld [smem:$0x3F97];
	_ =	sdelay $0x3  }
0x37: {  	[smem:$0x3F97] =	sst s10  }
0x38: {  	s10 =	sld [smem:$0x3F98]  }
0x39: {  	_ = 	snop;
	(pc) =	sbr.ind lr, $3  }
0x3a: {  	_ = 	snop  }
0x3b: {  	_ = 	snop  }
0x3c: {  	p2 =	seq.s32 s10, $0x1;
	s10 =	sld [smem:$0x3F97]  }
0x3d: {  	_ =	shalt  }
0x3e: {  	_ =	shalt  }
0x3f: {  	_ =	shalt  }
0x40: {  	_ =	shalt  }
0x41: {  	_ =	shalt  }
0x42: {  	_ =	shalt  }
0x43: {  	_ =	shalt  }
0x44: {  	_ =	shalt  }
0x45: {  	_ =	shalt  }
0x46: {  	_ =	shalt  }
0x47: {  	_ =	shalt  }
0x48: {  	_ =	shalt  }
0x49: {  	_ =	shalt  }
0x4a: {  	_ =	shalt  }
0x4b: {  	_ =	shalt  }
0x4c: {  	_ =	shalt  }
0x4d: {  	_ =	shalt  }
0x4e: {  	_ =	shalt  }
0x4f: {  	_ =	shalt  }
0x50: {  	_ =	shalt  }
0x51: {  	_ =	shalt  }
0x52: {  	_ =	shalt  }
0x53: {  	_ =	shalt  }
0x54: {  	_ =	shalt  }
0x55: {  	_ =	shalt  }
0x56: {  	_ =	shalt  }
0x57: {  	_ =	shalt  }
0x58: {  	_ =	shalt  }
0x59: {  	_ =	shalt  }
0x5a: {  	_ =	shalt  }
0x5b: {  	_ =	shalt  }
0x5c: {  	_ =	shalt  }
0x5d: {  	_ =	shalt  }
0x5e: {  	_ =	shalt  }
0x5f: {  	_ =	shalt  }
0x60: {  	_ =	shalt  }
0x61: {  	_ =	shalt  }
0x62: {  	_ =	shalt  }
0x63: {  	_ =	shalt  }
0x64: {  	_ =	shalt  }
0x65: {  	_ =	shalt  }
0x66: {  	_ =	shalt  }
0x67: {  	_ =	shalt  }
0x68: {  	_ =	shalt  }
0x69: {  	_ =	shalt  }
0x6a: {  	_ =	shalt  }
0x6b: {  	_ =	shalt  }
0x6c: {  	_ =	shalt  }
0x6d: {  	_ =	shalt  }
0x6e: {  	_ =	shalt  }
0x6f: {  	_ =	shalt  }
0x70: {  	_ =	shalt  }
0x71: {  	_ =	shalt  }
0x72: {  	_ =	shalt  }
0x73: {  	_ =	shalt  }
0x74: {  	_ =	shalt  }
0x75: {  	_ =	shalt  }
0x76: {  	_ =	shalt  }
0x77: {  	_ =	shalt  }
0x78: {  	_ =	shalt  }
0x79: {  	_ =	shalt  }
0x7a: {  	_ =	shalt  }
0x7b: {  	_ =	shalt  }
0x7c: {  	_ =	shalt  }
0x7d: {  	_ =	shalt  }
0x7e: {  	_ =	shalt  }
0x7f: {  	_ =	shalt  }
0x80: {  	_ =	shalt  }
0x81: {  	_ =	shalt  }
0x82: {  	_ =	shalt  }
0x83: {  	_ =	shalt  }
0x84: {  	_ =	shalt  }
0x85: {  	_ =	shalt  }
0x86: {  	_ =	shalt  }
0x87: {  	_ =	shalt  }
.Lfunc_end0:
.L_simem_size_0:
called_computation.3_lowered:
.L_overlay_start_0:
0x88: {  	s2 =	sld [smem:$0x3FD9]  }
0x89: {  	s3 =	sld [smem:$0x3FFE];
	_ =	sdelay $0x1  }
0x8a: {  	s1 =	srdreg.scid  }
0x8b: {  	s0 =	sand.u32 $0x1, s1  }
0x8c: {  	s16 =	sshll.u32 s0, $0xA;
	s2 =	sadd.s32 s3, s2  }
0x8d: {  	s2 =	sadd.s32 s2, s16  }
0x8e: {  	[smem:$0x3FA3] =	sst s2  }
0x8f: {  	_ = 	snop  }
0x90: {  	(tm) =	ssettm $0x1  }
0x91: {  	s17 =	sld [smem:$0x3FFB];
	_ =	sdelay $0x3  }
0x92: {  	_ =	strace s17  }
0x93: {  	s2 =	sld [smem:$0x3FFC];
	_ =	sdelay $0x3  }
0x94: {  	_ =	strace s2  }
0x95: {  	s2 =	sld [smem:$0x3FFD];
	_ =	sdelay $0x3  }
0x96: {  	_ =	strace s2  }
0x97: {  	_ =	strace $0x8FFFFFFF  }
0x98: {  	s18 =	sld [smem:$0x3FDB];
	_ =	sdelay $0x1  }
0x99: {  	s19 =	simm.s32 $_scs_section_size  }
0x9a: {  	s4 =	simm.s32 $_size__tile_overlayer_lowered;
	s5 =	simm.s32 $_tile_overlayer_lowered  }
0x9b: {  	s22 =	simm.s32 $0x1BFF;
	s21 =	sshll.u32 s5, $0x1;
	s2 =	sadd.s32 s19, s18  }
0x9c: {  	s6 =	simm.s32 $0x0;
	s20 =	sshll.u32 s4, $0x1;
	s4 =	sadd.s32 s21, s2  }
0x9d: {  	[timem:s6], [sflag:s22] =	dma.local [hbm:s4], s20  }
0x9e: {  	_ =	swait.ge [sflag:s22], s20  }
0x9f: {  	s3 =	ssub.s32 $0x0, s20;
	[sflag:s22] =	ssyncset.done $0x0  }
0xa0: {  	[sflag:s22] =	ssyncadd.s32 s3;
	_ =	sdelay $0x1  }
0xa1: {  	s23 =	simm.s32 $0x1B8B  }
0xa2: {  	_ =	swait.ge [sflag:s23], $0x1  }
0xa3: {  	[sflag:s23] =	ssyncset.done $0x0  }
0xa4: {  	s25 =	simm.s32 $0x1B8E;
	s24 =	sld [smem:$0x3FFE];
	[sflag:s23] =	ssyncadd.s32 $0xFFFFFFFF  }
0xa5: {  	s26 =	simm.s32 $execute0_lowered;
	[smem:$0x3FD2] =	sst s25  }
0xa6: {  	s4 =	sshll.u32 s26, $0x1;
	_ =	strace $0x8000004F;
	[dreg:$0x1] =	wrdreg $0xFFFFFFFF  }
0xa7: {  	s28 =	simm.s32 $_size_execute0_lowered;
	s2 =	sadd.s32 s2, s4;
	[dreg:$0x0] =	wrdreg $0x0  }
0xa8: {  	s4 =	sshll.u32 s28, $0x1;
	[dreg:$0x2] =	wrdreg s2  }
0xa9: {  	[dreg:$0x3] =	wrdreg s4  }
0xaa: {  	[dreg:$0x4] =	wrdreg $0xC0  }
0xab: {  	_ =	task [dreg:s6], $0x5FFFF  }
0xac: {  	[dreg:$0x1] =	wrdreg $0xFFFFFFFF  }
0xad: {  	[dreg:$0x0] =	wrdreg $0x60  }
0xae: {  	[dreg:$0x2] =	wrdreg s24  }
0xaf: {  	[dreg:$0x3] =	wrdreg $0x90000  }
0xb0: {  	[dreg:$0x4] =	wrdreg $0x9  }
0xb1: {  	_ =	task.clear_ibuf [dreg:s6], $0x5FFFF;
	_ =	strace $0x9000004F  }
0xb2: {  	s29 =	simm.s32 $0x9;
	_ =	strace $0x80000051  }
0xb3: {  	_ =	swait.ge [sflag:s29], $0x1  }
0xb4: {  	[sflag:s29] =	ssyncadd.s32 $0xFFFFFFFF  }
0xb5: {  	_ =	strace $0x90000051  }
0xb6: {  	_ =	sfence  }
0xb7: {  	s30 =	sld [smem:$0x0];
	_ =	sdelay $0x2  }
0xb8: {  	s31 =	sshll.u32 s1, $0xD;
	s1 =	sshrl.u32 s1, $0x2  }
0xb9: {  	s3 =	sand.u32 $0x4000, s31;
	s1 =	sadd.s32 s1, s30  }
0xba: {  	s0 =	sor.u32 s3, s0;
	s1 =	sshll.u32 s1, $0x11  }
0xbb: {  	s0 =	sor.u32 s1, s0  }
0xbc: {  	s0 =	sadd.s32 $0x8F2B, s0  }
0xbd: {  	[sflag:s0] =	ssyncadd.remote.s32 $0x1  }
0xbe: {  	_ =	sfence.sel $0xFFFF  }
0xbf: {  	[dreg:$0x0] =	wrdreg $0xFFFFFFFF;
	(pc) =	sbr.abs _section_cstart, $3  }
0xc0: {  	[dreg:$0x1] =	wrdreg $0xFFFFFFFF  }
0xc1: {  	_ =	task.clear_ibuf [dreg:s6], $0x2FFFF;
	_ =	strace $0x9FFFFFFF  }
0xc2: {  	(tm) =	ssettm $0x7FFFFFFF  }
0xc3: {  	_ =	shalt  }
tec
execute0_lowered:
.L_overlay_start_1:
0x0: {  	(tag) =	ssettag $0x1  }
0x1: {  	s6 =	rddreg [dreg:$0x0]  }
0x2: {  	s1 =	rddreg [dreg:$0x1]  }
0x3: {  	s0 =	rddreg [dreg:$0x2]  }
0x4: {  	s3 =	simm.s32 $0x0;
	s2 =	srdreg.scid;
	s16 =	simm.s32 $0x1000  }
0x5: {  	s17 =	simm.s32 $0x5000;
	s18 =	simm.s32 $0x2;
	s19 =	simm.s32 $0x4  }
0x6: {  	s20 =	simm.s32 $0x3;
	s21 =	simm.s32 $0x5;
	s9 =	sand.u32 $0x1, s2  }
0x7: {  	s22 =	simm.s32 $0x0;
	s2 =	stileid.u32;
	s7 =	smul.u32 $0x140000, s9  }
0x8: {  	[smem:$0x7FF] =	sst s3;
	s4 =	sadd.s32 $0x1EE00, s6;
	s8 =	smul.u32 $0x14000, s2  }
0x9: {  	s11 =	sadd.s32 $0x8600, s6;
	s5 =	sadd.s32 $0x1C600, s6;
	s24 =	smul.u32 $0x50000, s2  }
0xa: {  	_ =	strace $0x80000050;
	s10 =	sshll.u32 s2, $0x1;
	s14 =	smul.u32 $0xA00, s2  }
0xb: {  	s12 =	ssub.s32 $0x2, s9;
	s31 =	sshll.u32 s2, $0x6;
	s15 =	smul.u32 $0x500, s9  }
0xc: {  	s23 =	sor.u32 s9, s10;
	s25 =	sshrl.u32 s12, $0x1;
	s7 =	sadd.s32 s8, s7  }
0xd: {  	s8 =	smul.u32 $0x2800, s23;
	s26 =	sshrl.u32 s24, $0x2;
	s28 =	ssub.s32 s12, s25  }
0xe: {  	s7 =	sshrl.u32 s7, $0x3;
	s29 =	sadd.s32 s26, s1;
	s10 =	smax.u32 s28, $0x1  }
0xf: {  	s13 =	sadd.s32 s7, s6;
	s30 =	sshrl.u32 s8, $0x3;
	s7 =	sor.u32 $0x1C06, s31  }
0x10: {  	s12 =	sshrl.u32 s29, $0x3;
	s6 =	sadd.s32 s11, s30;
	s9 =	sadd.s32 $0x46000, s13  }
0x11: {  	s11 =	sadd.s32 s14, s11;
	s13 =	simm.s32 $0x6;
	s14 =	simm.s32 $0x800  }
0x12: {  	s8 =	sadd.s32 $0xA000, s6;
	s11 =	sadd.s32 s15, s11;
	s15 =	simm.s32 $0x7D  }
.LBB2_1:
0x13: {  	[spmem:s12], [sflag:s7] =	dma.local [hbm:s5], $0x2800  }
0x14: {  	_ =	swait.ge [sflag:s13], $0x2800  }
0x15: {  	[sflag:s13] =	ssyncset.done $0x0  }
0x16: {  	[sflag:s13] =	ssyncadd.s32 $0xFFFFD800  }
0x17: {  	[tilespmem:s3], [sflag:$0x6] =	stream.linear.gather [hbm4b:s6+s3], $0x400, $0x38;
	[tilespmem:$0x1D000] =	vst v63  }
0x18: {  	_ =	swait.ge [sflag:s13], $0x400  }
0x19: {  	[sflag:s13] =	ssyncset.done $0x0  }
0x1a: {  	[sflag:s13] =	ssyncadd.s32 $0xFFFFFC00  }
0x1b: {  	[tilespmem:s14], [sflag:$0x6] =	stream.linear.gather [hbm4b:s8+s3], $0x400, $0x38;
	[tilespmem:$0x1D000] =	vst v63  }
0x1c: {  	_ =	swait.ge [sflag:s13], $0x400  }
0x1d: {  	[sflag:s13] =	ssyncset.done $0x0  }
0x1e: {  	[sflag:s13] =	ssyncadd.s32 $0xFFFFFC00  }
0x1f: {  	s23 =	simm.s32 $0x0;
	s24 =	simm.s32 $0x0;
	[bflag:$0x0] =	sbarrier.arrive $0xFFFF  }
0x20: {  	[tilespmem:s16], [sflag:$0x2] =	stream.indirect.gather [hbm4b:s4+s15], $0x80, s3, s15, $0xb8;
	[tilespmem:$0x1D000] =	vst v63  }
.LBB2_2:
0x21: {  	s26 =	sand.u32 $0x1, s24;
	p0 =	seq.s32 s23, $0x480  }
0x22: {  	s25 =	sxor.u32 $0x1, s26;
	s28 =	sadd.s32 @!p0 s23, s11;
	s30 =	simm.s32 @!p0 $0x0  }
0x23: {  	p1 =	seq.s32 @!p0 s23, $0x0;
	s25 =	sshll.u32 @!p0 s25, $0xA;
	s29 =	sadd.s32 @!p0 $0x80, s28  }
0x24: {  	[tilespmem:s25], [sflag:$0x1] =	stream.linear.gather @!p0 [hbm4b:s29+s30], $0x400, $0x38;
	[tilespmem:$0x1D000] =	vst v63  }
0x25: {  	s28 =	sadd.s32 @!p0 $0xA080, s28;
	p1 =	por p0, !p1;
	s29 =	sor.u32 @!p0 $0x800, s25  }
0x26: {  	[tilespmem:s29], [sflag:$0x1] =	stream.linear.gather @!p0 [hbm4b:s28+s30], $0x400, $0x38;
	[tilespmem:$0x1D000] =	vst v63  }
0x27: {  	_ =	swait.ge @p1 [sflag:s21], $0x3E80  }
0x28: {  	s26 =	sshll.u32 s26, $0xA;
	[sflag:s21] =	ssyncset.done @p1 $0x0  }
0x29: {  	s30 =	sor.u32 $0x80, s26;
	[sflag:s21] =	ssyncadd.s32 @p1 $0xFFFFC180  }
0x2a: {  	[tilespmem:s17], [sflag:$0x3] =	stream.indirect.gather [hbm4b:s4+s15], $0x80, s30, s15, $0xb8;
	[tilespmem:$0x1D000] =	vst v63  }
0x2b: {  	_ =	swait.ge [sflag:s18], $0x3E80  }
0x2c: {  	[sflag:s18] =	ssyncset.done $0x0  }
0x2d: {  	s31 =	sor.u32 $0x800, s26;
	[sflag:s18] =	ssyncadd.s32 $0xFFFFC180  }
0x2e: {  	[spmem:s1] =	stream.indirect.scatter.add.f32 [tilespmem:s16], [sflag:$0x4], $0x80, s31, s15, $0xb8;
	[tilespmem:$0x1D000] =	vst v63  }
0x2f: {  	_ =	swait.ge [sflag:s19], $0x3E80  }
0x30: {  	[sflag:s19] =	ssyncset.done $0x0  }
0x31: {  	s29 =	sor.u32 $0x100, s26;
	[sflag:s19] =	ssyncadd.s32 $0xFFFFC180  }
0x32: {  	[tilespmem:s16], [sflag:$0x2] =	stream.indirect.gather [hbm4b:s4+s15], $0x80, s29, s15, $0xb8;
	[tilespmem:$0x1D000] =	vst v63  }
0x33: {  	_ =	swait.ge [sflag:s20], $0x3E80  }
0x34: {  	[sflag:s20] =	ssyncset.done $0x0  }
0x35: {  	s30 =	sor.u32 $0x880, s26;
	[sflag:s20] =	ssyncadd.s32 $0xFFFFC180  }
0x36: {  	[spmem:s1] =	stream.indirect.scatter.add.f32 [tilespmem:s17], [sflag:$0x5], $0x80, s30, s15, $0xb8;
	[tilespmem:$0x1D000] =	vst v63  }
0x37: {  	_ =	swait.ge [sflag:s21], $0x3E80  }
0x38: {  	[sflag:s21] =	ssyncset.done $0x0  }
0x39: {  	s31 =	sor.u32 $0x180, s26;
	[sflag:s21] =	ssyncadd.s32 $0xFFFFC180  }
0x3a: {  	[tilespmem:s17], [sflag:$0x3] =	stream.indirect.gather [hbm4b:s4+s15], $0x80, s31, s15, $0xb8;
	[tilespmem:$0x1D000] =	vst v63  }
0x3b: {  	_ =	swait.ge [sflag:s18], $0x3E80  }
0x3c: {  	[sflag:s18] =	ssyncset.done $0x0  }
0x3d: {  	s29 =	sor.u32 $0x900, s26;
	[sflag:s18] =	ssyncadd.s32 $0xFFFFC180  }
0x3e: {  	[spmem:s1] =	stream.indirect.scatter.add.f32 [tilespmem:s16], [sflag:$0x4], $0x80, s29, s15, $0xb8;
	[tilespmem:$0x1D000] =	vst v63  }
0x3f: {  	_ =	swait.ge [sflag:s19], $0x3E80  }
0x40: {  	[sflag:s19] =	ssyncset.done $0x0  }
0x41: {  	s30 =	sor.u32 $0x200, s26;
	[sflag:s19] =	ssyncadd.s32 $0xFFFFC180  }
0x42: {  	[tilespmem:s16], [sflag:$0x2] =	stream.indirect.gather [hbm4b:s4+s15], $0x80, s30, s15, $0xb8;
	[tilespmem:$0x1D000] =	vst v63  }
0x43: {  	_ =	swait.ge [sflag:s20], $0x3E80  }
0x44: {  	[sflag:s20] =	ssyncset.done $0x0  }
0x45: {  	s31 =	sor.u32 $0x980, s26;
	[sflag:s20] =	ssyncadd.s32 $0xFFFFC180  }
0x46: {  	[spmem:s1] =	stream.indirect.scatter.add.f32 [tilespmem:s17], [sflag:$0x5], $0x80, s31, s15, $0xb8;
	[tilespmem:$0x1D000] =	vst v63  }
0x47: {  	_ =	swait.ge [sflag:s21], $0x3E80  }
0x48: {  	[sflag:s21] =	ssyncset.done $0x0  }
0x49: {  	s29 =	sor.u32 $0x280, s26;
	[sflag:s21] =	ssyncadd.s32 $0xFFFFC180  }
0x4a: {  	[tilespmem:s17], [sflag:$0x3] =	stream.indirect.gather [hbm4b:s4+s15], $0x80, s29, s15, $0xb8;
	[tilespmem:$0x1D000] =	vst v63  }
0x4b: {  	_ =	swait.ge [sflag:s18], $0x3E80  }
0x4c: {  	[sflag:s18] =	ssyncset.done $0x0  }
0x4d: {  	s30 =	sor.u32 $0xA00, s26;
	[sflag:s18] =	ssyncadd.s32 $0xFFFFC180  }
0x4e: {  	[spmem:s1] =	stream.indirect.scatter.add.f32 [tilespmem:s16], [sflag:$0x4], $0x80, s30, s15, $0xb8;
	[tilespmem:$0x1D000] =	vst v63  }
0x4f: {  	_ =	swait.ge [sflag:s19], $0x3E80  }
0x50: {  	[sflag:s19] =	ssyncset.done $0x0  }
0x51: {  	s31 =	sor.u32 $0x300, s26;
	[sflag:s19] =	ssyncadd.s32 $0xFFFFC180  }
0x52: {  	[tilespmem:s16], [sflag:$0x2] =	stream.indirect.gather [hbm4b:s4+s15], $0x80, s31, s15, $0xb8;
	[tilespmem:$0x1D000] =	vst v63  }
0x53: {  	_ =	swait.ge [sflag:s20], $0x3E80  }
0x54: {  	[sflag:s20] =	ssyncset.done $0x0  }
0x55: {  	s29 =	sor.u32 $0xA80, s26;
	[sflag:s20] =	ssyncadd.s32 $0xFFFFC180  }
0x56: {  	[spmem:s1] =	stream.indirect.scatter.add.f32 [tilespmem:s17], [sflag:$0x5], $0x80, s29, s15, $0xb8;
	[tilespmem:$0x1D000] =	vst v63  }
0x57: {  	_ =	swait.ge [sflag:s21], $0x3E80  }
0x58: {  	[sflag:s21] =	ssyncset.done $0x0  }
0x59: {  	s30 =	sor.u32 $0x380, s26;
	[sflag:s21] =	ssyncadd.s32 $0xFFFFC180  }
0x5a: {  	[tilespmem:s17], [sflag:$0x3] =	stream.indirect.gather [hbm4b:s4+s15], $0x80, s30, s15, $0xb8;
	[tilespmem:$0x1D000] =	vst v63  }
0x5b: {  	_ =	swait.ge [sflag:s18], $0x3E80  }
0x5c: {  	[sflag:s18] =	ssyncset.done $0x0  }
0x5d: {  	s26 =	sor.u32 $0xB00, s26;
	[sflag:s18] =	ssyncadd.s32 $0xFFFFC180  }
0x5e: {  	[spmem:s1] =	stream.indirect.scatter.add.f32 [tilespmem:s16], [sflag:$0x4], $0x80, s26, s15, $0xb8;
	[tilespmem:$0x1D000] =	vst v63  }
0x5f: {  	_ =	swait.ge [sflag:s19], $0x3E80  }
0x60: {  	[sflag:s19] =	ssyncset.done $0x0  }
0x61: {  	s26 =	simm.s32 @!p0 $0x1;
	[sflag:s19] =	ssyncadd.s32 $0xFFFFC180  }
0x62: {  	_ =	swait.ge @!p0 [sflag:s26], $0x400  }
0x63: {  	[sflag:s26] =	ssyncset.done @!p0 $0x0  }
0x64: {  	[sflag:s26] =	ssyncadd.s32 @!p0 $0xFFFFFC00  }
0x65: {  	_ =	swait.ge @!p0 [sflag:s26], $0x400  }
0x66: {  	s23 =	sadd.s32 $0x80, s23;
	[sflag:s26] =	ssyncset.done @!p0 $0x0  }
0x67: {  	s29 =	simm.s32 @!p0 $0x1000;
	[sflag:s26] =	ssyncadd.s32 @!p0 $0xFFFFFC00;
	s26 =	simm.s32 @!p0 $0x7D  }
0x68: {  	[tilespmem:s29], [sflag:$0x2] =	stream.indirect.gather @!p0 [hbm4b:s4+s26], $0x80, s25, s26, $0xb8;
	[tilespmem:$0x1D000] =	vst v63  }
0x69: {  	p0 =	sne.s32 s23, $0x500  }
.Ltmp0:
0x6a: {  	_ = 	snop;
	(pc) =	sbr.rel @p0 .LBB2_2-.Ltmp0, $4  }
0x6b: {  	_ =	swait.ge [sflag:s20], $0x3E80  }
0x6c: {  	[sflag:s20] =	ssyncset.done $0x0  }
0x6d: {  	s24 =	sadd.s32 $0x1, s24;
	s31 =	sor.u32 $0x800, s30;
	[sflag:s20] =	ssyncadd.s32 $0xFFFFC180  }
0x6e: {  	[spmem:s1] =	stream.indirect.scatter.add.f32 [tilespmem:s17], [sflag:$0x5], $0x80, s31, s15, $0xb8;
	[tilespmem:$0x1D000] =	vst v63  }
0x6f: {  	_ =	swait.ge [sflag:s21], $0x3E80  }
0x70: {  	s22 =	sadd.s32 $0x1, s22;
	[sflag:s21] =	ssyncset.done $0x0  }
0x71: {  	p0 =	sne.s32 s22, s10;
	[sflag:s21] =	ssyncadd.s32 $0xFFFFC180  }
.Ltmp1:
0x72: {  	[bflag:$0x0] =	sbarrier.arrive $0xFFFF;
	(pc) =	sbr.rel @p0 .LBB2_1-.Ltmp1, $4  }
0x73: {  	[hbm:s9], [sflag:s7] =	dma.local [spmem:s12], $0x2800  }
0x74: {  	_ =	swait.ge [sflag:s13], $0x2800  }
0x75: {  	[sflag:s13] =	ssyncset.done $0x0  }
0x76: {  	[sflag:s13] =	ssyncadd.s32 $0xFFFFD800  }
0x77: {  	_ =	sfence.sel $0x180000  }
0x78: {  	[bflag:$0x0] =	sbarrier.arrive $0xFFFF  }
0x79: {  	p0 =	sne.s32 s2, $0x0;
	_ =	strace $0x90000050  }
0x7a: {  	s0 =	sadd.s32 @!p0 $0x100000, s0;
	[bflag:$0x2] =	sbarrier.arrive $0xFFFF  }
0x7b: {  	[sflag:s0] =	ssyncadd.tile.s32 @!p0 $0x1;
	_ =	shalt  }
.Lfunc_end2:
_tile_overlayer_lowered:
.L_overlay_start_2:
0x7c: {  	(tag) =	ssettag $0x2  }
0x7d: {  	s0 =	rddreg [dreg:$0x0];
	s2 =	stileid.u32  }
0x7e: {  	s1 =	rddreg [dreg:$0x1];
	p0 =	sne.s32 s2, $0x0  }
0x7f: {  	s3 =	rddreg [dreg:$0x2];
	[bflag:$0x3] =	sbarrier.arrive $0xFFFF;
	s2 =	simm.s32 @!p0 $0x1C06  }
0x80: {  	[timem:s3], [sflag:s2] =	dma.local @!p0 [hbm:s0], s1  }
0x81: {  	s0 =	simm.s32 @!p0 $0x6  }
0x82: {  	_ =	swait.ge @!p0 [sflag:s0], s1  }
0x83: {  	s1 =	ssub.s32 @!p0 $0x0, s1;
	[sflag:s0] =	ssyncset.done @!p0 $0x0  }
0x84: {  	[sflag:s0] =	ssyncadd.s32 @!p0 s1  }
0x85: {  	[bflag:$0x3] =	sbarrier.arrive $0xFFFF  }
0x86: {  	_ =	shalt  }

// kernel: kernel.25.cloned.1.call-start
scs
__scs_entry_jumppad:
0x0: {  	(pc) =	sbr.rel $0x88, $3  }
0x1: {  	(tag) =	ssettag $0x0;
	lr =	simm.s32 $0x1  }
0x2: {  	[smem:$0x3F7C] =	sst lr;
	_ =	strace $0xD0000000  }
0x3: {  	_ = 	snop  }
0x4: {  	_ = 	snop  }
0x5: {  	_ = 	snop  }
0x6: {  	_ = 	snop  }
0x7: {  	_ = 	snop  }
__scs_overlays_trampoline_lowered:
0x8: {  	[smem:$0x3F8B] =	sst s0  }
0x9: {  	[smem:$0x3F8C] =	sst s1  }
0xa: {  	[smem:$0x3F8D] =	sst s2  }
0xb: {  	[smem:$0x3F8E] =	sst s3  }
0xc: {  	[smem:$0x3F8F] =	sst s4  }
0xd: {  	[smem:$0x3F90] =	sst s5  }
0xe: {  	[smem:$0x3F91] =	sst s6  }
0xf: {  	[smem:$0x3F92] =	sst s7  }
0x10: {  	[smem:$0x3F93] =	sst s8  }
0x11: {  	[smem:$0x3F94] =	sst s9;
	s0 =	simm.s32 @!p0 $0x0  }
0x12: {  	s1 =	sld [smem:$0x3F7A];
	s0 =	simm.s32 @p0 $0x1  }
0x13: {  	[smem:$0x3F95] =	sst s0;
	s0 =	simm.s32 @!p1 $0x0  }
0x14: {  	s2 =	sld [smem:$0x3F79];
	s0 =	simm.s32 @p1 $0x1  }
0x15: {  	[smem:$0x3F96] =	sst s0;
	s0 =	simm.s32 @!p2 $0x0  }
0x16: {  	s3 =	sld [smem:$0x3FDB];
	s0 =	simm.s32 @p2 $0x1  }
0x17: {  	s4 =	simm.s32 $0x1BF5;
	[smem:$0x3F98] =	sst s0  }
0x18: {  	s0 =	sld [smem:$0x3F7B];
	_ =	swait.ge [sflag:s4], $0x0  }
0x19: {  	s7 =	sld [smem:$0x3F7C]  }
0x1a: {  	s8 =	sadd.s32 $0xFFFFE003, lr  }
0x1b: {  	s9 =	sadd.s32 $0xFFFFFEF7, lr;
	s5 =	simm.s32 $0xFFFFFFFF;
	p2 =	slt.u32 s8, $0xFFFFF086  }
0x1c: {  	p1 =	slt.u32 s9, $0xF7A;
	s5 =	simm.s32 @!p2 $0x0  }
0x1d: {  	s5 =	simm.s32 @p1 $0x1;
	p0 =	seq.s32 s7, s2  }
0x1e: {  	s7 =	smul.u32 @!p0 $0xF7A, s2;
	p2 =	seq.s32 @!p0 s5, $0x0  }
0x1f: {  	s9 =	smul.u32 $0xF7A, s1;
	s8 =	simm.s32 @!p0 $0x1BF5;
	p2 =	por !p2, p0  }
0x20: {  	[sflag:s8] =	ssyncset.s32 @!p0 $0xFFFFF086;
	s6 =	sadd.s32 @!p0 s3, s7;
	s7 =	simm.s32 @!p0 $0x108  }
0x21: {  	s3 =	sadd.s32 s3, s9;
	s6 =	sadd.s32 @!p0 $0x88, s6;
	s7 =	simm.s32 @p2 $0x1082  }
0x22: {  	[simem:s7], [sflag:s8] =	dma.local @!p0 [hbm:s6], $0xF7A  }
0x23: {  	s9 =	sor.u32 $0xD0000000, s2;
	s6 =	simm.s32 $0x108;
	_ =	swait.ge @!p0 [sflag:s8], $0x0  }
0x24: {  	s3 =	sadd.s32 $0x88, s3;
	s6 =	simm.s32 @!p1 $0x1082;
	[sflag:s4] =	ssyncset.s32 $0xFFFFF086  }
0x25: {  	[simem:s6], [sflag:s4] =	dma.local [hbm:s3], $0xF7A  }
0x26: {  	[smem:$0x3F7C] =	sst s1;
	(tag) =	ssettag s2;
	_ =	strace s9  }
0x27: {  	s1 =	sld [smem:$0x3F8C]  }
0x28: {  	s2 =	sld [smem:$0x3F8D]  }
0x29: {  	s4 =	sld [smem:$0x3F8F]  }
0x2a: {  	p0 =	seq.s32 s5, $0x0;
	s5 =	sld [smem:$0x3F90]  }
0x2b: {  	s6 =	sld [smem:$0x3F91]  }
0x2c: {  	s7 =	sld [smem:$0x3F92]  }
0x2d: {  	s3 =	simm.s32 $0x108;
	s8 =	sld [smem:$0x3F93]  }
0x2e: {  	s3 =	simm.s32 @!p0 $0x1082;
	s9 =	sld [smem:$0x3F94]  }
0x2f: {  	lr =	sadd.s32 s0, s3;
	s0 =	sld [smem:$0x3F8B]  }
0x30: {  	s3 =	sld [smem:$0x3F8E]  }
0x31: {  	[smem:$0x3F97] =	sst s10  }
0x32: {  	s10 =	sld [smem:$0x3F95];
	_ =	sdelay $0x3  }
0x33: {  	p0 =	seq.s32 s10, $0x1;
	s10 =	sld [smem:$0x3F97];
	_ =	sdelay $0x3  }
0x34: {  	[smem:$0x3F97] =	sst s10  }
0x35: {  	s10 =	sld [smem:$0x3F96];
	_ =	sdelay $0x3  }
0x36: {  	p1 =	seq.s32 s10, $0x1;
	s10 =	sld [smem:$0x3F97];
	_ =	sdelay $0x3  }
0x37: {  	[smem:$0x3F97] =	sst s10  }
0x38: {  	s10 =	sld [smem:$0x3F98]  }
0x39: {  	_ = 	snop;
	(pc) =	sbr.ind lr, $3  }
0x3a: {  	_ = 	snop  }
0x3b: {  	_ = 	snop  }
0x3c: {  	p2 =	seq.s32 s10, $0x1;
	s10 =	sld [smem:$0x3F97]  }
0x3d: {  	_ =	shalt  }
0x3e: {  	_ =	shalt  }
0x3f: {  	_ =	shalt  }
0x40: {  	_ =	shalt  }
0x41: {  	_ =	shalt  }
0x42: {  	_ =	shalt  }
0x43: {  	_ =	shalt  }
0x44: {  	_ =	shalt  }
0x45: {  	_ =	shalt  }
0x46: {  	_ =	shalt  }
0x47: {  	_ =	shalt  }
0x48: {  	_ =	shalt  }
0x49: {  	_ =	shalt  }
0x4a: {  	_ =	shalt  }
0x4b: {  	_ =	shalt  }
0x4c: {  	_ =	shalt  }
0x4d: {  	_ =	shalt  }
0x4e: {  	_ =	shalt  }
0x4f: {  	_ =	shalt  }
0x50: {  	_ =	shalt  }
0x51: {  	_ =	shalt  }
0x52: {  	_ =	shalt  }
0x53: {  	_ =	shalt  }
0x54: {  	_ =	shalt  }
0x55: {  	_ =	shalt  }
0x56: {  	_ =	shalt  }
0x57: {  	_ =	shalt  }
0x58: {  	_ =	shalt  }
0x59: {  	_ =	shalt  }
0x5a: {  	_ =	shalt  }
0x5b: {  	_ =	shalt  }
0x5c: {  	_ =	shalt  }
0x5d: {  	_ =	shalt  }
0x5e: {  	_ =	shalt  }
0x5f: {  	_ =	shalt  }
0x60: {  	_ =	shalt  }
0x61: {  	_ =	shalt  }
0x62: {  	_ =	shalt  }
0x63: {  	_ =	shalt  }
0x64: {  	_ =	shalt  }
0x65: {  	_ =	shalt  }
0x66: {  	_ =	shalt  }
0x67: {  	_ =	shalt  }
0x68: {  	_ =	shalt  }
0x69: {  	_ =	shalt  }
0x6a: {  	_ =	shalt  }
0x6b: {  	_ =	shalt  }
0x6c: {  	_ =	shalt  }
0x6d: {  	_ =	shalt  }
0x6e: {  	_ =	shalt  }
0x6f: {  	_ =	shalt  }
0x70: {  	_ =	shalt  }
0x71: {  	_ =	shalt  }
0x72: {  	_ =	shalt  }
0x73: {  	_ =	shalt  }
0x74: {  	_ =	shalt  }
0x75: {  	_ =	shalt  }
0x76: {  	_ =	shalt  }
0x77: {  	_ =	shalt  }
0x78: {  	_ =	shalt  }
0x79: {  	_ =	shalt  }
0x7a: {  	_ =	shalt  }
0x7b: {  	_ =	shalt  }
0x7c: {  	_ =	shalt  }
0x7d: {  	_ =	shalt  }
0x7e: {  	_ =	shalt  }
0x7f: {  	_ =	shalt  }
0x80: {  	_ =	shalt  }
0x81: {  	_ =	shalt  }
0x82: {  	_ =	shalt  }
0x83: {  	_ =	shalt  }
0x84: {  	_ =	shalt  }
0x85: {  	_ =	shalt  }
0x86: {  	_ =	shalt  }
0x87: {  	_ =	shalt  }
.Lfunc_end0:
.L_simem_size_0:
called_computation.4_lowered:
.L_overlay_start_0:
0x88: {  	s2 =	sld [smem:$0x3FD9]  }
0x89: {  	s3 =	sld [smem:$0x3FFE];
	_ =	sdelay $0x1  }
0x8a: {  	s1 =	srdreg.scid  }
0x8b: {  	s0 =	sand.u32 $0x1, s1  }
0x8c: {  	s16 =	sshll.u32 s0, $0xA;
	s2 =	sadd.s32 s3, s2  }
0x8d: {  	s2 =	sadd.s32 s2, s16  }
0x8e: {  	[smem:$0x3FA3] =	sst s2  }
0x8f: {  	_ = 	snop  }
0x90: {  	(tm) =	ssettm $0x1  }
0x91: {  	s17 =	sld [smem:$0x3FFB];
	_ =	sdelay $0x3  }
0x92: {  	_ =	strace s17  }
0x93: {  	s2 =	sld [smem:$0x3FFC];
	_ =	sdelay $0x3  }
0x94: {  	_ =	strace s2  }
0x95: {  	s2 =	sld [smem:$0x3FFD];
	_ =	sdelay $0x3  }
0x96: {  	_ =	strace s2  }
0x97: {  	_ =	strace $0x8FFFFFFF  }
0x98: {  	s18 =	sld [smem:$0x3FDB];
	_ =	sdelay $0x1  }
0x99: {  	s19 =	simm.s32 $_scs_section_size  }
0x9a: {  	s4 =	simm.s32 $_size__tile_overlayer_lowered;
	s5 =	simm.s32 $_tile_overlayer_lowered  }
0x9b: {  	s22 =	simm.s32 $0x1BFF;
	s21 =	sshll.u32 s5, $0x1;
	s2 =	sadd.s32 s19, s18  }
0x9c: {  	s6 =	simm.s32 $0x0;
	s20 =	sshll.u32 s4, $0x1;
	s4 =	sadd.s32 s21, s2  }
0x9d: {  	[timem:s6], [sflag:s22] =	dma.local [hbm:s4], s20  }
0x9e: {  	_ =	swait.ge [sflag:s22], s20  }
0x9f: {  	s3 =	ssub.s32 $0x0, s20;
	[sflag:s22] =	ssyncset.done $0x0  }
0xa0: {  	[sflag:s22] =	ssyncadd.s32 s3;
	_ =	sdelay $0x1  }
0xa1: {  	s23 =	simm.s32 $0x1B8B  }
0xa2: {  	_ =	swait.ge [sflag:s23], $0x1  }
0xa3: {  	[sflag:s23] =	ssyncset.done $0x0  }
0xa4: {  	s25 =	simm.s32 $0x1B8E;
	s24 =	sld [smem:$0x3FFE];
	[sflag:s23] =	ssyncadd.s32 $0xFFFFFFFF  }
0xa5: {  	s26 =	simm.s32 $execute0_lowered;
	[smem:$0x3FD2] =	sst s25  }
0xa6: {  	s4 =	sshll.u32 s26, $0x1;
	_ =	strace $0x80000052;
	[dreg:$0x1] =	wrdreg $0xFFFFFFFF  }
0xa7: {  	s28 =	simm.s32 $_size_execute0_lowered;
	s2 =	sadd.s32 s2, s4;
	[dreg:$0x0] =	wrdreg $0x0  }
0xa8: {  	s4 =	sshll.u32 s28, $0x1;
	[dreg:$0x2] =	wrdreg s2  }
0xa9: {  	[dreg:$0x3] =	wrdreg s4  }
0xaa: {  	[dreg:$0x4] =	wrdreg $0xC0  }
0xab: {  	_ =	task [dreg:s6], $0x5FFFF  }
0xac: {  	[dreg:$0x1] =	wrdreg $0xFFFFFFFF  }
0xad: {  	[dreg:$0x0] =	wrdreg $0x60  }
0xae: {  	[dreg:$0x2] =	wrdreg s24  }
0xaf: {  	[dreg:$0x3] =	wrdreg $0x90000  }
0xb0: {  	[dreg:$0x4] =	wrdreg $0x9  }
0xb1: {  	_ =	task.clear_ibuf [dreg:s6], $0x5FFFF;
	_ =	strace $0x90000052  }
0xb2: {  	s29 =	simm.s32 $0x9;
	_ =	strace $0x80000054  }
0xb3: {  	_ =	swait.ge [sflag:s29], $0x1  }
0xb4: {  	[sflag:s29] =	ssyncadd.s32 $0xFFFFFFFF  }
0xb5: {  	_ =	strace $0x90000054  }
0xb6: {  	_ =	sfence  }
0xb7: {  	s30 =	sld [smem:$0x0];
	_ =	sdelay $0x2  }
0xb8: {  	s31 =	sshll.u32 s1, $0xD;
	s1 =	sshrl.u32 s1, $0x2  }
0xb9: {  	s3 =	sand.u32 $0x4000, s31;
	s1 =	sadd.s32 s1, s30  }
0xba: {  	s0 =	sor.u32 s3, s0;
	s1 =	sshll.u32 s1, $0x11  }
0xbb: {  	s0 =	sor.u32 s1, s0  }
0xbc: {  	s0 =	sadd.s32 $0x8F2B, s0  }
0xbd: {  	[sflag:s0] =	ssyncadd.remote.s32 $0x1  }
0xbe: {  	_ =	sfence.sel $0xFFFF  }
0xbf: {  	[dreg:$0x0] =	wrdreg $0xFFFFFFFF;
	(pc) =	sbr.abs _section_cstart, $3  }
0xc0: {  	[dreg:$0x1] =	wrdreg $0xFFFFFFFF  }
0xc1: {  	_ =	task.clear_ibuf [dreg:s6], $0x2FFFF;
	_ =	strace $0x9FFFFFFF  }
0xc2: {  	(tm) =	ssettm $0x7FFFFFFF  }
0xc3: {  	_ =	shalt  }
tec
execute0_lowered:
.L_overlay_start_1:
0x0: {  	(tag) =	ssettag $0x1  }
0x1: {  	s6 =	rddreg [dreg:$0x0]  }
0x2: {  	s1 =	rddreg [dreg:$0x1]  }
0x3: {  	s0 =	rddreg [dreg:$0x2]  }
0x4: {  	s3 =	simm.s32 $0x0;
	s2 =	srdreg.scid;
	s16 =	simm.s32 $0x1000  }
0x5: {  	s17 =	simm.s32 $0x5000;
	s18 =	simm.s32 $0x2;
	s19 =	simm.s32 $0x4  }
0x6: {  	s20 =	simm.s32 $0x3;
	s21 =	simm.s32 $0x5;
	s9 =	sand.u32 $0x1, s2  }
0x7: {  	s22 =	simm.s32 $0x0;
	s2 =	stileid.u32;
	s7 =	smul.u32 $0x140000, s9  }
0x8: {  	[smem:$0x7FF] =	sst s3;
	s4 =	sadd.s32 $0x1EE00, s6;
	s8 =	smul.u32 $0x14000, s2  }
0x9: {  	s11 =	sadd.s32 $0x8600, s6;
	s5 =	sadd.s32 $0x1C600, s6;
	s24 =	smul.u32 $0x50000, s2  }
0xa: {  	_ =	strace $0x80000053;
	s10 =	sshll.u32 s2, $0x1;
	s14 =	smul.u32 $0xA00, s2  }
0xb: {  	s12 =	ssub.s32 $0x2, s9;
	s31 =	sshll.u32 s2, $0x6;
	s15 =	smul.u32 $0x500, s9  }
0xc: {  	s23 =	sor.u32 s9, s10;
	s25 =	sshrl.u32 s12, $0x1;
	s7 =	sadd.s32 s8, s7  }
0xd: {  	s8 =	smul.u32 $0x2800, s23;
	s26 =	sshrl.u32 s24, $0x2;
	s28 =	ssub.s32 s12, s25  }
0xe: {  	s7 =	sshrl.u32 s7, $0x3;
	s29 =	sadd.s32 s26, s1;
	s10 =	smax.u32 s28, $0x1  }
0xf: {  	s13 =	sadd.s32 s7, s6;
	s30 =	sshrl.u32 s8, $0x3;
	s7 =	sor.u32 $0x1C06, s31  }
0x10: {  	s12 =	sshrl.u32 s29, $0x3;
	s6 =	sadd.s32 s11, s30;
	s9 =	sadd.s32 $0x46000, s13  }
0x11: {  	s11 =	sadd.s32 s14, s11;
	s13 =	simm.s32 $0x6;
	s14 =	simm.s32 $0x800  }
0x12: {  	s8 =	sadd.s32 $0xA000, s6;
	s11 =	sadd.s32 s15, s11;
	s15 =	simm.s32 $0x7D  }
.LBB2_1:
0x13: {  	[spmem:s12], [sflag:s7] =	dma.local [hbm:s5], $0x2800  }
0x14: {  	_ =	swait.ge [sflag:s13], $0x2800  }
0x15: {  	[sflag:s13] =	ssyncset.done $0x0  }
0x16: {  	[sflag:s13] =	ssyncadd.s32 $0xFFFFD800  }
0x17: {  	[tilespmem:s3], [sflag:$0x6] =	stream.linear.gather [hbm4b:s6+s3], $0x400, $0x38;
	[tilespmem:$0x1D000] =	vst v63  }
0x18: {  	_ =	swait.ge [sflag:s13], $0x400  }
0x19: {  	[sflag:s13] =	ssyncset.done $0x0  }
0x1a: {  	[sflag:s13] =	ssyncadd.s32 $0xFFFFFC00  }
0x1b: {  	[tilespmem:s14], [sflag:$0x6] =	stream.linear.gather [hbm4b:s8+s3], $0x400, $0x38;
	[tilespmem:$0x1D000] =	vst v63  }
0x1c: {  	_ =	swait.ge [sflag:s13], $0x400  }
0x1d: {  	[sflag:s13] =	ssyncset.done $0x0  }
0x1e: {  	[sflag:s13] =	ssyncadd.s32 $0xFFFFFC00  }
0x1f: {  	s23 =	simm.s32 $0x0;
	s24 =	simm.s32 $0x0;
	[bflag:$0x0] =	sbarrier.arrive $0xFFFF  }
0x20: {  	[tilespmem:s16], [sflag:$0x2] =	stream.indirect.gather [hbm4b:s4+s15], $0x80, s3, s15, $0xb8;
	[tilespmem:$0x1D000] =	vst v63  }
.LBB2_2:
0x21: {  	s26 =	sand.u32 $0x1, s24;
	p0 =	seq.s32 s23, $0x480  }
0x22: {  	s25 =	sxor.u32 $0x1, s26;
	s28 =	sadd.s32 @!p0 s23, s11;
	s30 =	simm.s32 @!p0 $0x0  }
0x23: {  	p1 =	seq.s32 @!p0 s23, $0x0;
	s25 =	sshll.u32 @!p0 s25, $0xA;
	s29 =	sadd.s32 @!p0 $0x80, s28  }
0x24: {  	[tilespmem:s25], [sflag:$0x1] =	stream.linear.gather @!p0 [hbm4b:s29+s30], $0x400, $0x38;
	[tilespmem:$0x1D000] =	vst v63  }
0x25: {  	s28 =	sadd.s32 @!p0 $0xA080, s28;
	p1 =	por p0, !p1;
	s29 =	sor.u32 @!p0 $0x800, s25  }
0x26: {  	[tilespmem:s29], [sflag:$0x1] =	stream.linear.gather @!p0 [hbm4b:s28+s30], $0x400, $0x38;
	[tilespmem:$0x1D000] =	vst v63  }
0x27: {  	_ =	swait.ge @p1 [sflag:s21], $0x3E80  }
0x28: {  	s26 =	sshll.u32 s26, $0xA;
	[sflag:s21] =	ssyncset.done @p1 $0x0  }
0x29: {  	s30 =	sor.u32 $0x80, s26;
	[sflag:s21] =	ssyncadd.s32 @p1 $0xFFFFC180  }
0x2a: {  	[tilespmem:s17], [sflag:$0x3] =	stream.indirect.gather [hbm4b:s4+s15], $0x80, s30, s15, $0xb8;
	[tilespmem:$0x1D000] =	vst v63  }
0x2b: {  	_ =	swait.ge [sflag:s18], $0x3E80  }
0x2c: {  	[sflag:s18] =	ssyncset.done $0x0  }
0x2d: {  	s31 =	sor.u32 $0x800, s26;
	[sflag:s18] =	ssyncadd.s32 $0xFFFFC180  }
0x2e: {  	[spmem:s1] =	stream.indirect.scatter.add.f32 [tilespmem:s16], [sflag:$0x4], $0x80, s31, s15, $0xb8;
	[tilespmem:$0x1D000] =	vst v63  }
0x2f: {  	_ =	swait.ge [sflag:s19], $0x3E80  }
0x30: {  	[sflag:s19] =	ssyncset.done $0x0  }
0x31: {  	s29 =	sor.u32 $0x100, s26;
	[sflag:s19] =	ssyncadd.s32 $0xFFFFC180  }
0x32: {  	[tilespmem:s16], [sflag:$0x2] =	stream.indirect.gather [hbm4b:s4+s15], $0x80, s29, s15, $0xb8;
	[tilespmem:$0x1D000] =	vst v63  }
0x33: {  	_ =	swait.ge [sflag:s20], $0x3E80  }
0x34: {  	[sflag:s20] =	ssyncset.done $0x0  }
0x35: {  	s30 =	sor.u32 $0x880, s26;
	[sflag:s20] =	ssyncadd.s32 $0xFFFFC180  }
0x36: {  	[spmem:s1] =	stream.indirect.scatter.add.f32 [tilespmem:s17], [sflag:$0x5], $0x80, s30, s15, $0xb8;
	[tilespmem:$0x1D000] =	vst v63  }
0x37: {  	_ =	swait.ge [sflag:s21], $0x3E80  }
0x38: {  	[sflag:s21] =	ssyncset.done $0x0  }
0x39: {  	s31 =	sor.u32 $0x180, s26;
	[sflag:s21] =	ssyncadd.s32 $0xFFFFC180  }
0x3a: {  	[tilespmem:s17], [sflag:$0x3] =	stream.indirect.gather [hbm4b:s4+s15], $0x80, s31, s15, $0xb8;
	[tilespmem:$0x1D000] =	vst v63  }
0x3b: {  	_ =	swait.ge [sflag:s18], $0x3E80  }
0x3c: {  	[sflag:s18] =	ssyncset.done $0x0  }
0x3d: {  	s29 =	sor.u32 $0x900, s26;
	[sflag:s18] =	ssyncadd.s32 $0xFFFFC180  }
0x3e: {  	[spmem:s1] =	stream.indirect.scatter.add.f32 [tilespmem:s16], [sflag:$0x4], $0x80, s29, s15, $0xb8;
	[tilespmem:$0x1D000] =	vst v63  }
0x3f: {  	_ =	swait.ge [sflag:s19], $0x3E80  }
0x40: {  	[sflag:s19] =	ssyncset.done $0x0  }
0x41: {  	s30 =	sor.u32 $0x200, s26;
	[sflag:s19] =	ssyncadd.s32 $0xFFFFC180  }
0x42: {  	[tilespmem:s16], [sflag:$0x2] =	stream.indirect.gather [hbm4b:s4+s15], $0x80, s30, s15, $0xb8;
	[tilespmem:$0x1D000] =	vst v63  }
0x43: {  	_ =	swait.ge [sflag:s20], $0x3E80  }
0x44: {  	[sflag:s20] =	ssyncset.done $0x0  }
0x45: {  	s31 =	sor.u32 $0x980, s26;
	[sflag:s20] =	ssyncadd.s32 $0xFFFFC180  }
0x46: {  	[spmem:s1] =	stream.indirect.scatter.add.f32 [tilespmem:s17], [sflag:$0x5], $0x80, s31, s15, $0xb8;
	[tilespmem:$0x1D000] =	vst v63  }
0x47: {  	_ =	swait.ge [sflag:s21], $0x3E80  }
0x48: {  	[sflag:s21] =	ssyncset.done $0x0  }
0x49: {  	s29 =	sor.u32 $0x280, s26;
	[sflag:s21] =	ssyncadd.s32 $0xFFFFC180  }
0x4a: {  	[tilespmem:s17], [sflag:$0x3] =	stream.indirect.gather [hbm4b:s4+s15], $0x80, s29, s15, $0xb8;
	[tilespmem:$0x1D000] =	vst v63  }
0x4b: {  	_ =	swait.ge [sflag:s18], $0x3E80  }
0x4c: {  	[sflag:s18] =	ssyncset.done $0x0  }
0x4d: {  	s30 =	sor.u32 $0xA00, s26;
	[sflag:s18] =	ssyncadd.s32 $0xFFFFC180  }
0x4e: {  	[spmem:s1] =	stream.indirect.scatter.add.f32 [tilespmem:s16], [sflag:$0x4], $0x80, s30, s15, $0xb8;
	[tilespmem:$0x1D000] =	vst v63  }
0x4f: {  	_ =	swait.ge [sflag:s19], $0x3E80  }
0x50: {  	[sflag:s19] =	ssyncset.done $0x0  }
0x51: {  	s31 =	sor.u32 $0x300, s26;
	[sflag:s19] =	ssyncadd.s32 $0xFFFFC180  }
0x52: {  	[tilespmem:s16], [sflag:$0x2] =	stream.indirect.gather [hbm4b:s4+s15], $0x80, s31, s15, $0xb8;
	[tilespmem:$0x1D000] =	vst v63  }
0x53: {  	_ =	swait.ge [sflag:s20], $0x3E80  }
0x54: {  	[sflag:s20] =	ssyncset.done $0x0  }
0x55: {  	s29 =	sor.u32 $0xA80, s26;
	[sflag:s20] =	ssyncadd.s32 $0xFFFFC180  }
0x56: {  	[spmem:s1] =	stream.indirect.scatter.add.f32 [tilespmem:s17], [sflag:$0x5], $0x80, s29, s15, $0xb8;
	[tilespmem:$0x1D000] =	vst v63  }
0x57: {  	_ =	swait.ge [sflag:s21], $0x3E80  }
0x58: {  	[sflag:s21] =	ssyncset.done $0x0  }
0x59: {  	s30 =	sor.u32 $0x380, s26;
	[sflag:s21] =	ssyncadd.s32 $0xFFFFC180  }
0x5a: {  	[tilespmem:s17], [sflag:$0x3] =	stream.indirect.gather [hbm4b:s4+s15], $0x80, s30, s15, $0xb8;
	[tilespmem:$0x1D000] =	vst v63  }
0x5b: {  	_ =	swait.ge [sflag:s18], $0x3E80  }
0x5c: {  	[sflag:s18] =	ssyncset.done $0x0  }
0x5d: {  	s26 =	sor.u32 $0xB00, s26;
	[sflag:s18] =	ssyncadd.s32 $0xFFFFC180  }
0x5e: {  	[spmem:s1] =	stream.indirect.scatter.add.f32 [tilespmem:s16], [sflag:$0x4], $0x80, s26, s15, $0xb8;
	[tilespmem:$0x1D000] =	vst v63  }
0x5f: {  	_ =	swait.ge [sflag:s19], $0x3E80  }
0x60: {  	[sflag:s19] =	ssyncset.done $0x0  }
0x61: {  	s26 =	simm.s32 @!p0 $0x1;
	[sflag:s19] =	ssyncadd.s32 $0xFFFFC180  }
0x62: {  	_ =	swait.ge @!p0 [sflag:s26], $0x400  }
0x63: {  	[sflag:s26] =	ssyncset.done @!p0 $0x0  }
0x64: {  	[sflag:s26] =	ssyncadd.s32 @!p0 $0xFFFFFC00  }
0x65: {  	_ =	swait.ge @!p0 [sflag:s26], $0x400  }
0x66: {  	s23 =	sadd.s32 $0x80, s23;
	[sflag:s26] =	ssyncset.done @!p0 $0x0  }
0x67: {  	s29 =	simm.s32 @!p0 $0x1000;
	[sflag:s26] =	ssyncadd.s32 @!p0 $0xFFFFFC00;
	s26 =	simm.s32 @!p0 $0x7D  }
0x68: {  	[tilespmem:s29], [sflag:$0x2] =	stream.indirect.gather @!p0 [hbm4b:s4+s26], $0x80, s25, s26, $0xb8;
	[tilespmem:$0x1D000] =	vst v63  }
0x69: {  	p0 =	sne.s32 s23, $0x500  }
.Ltmp0:
0x6a: {  	_ = 	snop;
	(pc) =	sbr.rel @p0 .LBB2_2-.Ltmp0, $4  }
0x6b: {  	_ =	swait.ge [sflag:s20], $0x3E80  }
0x6c: {  	[sflag:s20] =	ssyncset.done $0x0  }
0x6d: {  	s24 =	sadd.s32 $0x1, s24;
	s31 =	sor.u32 $0x800, s30;
	[sflag:s20] =	ssyncadd.s32 $0xFFFFC180  }
0x6e: {  	[spmem:s1] =	stream.indirect.scatter.add.f32 [tilespmem:s17], [sflag:$0x5], $0x80, s31, s15, $0xb8;
	[tilespmem:$0x1D000] =	vst v63  }
0x6f: {  	_ =	swait.ge [sflag:s21], $0x3E80  }
0x70: {  	s22 =	sadd.s32 $0x1, s22;
	[sflag:s21] =	ssyncset.done $0x0  }
0x71: {  	p0 =	sne.s32 s22, s10;
	[sflag:s21] =	ssyncadd.s32 $0xFFFFC180  }
.Ltmp1:
0x72: {  	[bflag:$0x0] =	sbarrier.arrive $0xFFFF;
	(pc) =	sbr.rel @p0 .LBB2_1-.Ltmp1, $4  }
0x73: {  	[hbm:s9], [sflag:s7] =	dma.local [spmem:s12], $0x2800  }
0x74: {  	_ =	swait.ge [sflag:s13], $0x2800  }
0x75: {  	[sflag:s13] =	ssyncset.done $0x0  }
0x76: {  	[sflag:s13] =	ssyncadd.s32 $0xFFFFD800  }
0x77: {  	_ =	sfence.sel $0x180000  }
0x78: {  	[bflag:$0x0] =	sbarrier.arrive $0xFFFF  }
0x79: {  	p0 =	sne.s32 s2, $0x0;
	_ =	strace $0x90000053  }
0x7a: {  	s0 =	sadd.s32 @!p0 $0x100000, s0;
	[bflag:$0x2] =	sbarrier.arrive $0xFFFF  }
0x7b: {  	[sflag:s0] =	ssyncadd.tile.s32 @!p0 $0x1;
	_ =	shalt  }
.Lfunc_end2:
_tile_overlayer_lowered:
.L_overlay_start_2:
0x7c: {  	(tag) =	ssettag $0x2  }
0x7d: {  	s0 =	rddreg [dreg:$0x0];
	s2 =	stileid.u32  }
0x7e: {  	s1 =	rddreg [dreg:$0x1];
	p0 =	sne.s32 s2, $0x0  }
0x7f: {  	s3 =	rddreg [dreg:$0x2];
	[bflag:$0x3] =	sbarrier.arrive $0xFFFF;
	s2 =	simm.s32 @!p0 $0x1C06  }
0x80: {  	[timem:s3], [sflag:s2] =	dma.local @!p0 [hbm:s0], s1  }
0x81: {  	s0 =	simm.s32 @!p0 $0x6  }
0x82: {  	_ =	swait.ge @!p0 [sflag:s0], s1  }
0x83: {  	s1 =	ssub.s32 @!p0 $0x0, s1;
	[sflag:s0] =	ssyncset.done @!p0 $0x0  }
0x84: {  	[sflag:s0] =	ssyncadd.s32 @!p0 s1  }
0x85: {  	[bflag:$0x3] =	sbarrier.arrive $0xFFFF  }
0x86: {  	_ =	shalt  }

</sc_bundles>
